<compile_context>
chip_gen: v7x
topology: tpu7x:2x2x1
jax: 0.10.2.dev20260603
libtpu: 0.0.44.dev20260713+nightly
codegen_flags: <defaults>
</compile_context>

<pallas_src>
import functools

import jax
import jax.numpy as jnp
from jax import lax
from jax.experimental import pallas as pl
from jax.experimental.pallas import tpu as pltpu
from jax.experimental.pallas import tpu_sc as plsc

_VOCAB = 49408
_SEQ = 77
_A1 = 40
_A2 = 32
_MAIN = _A1 + _A2
_TOFF = _SEQ - 8
_TAIL = _SEQ - _MAIN
_DIM = 768
_BATCH = 1024
_NW = 32
_SPW = _BATCH // _NW
_IB = 16
_LANES = 16
_CB = _DIM // _LANES


def _embed_body(ids_hbm, emb_hbm, pos_hbm, out_hbm,
                idx_v, pos_v, a_v, t_v, gi, g1, g2, g3):
    wid = lax.axis_index("s") * 2 + lax.axis_index("c")
    batch_base = wid * _SPW

    def stage_idx(s0):
        b0 = pl.multiple_of(batch_base + s0, _IB)
        pltpu.sync_copy(ids_hbm.at[pl.ds(b0, _IB)], idx_v)

    def issue_gathers(s):
        r = lax.rem(s, _IB)
        pltpu.async_copy(emb_hbm.at[idx_v.at[r, pl.ds(0, _A1)]],
                         a_v.at[pl.ds(0, _A1)], g1)
        pltpu.async_copy(emb_hbm.at[idx_v.at[r, pl.ds(_A1, _A2)]],
                         a_v.at[pl.ds(_A1, _A2)], g2)
        pltpu.async_copy(emb_hbm.at[idx_v.at[r, pl.ds(_TOFF, 8)]], t_v, g3)

    def wait_gather(n, dst, sem):
        pltpu.make_async_copy(emb_hbm.at[idx_v.at[0, pl.ds(0, n)]], dst,
                              sem).wait()

    def add_rows(r0, nrows, unroll):
        @plsc.parallel_loop(r0, r0 + nrows, step=1, unroll=unroll)
        def row(r):
            for j in range(_CB):
                sl = pl.ds(j * _LANES, _LANES)
                a_v[r, sl] = a_v[r, sl] + pos_v[r, sl]

    stage_idx(0)
    issue_gathers(0)
    pltpu.sync_copy(pos_hbm, pos_v)

    def seq_body(s, carry):
        wait_gather(_A1, a_v.at[pl.ds(0, _A1)], g1)
        add_rows(0, _A1, 4)
        wait_gather(_A2, a_v.at[pl.ds(_A1, _A2)], g2)
        add_rows(_A1, _A2, 4)
        wait_gather(8, t_v, g3)

        def tail(k, carry2):
            for j in range(_CB):
                sl = pl.ds(j * _LANES, _LANES)
                a_v[_MAIN + k, sl] = (t_v[(8 - _TAIL) + k, sl]
                                      + pos_v[_MAIN + k, sl])
            return carry2

        lax.fori_loop(0, _TAIL, tail, 0, unroll=False)

        @pl.when(jnp.logical_and(lax.rem(s + 1, _IB) == 0, s + 1 < _SPW))
        def _stage():
            stage_idx(s + 1)

        pltpu.sync_copy(a_v, out_hbm.at[batch_base + s])

        @pl.when(s + 1 < _SPW)
        def _next():
            issue_gathers(s + 1)

        return carry

    lax.fori_loop(0, _SPW, seq_body, 0, unroll=False)


@jax.jit
def _embed(ids, emb, pos):
    mesh = plsc.VectorSubcoreMesh(core_axis_name="c", subcore_axis_name="s")
    kern = functools.partial(
        pl.kernel,
        mesh=mesh,
        out_type=jax.ShapeDtypeStruct((_BATCH, _SEQ, _DIM), jnp.float32),
        scratch_types=[
            pltpu.VMEM((_IB, _SEQ), jnp.int32),
            pltpu.VMEM((_SEQ, _DIM), jnp.float32),
            pltpu.VMEM((_SEQ, _DIM), jnp.float32),
            pltpu.VMEM((8, _DIM), jnp.float32),
            pltpu.SemaphoreType.DMA,
            pltpu.SemaphoreType.DMA,
            pltpu.SemaphoreType.DMA,
            pltpu.SemaphoreType.DMA,
        ],
    )(_embed_body)
    return kern(ids, emb, pos)


def kernel(input_ids, embed_w, pos_embed_w):
    return _embed(input_ids.astype(jnp.int32), embed_w, pos_embed_w)

# --- scband reference (transcript-rebuilt; emitter-appended) ---
"""Pipeline reference for scband-embed-919123001720 (READ-ONLY COPY).

The authoritative reference and input builder live on the scoring server;
editing this copy changes nothing except your own understanding.
"""

import jax, jax.numpy as jnp
import numpy as np

VOCAB = 49408
SEQ = 77
DIM = 768
BATCH = 1024

def setup_inputs(seed: int = 0) -> dict:
    key = jax.random.key(seed)
    k1, k2, k3 = jax.random.split(key, 3)
    input_ids = jax.random.randint(k1, (BATCH, SEQ), 0, VOCAB, dtype=jnp.int64 if jax.config.jax_enable_x64 else jnp.int32)
    embed_w = jax.random.normal(k2, (VOCAB, DIM), dtype=jnp.float32) * 0.02
    pos_embed_w = jax.random.normal(k3, (SEQ, DIM), dtype=jnp.float32) * 0.02
    return {"input_ids": input_ids, "embed_w": embed_w, "pos_embed_w": pos_embed_w}

def reference(input_ids, embed_w, pos_embed_w):
    # token embedding gather
    embed = jnp.take(embed_w, input_ids, axis=0)          # [B, 77, 768]
    # positional embedding: pos_ids = arange(77)[None, :]
    pos_ids = jnp.arange(SEQ)[None, :]                    # [1, 77]
    pos_embed = jnp.take(pos_embed_w, pos_ids, axis=0)    # [1, 77, 768]
    return embed + pos_embed

if __name__ == "__main__":
    import jax
    _d = setup_inputs()
    print(jax.jit(kernel)(*tuple(_d.values())))

</pallas_src>

<mosaic_0001>
#map = affine_map<(d0, d1) -> (0, 0)>
#map1 = affine_map<(d0, d1) -> (0, 0, 0)>
module attributes {stable_mosaic.version = 14 : i64} {
  func.func @_embed_body(%arg0: i32, %arg1: i32, %arg2: memref<1024x77xi32, #tpu.memory_space<hbm>>, %arg3: memref<49408x768xf32, #tpu.memory_space<hbm>>, %arg4: memref<77x768xf32, #tpu.memory_space<hbm>>, %arg5: memref<1024x77x768xf32, #tpu.memory_space<hbm>>, %arg6: memref<16x77xi32, #tpu.memory_space<vmem>>, %arg7: memref<77x768xf32, #tpu.memory_space<vmem>>, %arg8: memref<77x768xf32, #tpu.memory_space<vmem>>, %arg9: memref<8x768xf32, #tpu.memory_space<vmem>>, %arg10: memref<!tpu.dma_semaphore, #tpu.memory_space<semaphore_mem>>, %arg11: memref<!tpu.dma_semaphore, #tpu.memory_space<semaphore_mem>>, %arg12: memref<!tpu.dma_semaphore, #tpu.memory_space<semaphore_mem>>, %arg13: memref<!tpu.dma_semaphore, #tpu.memory_space<semaphore_mem>>) attributes {dimension_semantics = [#tpu.dimension_semantics<core_parallel>, #tpu.dimension_semantics<subcore_parallel>], iteration_bounds = array<i64: 2, 16>, scalar_prefetch = 0 : i64, scratch_operands = 8 : i64, tpu.core_type = #tpu.core_type<sc_vector_subcore>, window_params = [{transform_indices = #map}, {transform_indices = #map}, {transform_indices = #map}, {transform_indices = #map1}]} {
    %mul3A = arith.constant 2 : i32
    %mul3A_0 = arith.muli %arg1, %mul3A : i32
    %add3A = arith.addi %mul3A_0, %arg0 : i32
    %mul3A_1 = arith.constant 32 : i32
    %mul3A_2 = arith.muli %add3A, %mul3A_1 : i32
    %add3A_3 = arith.constant 0 : i32
    %add3A_4 = arith.addi %mul3A_2, %add3A_3 : i32
    %multiple_of3A = tpu.assume_multiple %add3A_4, 16 : i32
    "tpu.region"() ({
      %run_scoped3A = tpu.sem_alloc : memref<!tpu.dma_semaphore, #tpu.memory_space<semaphore_mem>>
      %dma_start3A_35 = arith.constant 0 : i32
      %dma_start3A_36 = tpu.memref_slice %arg2[%multiple_of3A, %dma_start3A_35] : memref<1024x77xi32, #tpu.memory_space<hbm>> -> memref<16x77xi32, #tpu.memory_space<hbm>>
      %dma_start3A_37 = arith.constant 0 : i32
      %dma_start3A_38 = tpu.memref_slice %arg2[%multiple_of3A, %dma_start3A_37] : memref<1024x77xi32, #tpu.memory_space<hbm>> -> memref<16x77xi32, #tpu.memory_space<hbm>>
      tpu.enqueue_dma source(%dma_start3A_38 : memref<16x77xi32, #tpu.memory_space<hbm>>) target(%arg6 : memref<16x77xi32, #tpu.memory_space<vmem>>) target_semaphore(%run_scoped3A : memref<!tpu.dma_semaphore, #tpu.memory_space<semaphore_mem>>)
      %dma_wait3A = arith.constant 0 : i32
      %dma_wait3A_39 = tpu.memref_slice %arg2[%multiple_of3A, %dma_wait3A] : memref<1024x77xi32, #tpu.memory_space<hbm>> -> memref<16x77xi32, #tpu.memory_space<hbm>>
      %dma_wait3A_40 = arith.constant 0 : i32
      %dma_wait3A_41 = tpu.memref_slice %arg2[%multiple_of3A, %dma_wait3A_40] : memref<1024x77xi32, #tpu.memory_space<hbm>> -> memref<16x77xi32, #tpu.memory_space<hbm>>
      tpu.wait_dma2 semaphore(%run_scoped3A : memref<!tpu.dma_semaphore, #tpu.memory_space<semaphore_mem>>) src(%dma_wait3A_41 : memref<16x77xi32, #tpu.memory_space<hbm>>) dst(%arg6 : memref<16x77xi32, #tpu.memory_space<vmem>>)
      tpu.yield
    }) : () -> ()
    %rem3A = arith.constant 0 : i32
    %rem3A_5 = arith.constant 16 : i32
    %rem3A_6 = arith.remsi %rem3A, %rem3A_5 : i32
    %dma_start3A = arith.constant 0 : i32
    %dma_start3A_7 = arith.constant 0 : i32
    %dma_start3A_8 = tpu.memref_slice %arg8[%dma_start3A, %dma_start3A_7] : memref<77x768xf32, #tpu.memory_space<vmem>> -> memref<40x768xf32, #tpu.memory_space<vmem>>
    %dma_start3A_9 = arith.constant 0 : i32
    %dma_start3A_10 = tpu.memref_slice %arg6[%rem3A_6, %dma_start3A_9] : memref<16x77xi32, #tpu.memory_space<vmem>> -> memref<1x40xi32, #tpu.memory_space<vmem>>
    %dma_start3A_11 = tpu.memref_squeeze %dma_start3A_10 : memref<1x40xi32, #tpu.memory_space<vmem>> -> memref<40xi32, #tpu.memory_space<vmem>>
    %dma_start3A_12 = arith.constant 0 : i32
    %dma_start3A_13 = arith.constant 0 : i32
    %dma_start3A_14 = tpu.memref_slice %arg3[%dma_start3A_12, %dma_start3A_13] : memref<49408x768xf32, #tpu.memory_space<hbm>> -> memref<49408x768xf32, #tpu.memory_space<hbm>>
    tpu.enqueue_indirect_dma source(%dma_start3A_14 : memref<49408x768xf32, #tpu.memory_space<hbm>>) target(%dma_start3A_8 : memref<40x768xf32, #tpu.memory_space<vmem>>) offsets(%dma_start3A_11 : memref<40xi32, #tpu.memory_space<vmem>>) semaphore(%arg11 : memref<!tpu.dma_semaphore, #tpu.memory_space<semaphore_mem>>)
    %dma_start3A_15 = arith.constant 40 : i32
    %dma_start3A_16 = arith.constant 0 : i32
    %dma_start3A_17 = tpu.memref_slice %arg8[%dma_start3A_15, %dma_start3A_16] : memref<77x768xf32, #tpu.memory_space<vmem>> -> memref<32x768xf32, #tpu.memory_space<vmem>>
    %dma_start3A_18 = arith.constant 40 : i32
    %dma_start3A_19 = tpu.memref_slice %arg6[%rem3A_6, %dma_start3A_18] : memref<16x77xi32, #tpu.memory_space<vmem>> -> memref<1x32xi32, #tpu.memory_space<vmem>>
    %dma_start3A_20 = tpu.memref_squeeze %dma_start3A_19 : memref<1x32xi32, #tpu.memory_space<vmem>> -> memref<32xi32, #tpu.memory_space<vmem>>
    %dma_start3A_21 = arith.constant 0 : i32
    %dma_start3A_22 = arith.constant 0 : i32
    %dma_start3A_23 = tpu.memref_slice %arg3[%dma_start3A_21, %dma_start3A_22] : memref<49408x768xf32, #tpu.memory_space<hbm>> -> memref<49408x768xf32, #tpu.memory_space<hbm>>
    tpu.enqueue_indirect_dma source(%dma_start3A_23 : memref<49408x768xf32, #tpu.memory_space<hbm>>) target(%dma_start3A_17 : memref<32x768xf32, #tpu.memory_space<vmem>>) offsets(%dma_start3A_20 : memref<32xi32, #tpu.memory_space<vmem>>) semaphore(%arg12 : memref<!tpu.dma_semaphore, #tpu.memory_space<semaphore_mem>>)
    %dma_start3A_24 = arith.constant 69 : i32
    %dma_start3A_25 = tpu.memref_slice %arg6[%rem3A_6, %dma_start3A_24] : memref<16x77xi32, #tpu.memory_space<vmem>> -> memref<1x8xi32, #tpu.memory_space<vmem>>
    %dma_start3A_26 = tpu.memref_squeeze %dma_start3A_25 : memref<1x8xi32, #tpu.memory_space<vmem>> -> memref<8xi32, #tpu.memory_space<vmem>>
    %dma_start3A_27 = arith.constant 0 : i32
    %dma_start3A_28 = arith.constant 0 : i32
    %dma_start3A_29 = tpu.memref_slice %arg3[%dma_start3A_27, %dma_start3A_28] : memref<49408x768xf32, #tpu.memory_space<hbm>> -> memref<49408x768xf32, #tpu.memory_space<hbm>>
    tpu.enqueue_indirect_dma source(%dma_start3A_29 : memref<49408x768xf32, #tpu.memory_space<hbm>>) target(%arg9 : memref<8x768xf32, #tpu.memory_space<vmem>>) offsets(%dma_start3A_26 : memref<8xi32, #tpu.memory_space<vmem>>) semaphore(%arg13 : memref<!tpu.dma_semaphore, #tpu.memory_space<semaphore_mem>>)
    "tpu.region"() ({
      %run_scoped3A = tpu.sem_alloc : memref<!tpu.dma_semaphore, #tpu.memory_space<semaphore_mem>>
      tpu.enqueue_dma source(%arg4 : memref<77x768xf32, #tpu.memory_space<hbm>>) target(%arg7 : memref<77x768xf32, #tpu.memory_space<vmem>>) target_semaphore(%run_scoped3A : memref<!tpu.dma_semaphore, #tpu.memory_space<semaphore_mem>>)
      tpu.wait_dma2 semaphore(%run_scoped3A : memref<!tpu.dma_semaphore, #tpu.memory_space<semaphore_mem>>) src(%arg4 : memref<77x768xf32, #tpu.memory_space<hbm>>) dst(%arg7 : memref<77x768xf32, #tpu.memory_space<vmem>>)
      tpu.yield
    }) : () -> ()
    %scan3A = arith.constant 0 : i32
    %scan3A_30 = arith.constant 0 : i32
    %scan3A_31 = arith.constant 32 : i32
    %scan3A_32 = arith.addi %scan3A_30, %scan3A_31 : i32
    %scan3A_33 = arith.constant 1 : i32
    scf.for %scan3A_35 = %scan3A_30 to %scan3A_32 step %scan3A_33  : i32 {
      %dma_wait3A = arith.constant 0 : i32
      %dma_wait3A_36 = arith.constant 0 : i32
      %dma_wait3A_37 = arith.constant 0 : i32
      %dma_wait3A_38 = tpu.memref_slice %arg8[%dma_wait3A_36, %dma_wait3A_37] : memref<77x768xf32, #tpu.memory_space<vmem>> -> memref<40x768xf32, #tpu.memory_space<vmem>>
      %dma_wait3A_39 = arith.constant 0 : i32
      %dma_wait3A_40 = tpu.memref_slice %arg6[%dma_wait3A, %dma_wait3A_39] : memref<16x77xi32, #tpu.memory_space<vmem>> -> memref<1x40xi32, #tpu.memory_space<vmem>>
      %dma_wait3A_41 = tpu.memref_squeeze %dma_wait3A_40 : memref<1x40xi32, #tpu.memory_space<vmem>> -> memref<40xi32, #tpu.memory_space<vmem>>
      %dma_wait3A_42 = arith.constant 0 : i32
      %dma_wait3A_43 = arith.constant 0 : i32
      %dma_wait3A_44 = tpu.memref_slice %arg3[%dma_wait3A_42, %dma_wait3A_43] : memref<49408x768xf32, #tpu.memory_space<hbm>> -> memref<49408x768xf32, #tpu.memory_space<hbm>>
      tpu.wait_indirect_dma semaphore(%arg11 : memref<!tpu.dma_semaphore, #tpu.memory_space<semaphore_mem>>) src(%dma_wait3A_44 : memref<49408x768xf32, #tpu.memory_space<hbm>>) dst(%dma_wait3A_38 : memref<40x768xf32, #tpu.memory_space<vmem>>)
      %parallel_loop3A = arith.constant 0 : i32
      %parallel_loop3A_45 = arith.constant 40 : i32
      %parallel_loop3A_46 = arith.constant 1 : i32
      scf.for %parallel_loop3A_90 = %parallel_loop3A to %parallel_loop3A_45 step %parallel_loop3A_46  : i32 {
        %parallel_loop3A_91 = arith.index_cast %parallel_loop3A_90 : i32 to index
        %parallel_loop3A_92 = arith.constant 0 : index
        %parallel_loop3A_93 = tpu.vector_load %arg8[%parallel_loop3A_91, %parallel_loop3A_92] {strides = array<i32>} : memref<77x768xf32, #tpu.memory_space<vmem>>, vector<1x16xf32>,
        %parallel_loop3A_94 = vector.shape_cast %parallel_loop3A_93 : vector<1x16xf32> to vector<16xf32>
        %parallel_loop3A_95 = arith.index_cast %parallel_loop3A_90 : i32 to index
        %parallel_loop3A_96 = arith.constant 0 : index
        %parallel_loop3A_97 = tpu.vector_load %arg7[%parallel_loop3A_95, %parallel_loop3A_96] {strides = array<i32>} : memref<77x768xf32, #tpu.memory_space<vmem>>, vector<1x16xf32>,
        %parallel_loop3A_98 = vector.shape_cast %parallel_loop3A_97 : vector<1x16xf32> to vector<16xf32>
        %parallel_loop3A_99 = arith.addf %parallel_loop3A_94, %parallel_loop3A_98 : vector<16xf32>
        %parallel_loop3A_100 = arith.index_cast %parallel_loop3A_90 : i32 to index
        %parallel_loop3A_101 = arith.constant 0 : index
        %parallel_loop3A_102 = tpu.vector_load %arg8[%parallel_loop3A_100, %parallel_loop3A_101] {strides = array<i32>} : memref<77x768xf32, #tpu.memory_space<vmem>>, vector<1x16xf32>,
        %parallel_loop3A_103 = vector.shape_cast %parallel_loop3A_102 : vector<1x16xf32> to vector<16xf32>
        %parallel_loop3A_104 = vector.shape_cast %parallel_loop3A_99 : vector<16xf32> to vector<1x16xf32>
        tpu.vector_store %arg8[%parallel_loop3A_100, %parallel_loop3A_101], %parallel_loop3A_104 {strides = array<i32>} : memref<77x768xf32, #tpu.memory_space<vmem>>, vector<1x16xf32>,
        %parallel_loop3A_105 = arith.index_cast %parallel_loop3A_90 : i32 to index
        %parallel_loop3A_106 = arith.constant 16 : index
        %parallel_loop3A_107 = tpu.vector_load %arg8[%parallel_loop3A_105, %parallel_loop3A_106] {strides = array<i32>} : memref<77x768xf32, #tpu.memory_space<vmem>>, vector<1x16xf32>,
        %parallel_loop3A_108 = vector.shape_cast %parallel_loop3A_107 : vector<1x16xf32> to vector<16xf32>
        %parallel_loop3A_109 = arith.index_cast %parallel_loop3A_90 : i32 to index
        %parallel_loop3A_110 = arith.constant 16 : index
        %parallel_loop3A_111 = tpu.vector_load %arg7[%parallel_loop3A_109, %parallel_loop3A_110] {strides = array<i32>} : memref<77x768xf32, #tpu.memory_space<vmem>>, vector<1x16xf32>,
        %parallel_loop3A_112 = vector.shape_cast %parallel_loop3A_111 : vector<1x16xf32> to vector<16xf32>
        %parallel_loop3A_113 = arith.addf %parallel_loop3A_108, %parallel_loop3A_112 : vector<16xf32>
        %parallel_loop3A_114 = arith.index_cast %parallel_loop3A_90 : i32 to index
        %parallel_loop3A_115 = arith.constant 16 : index
        %parallel_loop3A_116 = tpu.vector_load %arg8[%parallel_loop3A_114, %parallel_loop3A_115] {strides = array<i32>} : memref<77x768xf32, #tpu.memory_space<vmem>>, vector<1x16xf32>,
        %parallel_loop3A_117 = vector.shape_cast %parallel_loop3A_116 : vector<1x16xf32> to vector<16xf32>
        %parallel_loop3A_118 = vector.shape_cast %parallel_loop3A_113 : vector<16xf32> to vector<1x16xf32>
        tpu.vector_store %arg8[%parallel_loop3A_114, %parallel_loop3A_115], %parallel_loop3A_118 {strides = array<i32>} : memref<77x768xf32, #tpu.memory_space<vmem>>, vector<1x16xf32>,
        %parallel_loop3A_119 = arith.index_cast %parallel_loop3A_90 : i32 to index
        %parallel_loop3A_120 = arith.constant 32 : index
        %parallel_loop3A_121 = tpu.vector_load %arg8[%parallel_loop3A_119, %parallel_loop3A_120] {strides = array<i32>} : memref<77x768xf32, #tpu.memory_space<vmem>>, vector<1x16xf32>,
        %parallel_loop3A_122 = vector.shape_cast %parallel_loop3A_121 : vector<1x16xf32> to vector<16xf32>
        %parallel_loop3A_123 = arith.index_cast %parallel_loop3A_90 : i32 to index
        %parallel_loop3A_124 = arith.constant 32 : index
        %parallel_loop3A_125 = tpu.vector_load %arg7[%parallel_loop3A_123, %parallel_loop3A_124] {strides = array<i32>} : memref<77x768xf32, #tpu.memory_space<vmem>>, vector<1x16xf32>,
        %parallel_loop3A_126 = vector.shape_cast %parallel_loop3A_125 : vector<1x16xf32> to vector<16xf32>
        %parallel_loop3A_127 = arith.addf %parallel_loop3A_122, %parallel_loop3A_126 : vector<16xf32>
        %parallel_loop3A_128 = arith.index_cast %parallel_loop3A_90 : i32 to index
        %parallel_loop3A_129 = arith.constant 32 : index
        %parallel_loop3A_130 = tpu.vector_load %arg8[%parallel_loop3A_128, %parallel_loop3A_129] {strides = array<i32>} : memref<77x768xf32, #tpu.memory_space<vmem>>, vector<1x16xf32>,
        %parallel_loop3A_131 = vector.shape_cast %parallel_loop3A_130 : vector<1x16xf32> to vector<16xf32>
        %parallel_loop3A_132 = vector.shape_cast %parallel_loop3A_127 : vector<16xf32> to vector<1x16xf32>
        tpu.vector_store %arg8[%parallel_loop3A_128, %parallel_loop3A_129], %parallel_loop3A_132 {strides = array<i32>} : memref<77x768xf32, #tpu.memory_space<vmem>>, vector<1x16xf32>,
        %parallel_loop3A_133 = arith.index_cast %parallel_loop3A_90 : i32 to index
        %parallel_loop3A_134 = arith.constant 48 : index
        %parallel_loop3A_135 = tpu.vector_load %arg8[%parallel_loop3A_133, %parallel_loop3A_134] {strides = array<i32>} : memref<77x768xf32, #tpu.memory_space<vmem>>, vector<1x16xf32>,
        %parallel_loop3A_136 = vector.shape_cast %parallel_loop3A_135 : vector<1x16xf32> to vector<16xf32>
        %parallel_loop3A_137 = arith.index_cast %parallel_loop3A_90 : i32 to index
        %parallel_loop3A_138 = arith.constant 48 : index
        %parallel_loop3A_139 = tpu.vector_load %arg7[%parallel_loop3A_137, %parallel_loop3A_138] {strides = array<i32>} : memref<77x768xf32, #tpu.memory_space<vmem>>, vector<1x16xf32>,
        %parallel_loop3A_140 = vector.shape_cast %parallel_loop3A_139 : vector<1x16xf32> to vector<16xf32>
        %parallel_loop3A_141 = arith.addf %parallel_loop3A_136, %parallel_loop3A_140 : vector<16xf32>
        %parallel_loop3A_142 = arith.index_cast %parallel_loop3A_90 : i32 to index
        %parallel_loop3A_143 = arith.constant 48 : index
        %parallel_loop3A_144 = tpu.vector_load %arg8[%parallel_loop3A_142, %parallel_loop3A_143] {strides = array<i32>} : memref<77x768xf32, #tpu.memory_space<vmem>>, vector<1x16xf32>,
        %parallel_loop3A_145 = vector.shape_cast %parallel_loop3A_144 : vector<1x16xf32> to vector<16xf32>
        %parallel_loop3A_146 = vector.shape_cast %parallel_loop3A_141 : vector<16xf32> to vector<1x16xf32>
        tpu.vector_store %arg8[%parallel_loop3A_142, %parallel_loop3A_143], %parallel_loop3A_146 {strides = array<i32>} : memref<77x768xf32, #tpu.memory_space<vmem>>, vector<1x16xf32>,
        %parallel_loop3A_147 = arith.index_cast %parallel_loop3A_90 : i32 to index
        %parallel_loop3A_148 = arith.constant 64 : index
        %parallel_loop3A_149 = tpu.vector_load %arg8[%parallel_loop3A_147, %parallel_loop3A_148] {strides = array<i32>} : memref<77x768xf32, #tpu.memory_space<vmem>>, vector<1x16xf32>,
        %parallel_loop3A_150 = vector.shape_cast %parallel_loop3A_149 : vector<1x16xf32> to vector<16xf32>
        %parallel_loop3A_151 = arith.index_cast %parallel_loop3A_90 : i32 to index
        %parallel_loop3A_152 = arith.constant 64 : index
        %parallel_loop3A_153 = tpu.vector_load %arg7[%parallel_loop3A_151, %parallel_loop3A_152] {strides = array<i32>} : memref<77x768xf32, #tpu.memory_space<vmem>>, vector<1x16xf32>,
        %parallel_loop3A_154 = vector.shape_cast %parallel_loop3A_153 : vector<1x16xf32> to vector<16xf32>
        %parallel_loop3A_155 = arith.addf %parallel_loop3A_150, %parallel_loop3A_154 : vector<16xf32>
        %parallel_loop3A_156 = arith.index_cast %parallel_loop3A_90 : i32 to index
        %parallel_loop3A_157 = arith.constant 64 : index
        %parallel_loop3A_158 = tpu.vector_load %arg8[%parallel_loop3A_156, %parallel_loop3A_157] {strides = array<i32>} : memref<77x768xf32, #tpu.memory_space<vmem>>, vector<1x16xf32>,
        %parallel_loop3A_159 = vector.shape_cast %parallel_loop3A_158 : vector<1x16xf32> to vector<16xf32>
        %parallel_loop3A_160 = vector.shape_cast %parallel_loop3A_155 : vector<16xf32> to vector<1x16xf32>
        tpu.vector_store %arg8[%parallel_loop3A_156, %parallel_loop3A_157], %parallel_loop3A_160 {strides = array<i32>} : memref<77x768xf32, #tpu.memory_space<vmem>>, vector<1x16xf32>,
        %parallel_loop3A_161 = arith.index_cast %parallel_loop3A_90 : i32 to index
        %parallel_loop3A_162 = arith.constant 80 : index
        %parallel_loop3A_163 = tpu.vector_load %arg8[%parallel_loop3A_161, %parallel_loop3A_162] {strides = array<i32>} : memref<77x768xf32, #tpu.memory_space<vmem>>, vector<1x16xf32>,
        %parallel_loop3A_164 = vector.shape_cast %parallel_loop3A_163 : vector<1x16xf32> to vector<16xf32>
        %parallel_loop3A_165 = arith.index_cast %parallel_loop3A_90 : i32 to index
        %parallel_loop3A_166 = arith.constant 80 : index
        %parallel_loop3A_167 = tpu.vector_load %arg7[%parallel_loop3A_165, %parallel_loop3A_166] {strides = array<i32>} : memref<77x768xf32, #tpu.memory_space<vmem>>, vector<1x16xf32>,
        %parallel_loop3A_168 = vector.shape_cast %parallel_loop3A_167 : vector<1x16xf32> to vector<16xf32>
        %parallel_loop3A_169 = arith.addf %parallel_loop3A_164, %parallel_loop3A_168 : vector<16xf32>
        %parallel_loop3A_170 = arith.index_cast %parallel_loop3A_90 : i32 to index
        %parallel_loop3A_171 = arith.constant 80 : index
        %parallel_loop3A_172 = tpu.vector_load %arg8[%parallel_loop3A_170, %parallel_loop3A_171] {strides = array<i32>} : memref<77x768xf32, #tpu.memory_space<vmem>>, vector<1x16xf32>,
        %parallel_loop3A_173 = vector.shape_cast %parallel_loop3A_172 : vector<1x16xf32> to vector<16xf32>
        %parallel_loop3A_174 = vector.shape_cast %parallel_loop3A_169 : vector<16xf32> to vector<1x16xf32>
        tpu.vector_store %arg8[%parallel_loop3A_170, %parallel_loop3A_171], %parallel_loop3A_174 {strides = array<i32>} : memref<77x768xf32, #tpu.memory_space<vmem>>, vector<1x16xf32>,
        %parallel_loop3A_175 = arith.index_cast %parallel_loop3A_90 : i32 to index
        %parallel_loop3A_176 = arith.constant 96 : index
        %parallel_loop3A_177 = tpu.vector_load %arg8[%parallel_loop3A_175, %parallel_loop3A_176] {strides = array<i32>} : memref<77x768xf32, #tpu.memory_space<vmem>>, vector<1x16xf32>,
        %parallel_loop3A_178 = vector.shape_cast %parallel_loop3A_177 : vector<1x16xf32> to vector<16xf32>
        %parallel_loop3A_179 = arith.index_cast %parallel_loop3A_90 : i32 to index
        %parallel_loop3A_180 = arith.constant 96 : index
        %parallel_loop3A_181 = tpu.vector_load %arg7[%parallel_loop3A_179, %parallel_loop3A_180] {strides = array<i32>} : memref<77x768xf32, #tpu.memory_space<vmem>>, vector<1x16xf32>,
        %parallel_loop3A_182 = vector.shape_cast %parallel_loop3A_181 : vector<1x16xf32> to vector<16xf32>
        %parallel_loop3A_183 = arith.addf %parallel_loop3A_178, %parallel_loop3A_182 : vector<16xf32>
        %parallel_loop3A_184 = arith.index_cast %parallel_loop3A_90 : i32 to index
        %parallel_loop3A_185 = arith.constant 96 : index
        %parallel_loop3A_186 = tpu.vector_load %arg8[%parallel_loop3A_184, %parallel_loop3A_185] {strides = array<i32>} : memref<77x768xf32, #tpu.memory_space<vmem>>, vector<1x16xf32>,
        %parallel_loop3A_187 = vector.shape_cast %parallel_loop3A_186 : vector<1x16xf32> to vector<16xf32>
        %parallel_loop3A_188 = vector.shape_cast %parallel_loop3A_183 : vector<16xf32> to vector<1x16xf32>
        tpu.vector_store %arg8[%parallel_loop3A_184, %parallel_loop3A_185], %parallel_loop3A_188 {strides = array<i32>} : memref<77x768xf32, #tpu.memory_space<vmem>>, vector<1x16xf32>,
        %parallel_loop3A_189 = arith.index_cast %parallel_loop3A_90 : i32 to index
        %parallel_loop3A_190 = arith.constant 112 : index
        %parallel_loop3A_191 = tpu.vector_load %arg8[%parallel_loop3A_189, %parallel_loop3A_190] {strides = array<i32>} : memref<77x768xf32, #tpu.memory_space<vmem>>, vector<1x16xf32>,
        %parallel_loop3A_192 = vector.shape_cast %parallel_loop3A_191 : vector<1x16xf32> to vector<16xf32>
        %parallel_loop3A_193 = arith.index_cast %parallel_loop3A_90 : i32 to index
        %parallel_loop3A_194 = arith.constant 112 : index
        %parallel_loop3A_195 = tpu.vector_load %arg7[%parallel_loop3A_193, %parallel_loop3A_194] {strides = array<i32>} : memref<77x768xf32, #tpu.memory_space<vmem>>, vector<1x16xf32>,
        %parallel_loop3A_196 = vector.shape_cast %parallel_loop3A_195 : vector<1x16xf32> to vector<16xf32>
        %parallel_loop3A_197 = arith.addf %parallel_loop3A_192, %parallel_loop3A_196 : vector<16xf32>
        %parallel_loop3A_198 = arith.index_cast %parallel_loop3A_90 : i32 to index
        %parallel_loop3A_199 = arith.constant 112 : index
        %parallel_loop3A_200 = tpu.vector_load %arg8[%parallel_loop3A_198, %parallel_loop3A_199] {strides = array<i32>} : memref<77x768xf32, #tpu.memory_space<vmem>>, vector<1x16xf32>,
        %parallel_loop3A_201 = vector.shape_cast %parallel_loop3A_200 : vector<1x16xf32> to vector<16xf32>
        %parallel_loop3A_202 = vector.shape_cast %parallel_loop3A_197 : vector<16xf32> to vector<1x16xf32>
        tpu.vector_store %arg8[%parallel_loop3A_198, %parallel_loop3A_199], %parallel_loop3A_202 {strides = array<i32>} : memref<77x768xf32, #tpu.memory_space<vmem>>, vector<1x16xf32>,
        %parallel_loop3A_203 = arith.index_cast %parallel_loop3A_90 : i32 to index
        %parallel_loop3A_204 = arith.constant 128 : index
        %parallel_loop3A_205 = tpu.vector_load %arg8[%parallel_loop3A_203, %parallel_loop3A_204] {strides = array<i32>} : memref<77x768xf32, #tpu.memory_space<vmem>>, vector<1x16xf32>,
        %parallel_loop3A_206 = vector.shape_cast %parallel_loop3A_205 : vector<1x16xf32> to vector<16xf32>
        %parallel_loop3A_207 = arith.index_cast %parallel_loop3A_90 : i32 to index
        %parallel_loop3A_208 = arith.constant 128 : index
        %parallel_loop3A_209 = tpu.vector_load %arg7[%parallel_loop3A_207, %parallel_loop3A_208] {strides = array<i32>} : memref<77x768xf32, #tpu.memory_space<vmem>>, vector<1x16xf32>,
        %parallel_loop3A_210 = vector.shape_cast %parallel_loop3A_209 : vector<1x16xf32> to vector<16xf32>
        %parallel_loop3A_211 = arith.addf %parallel_loop3A_206, %parallel_loop3A_210 : vector<16xf32>
        %parallel_loop3A_212 = arith.index_cast %parallel_loop3A_90 : i32 to index
        %parallel_loop3A_213 = arith.constant 128 : index
        %parallel_loop3A_214 = tpu.vector_load %arg8[%parallel_loop3A_212, %parallel_loop3A_213] {strides = array<i32>} : memref<77x768xf32, #tpu.memory_space<vmem>>, vector<1x16xf32>,
        %parallel_loop3A_215 = vector.shape_cast %parallel_loop3A_214 : vector<1x16xf32> to vector<16xf32>
        %parallel_loop3A_216 = vector.shape_cast %parallel_loop3A_211 : vector<16xf32> to vector<1x16xf32>
        tpu.vector_store %arg8[%parallel_loop3A_212, %parallel_loop3A_213], %parallel_loop3A_216 {strides = array<i32>} : memref<77x768xf32, #tpu.memory_space<vmem>>, vector<1x16xf32>,
        %parallel_loop3A_217 = arith.index_cast %parallel_loop3A_90 : i32 to index
        %parallel_loop3A_218 = arith.constant 144 : index
        %parallel_loop3A_219 = tpu.vector_load %arg8[%parallel_loop3A_217, %parallel_loop3A_218] {strides = array<i32>} : memref<77x768xf32, #tpu.memory_space<vmem>>, vector<1x16xf32>,
        %parallel_loop3A_220 = vector.shape_cast %parallel_loop3A_219 : vector<1x16xf32> to vector<16xf32>
        %parallel_loop3A_221 = arith.index_cast %parallel_loop3A_90 : i32 to index
        %parallel_loop3A_222 = arith.constant 144 : index
        %parallel_loop3A_223 = tpu.vector_load %arg7[%parallel_loop3A_221, %parallel_loop3A_222] {strides = array<i32>} : memref<77x768xf32, #tpu.memory_space<vmem>>, vector<1x16xf32>,
        %parallel_loop3A_224 = vector.shape_cast %parallel_loop3A_223 : vector<1x16xf32> to vector<16xf32>
        %parallel_loop3A_225 = arith.addf %parallel_loop3A_220, %parallel_loop3A_224 : vector<16xf32>
        %parallel_loop3A_226 = arith.index_cast %parallel_loop3A_90 : i32 to index
        %parallel_loop3A_227 = arith.constant 144 : index
        %parallel_loop3A_228 = tpu.vector_load %arg8[%parallel_loop3A_226, %parallel_loop3A_227] {strides = array<i32>} : memref<77x768xf32, #tpu.memory_space<vmem>>, vector<1x16xf32>,
        %parallel_loop3A_229 = vector.shape_cast %parallel_loop3A_228 : vector<1x16xf32> to vector<16xf32>
        %parallel_loop3A_230 = vector.shape_cast %parallel_loop3A_225 : vector<16xf32> to vector<1x16xf32>
        tpu.vector_store %arg8[%parallel_loop3A_226, %parallel_loop3A_227], %parallel_loop3A_230 {strides = array<i32>} : memref<77x768xf32, #tpu.memory_space<vmem>>, vector<1x16xf32>,
        %parallel_loop3A_231 = arith.index_cast %parallel_loop3A_90 : i32 to index
        %parallel_loop3A_232 = arith.constant 160 : index
        %parallel_loop3A_233 = tpu.vector_load %arg8[%parallel_loop3A_231, %parallel_loop3A_232] {strides = array<i32>} : memref<77x768xf32, #tpu.memory_space<vmem>>, vector<1x16xf32>,
        %parallel_loop3A_234 = vector.shape_cast %parallel_loop3A_233 : vector<1x16xf32> to vector<16xf32>
        %parallel_loop3A_235 = arith.index_cast %parallel_loop3A_90 : i32 to index
        %parallel_loop3A_236 = arith.constant 160 : index
        %parallel_loop3A_237 = tpu.vector_load %arg7[%parallel_loop3A_235, %parallel_loop3A_236] {strides = array<i32>} : memref<77x768xf32, #tpu.memory_space<vmem>>, vector<1x16xf32>,
        %parallel_loop3A_238 = vector.shape_cast %parallel_loop3A_237 : vector<1x16xf32> to vector<16xf32>
        %parallel_loop3A_239 = arith.addf %parallel_loop3A_234, %parallel_loop3A_238 : vector<16xf32>
        %parallel_loop3A_240 = arith.index_cast %parallel_loop3A_90 : i32 to index
        %parallel_loop3A_241 = arith.constant 160 : index
        %parallel_loop3A_242 = tpu.vector_load %arg8[%parallel_loop3A_240, %parallel_loop3A_241] {strides = array<i32>} : memref<77x768xf32, #tpu.memory_space<vmem>>, vector<1x16xf32>,
        %parallel_loop3A_243 = vector.shape_cast %parallel_loop3A_242 : vector<1x16xf32> to vector<16xf32>
        %parallel_loop3A_244 = vector.shape_cast %parallel_loop3A_239 : vector<16xf32> to vector<1x16xf32>
        tpu.vector_store %arg8[%parallel_loop3A_240, %parallel_loop3A_241], %parallel_loop3A_244 {strides = array<i32>} : memref<77x768xf32, #tpu.memory_space<vmem>>, vector<1x16xf32>,
        %parallel_loop3A_245 = arith.index_cast %parallel_loop3A_90 : i32 to index
        %parallel_loop3A_246 = arith.constant 176 : index
        %parallel_loop3A_247 = tpu.vector_load %arg8[%parallel_loop3A_245, %parallel_loop3A_246] {strides = array<i32>} : memref<77x768xf32, #tpu.memory_space<vmem>>, vector<1x16xf32>,
        %parallel_loop3A_248 = vector.shape_cast %parallel_loop3A_247 : vector<1x16xf32> to vector<16xf32>
        %parallel_loop3A_249 = arith.index_cast %parallel_loop3A_90 : i32 to index
        %parallel_loop3A_250 = arith.constant 176 : index
        %parallel_loop3A_251 = tpu.vector_load %arg7[%parallel_loop3A_249, %parallel_loop3A_250] {strides = array<i32>} : memref<77x768xf32, #tpu.memory_space<vmem>>, vector<1x16xf32>,
        %parallel_loop3A_252 = vector.shape_cast %parallel_loop3A_251 : vector<1x16xf32> to vector<16xf32>
        %parallel_loop3A_253 = arith.addf %parallel_loop3A_248, %parallel_loop3A_252 : vector<16xf32>
        %parallel_loop3A_254 = arith.index_cast %parallel_loop3A_90 : i32 to index
        %parallel_loop3A_255 = arith.constant 176 : index
        %parallel_loop3A_256 = tpu.vector_load %arg8[%parallel_loop3A_254, %parallel_loop3A_255] {strides = array<i32>} : memref<77x768xf32, #tpu.memory_space<vmem>>, vector<1x16xf32>,
        %parallel_loop3A_257 = vector.shape_cast %parallel_loop3A_256 : vector<1x16xf32> to vector<16xf32>
        %parallel_loop3A_258 = vector.shape_cast %parallel_loop3A_253 : vector<16xf32> to vector<1x16xf32>
        tpu.vector_store %arg8[%parallel_loop3A_254, %parallel_loop3A_255], %parallel_loop3A_258 {strides = array<i32>} : memref<77x768xf32, #tpu.memory_space<vmem>>, vector<1x16xf32>,
        %parallel_loop3A_259 = arith.index_cast %parallel_loop3A_90 : i32 to index
        %parallel_loop3A_260 = arith.constant 192 : index
        %parallel_loop3A_261 = tpu.vector_load %arg8[%parallel_loop3A_259, %parallel_loop3A_260] {strides = array<i32>} : memref<77x768xf32, #tpu.memory_space<vmem>>, vector<1x16xf32>,
        %parallel_loop3A_262 = vector.shape_cast %parallel_loop3A_261 : vector<1x16xf32> to vector<16xf32>
        %parallel_loop3A_263 = arith.index_cast %parallel_loop3A_90 : i32 to index
        %parallel_loop3A_264 = arith.constant 192 : index
        %parallel_loop3A_265 = tpu.vector_load %arg7[%parallel_loop3A_263, %parallel_loop3A_264] {strides = array<i32>} : memref<77x768xf32, #tpu.memory_space<vmem>>, vector<1x16xf32>,
        %parallel_loop3A_266 = vector.shape_cast %parallel_loop3A_265 : vector<1x16xf32> to vector<16xf32>
        %parallel_loop3A_267 = arith.addf %parallel_loop3A_262, %parallel_loop3A_266 : vector<16xf32>
        %parallel_loop3A_268 = arith.index_cast %parallel_loop3A_90 : i32 to index
        %parallel_loop3A_269 = arith.constant 192 : index
        %parallel_loop3A_270 = tpu.vector_load %arg8[%parallel_loop3A_268, %parallel_loop3A_269] {strides = array<i32>} : memref<77x768xf32, #tpu.memory_space<vmem>>, vector<1x16xf32>,
        %parallel_loop3A_271 = vector.shape_cast %parallel_loop3A_270 : vector<1x16xf32> to vector<16xf32>
        %parallel_loop3A_272 = vector.shape_cast %parallel_loop3A_267 : vector<16xf32> to vector<1x16xf32>
        tpu.vector_store %arg8[%parallel_loop3A_268, %parallel_loop3A_269], %parallel_loop3A_272 {strides = array<i32>} : memref<77x768xf32, #tpu.memory_space<vmem>>, vector<1x16xf32>,
        %parallel_loop3A_273 = arith.index_cast %parallel_loop3A_90 : i32 to index
        %parallel_loop3A_274 = arith.constant 208 : index
        %parallel_loop3A_275 = tpu.vector_load %arg8[%parallel_loop3A_273, %parallel_loop3A_274] {strides = array<i32>} : memref<77x768xf32, #tpu.memory_space<vmem>>, vector<1x16xf32>,
        %parallel_loop3A_276 = vector.shape_cast %parallel_loop3A_275 : vector<1x16xf32> to vector<16xf32>
        %parallel_loop3A_277 = arith.index_cast %parallel_loop3A_90 : i32 to index
        %parallel_loop3A_278 = arith.constant 208 : index
        %parallel_loop3A_279 = tpu.vector_load %arg7[%parallel_loop3A_277, %parallel_loop3A_278] {strides = array<i32>} : memref<77x768xf32, #tpu.memory_space<vmem>>, vector<1x16xf32>,
        %parallel_loop3A_280 = vector.shape_cast %parallel_loop3A_279 : vector<1x16xf32> to vector<16xf32>
        %parallel_loop3A_281 = arith.addf %parallel_loop3A_276, %parallel_loop3A_280 : vector<16xf32>
        %parallel_loop3A_282 = arith.index_cast %parallel_loop3A_90 : i32 to index
        %parallel_loop3A_283 = arith.constant 208 : index
        %parallel_loop3A_284 = tpu.vector_load %arg8[%parallel_loop3A_282, %parallel_loop3A_283] {strides = array<i32>} : memref<77x768xf32, #tpu.memory_space<vmem>>, vector<1x16xf32>,
        %parallel_loop3A_285 = vector.shape_cast %parallel_loop3A_284 : vector<1x16xf32> to vector<16xf32>
        %parallel_loop3A_286 = vector.shape_cast %parallel_loop3A_281 : vector<16xf32> to vector<1x16xf32>
        tpu.vector_store %arg8[%parallel_loop3A_282, %parallel_loop3A_283], %parallel_loop3A_286 {strides = array<i32>} : memref<77x768xf32, #tpu.memory_space<vmem>>, vector<1x16xf32>,
        %parallel_loop3A_287 = arith.index_cast %parallel_loop3A_90 : i32 to index
        %parallel_loop3A_288 = arith.constant 224 : index
        %parallel_loop3A_289 = tpu.vector_load %arg8[%parallel_loop3A_287, %parallel_loop3A_288] {strides = array<i32>} : memref<77x768xf32, #tpu.memory_space<vmem>>, vector<1x16xf32>,
        %parallel_loop3A_290 = vector.shape_cast %parallel_loop3A_289 : vector<1x16xf32> to vector<16xf32>
        %parallel_loop3A_291 = arith.index_cast %parallel_loop3A_90 : i32 to index
        %parallel_loop3A_292 = arith.constant 224 : index
        %parallel_loop3A_293 = tpu.vector_load %arg7[%parallel_loop3A_291, %parallel_loop3A_292] {strides = array<i32>} : memref<77x768xf32, #tpu.memory_space<vmem>>, vector<1x16xf32>,
        %parallel_loop3A_294 = vector.shape_cast %parallel_loop3A_293 : vector<1x16xf32> to vector<16xf32>
        %parallel_loop3A_295 = arith.addf %parallel_loop3A_290, %parallel_loop3A_294 : vector<16xf32>
        %parallel_loop3A_296 = arith.index_cast %parallel_loop3A_90 : i32 to index
        %parallel_loop3A_297 = arith.constant 224 : index
        %parallel_loop3A_298 = tpu.vector_load %arg8[%parallel_loop3A_296, %parallel_loop3A_297] {strides = array<i32>} : memref<77x768xf32, #tpu.memory_space<vmem>>, vector<1x16xf32>,
        %parallel_loop3A_299 = vector.shape_cast %parallel_loop3A_298 : vector<1x16xf32> to vector<16xf32>
        %parallel_loop3A_300 = vector.shape_cast %parallel_loop3A_295 : vector<16xf32> to vector<1x16xf32>
        tpu.vector_store %arg8[%parallel_loop3A_296, %parallel_loop3A_297], %parallel_loop3A_300 {strides = array<i32>} : memref<77x768xf32, #tpu.memory_space<vmem>>, vector<1x16xf32>,
        %parallel_loop3A_301 = arith.index_cast %parallel_loop3A_90 : i32 to index
        %parallel_loop3A_302 = arith.constant 240 : index
        %parallel_loop3A_303 = tpu.vector_load %arg8[%parallel_loop3A_301, %parallel_loop3A_302] {strides = array<i32>} : memref<77x768xf32, #tpu.memory_space<vmem>>, vector<1x16xf32>,
        %parallel_loop3A_304 = vector.shape_cast %parallel_loop3A_303 : vector<1x16xf32> to vector<16xf32>
        %parallel_loop3A_305 = arith.index_cast %parallel_loop3A_90 : i32 to index
        %parallel_loop3A_306 = arith.constant 240 : index
        %parallel_loop3A_307 = tpu.vector_load %arg7[%parallel_loop3A_305, %parallel_loop3A_306] {strides = array<i32>} : memref<77x768xf32, #tpu.memory_space<vmem>>, vector<1x16xf32>,
        %parallel_loop3A_308 = vector.shape_cast %parallel_loop3A_307 : vector<1x16xf32> to vector<16xf32>
        %parallel_loop3A_309 = arith.addf %parallel_loop3A_304, %parallel_loop3A_308 : vector<16xf32>
        %parallel_loop3A_310 = arith.index_cast %parallel_loop3A_90 : i32 to index
        %parallel_loop3A_311 = arith.constant 240 : index
        %parallel_loop3A_312 = tpu.vector_load %arg8[%parallel_loop3A_310, %parallel_loop3A_311] {strides = array<i32>} : memref<77x768xf32, #tpu.memory_space<vmem>>, vector<1x16xf32>,
        %parallel_loop3A_313 = vector.shape_cast %parallel_loop3A_312 : vector<1x16xf32> to vector<16xf32>
        %parallel_loop3A_314 = vector.shape_cast %parallel_loop3A_309 : vector<16xf32> to vector<1x16xf32>
        tpu.vector_store %arg8[%parallel_loop3A_310, %parallel_loop3A_311], %parallel_loop3A_314 {strides = array<i32>} : memref<77x768xf32, #tpu.memory_space<vmem>>, vector<1x16xf32>,
        %parallel_loop3A_315 = arith.index_cast %parallel_loop3A_90 : i32 to index
        %parallel_loop3A_316 = arith.constant 256 : index
        %parallel_loop3A_317 = tpu.vector_load %arg8[%parallel_loop3A_315, %parallel_loop3A_316] {strides = array<i32>} : memref<77x768xf32, #tpu.memory_space<vmem>>, vector<1x16xf32>,
        %parallel_loop3A_318 = vector.shape_cast %parallel_loop3A_317 : vector<1x16xf32> to vector<16xf32>
        %parallel_loop3A_319 = arith.index_cast %parallel_loop3A_90 : i32 to index
        %parallel_loop3A_320 = arith.constant 256 : index
        %parallel_loop3A_321 = tpu.vector_load %arg7[%parallel_loop3A_319, %parallel_loop3A_320] {strides = array<i32>} : memref<77x768xf32, #tpu.memory_space<vmem>>, vector<1x16xf32>,
        %parallel_loop3A_322 = vector.shape_cast %parallel_loop3A_321 : vector<1x16xf32> to vector<16xf32>
        %parallel_loop3A_323 = arith.addf %parallel_loop3A_318, %parallel_loop3A_322 : vector<16xf32>
        %parallel_loop3A_324 = arith.index_cast %parallel_loop3A_90 : i32 to index
        %parallel_loop3A_325 = arith.constant 256 : index
        %parallel_loop3A_326 = tpu.vector_load %arg8[%parallel_loop3A_324, %parallel_loop3A_325] {strides = array<i32>} : memref<77x768xf32, #tpu.memory_space<vmem>>, vector<1x16xf32>,
        %parallel_loop3A_327 = vector.shape_cast %parallel_loop3A_326 : vector<1x16xf32> to vector<16xf32>
        %parallel_loop3A_328 = vector.shape_cast %parallel_loop3A_323 : vector<16xf32> to vector<1x16xf32>
        tpu.vector_store %arg8[%parallel_loop3A_324, %parallel_loop3A_325], %parallel_loop3A_328 {strides = array<i32>} : memref<77x768xf32, #tpu.memory_space<vmem>>, vector<1x16xf32>,
        %parallel_loop3A_329 = arith.index_cast %parallel_loop3A_90 : i32 to index
        %parallel_loop3A_330 = arith.constant 272 : index
        %parallel_loop3A_331 = tpu.vector_load %arg8[%parallel_loop3A_329, %parallel_loop3A_330] {strides = array<i32>} : memref<77x768xf32, #tpu.memory_space<vmem>>, vector<1x16xf32>,
        %parallel_loop3A_332 = vector.shape_cast %parallel_loop3A_331 : vector<1x16xf32> to vector<16xf32>
        %parallel_loop3A_333 = arith.index_cast %parallel_loop3A_90 : i32 to index
        %parallel_loop3A_334 = arith.constant 272 : index
        %parallel_loop3A_335 = tpu.vector_load %arg7[%parallel_loop3A_333, %parallel_loop3A_334] {strides = array<i32>} : memref<77x768xf32, #tpu.memory_space<vmem>>, vector<1x16xf32>,
        %parallel_loop3A_336 = vector.shape_cast %parallel_loop3A_335 : vector<1x16xf32> to vector<16xf32>
        %parallel_loop3A_337 = arith.addf %parallel_loop3A_332, %parallel_loop3A_336 : vector<16xf32>
        %parallel_loop3A_338 = arith.index_cast %parallel_loop3A_90 : i32 to index
        %parallel_loop3A_339 = arith.constant 272 : index
        %parallel_loop3A_340 = tpu.vector_load %arg8[%parallel_loop3A_338, %parallel_loop3A_339] {strides = array<i32>} : memref<77x768xf32, #tpu.memory_space<vmem>>, vector<1x16xf32>,
        %parallel_loop3A_341 = vector.shape_cast %parallel_loop3A_340 : vector<1x16xf32> to vector<16xf32>
        %parallel_loop3A_342 = vector.shape_cast %parallel_loop3A_337 : vector<16xf32> to vector<1x16xf32>
        tpu.vector_store %arg8[%parallel_loop3A_338, %parallel_loop3A_339], %parallel_loop3A_342 {strides = array<i32>} : memref<77x768xf32, #tpu.memory_space<vmem>>, vector<1x16xf32>,
        %parallel_loop3A_343 = arith.index_cast %parallel_loop3A_90 : i32 to index
        %parallel_loop3A_344 = arith.constant 288 : index
        %parallel_loop3A_345 = tpu.vector_load %arg8[%parallel_loop3A_343, %parallel_loop3A_344] {strides = array<i32>} : memref<77x768xf32, #tpu.memory_space<vmem>>, vector<1x16xf32>,
        %parallel_loop3A_346 = vector.shape_cast %parallel_loop3A_345 : vector<1x16xf32> to vector<16xf32>
        %parallel_loop3A_347 = arith.index_cast %parallel_loop3A_90 : i32 to index
        %parallel_loop3A_348 = arith.constant 288 : index
        %parallel_loop3A_349 = tpu.vector_load %arg7[%parallel_loop3A_347, %parallel_loop3A_348] {strides = array<i32>} : memref<77x768xf32, #tpu.memory_space<vmem>>, vector<1x16xf32>,
        %parallel_loop3A_350 = vector.shape_cast %parallel_loop3A_349 : vector<1x16xf32> to vector<16xf32>
        %parallel_loop3A_351 = arith.addf %parallel_loop3A_346, %parallel_loop3A_350 : vector<16xf32>
        %parallel_loop3A_352 = arith.index_cast %parallel_loop3A_90 : i32 to index
        %parallel_loop3A_353 = arith.constant 288 : index
        %parallel_loop3A_354 = tpu.vector_load %arg8[%parallel_loop3A_352, %parallel_loop3A_353] {strides = array<i32>} : memref<77x768xf32, #tpu.memory_space<vmem>>, vector<1x16xf32>,
        %parallel_loop3A_355 = vector.shape_cast %parallel_loop3A_354 : vector<1x16xf32> to vector<16xf32>
        %parallel_loop3A_356 = vector.shape_cast %parallel_loop3A_351 : vector<16xf32> to vector<1x16xf32>
        tpu.vector_store %arg8[%parallel_loop3A_352, %parallel_loop3A_353], %parallel_loop3A_356 {strides = array<i32>} : memref<77x768xf32, #tpu.memory_space<vmem>>, vector<1x16xf32>,
        %parallel_loop3A_357 = arith.index_cast %parallel_loop3A_90 : i32 to index
        %parallel_loop3A_358 = arith.constant 304 : index
        %parallel_loop3A_359 = tpu.vector_load %arg8[%parallel_loop3A_357, %parallel_loop3A_358] {strides = array<i32>} : memref<77x768xf32, #tpu.memory_space<vmem>>, vector<1x16xf32>,
        %parallel_loop3A_360 = vector.shape_cast %parallel_loop3A_359 : vector<1x16xf32> to vector<16xf32>
        %parallel_loop3A_361 = arith.index_cast %parallel_loop3A_90 : i32 to index
        %parallel_loop3A_362 = arith.constant 304 : index
        %parallel_loop3A_363 = tpu.vector_load %arg7[%parallel_loop3A_361, %parallel_loop3A_362] {strides = array<i32>} : memref<77x768xf32, #tpu.memory_space<vmem>>, vector<1x16xf32>,
        %parallel_loop3A_364 = vector.shape_cast %parallel_loop3A_363 : vector<1x16xf32> to vector<16xf32>
        %parallel_loop3A_365 = arith.addf %parallel_loop3A_360, %parallel_loop3A_364 : vector<16xf32>
        %parallel_loop3A_366 = arith.index_cast %parallel_loop3A_90 : i32 to index
        %parallel_loop3A_367 = arith.constant 304 : index
        %parallel_loop3A_368 = tpu.vector_load %arg8[%parallel_loop3A_366, %parallel_loop3A_367] {strides = array<i32>} : memref<77x768xf32, #tpu.memory_space<vmem>>, vector<1x16xf32>,
        %parallel_loop3A_369 = vector.shape_cast %parallel_loop3A_368 : vector<1x16xf32> to vector<16xf32>
        %parallel_loop3A_370 = vector.shape_cast %parallel_loop3A_365 : vector<16xf32> to vector<1x16xf32>
        tpu.vector_store %arg8[%parallel_loop3A_366, %parallel_loop3A_367], %parallel_loop3A_370 {strides = array<i32>} : memref<77x768xf32, #tpu.memory_space<vmem>>, vector<1x16xf32>,
        %parallel_loop3A_371 = arith.index_cast %parallel_loop3A_90 : i32 to index
        %parallel_loop3A_372 = arith.constant 320 : index
        %parallel_loop3A_373 = tpu.vector_load %arg8[%parallel_loop3A_371, %parallel_loop3A_372] {strides = array<i32>} : memref<77x768xf32, #tpu.memory_space<vmem>>, vector<1x16xf32>,
        %parallel_loop3A_374 = vector.shape_cast %parallel_loop3A_373 : vector<1x16xf32> to vector<16xf32>
        %parallel_loop3A_375 = arith.index_cast %parallel_loop3A_90 : i32 to index
        %parallel_loop3A_376 = arith.constant 320 : index
        %parallel_loop3A_377 = tpu.vector_load %arg7[%parallel_loop3A_375, %parallel_loop3A_376] {strides = array<i32>} : memref<77x768xf32, #tpu.memory_space<vmem>>, vector<1x16xf32>,
        %parallel_loop3A_378 = vector.shape_cast %parallel_loop3A_377 : vector<1x16xf32> to vector<16xf32>
        %parallel_loop3A_379 = arith.addf %parallel_loop3A_374, %parallel_loop3A_378 : vector<16xf32>
        %parallel_loop3A_380 = arith.index_cast %parallel_loop3A_90 : i32 to index
        %parallel_loop3A_381 = arith.constant 320 : index
        %parallel_loop3A_382 = tpu.vector_load %arg8[%parallel_loop3A_380, %parallel_loop3A_381] {strides = array<i32>} : memref<77x768xf32, #tpu.memory_space<vmem>>, vector<1x16xf32>,
        %parallel_loop3A_383 = vector.shape_cast %parallel_loop3A_382 : vector<1x16xf32> to vector<16xf32>
        %parallel_loop3A_384 = vector.shape_cast %parallel_loop3A_379 : vector<16xf32> to vector<1x16xf32>
        tpu.vector_store %arg8[%parallel_loop3A_380, %parallel_loop3A_381], %parallel_loop3A_384 {strides = array<i32>} : memref<77x768xf32, #tpu.memory_space<vmem>>, vector<1x16xf32>,
        %parallel_loop3A_385 = arith.index_cast %parallel_loop3A_90 : i32 to index
        %parallel_loop3A_386 = arith.constant 336 : index
        %parallel_loop3A_387 = tpu.vector_load %arg8[%parallel_loop3A_385, %parallel_loop3A_386] {strides = array<i32>} : memref<77x768xf32, #tpu.memory_space<vmem>>, vector<1x16xf32>,
        %parallel_loop3A_388 = vector.shape_cast %parallel_loop3A_387 : vector<1x16xf32> to vector<16xf32>
        %parallel_loop3A_389 = arith.index_cast %parallel_loop3A_90 : i32 to index
        %parallel_loop3A_390 = arith.constant 336 : index
        %parallel_loop3A_391 = tpu.vector_load %arg7[%parallel_loop3A_389, %parallel_loop3A_390] {strides = array<i32>} : memref<77x768xf32, #tpu.memory_space<vmem>>, vector<1x16xf32>,
        %parallel_loop3A_392 = vector.shape_cast %parallel_loop3A_391 : vector<1x16xf32> to vector<16xf32>
        %parallel_loop3A_393 = arith.addf %parallel_loop3A_388, %parallel_loop3A_392 : vector<16xf32>
        %parallel_loop3A_394 = arith.index_cast %parallel_loop3A_90 : i32 to index
        %parallel_loop3A_395 = arith.constant 336 : index
        %parallel_loop3A_396 = tpu.vector_load %arg8[%parallel_loop3A_394, %parallel_loop3A_395] {strides = array<i32>} : memref<77x768xf32, #tpu.memory_space<vmem>>, vector<1x16xf32>,
        %parallel_loop3A_397 = vector.shape_cast %parallel_loop3A_396 : vector<1x16xf32> to vector<16xf32>
        %parallel_loop3A_398 = vector.shape_cast %parallel_loop3A_393 : vector<16xf32> to vector<1x16xf32>
        tpu.vector_store %arg8[%parallel_loop3A_394, %parallel_loop3A_395], %parallel_loop3A_398 {strides = array<i32>} : memref<77x768xf32, #tpu.memory_space<vmem>>, vector<1x16xf32>,
        %parallel_loop3A_399 = arith.index_cast %parallel_loop3A_90 : i32 to index
        %parallel_loop3A_400 = arith.constant 352 : index
        %parallel_loop3A_401 = tpu.vector_load %arg8[%parallel_loop3A_399, %parallel_loop3A_400] {strides = array<i32>} : memref<77x768xf32, #tpu.memory_space<vmem>>, vector<1x16xf32>,
        %parallel_loop3A_402 = vector.shape_cast %parallel_loop3A_401 : vector<1x16xf32> to vector<16xf32>
        %parallel_loop3A_403 = arith.index_cast %parallel_loop3A_90 : i32 to index
        %parallel_loop3A_404 = arith.constant 352 : index
        %parallel_loop3A_405 = tpu.vector_load %arg7[%parallel_loop3A_403, %parallel_loop3A_404] {strides = array<i32>} : memref<77x768xf32, #tpu.memory_space<vmem>>, vector<1x16xf32>,
        %parallel_loop3A_406 = vector.shape_cast %parallel_loop3A_405 : vector<1x16xf32> to vector<16xf32>
        %parallel_loop3A_407 = arith.addf %parallel_loop3A_402, %parallel_loop3A_406 : vector<16xf32>
        %parallel_loop3A_408 = arith.index_cast %parallel_loop3A_90 : i32 to index
        %parallel_loop3A_409 = arith.constant 352 : index
        %parallel_loop3A_410 = tpu.vector_load %arg8[%parallel_loop3A_408, %parallel_loop3A_409] {strides = array<i32>} : memref<77x768xf32, #tpu.memory_space<vmem>>, vector<1x16xf32>,
        %parallel_loop3A_411 = vector.shape_cast %parallel_loop3A_410 : vector<1x16xf32> to vector<16xf32>
        %parallel_loop3A_412 = vector.shape_cast %parallel_loop3A_407 : vector<16xf32> to vector<1x16xf32>
        tpu.vector_store %arg8[%parallel_loop3A_408, %parallel_loop3A_409], %parallel_loop3A_412 {strides = array<i32>} : memref<77x768xf32, #tpu.memory_space<vmem>>, vector<1x16xf32>,
        %parallel_loop3A_413 = arith.index_cast %parallel_loop3A_90 : i32 to index
        %parallel_loop3A_414 = arith.constant 368 : index
        %parallel_loop3A_415 = tpu.vector_load %arg8[%parallel_loop3A_413, %parallel_loop3A_414] {strides = array<i32>} : memref<77x768xf32, #tpu.memory_space<vmem>>, vector<1x16xf32>,
        %parallel_loop3A_416 = vector.shape_cast %parallel_loop3A_415 : vector<1x16xf32> to vector<16xf32>
        %parallel_loop3A_417 = arith.index_cast %parallel_loop3A_90 : i32 to index
        %parallel_loop3A_418 = arith.constant 368 : index
        %parallel_loop3A_419 = tpu.vector_load %arg7[%parallel_loop3A_417, %parallel_loop3A_418] {strides = array<i32>} : memref<77x768xf32, #tpu.memory_space<vmem>>, vector<1x16xf32>,
        %parallel_loop3A_420 = vector.shape_cast %parallel_loop3A_419 : vector<1x16xf32> to vector<16xf32>
        %parallel_loop3A_421 = arith.addf %parallel_loop3A_416, %parallel_loop3A_420 : vector<16xf32>
        %parallel_loop3A_422 = arith.index_cast %parallel_loop3A_90 : i32 to index
        %parallel_loop3A_423 = arith.constant 368 : index
        %parallel_loop3A_424 = tpu.vector_load %arg8[%parallel_loop3A_422, %parallel_loop3A_423] {strides = array<i32>} : memref<77x768xf32, #tpu.memory_space<vmem>>, vector<1x16xf32>,
        %parallel_loop3A_425 = vector.shape_cast %parallel_loop3A_424 : vector<1x16xf32> to vector<16xf32>
        %parallel_loop3A_426 = vector.shape_cast %parallel_loop3A_421 : vector<16xf32> to vector<1x16xf32>
        tpu.vector_store %arg8[%parallel_loop3A_422, %parallel_loop3A_423], %parallel_loop3A_426 {strides = array<i32>} : memref<77x768xf32, #tpu.memory_space<vmem>>, vector<1x16xf32>,
        %parallel_loop3A_427 = arith.index_cast %parallel_loop3A_90 : i32 to index
        %parallel_loop3A_428 = arith.constant 384 : index
        %parallel_loop3A_429 = tpu.vector_load %arg8[%parallel_loop3A_427, %parallel_loop3A_428] {strides = array<i32>} : memref<77x768xf32, #tpu.memory_space<vmem>>, vector<1x16xf32>,
        %parallel_loop3A_430 = vector.shape_cast %parallel_loop3A_429 : vector<1x16xf32> to vector<16xf32>
        %parallel_loop3A_431 = arith.index_cast %parallel_loop3A_90 : i32 to index
        %parallel_loop3A_432 = arith.constant 384 : index
        %parallel_loop3A_433 = tpu.vector_load %arg7[%parallel_loop3A_431, %parallel_loop3A_432] {strides = array<i32>} : memref<77x768xf32, #tpu.memory_space<vmem>>, vector<1x16xf32>,
        %parallel_loop3A_434 = vector.shape_cast %parallel_loop3A_433 : vector<1x16xf32> to vector<16xf32>
        %parallel_loop3A_435 = arith.addf %parallel_loop3A_430, %parallel_loop3A_434 : vector<16xf32>
        %parallel_loop3A_436 = arith.index_cast %parallel_loop3A_90 : i32 to index
        %parallel_loop3A_437 = arith.constant 384 : index
        %parallel_loop3A_438 = tpu.vector_load %arg8[%parallel_loop3A_436, %parallel_loop3A_437] {strides = array<i32>} : memref<77x768xf32, #tpu.memory_space<vmem>>, vector<1x16xf32>,
        %parallel_loop3A_439 = vector.shape_cast %parallel_loop3A_438 : vector<1x16xf32> to vector<16xf32>
        %parallel_loop3A_440 = vector.shape_cast %parallel_loop3A_435 : vector<16xf32> to vector<1x16xf32>
        tpu.vector_store %arg8[%parallel_loop3A_436, %parallel_loop3A_437], %parallel_loop3A_440 {strides = array<i32>} : memref<77x768xf32, #tpu.memory_space<vmem>>, vector<1x16xf32>,
        %parallel_loop3A_441 = arith.index_cast %parallel_loop3A_90 : i32 to index
        %parallel_loop3A_442 = arith.constant 400 : index
        %parallel_loop3A_443 = tpu.vector_load %arg8[%parallel_loop3A_441, %parallel_loop3A_442] {strides = array<i32>} : memref<77x768xf32, #tpu.memory_space<vmem>>, vector<1x16xf32>,
        %parallel_loop3A_444 = vector.shape_cast %parallel_loop3A_443 : vector<1x16xf32> to vector<16xf32>
        %parallel_loop3A_445 = arith.index_cast %parallel_loop3A_90 : i32 to index
        %parallel_loop3A_446 = arith.constant 400 : index
        %parallel_loop3A_447 = tpu.vector_load %arg7[%parallel_loop3A_445, %parallel_loop3A_446] {strides = array<i32>} : memref<77x768xf32, #tpu.memory_space<vmem>>, vector<1x16xf32>,
        %parallel_loop3A_448 = vector.shape_cast %parallel_loop3A_447 : vector<1x16xf32> to vector<16xf32>
        %parallel_loop3A_449 = arith.addf %parallel_loop3A_444, %parallel_loop3A_448 : vector<16xf32>
        %parallel_loop3A_450 = arith.index_cast %parallel_loop3A_90 : i32 to index
        %parallel_loop3A_451 = arith.constant 400 : index
        %parallel_loop3A_452 = tpu.vector_load %arg8[%parallel_loop3A_450, %parallel_loop3A_451] {strides = array<i32>} : memref<77x768xf32, #tpu.memory_space<vmem>>, vector<1x16xf32>,
        %parallel_loop3A_453 = vector.shape_cast %parallel_loop3A_452 : vector<1x16xf32> to vector<16xf32>
        %parallel_loop3A_454 = vector.shape_cast %parallel_loop3A_449 : vector<16xf32> to vector<1x16xf32>
        tpu.vector_store %arg8[%parallel_loop3A_450, %parallel_loop3A_451], %parallel_loop3A_454 {strides = array<i32>} : memref<77x768xf32, #tpu.memory_space<vmem>>, vector<1x16xf32>,
        %parallel_loop3A_455 = arith.index_cast %parallel_loop3A_90 : i32 to index
        %parallel_loop3A_456 = arith.constant 416 : index
        %parallel_loop3A_457 = tpu.vector_load %arg8[%parallel_loop3A_455, %parallel_loop3A_456] {strides = array<i32>} : memref<77x768xf32, #tpu.memory_space<vmem>>, vector<1x16xf32>,
        %parallel_loop3A_458 = vector.shape_cast %parallel_loop3A_457 : vector<1x16xf32> to vector<16xf32>
        %parallel_loop3A_459 = arith.index_cast %parallel_loop3A_90 : i32 to index
        %parallel_loop3A_460 = arith.constant 416 : index
        %parallel_loop3A_461 = tpu.vector_load %arg7[%parallel_loop3A_459, %parallel_loop3A_460] {strides = array<i32>} : memref<77x768xf32, #tpu.memory_space<vmem>>, vector<1x16xf32>,
        %parallel_loop3A_462 = vector.shape_cast %parallel_loop3A_461 : vector<1x16xf32> to vector<16xf32>
        %parallel_loop3A_463 = arith.addf %parallel_loop3A_458, %parallel_loop3A_462 : vector<16xf32>
        %parallel_loop3A_464 = arith.index_cast %parallel_loop3A_90 : i32 to index
        %parallel_loop3A_465 = arith.constant 416 : index
        %parallel_loop3A_466 = tpu.vector_load %arg8[%parallel_loop3A_464, %parallel_loop3A_465] {strides = array<i32>} : memref<77x768xf32, #tpu.memory_space<vmem>>, vector<1x16xf32>,
        %parallel_loop3A_467 = vector.shape_cast %parallel_loop3A_466 : vector<1x16xf32> to vector<16xf32>
        %parallel_loop3A_468 = vector.shape_cast %parallel_loop3A_463 : vector<16xf32> to vector<1x16xf32>
        tpu.vector_store %arg8[%parallel_loop3A_464, %parallel_loop3A_465], %parallel_loop3A_468 {strides = array<i32>} : memref<77x768xf32, #tpu.memory_space<vmem>>, vector<1x16xf32>,
        %parallel_loop3A_469 = arith.index_cast %parallel_loop3A_90 : i32 to index
        %parallel_loop3A_470 = arith.constant 432 : index
        %parallel_loop3A_471 = tpu.vector_load %arg8[%parallel_loop3A_469, %parallel_loop3A_470] {strides = array<i32>} : memref<77x768xf32, #tpu.memory_space<vmem>>, vector<1x16xf32>,
        %parallel_loop3A_472 = vector.shape_cast %parallel_loop3A_471 : vector<1x16xf32> to vector<16xf32>
        %parallel_loop3A_473 = arith.index_cast %parallel_loop3A_90 : i32 to index
        %parallel_loop3A_474 = arith.constant 432 : index
        %parallel_loop3A_475 = tpu.vector_load %arg7[%parallel_loop3A_473, %parallel_loop3A_474] {strides = array<i32>} : memref<77x768xf32, #tpu.memory_space<vmem>>, vector<1x16xf32>,
        %parallel_loop3A_476 = vector.shape_cast %parallel_loop3A_475 : vector<1x16xf32> to vector<16xf32>
        %parallel_loop3A_477 = arith.addf %parallel_loop3A_472, %parallel_loop3A_476 : vector<16xf32>
        %parallel_loop3A_478 = arith.index_cast %parallel_loop3A_90 : i32 to index
        %parallel_loop3A_479 = arith.constant 432 : index
        %parallel_loop3A_480 = tpu.vector_load %arg8[%parallel_loop3A_478, %parallel_loop3A_479] {strides = array<i32>} : memref<77x768xf32, #tpu.memory_space<vmem>>, vector<1x16xf32>,
        %parallel_loop3A_481 = vector.shape_cast %parallel_loop3A_480 : vector<1x16xf32> to vector<16xf32>
        %parallel_loop3A_482 = vector.shape_cast %parallel_loop3A_477 : vector<16xf32> to vector<1x16xf32>
        tpu.vector_store %arg8[%parallel_loop3A_478, %parallel_loop3A_479], %parallel_loop3A_482 {strides = array<i32>} : memref<77x768xf32, #tpu.memory_space<vmem>>, vector<1x16xf32>,
        %parallel_loop3A_483 = arith.index_cast %parallel_loop3A_90 : i32 to index
        %parallel_loop3A_484 = arith.constant 448 : index
        %parallel_loop3A_485 = tpu.vector_load %arg8[%parallel_loop3A_483, %parallel_loop3A_484] {strides = array<i32>} : memref<77x768xf32, #tpu.memory_space<vmem>>, vector<1x16xf32>,
        %parallel_loop3A_486 = vector.shape_cast %parallel_loop3A_485 : vector<1x16xf32> to vector<16xf32>
        %parallel_loop3A_487 = arith.index_cast %parallel_loop3A_90 : i32 to index
        %parallel_loop3A_488 = arith.constant 448 : index
        %parallel_loop3A_489 = tpu.vector_load %arg7[%parallel_loop3A_487, %parallel_loop3A_488] {strides = array<i32>} : memref<77x768xf32, #tpu.memory_space<vmem>>, vector<1x16xf32>,
        %parallel_loop3A_490 = vector.shape_cast %parallel_loop3A_489 : vector<1x16xf32> to vector<16xf32>
        %parallel_loop3A_491 = arith.addf %parallel_loop3A_486, %parallel_loop3A_490 : vector<16xf32>
        %parallel_loop3A_492 = arith.index_cast %parallel_loop3A_90 : i32 to index
        %parallel_loop3A_493 = arith.constant 448 : index
        %parallel_loop3A_494 = tpu.vector_load %arg8[%parallel_loop3A_492, %parallel_loop3A_493] {strides = array<i32>} : memref<77x768xf32, #tpu.memory_space<vmem>>, vector<1x16xf32>,
        %parallel_loop3A_495 = vector.shape_cast %parallel_loop3A_494 : vector<1x16xf32> to vector<16xf32>
        %parallel_loop3A_496 = vector.shape_cast %parallel_loop3A_491 : vector<16xf32> to vector<1x16xf32>
        tpu.vector_store %arg8[%parallel_loop3A_492, %parallel_loop3A_493], %parallel_loop3A_496 {strides = array<i32>} : memref<77x768xf32, #tpu.memory_space<vmem>>, vector<1x16xf32>,
        %parallel_loop3A_497 = arith.index_cast %parallel_loop3A_90 : i32 to index
        %parallel_loop3A_498 = arith.constant 464 : index
        %parallel_loop3A_499 = tpu.vector_load %arg8[%parallel_loop3A_497, %parallel_loop3A_498] {strides = array<i32>} : memref<77x768xf32, #tpu.memory_space<vmem>>, vector<1x16xf32>,
        %parallel_loop3A_500 = vector.shape_cast %parallel_loop3A_499 : vector<1x16xf32> to vector<16xf32>
        %parallel_loop3A_501 = arith.index_cast %parallel_loop3A_90 : i32 to index
        %parallel_loop3A_502 = arith.constant 464 : index
        %parallel_loop3A_503 = tpu.vector_load %arg7[%parallel_loop3A_501, %parallel_loop3A_502] {strides = array<i32>} : memref<77x768xf32, #tpu.memory_space<vmem>>, vector<1x16xf32>,
        %parallel_loop3A_504 = vector.shape_cast %parallel_loop3A_503 : vector<1x16xf32> to vector<16xf32>
        %parallel_loop3A_505 = arith.addf %parallel_loop3A_500, %parallel_loop3A_504 : vector<16xf32>
        %parallel_loop3A_506 = arith.index_cast %parallel_loop3A_90 : i32 to index
        %parallel_loop3A_507 = arith.constant 464 : index
        %parallel_loop3A_508 = tpu.vector_load %arg8[%parallel_loop3A_506, %parallel_loop3A_507] {strides = array<i32>} : memref<77x768xf32, #tpu.memory_space<vmem>>, vector<1x16xf32>,
        %parallel_loop3A_509 = vector.shape_cast %parallel_loop3A_508 : vector<1x16xf32> to vector<16xf32>
        %parallel_loop3A_510 = vector.shape_cast %parallel_loop3A_505 : vector<16xf32> to vector<1x16xf32>
        tpu.vector_store %arg8[%parallel_loop3A_506, %parallel_loop3A_507], %parallel_loop3A_510 {strides = array<i32>} : memref<77x768xf32, #tpu.memory_space<vmem>>, vector<1x16xf32>,
        %parallel_loop3A_511 = arith.index_cast %parallel_loop3A_90 : i32 to index
        %parallel_loop3A_512 = arith.constant 480 : index
        %parallel_loop3A_513 = tpu.vector_load %arg8[%parallel_loop3A_511, %parallel_loop3A_512] {strides = array<i32>} : memref<77x768xf32, #tpu.memory_space<vmem>>, vector<1x16xf32>,
        %parallel_loop3A_514 = vector.shape_cast %parallel_loop3A_513 : vector<1x16xf32> to vector<16xf32>
        %parallel_loop3A_515 = arith.index_cast %parallel_loop3A_90 : i32 to index
        %parallel_loop3A_516 = arith.constant 480 : index
        %parallel_loop3A_517 = tpu.vector_load %arg7[%parallel_loop3A_515, %parallel_loop3A_516] {strides = array<i32>} : memref<77x768xf32, #tpu.memory_space<vmem>>, vector<1x16xf32>,
        %parallel_loop3A_518 = vector.shape_cast %parallel_loop3A_517 : vector<1x16xf32> to vector<16xf32>
        %parallel_loop3A_519 = arith.addf %parallel_loop3A_514, %parallel_loop3A_518 : vector<16xf32>
        %parallel_loop3A_520 = arith.index_cast %parallel_loop3A_90 : i32 to index
        %parallel_loop3A_521 = arith.constant 480 : index
        %parallel_loop3A_522 = tpu.vector_load %arg8[%parallel_loop3A_520, %parallel_loop3A_521] {strides = array<i32>} : memref<77x768xf32, #tpu.memory_space<vmem>>, vector<1x16xf32>,
        %parallel_loop3A_523 = vector.shape_cast %parallel_loop3A_522 : vector<1x16xf32> to vector<16xf32>
        %parallel_loop3A_524 = vector.shape_cast %parallel_loop3A_519 : vector<16xf32> to vector<1x16xf32>
        tpu.vector_store %arg8[%parallel_loop3A_520, %parallel_loop3A_521], %parallel_loop3A_524 {strides = array<i32>} : memref<77x768xf32, #tpu.memory_space<vmem>>, vector<1x16xf32>,
        %parallel_loop3A_525 = arith.index_cast %parallel_loop3A_90 : i32 to index
        %parallel_loop3A_526 = arith.constant 496 : index
        %parallel_loop3A_527 = tpu.vector_load %arg8[%parallel_loop3A_525, %parallel_loop3A_526] {strides = array<i32>} : memref<77x768xf32, #tpu.memory_space<vmem>>, vector<1x16xf32>,
        %parallel_loop3A_528 = vector.shape_cast %parallel_loop3A_527 : vector<1x16xf32> to vector<16xf32>
        %parallel_loop3A_529 = arith.index_cast %parallel_loop3A_90 : i32 to index
        %parallel_loop3A_530 = arith.constant 496 : index
        %parallel_loop3A_531 = tpu.vector_load %arg7[%parallel_loop3A_529, %parallel_loop3A_530] {strides = array<i32>} : memref<77x768xf32, #tpu.memory_space<vmem>>, vector<1x16xf32>,
        %parallel_loop3A_532 = vector.shape_cast %parallel_loop3A_531 : vector<1x16xf32> to vector<16xf32>
        %parallel_loop3A_533 = arith.addf %parallel_loop3A_528, %parallel_loop3A_532 : vector<16xf32>
        %parallel_loop3A_534 = arith.index_cast %parallel_loop3A_90 : i32 to index
        %parallel_loop3A_535 = arith.constant 496 : index
        %parallel_loop3A_536 = tpu.vector_load %arg8[%parallel_loop3A_534, %parallel_loop3A_535] {strides = array<i32>} : memref<77x768xf32, #tpu.memory_space<vmem>>, vector<1x16xf32>,
        %parallel_loop3A_537 = vector.shape_cast %parallel_loop3A_536 : vector<1x16xf32> to vector<16xf32>
        %parallel_loop3A_538 = vector.shape_cast %parallel_loop3A_533 : vector<16xf32> to vector<1x16xf32>
        tpu.vector_store %arg8[%parallel_loop3A_534, %parallel_loop3A_535], %parallel_loop3A_538 {strides = array<i32>} : memref<77x768xf32, #tpu.memory_space<vmem>>, vector<1x16xf32>,
        %parallel_loop3A_539 = arith.index_cast %parallel_loop3A_90 : i32 to index
        %parallel_loop3A_540 = arith.constant 512 : index
        %parallel_loop3A_541 = tpu.vector_load %arg8[%parallel_loop3A_539, %parallel_loop3A_540] {strides = array<i32>} : memref<77x768xf32, #tpu.memory_space<vmem>>, vector<1x16xf32>,
        %parallel_loop3A_542 = vector.shape_cast %parallel_loop3A_541 : vector<1x16xf32> to vector<16xf32>
        %parallel_loop3A_543 = arith.index_cast %parallel_loop3A_90 : i32 to index
        %parallel_loop3A_544 = arith.constant 512 : index
        %parallel_loop3A_545 = tpu.vector_load %arg7[%parallel_loop3A_543, %parallel_loop3A_544] {strides = array<i32>} : memref<77x768xf32, #tpu.memory_space<vmem>>, vector<1x16xf32>,
        %parallel_loop3A_546 = vector.shape_cast %parallel_loop3A_545 : vector<1x16xf32> to vector<16xf32>
        %parallel_loop3A_547 = arith.addf %parallel_loop3A_542, %parallel_loop3A_546 : vector<16xf32>
        %parallel_loop3A_548 = arith.index_cast %parallel_loop3A_90 : i32 to index
        %parallel_loop3A_549 = arith.constant 512 : index
        %parallel_loop3A_550 = tpu.vector_load %arg8[%parallel_loop3A_548, %parallel_loop3A_549] {strides = array<i32>} : memref<77x768xf32, #tpu.memory_space<vmem>>, vector<1x16xf32>,
        %parallel_loop3A_551 = vector.shape_cast %parallel_loop3A_550 : vector<1x16xf32> to vector<16xf32>
        %parallel_loop3A_552 = vector.shape_cast %parallel_loop3A_547 : vector<16xf32> to vector<1x16xf32>
        tpu.vector_store %arg8[%parallel_loop3A_548, %parallel_loop3A_549], %parallel_loop3A_552 {strides = array<i32>} : memref<77x768xf32, #tpu.memory_space<vmem>>, vector<1x16xf32>,
        %parallel_loop3A_553 = arith.index_cast %parallel_loop3A_90 : i32 to index
        %parallel_loop3A_554 = arith.constant 528 : index
        %parallel_loop3A_555 = tpu.vector_load %arg8[%parallel_loop3A_553, %parallel_loop3A_554] {strides = array<i32>} : memref<77x768xf32, #tpu.memory_space<vmem>>, vector<1x16xf32>,
        %parallel_loop3A_556 = vector.shape_cast %parallel_loop3A_555 : vector<1x16xf32> to vector<16xf32>
        %parallel_loop3A_557 = arith.index_cast %parallel_loop3A_90 : i32 to index
        %parallel_loop3A_558 = arith.constant 528 : index
        %parallel_loop3A_559 = tpu.vector_load %arg7[%parallel_loop3A_557, %parallel_loop3A_558] {strides = array<i32>} : memref<77x768xf32, #tpu.memory_space<vmem>>, vector<1x16xf32>,
        %parallel_loop3A_560 = vector.shape_cast %parallel_loop3A_559 : vector<1x16xf32> to vector<16xf32>
        %parallel_loop3A_561 = arith.addf %parallel_loop3A_556, %parallel_loop3A_560 : vector<16xf32>
        %parallel_loop3A_562 = arith.index_cast %parallel_loop3A_90 : i32 to index
        %parallel_loop3A_563 = arith.constant 528 : index
        %parallel_loop3A_564 = tpu.vector_load %arg8[%parallel_loop3A_562, %parallel_loop3A_563] {strides = array<i32>} : memref<77x768xf32, #tpu.memory_space<vmem>>, vector<1x16xf32>,
        %parallel_loop3A_565 = vector.shape_cast %parallel_loop3A_564 : vector<1x16xf32> to vector<16xf32>
        %parallel_loop3A_566 = vector.shape_cast %parallel_loop3A_561 : vector<16xf32> to vector<1x16xf32>
        tpu.vector_store %arg8[%parallel_loop3A_562, %parallel_loop3A_563], %parallel_loop3A_566 {strides = array<i32>} : memref<77x768xf32, #tpu.memory_space<vmem>>, vector<1x16xf32>,
        %parallel_loop3A_567 = arith.index_cast %parallel_loop3A_90 : i32 to index
        %parallel_loop3A_568 = arith.constant 544 : index
        %parallel_loop3A_569 = tpu.vector_load %arg8[%parallel_loop3A_567, %parallel_loop3A_568] {strides = array<i32>} : memref<77x768xf32, #tpu.memory_space<vmem>>, vector<1x16xf32>,
        %parallel_loop3A_570 = vector.shape_cast %parallel_loop3A_569 : vector<1x16xf32> to vector<16xf32>
        %parallel_loop3A_571 = arith.index_cast %parallel_loop3A_90 : i32 to index
        %parallel_loop3A_572 = arith.constant 544 : index
        %parallel_loop3A_573 = tpu.vector_load %arg7[%parallel_loop3A_571, %parallel_loop3A_572] {strides = array<i32>} : memref<77x768xf32, #tpu.memory_space<vmem>>, vector<1x16xf32>,
        %parallel_loop3A_574 = vector.shape_cast %parallel_loop3A_573 : vector<1x16xf32> to vector<16xf32>
        %parallel_loop3A_575 = arith.addf %parallel_loop3A_570, %parallel_loop3A_574 : vector<16xf32>
        %parallel_loop3A_576 = arith.index_cast %parallel_loop3A_90 : i32 to index
        %parallel_loop3A_577 = arith.constant 544 : index
        %parallel_loop3A_578 = tpu.vector_load %arg8[%parallel_loop3A_576, %parallel_loop3A_577] {strides = array<i32>} : memref<77x768xf32, #tpu.memory_space<vmem>>, vector<1x16xf32>,
        %parallel_loop3A_579 = vector.shape_cast %parallel_loop3A_578 : vector<1x16xf32> to vector<16xf32>
        %parallel_loop3A_580 = vector.shape_cast %parallel_loop3A_575 : vector<16xf32> to vector<1x16xf32>
        tpu.vector_store %arg8[%parallel_loop3A_576, %parallel_loop3A_577], %parallel_loop3A_580 {strides = array<i32>} : memref<77x768xf32, #tpu.memory_space<vmem>>, vector<1x16xf32>,
        %parallel_loop3A_581 = arith.index_cast %parallel_loop3A_90 : i32 to index
        %parallel_loop3A_582 = arith.constant 560 : index
        %parallel_loop3A_583 = tpu.vector_load %arg8[%parallel_loop3A_581, %parallel_loop3A_582] {strides = array<i32>} : memref<77x768xf32, #tpu.memory_space<vmem>>, vector<1x16xf32>,
        %parallel_loop3A_584 = vector.shape_cast %parallel_loop3A_583 : vector<1x16xf32> to vector<16xf32>
        %parallel_loop3A_585 = arith.index_cast %parallel_loop3A_90 : i32 to index
        %parallel_loop3A_586 = arith.constant 560 : index
        %parallel_loop3A_587 = tpu.vector_load %arg7[%parallel_loop3A_585, %parallel_loop3A_586] {strides = array<i32>} : memref<77x768xf32, #tpu.memory_space<vmem>>, vector<1x16xf32>,
        %parallel_loop3A_588 = vector.shape_cast %parallel_loop3A_587 : vector<1x16xf32> to vector<16xf32>
        %parallel_loop3A_589 = arith.addf %parallel_loop3A_584, %parallel_loop3A_588 : vector<16xf32>
        %parallel_loop3A_590 = arith.index_cast %parallel_loop3A_90 : i32 to index
        %parallel_loop3A_591 = arith.constant 560 : index
        %parallel_loop3A_592 = tpu.vector_load %arg8[%parallel_loop3A_590, %parallel_loop3A_591] {strides = array<i32>} : memref<77x768xf32, #tpu.memory_space<vmem>>, vector<1x16xf32>,
        %parallel_loop3A_593 = vector.shape_cast %parallel_loop3A_592 : vector<1x16xf32> to vector<16xf32>
        %parallel_loop3A_594 = vector.shape_cast %parallel_loop3A_589 : vector<16xf32> to vector<1x16xf32>
        tpu.vector_store %arg8[%parallel_loop3A_590, %parallel_loop3A_591], %parallel_loop3A_594 {strides = array<i32>} : memref<77x768xf32, #tpu.memory_space<vmem>>, vector<1x16xf32>,
        %parallel_loop3A_595 = arith.index_cast %parallel_loop3A_90 : i32 to index
        %parallel_loop3A_596 = arith.constant 576 : index
        %parallel_loop3A_597 = tpu.vector_load %arg8[%parallel_loop3A_595, %parallel_loop3A_596] {strides = array<i32>} : memref<77x768xf32, #tpu.memory_space<vmem>>, vector<1x16xf32>,
        %parallel_loop3A_598 = vector.shape_cast %parallel_loop3A_597 : vector<1x16xf32> to vector<16xf32>
        %parallel_loop3A_599 = arith.index_cast %parallel_loop3A_90 : i32 to index
        %parallel_loop3A_600 = arith.constant 576 : index
        %parallel_loop3A_601 = tpu.vector_load %arg7[%parallel_loop3A_599, %parallel_loop3A_600] {strides = array<i32>} : memref<77x768xf32, #tpu.memory_space<vmem>>, vector<1x16xf32>,
        %parallel_loop3A_602 = vector.shape_cast %parallel_loop3A_601 : vector<1x16xf32> to vector<16xf32>
        %parallel_loop3A_603 = arith.addf %parallel_loop3A_598, %parallel_loop3A_602 : vector<16xf32>
        %parallel_loop3A_604 = arith.index_cast %parallel_loop3A_90 : i32 to index
        %parallel_loop3A_605 = arith.constant 576 : index
        %parallel_loop3A_606 = tpu.vector_load %arg8[%parallel_loop3A_604, %parallel_loop3A_605] {strides = array<i32>} : memref<77x768xf32, #tpu.memory_space<vmem>>, vector<1x16xf32>,
        %parallel_loop3A_607 = vector.shape_cast %parallel_loop3A_606 : vector<1x16xf32> to vector<16xf32>
        %parallel_loop3A_608 = vector.shape_cast %parallel_loop3A_603 : vector<16xf32> to vector<1x16xf32>
        tpu.vector_store %arg8[%parallel_loop3A_604, %parallel_loop3A_605], %parallel_loop3A_608 {strides = array<i32>} : memref<77x768xf32, #tpu.memory_space<vmem>>, vector<1x16xf32>,
        %parallel_loop3A_609 = arith.index_cast %parallel_loop3A_90 : i32 to index
        %parallel_loop3A_610 = arith.constant 592 : index
        %parallel_loop3A_611 = tpu.vector_load %arg8[%parallel_loop3A_609, %parallel_loop3A_610] {strides = array<i32>} : memref<77x768xf32, #tpu.memory_space<vmem>>, vector<1x16xf32>,
        %parallel_loop3A_612 = vector.shape_cast %parallel_loop3A_611 : vector<1x16xf32> to vector<16xf32>
        %parallel_loop3A_613 = arith.index_cast %parallel_loop3A_90 : i32 to index
        %parallel_loop3A_614 = arith.constant 592 : index
        %parallel_loop3A_615 = tpu.vector_load %arg7[%parallel_loop3A_613, %parallel_loop3A_614] {strides = array<i32>} : memref<77x768xf32, #tpu.memory_space<vmem>>, vector<1x16xf32>,
        %parallel_loop3A_616 = vector.shape_cast %parallel_loop3A_615 : vector<1x16xf32> to vector<16xf32>
        %parallel_loop3A_617 = arith.addf %parallel_loop3A_612, %parallel_loop3A_616 : vector<16xf32>
        %parallel_loop3A_618 = arith.index_cast %parallel_loop3A_90 : i32 to index
        %parallel_loop3A_619 = arith.constant 592 : index
        %parallel_loop3A_620 = tpu.vector_load %arg8[%parallel_loop3A_618, %parallel_loop3A_619] {strides = array<i32>} : memref<77x768xf32, #tpu.memory_space<vmem>>, vector<1x16xf32>,
        %parallel_loop3A_621 = vector.shape_cast %parallel_loop3A_620 : vector<1x16xf32> to vector<16xf32>
        %parallel_loop3A_622 = vector.shape_cast %parallel_loop3A_617 : vector<16xf32> to vector<1x16xf32>
        tpu.vector_store %arg8[%parallel_loop3A_618, %parallel_loop3A_619], %parallel_loop3A_622 {strides = array<i32>} : memref<77x768xf32, #tpu.memory_space<vmem>>, vector<1x16xf32>,
        %parallel_loop3A_623 = arith.index_cast %parallel_loop3A_90 : i32 to index
        %parallel_loop3A_624 = arith.constant 608 : index
        %parallel_loop3A_625 = tpu.vector_load %arg8[%parallel_loop3A_623, %parallel_loop3A_624] {strides = array<i32>} : memref<77x768xf32, #tpu.memory_space<vmem>>, vector<1x16xf32>,
        %parallel_loop3A_626 = vector.shape_cast %parallel_loop3A_625 : vector<1x16xf32> to vector<16xf32>
        %parallel_loop3A_627 = arith.index_cast %parallel_loop3A_90 : i32 to index
        %parallel_loop3A_628 = arith.constant 608 : index
        %parallel_loop3A_629 = tpu.vector_load %arg7[%parallel_loop3A_627, %parallel_loop3A_628] {strides = array<i32>} : memref<77x768xf32, #tpu.memory_space<vmem>>, vector<1x16xf32>,
        %parallel_loop3A_630 = vector.shape_cast %parallel_loop3A_629 : vector<1x16xf32> to vector<16xf32>
        %parallel_loop3A_631 = arith.addf %parallel_loop3A_626, %parallel_loop3A_630 : vector<16xf32>
        %parallel_loop3A_632 = arith.index_cast %parallel_loop3A_90 : i32 to index
        %parallel_loop3A_633 = arith.constant 608 : index
        %parallel_loop3A_634 = tpu.vector_load %arg8[%parallel_loop3A_632, %parallel_loop3A_633] {strides = array<i32>} : memref<77x768xf32, #tpu.memory_space<vmem>>, vector<1x16xf32>,
        %parallel_loop3A_635 = vector.shape_cast %parallel_loop3A_634 : vector<1x16xf32> to vector<16xf32>
        %parallel_loop3A_636 = vector.shape_cast %parallel_loop3A_631 : vector<16xf32> to vector<1x16xf32>
        tpu.vector_store %arg8[%parallel_loop3A_632, %parallel_loop3A_633], %parallel_loop3A_636 {strides = array<i32>} : memref<77x768xf32, #tpu.memory_space<vmem>>, vector<1x16xf32>,
        %parallel_loop3A_637 = arith.index_cast %parallel_loop3A_90 : i32 to index
        %parallel_loop3A_638 = arith.constant 624 : index
        %parallel_loop3A_639 = tpu.vector_load %arg8[%parallel_loop3A_637, %parallel_loop3A_638] {strides = array<i32>} : memref<77x768xf32, #tpu.memory_space<vmem>>, vector<1x16xf32>,
        %parallel_loop3A_640 = vector.shape_cast %parallel_loop3A_639 : vector<1x16xf32> to vector<16xf32>
        %parallel_loop3A_641 = arith.index_cast %parallel_loop3A_90 : i32 to index
        %parallel_loop3A_642 = arith.constant 624 : index
        %parallel_loop3A_643 = tpu.vector_load %arg7[%parallel_loop3A_641, %parallel_loop3A_642] {strides = array<i32>} : memref<77x768xf32, #tpu.memory_space<vmem>>, vector<1x16xf32>,
        %parallel_loop3A_644 = vector.shape_cast %parallel_loop3A_643 : vector<1x16xf32> to vector<16xf32>
        %parallel_loop3A_645 = arith.addf %parallel_loop3A_640, %parallel_loop3A_644 : vector<16xf32>
        %parallel_loop3A_646 = arith.index_cast %parallel_loop3A_90 : i32 to index
        %parallel_loop3A_647 = arith.constant 624 : index
        %parallel_loop3A_648 = tpu.vector_load %arg8[%parallel_loop3A_646, %parallel_loop3A_647] {strides = array<i32>} : memref<77x768xf32, #tpu.memory_space<vmem>>, vector<1x16xf32>,
        %parallel_loop3A_649 = vector.shape_cast %parallel_loop3A_648 : vector<1x16xf32> to vector<16xf32>
        %parallel_loop3A_650 = vector.shape_cast %parallel_loop3A_645 : vector<16xf32> to vector<1x16xf32>
        tpu.vector_store %arg8[%parallel_loop3A_646, %parallel_loop3A_647], %parallel_loop3A_650 {strides = array<i32>} : memref<77x768xf32, #tpu.memory_space<vmem>>, vector<1x16xf32>,
        %parallel_loop3A_651 = arith.index_cast %parallel_loop3A_90 : i32 to index
        %parallel_loop3A_652 = arith.constant 640 : index
        %parallel_loop3A_653 = tpu.vector_load %arg8[%parallel_loop3A_651, %parallel_loop3A_652] {strides = array<i32>} : memref<77x768xf32, #tpu.memory_space<vmem>>, vector<1x16xf32>,
        %parallel_loop3A_654 = vector.shape_cast %parallel_loop3A_653 : vector<1x16xf32> to vector<16xf32>
        %parallel_loop3A_655 = arith.index_cast %parallel_loop3A_90 : i32 to index
        %parallel_loop3A_656 = arith.constant 640 : index
        %parallel_loop3A_657 = tpu.vector_load %arg7[%parallel_loop3A_655, %parallel_loop3A_656] {strides = array<i32>} : memref<77x768xf32, #tpu.memory_space<vmem>>, vector<1x16xf32>,
        %parallel_loop3A_658 = vector.shape_cast %parallel_loop3A_657 : vector<1x16xf32> to vector<16xf32>
        %parallel_loop3A_659 = arith.addf %parallel_loop3A_654, %parallel_loop3A_658 : vector<16xf32>
        %parallel_loop3A_660 = arith.index_cast %parallel_loop3A_90 : i32 to index
        %parallel_loop3A_661 = arith.constant 640 : index
        %parallel_loop3A_662 = tpu.vector_load %arg8[%parallel_loop3A_660, %parallel_loop3A_661] {strides = array<i32>} : memref<77x768xf32, #tpu.memory_space<vmem>>, vector<1x16xf32>,
        %parallel_loop3A_663 = vector.shape_cast %parallel_loop3A_662 : vector<1x16xf32> to vector<16xf32>
        %parallel_loop3A_664 = vector.shape_cast %parallel_loop3A_659 : vector<16xf32> to vector<1x16xf32>
        tpu.vector_store %arg8[%parallel_loop3A_660, %parallel_loop3A_661], %parallel_loop3A_664 {strides = array<i32>} : memref<77x768xf32, #tpu.memory_space<vmem>>, vector<1x16xf32>,
        %parallel_loop3A_665 = arith.index_cast %parallel_loop3A_90 : i32 to index
        %parallel_loop3A_666 = arith.constant 656 : index
        %parallel_loop3A_667 = tpu.vector_load %arg8[%parallel_loop3A_665, %parallel_loop3A_666] {strides = array<i32>} : memref<77x768xf32, #tpu.memory_space<vmem>>, vector<1x16xf32>,
        %parallel_loop3A_668 = vector.shape_cast %parallel_loop3A_667 : vector<1x16xf32> to vector<16xf32>
        %parallel_loop3A_669 = arith.index_cast %parallel_loop3A_90 : i32 to index
        %parallel_loop3A_670 = arith.constant 656 : index
        %parallel_loop3A_671 = tpu.vector_load %arg7[%parallel_loop3A_669, %parallel_loop3A_670] {strides = array<i32>} : memref<77x768xf32, #tpu.memory_space<vmem>>, vector<1x16xf32>,
        %parallel_loop3A_672 = vector.shape_cast %parallel_loop3A_671 : vector<1x16xf32> to vector<16xf32>
        %parallel_loop3A_673 = arith.addf %parallel_loop3A_668, %parallel_loop3A_672 : vector<16xf32>
        %parallel_loop3A_674 = arith.index_cast %parallel_loop3A_90 : i32 to index
        %parallel_loop3A_675 = arith.constant 656 : index
        %parallel_loop3A_676 = tpu.vector_load %arg8[%parallel_loop3A_674, %parallel_loop3A_675] {strides = array<i32>} : memref<77x768xf32, #tpu.memory_space<vmem>>, vector<1x16xf32>,
        %parallel_loop3A_677 = vector.shape_cast %parallel_loop3A_676 : vector<1x16xf32> to vector<16xf32>
        %parallel_loop3A_678 = vector.shape_cast %parallel_loop3A_673 : vector<16xf32> to vector<1x16xf32>
        tpu.vector_store %arg8[%parallel_loop3A_674, %parallel_loop3A_675], %parallel_loop3A_678 {strides = array<i32>} : memref<77x768xf32, #tpu.memory_space<vmem>>, vector<1x16xf32>,
        %parallel_loop3A_679 = arith.index_cast %parallel_loop3A_90 : i32 to index
        %parallel_loop3A_680 = arith.constant 672 : index
        %parallel_loop3A_681 = tpu.vector_load %arg8[%parallel_loop3A_679, %parallel_loop3A_680] {strides = array<i32>} : memref<77x768xf32, #tpu.memory_space<vmem>>, vector<1x16xf32>,
        %parallel_loop3A_682 = vector.shape_cast %parallel_loop3A_681 : vector<1x16xf32> to vector<16xf32>
        %parallel_loop3A_683 = arith.index_cast %parallel_loop3A_90 : i32 to index
        %parallel_loop3A_684 = arith.constant 672 : index
        %parallel_loop3A_685 = tpu.vector_load %arg7[%parallel_loop3A_683, %parallel_loop3A_684] {strides = array<i32>} : memref<77x768xf32, #tpu.memory_space<vmem>>, vector<1x16xf32>,
        %parallel_loop3A_686 = vector.shape_cast %parallel_loop3A_685 : vector<1x16xf32> to vector<16xf32>
        %parallel_loop3A_687 = arith.addf %parallel_loop3A_682, %parallel_loop3A_686 : vector<16xf32>
        %parallel_loop3A_688 = arith.index_cast %parallel_loop3A_90 : i32 to index
        %parallel_loop3A_689 = arith.constant 672 : index
        %parallel_loop3A_690 = tpu.vector_load %arg8[%parallel_loop3A_688, %parallel_loop3A_689] {strides = array<i32>} : memref<77x768xf32, #tpu.memory_space<vmem>>, vector<1x16xf32>,
        %parallel_loop3A_691 = vector.shape_cast %parallel_loop3A_690 : vector<1x16xf32> to vector<16xf32>
        %parallel_loop3A_692 = vector.shape_cast %parallel_loop3A_687 : vector<16xf32> to vector<1x16xf32>
        tpu.vector_store %arg8[%parallel_loop3A_688, %parallel_loop3A_689], %parallel_loop3A_692 {strides = array<i32>} : memref<77x768xf32, #tpu.memory_space<vmem>>, vector<1x16xf32>,
        %parallel_loop3A_693 = arith.index_cast %parallel_loop3A_90 : i32 to index
        %parallel_loop3A_694 = arith.constant 688 : index
        %parallel_loop3A_695 = tpu.vector_load %arg8[%parallel_loop3A_693, %parallel_loop3A_694] {strides = array<i32>} : memref<77x768xf32, #tpu.memory_space<vmem>>, vector<1x16xf32>,
        %parallel_loop3A_696 = vector.shape_cast %parallel_loop3A_695 : vector<1x16xf32> to vector<16xf32>
        %parallel_loop3A_697 = arith.index_cast %parallel_loop3A_90 : i32 to index
        %parallel_loop3A_698 = arith.constant 688 : index
        %parallel_loop3A_699 = tpu.vector_load %arg7[%parallel_loop3A_697, %parallel_loop3A_698] {strides = array<i32>} : memref<77x768xf32, #tpu.memory_space<vmem>>, vector<1x16xf32>,
        %parallel_loop3A_700 = vector.shape_cast %parallel_loop3A_699 : vector<1x16xf32> to vector<16xf32>
        %parallel_loop3A_701 = arith.addf %parallel_loop3A_696, %parallel_loop3A_700 : vector<16xf32>
        %parallel_loop3A_702 = arith.index_cast %parallel_loop3A_90 : i32 to index
        %parallel_loop3A_703 = arith.constant 688 : index
        %parallel_loop3A_704 = tpu.vector_load %arg8[%parallel_loop3A_702, %parallel_loop3A_703] {strides = array<i32>} : memref<77x768xf32, #tpu.memory_space<vmem>>, vector<1x16xf32>,
        %parallel_loop3A_705 = vector.shape_cast %parallel_loop3A_704 : vector<1x16xf32> to vector<16xf32>
        %parallel_loop3A_706 = vector.shape_cast %parallel_loop3A_701 : vector<16xf32> to vector<1x16xf32>
        tpu.vector_store %arg8[%parallel_loop3A_702, %parallel_loop3A_703], %parallel_loop3A_706 {strides = array<i32>} : memref<77x768xf32, #tpu.memory_space<vmem>>, vector<1x16xf32>,
        %parallel_loop3A_707 = arith.index_cast %parallel_loop3A_90 : i32 to index
        %parallel_loop3A_708 = arith.constant 704 : index
        %parallel_loop3A_709 = tpu.vector_load %arg8[%parallel_loop3A_707, %parallel_loop3A_708] {strides = array<i32>} : memref<77x768xf32, #tpu.memory_space<vmem>>, vector<1x16xf32>,
        %parallel_loop3A_710 = vector.shape_cast %parallel_loop3A_709 : vector<1x16xf32> to vector<16xf32>
        %parallel_loop3A_711 = arith.index_cast %parallel_loop3A_90 : i32 to index
        %parallel_loop3A_712 = arith.constant 704 : index
        %parallel_loop3A_713 = tpu.vector_load %arg7[%parallel_loop3A_711, %parallel_loop3A_712] {strides = array<i32>} : memref<77x768xf32, #tpu.memory_space<vmem>>, vector<1x16xf32>,
        %parallel_loop3A_714 = vector.shape_cast %parallel_loop3A_713 : vector<1x16xf32> to vector<16xf32>
        %parallel_loop3A_715 = arith.addf %parallel_loop3A_710, %parallel_loop3A_714 : vector<16xf32>
        %parallel_loop3A_716 = arith.index_cast %parallel_loop3A_90 : i32 to index
        %parallel_loop3A_717 = arith.constant 704 : index
        %parallel_loop3A_718 = tpu.vector_load %arg8[%parallel_loop3A_716, %parallel_loop3A_717] {strides = array<i32>} : memref<77x768xf32, #tpu.memory_space<vmem>>, vector<1x16xf32>,
        %parallel_loop3A_719 = vector.shape_cast %parallel_loop3A_718 : vector<1x16xf32> to vector<16xf32>
        %parallel_loop3A_720 = vector.shape_cast %parallel_loop3A_715 : vector<16xf32> to vector<1x16xf32>
        tpu.vector_store %arg8[%parallel_loop3A_716, %parallel_loop3A_717], %parallel_loop3A_720 {strides = array<i32>} : memref<77x768xf32, #tpu.memory_space<vmem>>, vector<1x16xf32>,
        %parallel_loop3A_721 = arith.index_cast %parallel_loop3A_90 : i32 to index
        %parallel_loop3A_722 = arith.constant 720 : index
        %parallel_loop3A_723 = tpu.vector_load %arg8[%parallel_loop3A_721, %parallel_loop3A_722] {strides = array<i32>} : memref<77x768xf32, #tpu.memory_space<vmem>>, vector<1x16xf32>,
        %parallel_loop3A_724 = vector.shape_cast %parallel_loop3A_723 : vector<1x16xf32> to vector<16xf32>
        %parallel_loop3A_725 = arith.index_cast %parallel_loop3A_90 : i32 to index
        %parallel_loop3A_726 = arith.constant 720 : index
        %parallel_loop3A_727 = tpu.vector_load %arg7[%parallel_loop3A_725, %parallel_loop3A_726] {strides = array<i32>} : memref<77x768xf32, #tpu.memory_space<vmem>>, vector<1x16xf32>,
        %parallel_loop3A_728 = vector.shape_cast %parallel_loop3A_727 : vector<1x16xf32> to vector<16xf32>
        %parallel_loop3A_729 = arith.addf %parallel_loop3A_724, %parallel_loop3A_728 : vector<16xf32>
        %parallel_loop3A_730 = arith.index_cast %parallel_loop3A_90 : i32 to index
        %parallel_loop3A_731 = arith.constant 720 : index
        %parallel_loop3A_732 = tpu.vector_load %arg8[%parallel_loop3A_730, %parallel_loop3A_731] {strides = array<i32>} : memref<77x768xf32, #tpu.memory_space<vmem>>, vector<1x16xf32>,
        %parallel_loop3A_733 = vector.shape_cast %parallel_loop3A_732 : vector<1x16xf32> to vector<16xf32>
        %parallel_loop3A_734 = vector.shape_cast %parallel_loop3A_729 : vector<16xf32> to vector<1x16xf32>
        tpu.vector_store %arg8[%parallel_loop3A_730, %parallel_loop3A_731], %parallel_loop3A_734 {strides = array<i32>} : memref<77x768xf32, #tpu.memory_space<vmem>>, vector<1x16xf32>,
        %parallel_loop3A_735 = arith.index_cast %parallel_loop3A_90 : i32 to index
        %parallel_loop3A_736 = arith.constant 736 : index
        %parallel_loop3A_737 = tpu.vector_load %arg8[%parallel_loop3A_735, %parallel_loop3A_736] {strides = array<i32>} : memref<77x768xf32, #tpu.memory_space<vmem>>, vector<1x16xf32>,
        %parallel_loop3A_738 = vector.shape_cast %parallel_loop3A_737 : vector<1x16xf32> to vector<16xf32>
        %parallel_loop3A_739 = arith.index_cast %parallel_loop3A_90 : i32 to index
        %parallel_loop3A_740 = arith.constant 736 : index
        %parallel_loop3A_741 = tpu.vector_load %arg7[%parallel_loop3A_739, %parallel_loop3A_740] {strides = array<i32>} : memref<77x768xf32, #tpu.memory_space<vmem>>, vector<1x16xf32>,
        %parallel_loop3A_742 = vector.shape_cast %parallel_loop3A_741 : vector<1x16xf32> to vector<16xf32>
        %parallel_loop3A_743 = arith.addf %parallel_loop3A_738, %parallel_loop3A_742 : vector<16xf32>
        %parallel_loop3A_744 = arith.index_cast %parallel_loop3A_90 : i32 to index
        %parallel_loop3A_745 = arith.constant 736 : index
        %parallel_loop3A_746 = tpu.vector_load %arg8[%parallel_loop3A_744, %parallel_loop3A_745] {strides = array<i32>} : memref<77x768xf32, #tpu.memory_space<vmem>>, vector<1x16xf32>,
        %parallel_loop3A_747 = vector.shape_cast %parallel_loop3A_746 : vector<1x16xf32> to vector<16xf32>
        %parallel_loop3A_748 = vector.shape_cast %parallel_loop3A_743 : vector<16xf32> to vector<1x16xf32>
        tpu.vector_store %arg8[%parallel_loop3A_744, %parallel_loop3A_745], %parallel_loop3A_748 {strides = array<i32>} : memref<77x768xf32, #tpu.memory_space<vmem>>, vector<1x16xf32>,
        %parallel_loop3A_749 = arith.index_cast %parallel_loop3A_90 : i32 to index
        %parallel_loop3A_750 = arith.constant 752 : index
        %parallel_loop3A_751 = tpu.vector_load %arg8[%parallel_loop3A_749, %parallel_loop3A_750] {strides = array<i32>} : memref<77x768xf32, #tpu.memory_space<vmem>>, vector<1x16xf32>,
        %parallel_loop3A_752 = vector.shape_cast %parallel_loop3A_751 : vector<1x16xf32> to vector<16xf32>
        %parallel_loop3A_753 = arith.index_cast %parallel_loop3A_90 : i32 to index
        %parallel_loop3A_754 = arith.constant 752 : index
        %parallel_loop3A_755 = tpu.vector_load %arg7[%parallel_loop3A_753, %parallel_loop3A_754] {strides = array<i32>} : memref<77x768xf32, #tpu.memory_space<vmem>>, vector<1x16xf32>,
        %parallel_loop3A_756 = vector.shape_cast %parallel_loop3A_755 : vector<1x16xf32> to vector<16xf32>
        %parallel_loop3A_757 = arith.addf %parallel_loop3A_752, %parallel_loop3A_756 : vector<16xf32>
        %parallel_loop3A_758 = arith.index_cast %parallel_loop3A_90 : i32 to index
        %parallel_loop3A_759 = arith.constant 752 : index
        %parallel_loop3A_760 = tpu.vector_load %arg8[%parallel_loop3A_758, %parallel_loop3A_759] {strides = array<i32>} : memref<77x768xf32, #tpu.memory_space<vmem>>, vector<1x16xf32>,
        %parallel_loop3A_761 = vector.shape_cast %parallel_loop3A_760 : vector<1x16xf32> to vector<16xf32>
        %parallel_loop3A_762 = vector.shape_cast %parallel_loop3A_757 : vector<16xf32> to vector<1x16xf32>
        tpu.vector_store %arg8[%parallel_loop3A_758, %parallel_loop3A_759], %parallel_loop3A_762 {strides = array<i32>} : memref<77x768xf32, #tpu.memory_space<vmem>>, vector<1x16xf32>,
      } {sc.loop_unroll_factor = 4 : i64, sc.parallel_access}
      %dma_wait3A_47 = arith.constant 0 : i32
      %dma_wait3A_48 = arith.constant 40 : i32
      %dma_wait3A_49 = arith.constant 0 : i32
      %dma_wait3A_50 = tpu.memref_slice %arg8[%dma_wait3A_48, %dma_wait3A_49] : memref<77x768xf32, #tpu.memory_space<vmem>> -> memref<32x768xf32, #tpu.memory_space<vmem>>
      %dma_wait3A_51 = arith.constant 0 : i32
      %dma_wait3A_52 = tpu.memref_slice %arg6[%dma_wait3A_47, %dma_wait3A_51] : memref<16x77xi32, #tpu.memory_space<vmem>> -> memref<1x32xi32, #tpu.memory_space<vmem>>
      %dma_wait3A_53 = tpu.memref_squeeze %dma_wait3A_52 : memref<1x32xi32, #tpu.memory_space<vmem>> -> memref<32xi32, #tpu.memory_space<vmem>>
      %dma_wait3A_54 = arith.constant 0 : i32
      %dma_wait3A_55 = arith.constant 0 : i32
      %dma_wait3A_56 = tpu.memref_slice %arg3[%dma_wait3A_54, %dma_wait3A_55] : memref<49408x768xf32, #tpu.memory_space<hbm>> -> memref<49408x768xf32, #tpu.memory_space<hbm>>
      tpu.wait_indirect_dma semaphore(%arg12 : memref<!tpu.dma_semaphore, #tpu.memory_space<semaphore_mem>>) src(%dma_wait3A_56 : memref<49408x768xf32, #tpu.memory_space<hbm>>) dst(%dma_wait3A_50 : memref<32x768xf32, #tpu.memory_space<vmem>>)
      %parallel_loop3A_57 = arith.constant 40 : i32
      %parallel_loop3A_58 = arith.constant 72 : i32
      %parallel_loop3A_59 = arith.constant 1 : i32
      scf.for %parallel_loop3A_90 = %parallel_loop3A_57 to %parallel_loop3A_58 step %parallel_loop3A_59  : i32 {
        %parallel_loop3A_91 = arith.index_cast %parallel_loop3A_90 : i32 to index
        %parallel_loop3A_92 = arith.constant 0 : index
        %parallel_loop3A_93 = tpu.vector_load %arg8[%parallel_loop3A_91, %parallel_loop3A_92] {strides = array<i32>} : memref<77x768xf32, #tpu.memory_space<vmem>>, vector<1x16xf32>,
        %parallel_loop3A_94 = vector.shape_cast %parallel_loop3A_93 : vector<1x16xf32> to vector<16xf32>
        %parallel_loop3A_95 = arith.index_cast %parallel_loop3A_90 : i32 to index
        %parallel_loop3A_96 = arith.constant 0 : index
        %parallel_loop3A_97 = tpu.vector_load %arg7[%parallel_loop3A_95, %parallel_loop3A_96] {strides = array<i32>} : memref<77x768xf32, #tpu.memory_space<vmem>>, vector<1x16xf32>,
        %parallel_loop3A_98 = vector.shape_cast %parallel_loop3A_97 : vector<1x16xf32> to vector<16xf32>
        %parallel_loop3A_99 = arith.addf %parallel_loop3A_94, %parallel_loop3A_98 : vector<16xf32>
        %parallel_loop3A_100 = arith.index_cast %parallel_loop3A_90 : i32 to index
        %parallel_loop3A_101 = arith.constant 0 : index
        %parallel_loop3A_102 = tpu.vector_load %arg8[%parallel_loop3A_100, %parallel_loop3A_101] {strides = array<i32>} : memref<77x768xf32, #tpu.memory_space<vmem>>, vector<1x16xf32>,
        %parallel_loop3A_103 = vector.shape_cast %parallel_loop3A_102 : vector<1x16xf32> to vector<16xf32>
        %parallel_loop3A_104 = vector.shape_cast %parallel_loop3A_99 : vector<16xf32> to vector<1x16xf32>
        tpu.vector_store %arg8[%parallel_loop3A_100, %parallel_loop3A_101], %parallel_loop3A_104 {strides = array<i32>} : memref<77x768xf32, #tpu.memory_space<vmem>>, vector<1x16xf32>,
        %parallel_loop3A_105 = arith.index_cast %parallel_loop3A_90 : i32 to index
        %parallel_loop3A_106 = arith.constant 16 : index
        %parallel_loop3A_107 = tpu.vector_load %arg8[%parallel_loop3A_105, %parallel_loop3A_106] {strides = array<i32>} : memref<77x768xf32, #tpu.memory_space<vmem>>, vector<1x16xf32>,
        %parallel_loop3A_108 = vector.shape_cast %parallel_loop3A_107 : vector<1x16xf32> to vector<16xf32>
        %parallel_loop3A_109 = arith.index_cast %parallel_loop3A_90 : i32 to index
        %parallel_loop3A_110 = arith.constant 16 : index
        %parallel_loop3A_111 = tpu.vector_load %arg7[%parallel_loop3A_109, %parallel_loop3A_110] {strides = array<i32>} : memref<77x768xf32, #tpu.memory_space<vmem>>, vector<1x16xf32>,
        %parallel_loop3A_112 = vector.shape_cast %parallel_loop3A_111 : vector<1x16xf32> to vector<16xf32>
        %parallel_loop3A_113 = arith.addf %parallel_loop3A_108, %parallel_loop3A_112 : vector<16xf32>
        %parallel_loop3A_114 = arith.index_cast %parallel_loop3A_90 : i32 to index
        %parallel_loop3A_115 = arith.constant 16 : index
        %parallel_loop3A_116 = tpu.vector_load %arg8[%parallel_loop3A_114, %parallel_loop3A_115] {strides = array<i32>} : memref<77x768xf32, #tpu.memory_space<vmem>>, vector<1x16xf32>,
        %parallel_loop3A_117 = vector.shape_cast %parallel_loop3A_116 : vector<1x16xf32> to vector<16xf32>
        %parallel_loop3A_118 = vector.shape_cast %parallel_loop3A_113 : vector<16xf32> to vector<1x16xf32>
        tpu.vector_store %arg8[%parallel_loop3A_114, %parallel_loop3A_115], %parallel_loop3A_118 {strides = array<i32>} : memref<77x768xf32, #tpu.memory_space<vmem>>, vector<1x16xf32>,
        %parallel_loop3A_119 = arith.index_cast %parallel_loop3A_90 : i32 to index
        %parallel_loop3A_120 = arith.constant 32 : index
        %parallel_loop3A_121 = tpu.vector_load %arg8[%parallel_loop3A_119, %parallel_loop3A_120] {strides = array<i32>} : memref<77x768xf32, #tpu.memory_space<vmem>>, vector<1x16xf32>,
        %parallel_loop3A_122 = vector.shape_cast %parallel_loop3A_121 : vector<1x16xf32> to vector<16xf32>
        %parallel_loop3A_123 = arith.index_cast %parallel_loop3A_90 : i32 to index
        %parallel_loop3A_124 = arith.constant 32 : index
        %parallel_loop3A_125 = tpu.vector_load %arg7[%parallel_loop3A_123, %parallel_loop3A_124] {strides = array<i32>} : memref<77x768xf32, #tpu.memory_space<vmem>>, vector<1x16xf32>,
        %parallel_loop3A_126 = vector.shape_cast %parallel_loop3A_125 : vector<1x16xf32> to vector<16xf32>
        %parallel_loop3A_127 = arith.addf %parallel_loop3A_122, %parallel_loop3A_126 : vector<16xf32>
        %parallel_loop3A_128 = arith.index_cast %parallel_loop3A_90 : i32 to index
        %parallel_loop3A_129 = arith.constant 32 : index
        %parallel_loop3A_130 = tpu.vector_load %arg8[%parallel_loop3A_128, %parallel_loop3A_129] {strides = array<i32>} : memref<77x768xf32, #tpu.memory_space<vmem>>, vector<1x16xf32>,
        %parallel_loop3A_131 = vector.shape_cast %parallel_loop3A_130 : vector<1x16xf32> to vector<16xf32>
        %parallel_loop3A_132 = vector.shape_cast %parallel_loop3A_127 : vector<16xf32> to vector<1x16xf32>
        tpu.vector_store %arg8[%parallel_loop3A_128, %parallel_loop3A_129], %parallel_loop3A_132 {strides = array<i32>} : memref<77x768xf32, #tpu.memory_space<vmem>>, vector<1x16xf32>,
        %parallel_loop3A_133 = arith.index_cast %parallel_loop3A_90 : i32 to index
        %parallel_loop3A_134 = arith.constant 48 : index
        %parallel_loop3A_135 = tpu.vector_load %arg8[%parallel_loop3A_133, %parallel_loop3A_134] {strides = array<i32>} : memref<77x768xf32, #tpu.memory_space<vmem>>, vector<1x16xf32>,
        %parallel_loop3A_136 = vector.shape_cast %parallel_loop3A_135 : vector<1x16xf32> to vector<16xf32>
        %parallel_loop3A_137 = arith.index_cast %parallel_loop3A_90 : i32 to index
        %parallel_loop3A_138 = arith.constant 48 : index
        %parallel_loop3A_139 = tpu.vector_load %arg7[%parallel_loop3A_137, %parallel_loop3A_138] {strides = array<i32>} : memref<77x768xf32, #tpu.memory_space<vmem>>, vector<1x16xf32>,
        %parallel_loop3A_140 = vector.shape_cast %parallel_loop3A_139 : vector<1x16xf32> to vector<16xf32>
        %parallel_loop3A_141 = arith.addf %parallel_loop3A_136, %parallel_loop3A_140 : vector<16xf32>
        %parallel_loop3A_142 = arith.index_cast %parallel_loop3A_90 : i32 to index
        %parallel_loop3A_143 = arith.constant 48 : index
        %parallel_loop3A_144 = tpu.vector_load %arg8[%parallel_loop3A_142, %parallel_loop3A_143] {strides = array<i32>} : memref<77x768xf32, #tpu.memory_space<vmem>>, vector<1x16xf32>,
        %parallel_loop3A_145 = vector.shape_cast %parallel_loop3A_144 : vector<1x16xf32> to vector<16xf32>
        %parallel_loop3A_146 = vector.shape_cast %parallel_loop3A_141 : vector<16xf32> to vector<1x16xf32>
        tpu.vector_store %arg8[%parallel_loop3A_142, %parallel_loop3A_143], %parallel_loop3A_146 {strides = array<i32>} : memref<77x768xf32, #tpu.memory_space<vmem>>, vector<1x16xf32>,
        %parallel_loop3A_147 = arith.index_cast %parallel_loop3A_90 : i32 to index
        %parallel_loop3A_148 = arith.constant 64 : index
        %parallel_loop3A_149 = tpu.vector_load %arg8[%parallel_loop3A_147, %parallel_loop3A_148] {strides = array<i32>} : memref<77x768xf32, #tpu.memory_space<vmem>>, vector<1x16xf32>,
        %parallel_loop3A_150 = vector.shape_cast %parallel_loop3A_149 : vector<1x16xf32> to vector<16xf32>
        %parallel_loop3A_151 = arith.index_cast %parallel_loop3A_90 : i32 to index
        %parallel_loop3A_152 = arith.constant 64 : index
        %parallel_loop3A_153 = tpu.vector_load %arg7[%parallel_loop3A_151, %parallel_loop3A_152] {strides = array<i32>} : memref<77x768xf32, #tpu.memory_space<vmem>>, vector<1x16xf32>,
        %parallel_loop3A_154 = vector.shape_cast %parallel_loop3A_153 : vector<1x16xf32> to vector<16xf32>
        %parallel_loop3A_155 = arith.addf %parallel_loop3A_150, %parallel_loop3A_154 : vector<16xf32>
        %parallel_loop3A_156 = arith.index_cast %parallel_loop3A_90 : i32 to index
        %parallel_loop3A_157 = arith.constant 64 : index
        %parallel_loop3A_158 = tpu.vector_load %arg8[%parallel_loop3A_156, %parallel_loop3A_157] {strides = array<i32>} : memref<77x768xf32, #tpu.memory_space<vmem>>, vector<1x16xf32>,
        %parallel_loop3A_159 = vector.shape_cast %parallel_loop3A_158 : vector<1x16xf32> to vector<16xf32>
        %parallel_loop3A_160 = vector.shape_cast %parallel_loop3A_155 : vector<16xf32> to vector<1x16xf32>
        tpu.vector_store %arg8[%parallel_loop3A_156, %parallel_loop3A_157], %parallel_loop3A_160 {strides = array<i32>} : memref<77x768xf32, #tpu.memory_space<vmem>>, vector<1x16xf32>,
        %parallel_loop3A_161 = arith.index_cast %parallel_loop3A_90 : i32 to index
        %parallel_loop3A_162 = arith.constant 80 : index
        %parallel_loop3A_163 = tpu.vector_load %arg8[%parallel_loop3A_161, %parallel_loop3A_162] {strides = array<i32>} : memref<77x768xf32, #tpu.memory_space<vmem>>, vector<1x16xf32>,
        %parallel_loop3A_164 = vector.shape_cast %parallel_loop3A_163 : vector<1x16xf32> to vector<16xf32>
        %parallel_loop3A_165 = arith.index_cast %parallel_loop3A_90 : i32 to index
        %parallel_loop3A_166 = arith.constant 80 : index
        %parallel_loop3A_167 = tpu.vector_load %arg7[%parallel_loop3A_165, %parallel_loop3A_166] {strides = array<i32>} : memref<77x768xf32, #tpu.memory_space<vmem>>, vector<1x16xf32>,
        %parallel_loop3A_168 = vector.shape_cast %parallel_loop3A_167 : vector<1x16xf32> to vector<16xf32>
        %parallel_loop3A_169 = arith.addf %parallel_loop3A_164, %parallel_loop3A_168 : vector<16xf32>
        %parallel_loop3A_170 = arith.index_cast %parallel_loop3A_90 : i32 to index
        %parallel_loop3A_171 = arith.constant 80 : index
        %parallel_loop3A_172 = tpu.vector_load %arg8[%parallel_loop3A_170, %parallel_loop3A_171] {strides = array<i32>} : memref<77x768xf32, #tpu.memory_space<vmem>>, vector<1x16xf32>,
        %parallel_loop3A_173 = vector.shape_cast %parallel_loop3A_172 : vector<1x16xf32> to vector<16xf32>
        %parallel_loop3A_174 = vector.shape_cast %parallel_loop3A_169 : vector<16xf32> to vector<1x16xf32>
        tpu.vector_store %arg8[%parallel_loop3A_170, %parallel_loop3A_171], %parallel_loop3A_174 {strides = array<i32>} : memref<77x768xf32, #tpu.memory_space<vmem>>, vector<1x16xf32>,
        %parallel_loop3A_175 = arith.index_cast %parallel_loop3A_90 : i32 to index
        %parallel_loop3A_176 = arith.constant 96 : index
        %parallel_loop3A_177 = tpu.vector_load %arg8[%parallel_loop3A_175, %parallel_loop3A_176] {strides = array<i32>} : memref<77x768xf32, #tpu.memory_space<vmem>>, vector<1x16xf32>,
        %parallel_loop3A_178 = vector.shape_cast %parallel_loop3A_177 : vector<1x16xf32> to vector<16xf32>
        %parallel_loop3A_179 = arith.index_cast %parallel_loop3A_90 : i32 to index
        %parallel_loop3A_180 = arith.constant 96 : index
        %parallel_loop3A_181 = tpu.vector_load %arg7[%parallel_loop3A_179, %parallel_loop3A_180] {strides = array<i32>} : memref<77x768xf32, #tpu.memory_space<vmem>>, vector<1x16xf32>,
        %parallel_loop3A_182 = vector.shape_cast %parallel_loop3A_181 : vector<1x16xf32> to vector<16xf32>
        %parallel_loop3A_183 = arith.addf %parallel_loop3A_178, %parallel_loop3A_182 : vector<16xf32>
        %parallel_loop3A_184 = arith.index_cast %parallel_loop3A_90 : i32 to index
        %parallel_loop3A_185 = arith.constant 96 : index
        %parallel_loop3A_186 = tpu.vector_load %arg8[%parallel_loop3A_184, %parallel_loop3A_185] {strides = array<i32>} : memref<77x768xf32, #tpu.memory_space<vmem>>, vector<1x16xf32>,
        %parallel_loop3A_187 = vector.shape_cast %parallel_loop3A_186 : vector<1x16xf32> to vector<16xf32>
        %parallel_loop3A_188 = vector.shape_cast %parallel_loop3A_183 : vector<16xf32> to vector<1x16xf32>
        tpu.vector_store %arg8[%parallel_loop3A_184, %parallel_loop3A_185], %parallel_loop3A_188 {strides = array<i32>} : memref<77x768xf32, #tpu.memory_space<vmem>>, vector<1x16xf32>,
        %parallel_loop3A_189 = arith.index_cast %parallel_loop3A_90 : i32 to index
        %parallel_loop3A_190 = arith.constant 112 : index
        %parallel_loop3A_191 = tpu.vector_load %arg8[%parallel_loop3A_189, %parallel_loop3A_190] {strides = array<i32>} : memref<77x768xf32, #tpu.memory_space<vmem>>, vector<1x16xf32>,
        %parallel_loop3A_192 = vector.shape_cast %parallel_loop3A_191 : vector<1x16xf32> to vector<16xf32>
        %parallel_loop3A_193 = arith.index_cast %parallel_loop3A_90 : i32 to index
        %parallel_loop3A_194 = arith.constant 112 : index
        %parallel_loop3A_195 = tpu.vector_load %arg7[%parallel_loop3A_193, %parallel_loop3A_194] {strides = array<i32>} : memref<77x768xf32, #tpu.memory_space<vmem>>, vector<1x16xf32>,
        %parallel_loop3A_196 = vector.shape_cast %parallel_loop3A_195 : vector<1x16xf32> to vector<16xf32>
        %parallel_loop3A_197 = arith.addf %parallel_loop3A_192, %parallel_loop3A_196 : vector<16xf32>
        %parallel_loop3A_198 = arith.index_cast %parallel_loop3A_90 : i32 to index
        %parallel_loop3A_199 = arith.constant 112 : index
        %parallel_loop3A_200 = tpu.vector_load %arg8[%parallel_loop3A_198, %parallel_loop3A_199] {strides = array<i32>} : memref<77x768xf32, #tpu.memory_space<vmem>>, vector<1x16xf32>,
        %parallel_loop3A_201 = vector.shape_cast %parallel_loop3A_200 : vector<1x16xf32> to vector<16xf32>
        %parallel_loop3A_202 = vector.shape_cast %parallel_loop3A_197 : vector<16xf32> to vector<1x16xf32>
        tpu.vector_store %arg8[%parallel_loop3A_198, %parallel_loop3A_199], %parallel_loop3A_202 {strides = array<i32>} : memref<77x768xf32, #tpu.memory_space<vmem>>, vector<1x16xf32>,
        %parallel_loop3A_203 = arith.index_cast %parallel_loop3A_90 : i32 to index
        %parallel_loop3A_204 = arith.constant 128 : index
        %parallel_loop3A_205 = tpu.vector_load %arg8[%parallel_loop3A_203, %parallel_loop3A_204] {strides = array<i32>} : memref<77x768xf32, #tpu.memory_space<vmem>>, vector<1x16xf32>,
        %parallel_loop3A_206 = vector.shape_cast %parallel_loop3A_205 : vector<1x16xf32> to vector<16xf32>
        %parallel_loop3A_207 = arith.index_cast %parallel_loop3A_90 : i32 to index
        %parallel_loop3A_208 = arith.constant 128 : index
        %parallel_loop3A_209 = tpu.vector_load %arg7[%parallel_loop3A_207, %parallel_loop3A_208] {strides = array<i32>} : memref<77x768xf32, #tpu.memory_space<vmem>>, vector<1x16xf32>,
        %parallel_loop3A_210 = vector.shape_cast %parallel_loop3A_209 : vector<1x16xf32> to vector<16xf32>
        %parallel_loop3A_211 = arith.addf %parallel_loop3A_206, %parallel_loop3A_210 : vector<16xf32>
        %parallel_loop3A_212 = arith.index_cast %parallel_loop3A_90 : i32 to index
        %parallel_loop3A_213 = arith.constant 128 : index
        %parallel_loop3A_214 = tpu.vector_load %arg8[%parallel_loop3A_212, %parallel_loop3A_213] {strides = array<i32>} : memref<77x768xf32, #tpu.memory_space<vmem>>, vector<1x16xf32>,
        %parallel_loop3A_215 = vector.shape_cast %parallel_loop3A_214 : vector<1x16xf32> to vector<16xf32>
        %parallel_loop3A_216 = vector.shape_cast %parallel_loop3A_211 : vector<16xf32> to vector<1x16xf32>
        tpu.vector_store %arg8[%parallel_loop3A_212, %parallel_loop3A_213], %parallel_loop3A_216 {strides = array<i32>} : memref<77x768xf32, #tpu.memory_space<vmem>>, vector<1x16xf32>,
        %parallel_loop3A_217 = arith.index_cast %parallel_loop3A_90 : i32 to index
        %parallel_loop3A_218 = arith.constant 144 : index
        %parallel_loop3A_219 = tpu.vector_load %arg8[%parallel_loop3A_217, %parallel_loop3A_218] {strides = array<i32>} : memref<77x768xf32, #tpu.memory_space<vmem>>, vector<1x16xf32>,
        %parallel_loop3A_220 = vector.shape_cast %parallel_loop3A_219 : vector<1x16xf32> to vector<16xf32>
        %parallel_loop3A_221 = arith.index_cast %parallel_loop3A_90 : i32 to index
        %parallel_loop3A_222 = arith.constant 144 : index
        %parallel_loop3A_223 = tpu.vector_load %arg7[%parallel_loop3A_221, %parallel_loop3A_222] {strides = array<i32>} : memref<77x768xf32, #tpu.memory_space<vmem>>, vector<1x16xf32>,
        %parallel_loop3A_224 = vector.shape_cast %parallel_loop3A_223 : vector<1x16xf32> to vector<16xf32>
        %parallel_loop3A_225 = arith.addf %parallel_loop3A_220, %parallel_loop3A_224 : vector<16xf32>
        %parallel_loop3A_226 = arith.index_cast %parallel_loop3A_90 : i32 to index
        %parallel_loop3A_227 = arith.constant 144 : index
        %parallel_loop3A_228 = tpu.vector_load %arg8[%parallel_loop3A_226, %parallel_loop3A_227] {strides = array<i32>} : memref<77x768xf32, #tpu.memory_space<vmem>>, vector<1x16xf32>,
        %parallel_loop3A_229 = vector.shape_cast %parallel_loop3A_228 : vector<1x16xf32> to vector<16xf32>
        %parallel_loop3A_230 = vector.shape_cast %parallel_loop3A_225 : vector<16xf32> to vector<1x16xf32>
        tpu.vector_store %arg8[%parallel_loop3A_226, %parallel_loop3A_227], %parallel_loop3A_230 {strides = array<i32>} : memref<77x768xf32, #tpu.memory_space<vmem>>, vector<1x16xf32>,
        %parallel_loop3A_231 = arith.index_cast %parallel_loop3A_90 : i32 to index
        %parallel_loop3A_232 = arith.constant 160 : index
        %parallel_loop3A_233 = tpu.vector_load %arg8[%parallel_loop3A_231, %parallel_loop3A_232] {strides = array<i32>} : memref<77x768xf32, #tpu.memory_space<vmem>>, vector<1x16xf32>,
        %parallel_loop3A_234 = vector.shape_cast %parallel_loop3A_233 : vector<1x16xf32> to vector<16xf32>
        %parallel_loop3A_235 = arith.index_cast %parallel_loop3A_90 : i32 to index
        %parallel_loop3A_236 = arith.constant 160 : index
        %parallel_loop3A_237 = tpu.vector_load %arg7[%parallel_loop3A_235, %parallel_loop3A_236] {strides = array<i32>} : memref<77x768xf32, #tpu.memory_space<vmem>>, vector<1x16xf32>,
        %parallel_loop3A_238 = vector.shape_cast %parallel_loop3A_237 : vector<1x16xf32> to vector<16xf32>
        %parallel_loop3A_239 = arith.addf %parallel_loop3A_234, %parallel_loop3A_238 : vector<16xf32>
        %parallel_loop3A_240 = arith.index_cast %parallel_loop3A_90 : i32 to index
        %parallel_loop3A_241 = arith.constant 160 : index
        %parallel_loop3A_242 = tpu.vector_load %arg8[%parallel_loop3A_240, %parallel_loop3A_241] {strides = array<i32>} : memref<77x768xf32, #tpu.memory_space<vmem>>, vector<1x16xf32>,
        %parallel_loop3A_243 = vector.shape_cast %parallel_loop3A_242 : vector<1x16xf32> to vector<16xf32>
        %parallel_loop3A_244 = vector.shape_cast %parallel_loop3A_239 : vector<16xf32> to vector<1x16xf32>
        tpu.vector_store %arg8[%parallel_loop3A_240, %parallel_loop3A_241], %parallel_loop3A_244 {strides = array<i32>} : memref<77x768xf32, #tpu.memory_space<vmem>>, vector<1x16xf32>,
        %parallel_loop3A_245 = arith.index_cast %parallel_loop3A_90 : i32 to index
        %parallel_loop3A_246 = arith.constant 176 : index
        %parallel_loop3A_247 = tpu.vector_load %arg8[%parallel_loop3A_245, %parallel_loop3A_246] {strides = array<i32>} : memref<77x768xf32, #tpu.memory_space<vmem>>, vector<1x16xf32>,
        %parallel_loop3A_248 = vector.shape_cast %parallel_loop3A_247 : vector<1x16xf32> to vector<16xf32>
        %parallel_loop3A_249 = arith.index_cast %parallel_loop3A_90 : i32 to index
        %parallel_loop3A_250 = arith.constant 176 : index
        %parallel_loop3A_251 = tpu.vector_load %arg7[%parallel_loop3A_249, %parallel_loop3A_250] {strides = array<i32>} : memref<77x768xf32, #tpu.memory_space<vmem>>, vector<1x16xf32>,
        %parallel_loop3A_252 = vector.shape_cast %parallel_loop3A_251 : vector<1x16xf32> to vector<16xf32>
        %parallel_loop3A_253 = arith.addf %parallel_loop3A_248, %parallel_loop3A_252 : vector<16xf32>
        %parallel_loop3A_254 = arith.index_cast %parallel_loop3A_90 : i32 to index
        %parallel_loop3A_255 = arith.constant 176 : index
        %parallel_loop3A_256 = tpu.vector_load %arg8[%parallel_loop3A_254, %parallel_loop3A_255] {strides = array<i32>} : memref<77x768xf32, #tpu.memory_space<vmem>>, vector<1x16xf32>,
        %parallel_loop3A_257 = vector.shape_cast %parallel_loop3A_256 : vector<1x16xf32> to vector<16xf32>
        %parallel_loop3A_258 = vector.shape_cast %parallel_loop3A_253 : vector<16xf32> to vector<1x16xf32>
        tpu.vector_store %arg8[%parallel_loop3A_254, %parallel_loop3A_255], %parallel_loop3A_258 {strides = array<i32>} : memref<77x768xf32, #tpu.memory_space<vmem>>, vector<1x16xf32>,
        %parallel_loop3A_259 = arith.index_cast %parallel_loop3A_90 : i32 to index
        %parallel_loop3A_260 = arith.constant 192 : index
        %parallel_loop3A_261 = tpu.vector_load %arg8[%parallel_loop3A_259, %parallel_loop3A_260] {strides = array<i32>} : memref<77x768xf32, #tpu.memory_space<vmem>>, vector<1x16xf32>,
        %parallel_loop3A_262 = vector.shape_cast %parallel_loop3A_261 : vector<1x16xf32> to vector<16xf32>
        %parallel_loop3A_263 = arith.index_cast %parallel_loop3A_90 : i32 to index
        %parallel_loop3A_264 = arith.constant 192 : index
        %parallel_loop3A_265 = tpu.vector_load %arg7[%parallel_loop3A_263, %parallel_loop3A_264] {strides = array<i32>} : memref<77x768xf32, #tpu.memory_space<vmem>>, vector<1x16xf32>,
        %parallel_loop3A_266 = vector.shape_cast %parallel_loop3A_265 : vector<1x16xf32> to vector<16xf32>
        %parallel_loop3A_267 = arith.addf %parallel_loop3A_262, %parallel_loop3A_266 : vector<16xf32>
        %parallel_loop3A_268 = arith.index_cast %parallel_loop3A_90 : i32 to index
        %parallel_loop3A_269 = arith.constant 192 : index
        %parallel_loop3A_270 = tpu.vector_load %arg8[%parallel_loop3A_268, %parallel_loop3A_269] {strides = array<i32>} : memref<77x768xf32, #tpu.memory_space<vmem>>, vector<1x16xf32>,
        %parallel_loop3A_271 = vector.shape_cast %parallel_loop3A_270 : vector<1x16xf32> to vector<16xf32>
        %parallel_loop3A_272 = vector.shape_cast %parallel_loop3A_267 : vector<16xf32> to vector<1x16xf32>
        tpu.vector_store %arg8[%parallel_loop3A_268, %parallel_loop3A_269], %parallel_loop3A_272 {strides = array<i32>} : memref<77x768xf32, #tpu.memory_space<vmem>>, vector<1x16xf32>,
        %parallel_loop3A_273 = arith.index_cast %parallel_loop3A_90 : i32 to index
        %parallel_loop3A_274 = arith.constant 208 : index
        %parallel_loop3A_275 = tpu.vector_load %arg8[%parallel_loop3A_273, %parallel_loop3A_274] {strides = array<i32>} : memref<77x768xf32, #tpu.memory_space<vmem>>, vector<1x16xf32>,
        %parallel_loop3A_276 = vector.shape_cast %parallel_loop3A_275 : vector<1x16xf32> to vector<16xf32>
        %parallel_loop3A_277 = arith.index_cast %parallel_loop3A_90 : i32 to index
        %parallel_loop3A_278 = arith.constant 208 : index
        %parallel_loop3A_279 = tpu.vector_load %arg7[%parallel_loop3A_277, %parallel_loop3A_278] {strides = array<i32>} : memref<77x768xf32, #tpu.memory_space<vmem>>, vector<1x16xf32>,
        %parallel_loop3A_280 = vector.shape_cast %parallel_loop3A_279 : vector<1x16xf32> to vector<16xf32>
        %parallel_loop3A_281 = arith.addf %parallel_loop3A_276, %parallel_loop3A_280 : vector<16xf32>
        %parallel_loop3A_282 = arith.index_cast %parallel_loop3A_90 : i32 to index
        %parallel_loop3A_283 = arith.constant 208 : index
        %parallel_loop3A_284 = tpu.vector_load %arg8[%parallel_loop3A_282, %parallel_loop3A_283] {strides = array<i32>} : memref<77x768xf32, #tpu.memory_space<vmem>>, vector<1x16xf32>,
        %parallel_loop3A_285 = vector.shape_cast %parallel_loop3A_284 : vector<1x16xf32> to vector<16xf32>
        %parallel_loop3A_286 = vector.shape_cast %parallel_loop3A_281 : vector<16xf32> to vector<1x16xf32>
        tpu.vector_store %arg8[%parallel_loop3A_282, %parallel_loop3A_283], %parallel_loop3A_286 {strides = array<i32>} : memref<77x768xf32, #tpu.memory_space<vmem>>, vector<1x16xf32>,
        %parallel_loop3A_287 = arith.index_cast %parallel_loop3A_90 : i32 to index
        %parallel_loop3A_288 = arith.constant 224 : index
        %parallel_loop3A_289 = tpu.vector_load %arg8[%parallel_loop3A_287, %parallel_loop3A_288] {strides = array<i32>} : memref<77x768xf32, #tpu.memory_space<vmem>>, vector<1x16xf32>,
        %parallel_loop3A_290 = vector.shape_cast %parallel_loop3A_289 : vector<1x16xf32> to vector<16xf32>
        %parallel_loop3A_291 = arith.index_cast %parallel_loop3A_90 : i32 to index
        %parallel_loop3A_292 = arith.constant 224 : index
        %parallel_loop3A_293 = tpu.vector_load %arg7[%parallel_loop3A_291, %parallel_loop3A_292] {strides = array<i32>} : memref<77x768xf32, #tpu.memory_space<vmem>>, vector<1x16xf32>,
        %parallel_loop3A_294 = vector.shape_cast %parallel_loop3A_293 : vector<1x16xf32> to vector<16xf32>
        %parallel_loop3A_295 = arith.addf %parallel_loop3A_290, %parallel_loop3A_294 : vector<16xf32>
        %parallel_loop3A_296 = arith.index_cast %parallel_loop3A_90 : i32 to index
        %parallel_loop3A_297 = arith.constant 224 : index
        %parallel_loop3A_298 = tpu.vector_load %arg8[%parallel_loop3A_296, %parallel_loop3A_297] {strides = array<i32>} : memref<77x768xf32, #tpu.memory_space<vmem>>, vector<1x16xf32>,
        %parallel_loop3A_299 = vector.shape_cast %parallel_loop3A_298 : vector<1x16xf32> to vector<16xf32>
        %parallel_loop3A_300 = vector.shape_cast %parallel_loop3A_295 : vector<16xf32> to vector<1x16xf32>
        tpu.vector_store %arg8[%parallel_loop3A_296, %parallel_loop3A_297], %parallel_loop3A_300 {strides = array<i32>} : memref<77x768xf32, #tpu.memory_space<vmem>>, vector<1x16xf32>,
        %parallel_loop3A_301 = arith.index_cast %parallel_loop3A_90 : i32 to index
        %parallel_loop3A_302 = arith.constant 240 : index
        %parallel_loop3A_303 = tpu.vector_load %arg8[%parallel_loop3A_301, %parallel_loop3A_302] {strides = array<i32>} : memref<77x768xf32, #tpu.memory_space<vmem>>, vector<1x16xf32>,
        %parallel_loop3A_304 = vector.shape_cast %parallel_loop3A_303 : vector<1x16xf32> to vector<16xf32>
        %parallel_loop3A_305 = arith.index_cast %parallel_loop3A_90 : i32 to index
        %parallel_loop3A_306 = arith.constant 240 : index
        %parallel_loop3A_307 = tpu.vector_load %arg7[%parallel_loop3A_305, %parallel_loop3A_306] {strides = array<i32>} : memref<77x768xf32, #tpu.memory_space<vmem>>, vector<1x16xf32>,
        %parallel_loop3A_308 = vector.shape_cast %parallel_loop3A_307 : vector<1x16xf32> to vector<16xf32>
        %parallel_loop3A_309 = arith.addf %parallel_loop3A_304, %parallel_loop3A_308 : vector<16xf32>
        %parallel_loop3A_310 = arith.index_cast %parallel_loop3A_90 : i32 to index
        %parallel_loop3A_311 = arith.constant 240 : index
        %parallel_loop3A_312 = tpu.vector_load %arg8[%parallel_loop3A_310, %parallel_loop3A_311] {strides = array<i32>} : memref<77x768xf32, #tpu.memory_space<vmem>>, vector<1x16xf32>,
        %parallel_loop3A_313 = vector.shape_cast %parallel_loop3A_312 : vector<1x16xf32> to vector<16xf32>
        %parallel_loop3A_314 = vector.shape_cast %parallel_loop3A_309 : vector<16xf32> to vector<1x16xf32>
        tpu.vector_store %arg8[%parallel_loop3A_310, %parallel_loop3A_311], %parallel_loop3A_314 {strides = array<i32>} : memref<77x768xf32, #tpu.memory_space<vmem>>, vector<1x16xf32>,
        %parallel_loop3A_315 = arith.index_cast %parallel_loop3A_90 : i32 to index
        %parallel_loop3A_316 = arith.constant 256 : index
        %parallel_loop3A_317 = tpu.vector_load %arg8[%parallel_loop3A_315, %parallel_loop3A_316] {strides = array<i32>} : memref<77x768xf32, #tpu.memory_space<vmem>>, vector<1x16xf32>,
        %parallel_loop3A_318 = vector.shape_cast %parallel_loop3A_317 : vector<1x16xf32> to vector<16xf32>
        %parallel_loop3A_319 = arith.index_cast %parallel_loop3A_90 : i32 to index
        %parallel_loop3A_320 = arith.constant 256 : index
        %parallel_loop3A_321 = tpu.vector_load %arg7[%parallel_loop3A_319, %parallel_loop3A_320] {strides = array<i32>} : memref<77x768xf32, #tpu.memory_space<vmem>>, vector<1x16xf32>,
        %parallel_loop3A_322 = vector.shape_cast %parallel_loop3A_321 : vector<1x16xf32> to vector<16xf32>
        %parallel_loop3A_323 = arith.addf %parallel_loop3A_318, %parallel_loop3A_322 : vector<16xf32>
        %parallel_loop3A_324 = arith.index_cast %parallel_loop3A_90 : i32 to index
        %parallel_loop3A_325 = arith.constant 256 : index
        %parallel_loop3A_326 = tpu.vector_load %arg8[%parallel_loop3A_324, %parallel_loop3A_325] {strides = array<i32>} : memref<77x768xf32, #tpu.memory_space<vmem>>, vector<1x16xf32>,
        %parallel_loop3A_327 = vector.shape_cast %parallel_loop3A_326 : vector<1x16xf32> to vector<16xf32>
        %parallel_loop3A_328 = vector.shape_cast %parallel_loop3A_323 : vector<16xf32> to vector<1x16xf32>
        tpu.vector_store %arg8[%parallel_loop3A_324, %parallel_loop3A_325], %parallel_loop3A_328 {strides = array<i32>} : memref<77x768xf32, #tpu.memory_space<vmem>>, vector<1x16xf32>,
        %parallel_loop3A_329 = arith.index_cast %parallel_loop3A_90 : i32 to index
        %parallel_loop3A_330 = arith.constant 272 : index
        %parallel_loop3A_331 = tpu.vector_load %arg8[%parallel_loop3A_329, %parallel_loop3A_330] {strides = array<i32>} : memref<77x768xf32, #tpu.memory_space<vmem>>, vector<1x16xf32>,
        %parallel_loop3A_332 = vector.shape_cast %parallel_loop3A_331 : vector<1x16xf32> to vector<16xf32>
        %parallel_loop3A_333 = arith.index_cast %parallel_loop3A_90 : i32 to index
        %parallel_loop3A_334 = arith.constant 272 : index
        %parallel_loop3A_335 = tpu.vector_load %arg7[%parallel_loop3A_333, %parallel_loop3A_334] {strides = array<i32>} : memref<77x768xf32, #tpu.memory_space<vmem>>, vector<1x16xf32>,
        %parallel_loop3A_336 = vector.shape_cast %parallel_loop3A_335 : vector<1x16xf32> to vector<16xf32>
        %parallel_loop3A_337 = arith.addf %parallel_loop3A_332, %parallel_loop3A_336 : vector<16xf32>
        %parallel_loop3A_338 = arith.index_cast %parallel_loop3A_90 : i32 to index
        %parallel_loop3A_339 = arith.constant 272 : index
        %parallel_loop3A_340 = tpu.vector_load %arg8[%parallel_loop3A_338, %parallel_loop3A_339] {strides = array<i32>} : memref<77x768xf32, #tpu.memory_space<vmem>>, vector<1x16xf32>,
        %parallel_loop3A_341 = vector.shape_cast %parallel_loop3A_340 : vector<1x16xf32> to vector<16xf32>
        %parallel_loop3A_342 = vector.shape_cast %parallel_loop3A_337 : vector<16xf32> to vector<1x16xf32>
        tpu.vector_store %arg8[%parallel_loop3A_338, %parallel_loop3A_339], %parallel_loop3A_342 {strides = array<i32>} : memref<77x768xf32, #tpu.memory_space<vmem>>, vector<1x16xf32>,
        %parallel_loop3A_343 = arith.index_cast %parallel_loop3A_90 : i32 to index
        %parallel_loop3A_344 = arith.constant 288 : index
        %parallel_loop3A_345 = tpu.vector_load %arg8[%parallel_loop3A_343, %parallel_loop3A_344] {strides = array<i32>} : memref<77x768xf32, #tpu.memory_space<vmem>>, vector<1x16xf32>,
        %parallel_loop3A_346 = vector.shape_cast %parallel_loop3A_345 : vector<1x16xf32> to vector<16xf32>
        %parallel_loop3A_347 = arith.index_cast %parallel_loop3A_90 : i32 to index
        %parallel_loop3A_348 = arith.constant 288 : index
        %parallel_loop3A_349 = tpu.vector_load %arg7[%parallel_loop3A_347, %parallel_loop3A_348] {strides = array<i32>} : memref<77x768xf32, #tpu.memory_space<vmem>>, vector<1x16xf32>,
        %parallel_loop3A_350 = vector.shape_cast %parallel_loop3A_349 : vector<1x16xf32> to vector<16xf32>
        %parallel_loop3A_351 = arith.addf %parallel_loop3A_346, %parallel_loop3A_350 : vector<16xf32>
        %parallel_loop3A_352 = arith.index_cast %parallel_loop3A_90 : i32 to index
        %parallel_loop3A_353 = arith.constant 288 : index
        %parallel_loop3A_354 = tpu.vector_load %arg8[%parallel_loop3A_352, %parallel_loop3A_353] {strides = array<i32>} : memref<77x768xf32, #tpu.memory_space<vmem>>, vector<1x16xf32>,
        %parallel_loop3A_355 = vector.shape_cast %parallel_loop3A_354 : vector<1x16xf32> to vector<16xf32>
        %parallel_loop3A_356 = vector.shape_cast %parallel_loop3A_351 : vector<16xf32> to vector<1x16xf32>
        tpu.vector_store %arg8[%parallel_loop3A_352, %parallel_loop3A_353], %parallel_loop3A_356 {strides = array<i32>} : memref<77x768xf32, #tpu.memory_space<vmem>>, vector<1x16xf32>,
        %parallel_loop3A_357 = arith.index_cast %parallel_loop3A_90 : i32 to index
        %parallel_loop3A_358 = arith.constant 304 : index
        %parallel_loop3A_359 = tpu.vector_load %arg8[%parallel_loop3A_357, %parallel_loop3A_358] {strides = array<i32>} : memref<77x768xf32, #tpu.memory_space<vmem>>, vector<1x16xf32>,
        %parallel_loop3A_360 = vector.shape_cast %parallel_loop3A_359 : vector<1x16xf32> to vector<16xf32>
        %parallel_loop3A_361 = arith.index_cast %parallel_loop3A_90 : i32 to index
        %parallel_loop3A_362 = arith.constant 304 : index
        %parallel_loop3A_363 = tpu.vector_load %arg7[%parallel_loop3A_361, %parallel_loop3A_362] {strides = array<i32>} : memref<77x768xf32, #tpu.memory_space<vmem>>, vector<1x16xf32>,
        %parallel_loop3A_364 = vector.shape_cast %parallel_loop3A_363 : vector<1x16xf32> to vector<16xf32>
        %parallel_loop3A_365 = arith.addf %parallel_loop3A_360, %parallel_loop3A_364 : vector<16xf32>
        %parallel_loop3A_366 = arith.index_cast %parallel_loop3A_90 : i32 to index
        %parallel_loop3A_367 = arith.constant 304 : index
        %parallel_loop3A_368 = tpu.vector_load %arg8[%parallel_loop3A_366, %parallel_loop3A_367] {strides = array<i32>} : memref<77x768xf32, #tpu.memory_space<vmem>>, vector<1x16xf32>,
        %parallel_loop3A_369 = vector.shape_cast %parallel_loop3A_368 : vector<1x16xf32> to vector<16xf32>
        %parallel_loop3A_370 = vector.shape_cast %parallel_loop3A_365 : vector<16xf32> to vector<1x16xf32>
        tpu.vector_store %arg8[%parallel_loop3A_366, %parallel_loop3A_367], %parallel_loop3A_370 {strides = array<i32>} : memref<77x768xf32, #tpu.memory_space<vmem>>, vector<1x16xf32>,
        %parallel_loop3A_371 = arith.index_cast %parallel_loop3A_90 : i32 to index
        %parallel_loop3A_372 = arith.constant 320 : index
        %parallel_loop3A_373 = tpu.vector_load %arg8[%parallel_loop3A_371, %parallel_loop3A_372] {strides = array<i32>} : memref<77x768xf32, #tpu.memory_space<vmem>>, vector<1x16xf32>,
        %parallel_loop3A_374 = vector.shape_cast %parallel_loop3A_373 : vector<1x16xf32> to vector<16xf32>
        %parallel_loop3A_375 = arith.index_cast %parallel_loop3A_90 : i32 to index
        %parallel_loop3A_376 = arith.constant 320 : index
        %parallel_loop3A_377 = tpu.vector_load %arg7[%parallel_loop3A_375, %parallel_loop3A_376] {strides = array<i32>} : memref<77x768xf32, #tpu.memory_space<vmem>>, vector<1x16xf32>,
        %parallel_loop3A_378 = vector.shape_cast %parallel_loop3A_377 : vector<1x16xf32> to vector<16xf32>
        %parallel_loop3A_379 = arith.addf %parallel_loop3A_374, %parallel_loop3A_378 : vector<16xf32>
        %parallel_loop3A_380 = arith.index_cast %parallel_loop3A_90 : i32 to index
        %parallel_loop3A_381 = arith.constant 320 : index
        %parallel_loop3A_382 = tpu.vector_load %arg8[%parallel_loop3A_380, %parallel_loop3A_381] {strides = array<i32>} : memref<77x768xf32, #tpu.memory_space<vmem>>, vector<1x16xf32>,
        %parallel_loop3A_383 = vector.shape_cast %parallel_loop3A_382 : vector<1x16xf32> to vector<16xf32>
        %parallel_loop3A_384 = vector.shape_cast %parallel_loop3A_379 : vector<16xf32> to vector<1x16xf32>
        tpu.vector_store %arg8[%parallel_loop3A_380, %parallel_loop3A_381], %parallel_loop3A_384 {strides = array<i32>} : memref<77x768xf32, #tpu.memory_space<vmem>>, vector<1x16xf32>,
        %parallel_loop3A_385 = arith.index_cast %parallel_loop3A_90 : i32 to index
        %parallel_loop3A_386 = arith.constant 336 : index
        %parallel_loop3A_387 = tpu.vector_load %arg8[%parallel_loop3A_385, %parallel_loop3A_386] {strides = array<i32>} : memref<77x768xf32, #tpu.memory_space<vmem>>, vector<1x16xf32>,
        %parallel_loop3A_388 = vector.shape_cast %parallel_loop3A_387 : vector<1x16xf32> to vector<16xf32>
        %parallel_loop3A_389 = arith.index_cast %parallel_loop3A_90 : i32 to index
        %parallel_loop3A_390 = arith.constant 336 : index
        %parallel_loop3A_391 = tpu.vector_load %arg7[%parallel_loop3A_389, %parallel_loop3A_390] {strides = array<i32>} : memref<77x768xf32, #tpu.memory_space<vmem>>, vector<1x16xf32>,
        %parallel_loop3A_392 = vector.shape_cast %parallel_loop3A_391 : vector<1x16xf32> to vector<16xf32>
        %parallel_loop3A_393 = arith.addf %parallel_loop3A_388, %parallel_loop3A_392 : vector<16xf32>
        %parallel_loop3A_394 = arith.index_cast %parallel_loop3A_90 : i32 to index
        %parallel_loop3A_395 = arith.constant 336 : index
        %parallel_loop3A_396 = tpu.vector_load %arg8[%parallel_loop3A_394, %parallel_loop3A_395] {strides = array<i32>} : memref<77x768xf32, #tpu.memory_space<vmem>>, vector<1x16xf32>,
        %parallel_loop3A_397 = vector.shape_cast %parallel_loop3A_396 : vector<1x16xf32> to vector<16xf32>
        %parallel_loop3A_398 = vector.shape_cast %parallel_loop3A_393 : vector<16xf32> to vector<1x16xf32>
        tpu.vector_store %arg8[%parallel_loop3A_394, %parallel_loop3A_395], %parallel_loop3A_398 {strides = array<i32>} : memref<77x768xf32, #tpu.memory_space<vmem>>, vector<1x16xf32>,
        %parallel_loop3A_399 = arith.index_cast %parallel_loop3A_90 : i32 to index
        %parallel_loop3A_400 = arith.constant 352 : index
        %parallel_loop3A_401 = tpu.vector_load %arg8[%parallel_loop3A_399, %parallel_loop3A_400] {strides = array<i32>} : memref<77x768xf32, #tpu.memory_space<vmem>>, vector<1x16xf32>,
        %parallel_loop3A_402 = vector.shape_cast %parallel_loop3A_401 : vector<1x16xf32> to vector<16xf32>
        %parallel_loop3A_403 = arith.index_cast %parallel_loop3A_90 : i32 to index
        %parallel_loop3A_404 = arith.constant 352 : index
        %parallel_loop3A_405 = tpu.vector_load %arg7[%parallel_loop3A_403, %parallel_loop3A_404] {strides = array<i32>} : memref<77x768xf32, #tpu.memory_space<vmem>>, vector<1x16xf32>,
        %parallel_loop3A_406 = vector.shape_cast %parallel_loop3A_405 : vector<1x16xf32> to vector<16xf32>
        %parallel_loop3A_407 = arith.addf %parallel_loop3A_402, %parallel_loop3A_406 : vector<16xf32>
        %parallel_loop3A_408 = arith.index_cast %parallel_loop3A_90 : i32 to index
        %parallel_loop3A_409 = arith.constant 352 : index
        %parallel_loop3A_410 = tpu.vector_load %arg8[%parallel_loop3A_408, %parallel_loop3A_409] {strides = array<i32>} : memref<77x768xf32, #tpu.memory_space<vmem>>, vector<1x16xf32>,
        %parallel_loop3A_411 = vector.shape_cast %parallel_loop3A_410 : vector<1x16xf32> to vector<16xf32>
        %parallel_loop3A_412 = vector.shape_cast %parallel_loop3A_407 : vector<16xf32> to vector<1x16xf32>
        tpu.vector_store %arg8[%parallel_loop3A_408, %parallel_loop3A_409], %parallel_loop3A_412 {strides = array<i32>} : memref<77x768xf32, #tpu.memory_space<vmem>>, vector<1x16xf32>,
        %parallel_loop3A_413 = arith.index_cast %parallel_loop3A_90 : i32 to index
        %parallel_loop3A_414 = arith.constant 368 : index
        %parallel_loop3A_415 = tpu.vector_load %arg8[%parallel_loop3A_413, %parallel_loop3A_414] {strides = array<i32>} : memref<77x768xf32, #tpu.memory_space<vmem>>, vector<1x16xf32>,
        %parallel_loop3A_416 = vector.shape_cast %parallel_loop3A_415 : vector<1x16xf32> to vector<16xf32>
        %parallel_loop3A_417 = arith.index_cast %parallel_loop3A_90 : i32 to index
        %parallel_loop3A_418 = arith.constant 368 : index
        %parallel_loop3A_419 = tpu.vector_load %arg7[%parallel_loop3A_417, %parallel_loop3A_418] {strides = array<i32>} : memref<77x768xf32, #tpu.memory_space<vmem>>, vector<1x16xf32>,
        %parallel_loop3A_420 = vector.shape_cast %parallel_loop3A_419 : vector<1x16xf32> to vector<16xf32>
        %parallel_loop3A_421 = arith.addf %parallel_loop3A_416, %parallel_loop3A_420 : vector<16xf32>
        %parallel_loop3A_422 = arith.index_cast %parallel_loop3A_90 : i32 to index
        %parallel_loop3A_423 = arith.constant 368 : index
        %parallel_loop3A_424 = tpu.vector_load %arg8[%parallel_loop3A_422, %parallel_loop3A_423] {strides = array<i32>} : memref<77x768xf32, #tpu.memory_space<vmem>>, vector<1x16xf32>,
        %parallel_loop3A_425 = vector.shape_cast %parallel_loop3A_424 : vector<1x16xf32> to vector<16xf32>
        %parallel_loop3A_426 = vector.shape_cast %parallel_loop3A_421 : vector<16xf32> to vector<1x16xf32>
        tpu.vector_store %arg8[%parallel_loop3A_422, %parallel_loop3A_423], %parallel_loop3A_426 {strides = array<i32>} : memref<77x768xf32, #tpu.memory_space<vmem>>, vector<1x16xf32>,
        %parallel_loop3A_427 = arith.index_cast %parallel_loop3A_90 : i32 to index
        %parallel_loop3A_428 = arith.constant 384 : index
        %parallel_loop3A_429 = tpu.vector_load %arg8[%parallel_loop3A_427, %parallel_loop3A_428] {strides = array<i32>} : memref<77x768xf32, #tpu.memory_space<vmem>>, vector<1x16xf32>,
        %parallel_loop3A_430 = vector.shape_cast %parallel_loop3A_429 : vector<1x16xf32> to vector<16xf32>
        %parallel_loop3A_431 = arith.index_cast %parallel_loop3A_90 : i32 to index
        %parallel_loop3A_432 = arith.constant 384 : index
        %parallel_loop3A_433 = tpu.vector_load %arg7[%parallel_loop3A_431, %parallel_loop3A_432] {strides = array<i32>} : memref<77x768xf32, #tpu.memory_space<vmem>>, vector<1x16xf32>,
        %parallel_loop3A_434 = vector.shape_cast %parallel_loop3A_433 : vector<1x16xf32> to vector<16xf32>
        %parallel_loop3A_435 = arith.addf %parallel_loop3A_430, %parallel_loop3A_434 : vector<16xf32>
        %parallel_loop3A_436 = arith.index_cast %parallel_loop3A_90 : i32 to index
        %parallel_loop3A_437 = arith.constant 384 : index
        %parallel_loop3A_438 = tpu.vector_load %arg8[%parallel_loop3A_436, %parallel_loop3A_437] {strides = array<i32>} : memref<77x768xf32, #tpu.memory_space<vmem>>, vector<1x16xf32>,
        %parallel_loop3A_439 = vector.shape_cast %parallel_loop3A_438 : vector<1x16xf32> to vector<16xf32>
        %parallel_loop3A_440 = vector.shape_cast %parallel_loop3A_435 : vector<16xf32> to vector<1x16xf32>
        tpu.vector_store %arg8[%parallel_loop3A_436, %parallel_loop3A_437], %parallel_loop3A_440 {strides = array<i32>} : memref<77x768xf32, #tpu.memory_space<vmem>>, vector<1x16xf32>,
        %parallel_loop3A_441 = arith.index_cast %parallel_loop3A_90 : i32 to index
        %parallel_loop3A_442 = arith.constant 400 : index
        %parallel_loop3A_443 = tpu.vector_load %arg8[%parallel_loop3A_441, %parallel_loop3A_442] {strides = array<i32>} : memref<77x768xf32, #tpu.memory_space<vmem>>, vector<1x16xf32>,
        %parallel_loop3A_444 = vector.shape_cast %parallel_loop3A_443 : vector<1x16xf32> to vector<16xf32>
        %parallel_loop3A_445 = arith.index_cast %parallel_loop3A_90 : i32 to index
        %parallel_loop3A_446 = arith.constant 400 : index
        %parallel_loop3A_447 = tpu.vector_load %arg7[%parallel_loop3A_445, %parallel_loop3A_446] {strides = array<i32>} : memref<77x768xf32, #tpu.memory_space<vmem>>, vector<1x16xf32>,
        %parallel_loop3A_448 = vector.shape_cast %parallel_loop3A_447 : vector<1x16xf32> to vector<16xf32>
        %parallel_loop3A_449 = arith.addf %parallel_loop3A_444, %parallel_loop3A_448 : vector<16xf32>
        %parallel_loop3A_450 = arith.index_cast %parallel_loop3A_90 : i32 to index
        %parallel_loop3A_451 = arith.constant 400 : index
        %parallel_loop3A_452 = tpu.vector_load %arg8[%parallel_loop3A_450, %parallel_loop3A_451] {strides = array<i32>} : memref<77x768xf32, #tpu.memory_space<vmem>>, vector<1x16xf32>,
        %parallel_loop3A_453 = vector.shape_cast %parallel_loop3A_452 : vector<1x16xf32> to vector<16xf32>
        %parallel_loop3A_454 = vector.shape_cast %parallel_loop3A_449 : vector<16xf32> to vector<1x16xf32>
        tpu.vector_store %arg8[%parallel_loop3A_450, %parallel_loop3A_451], %parallel_loop3A_454 {strides = array<i32>} : memref<77x768xf32, #tpu.memory_space<vmem>>, vector<1x16xf32>,
        %parallel_loop3A_455 = arith.index_cast %parallel_loop3A_90 : i32 to index
        %parallel_loop3A_456 = arith.constant 416 : index
        %parallel_loop3A_457 = tpu.vector_load %arg8[%parallel_loop3A_455, %parallel_loop3A_456] {strides = array<i32>} : memref<77x768xf32, #tpu.memory_space<vmem>>, vector<1x16xf32>,
        %parallel_loop3A_458 = vector.shape_cast %parallel_loop3A_457 : vector<1x16xf32> to vector<16xf32>
        %parallel_loop3A_459 = arith.index_cast %parallel_loop3A_90 : i32 to index
        %parallel_loop3A_460 = arith.constant 416 : index
        %parallel_loop3A_461 = tpu.vector_load %arg7[%parallel_loop3A_459, %parallel_loop3A_460] {strides = array<i32>} : memref<77x768xf32, #tpu.memory_space<vmem>>, vector<1x16xf32>,
        %parallel_loop3A_462 = vector.shape_cast %parallel_loop3A_461 : vector<1x16xf32> to vector<16xf32>
        %parallel_loop3A_463 = arith.addf %parallel_loop3A_458, %parallel_loop3A_462 : vector<16xf32>
        %parallel_loop3A_464 = arith.index_cast %parallel_loop3A_90 : i32 to index
        %parallel_loop3A_465 = arith.constant 416 : index
        %parallel_loop3A_466 = tpu.vector_load %arg8[%parallel_loop3A_464, %parallel_loop3A_465] {strides = array<i32>} : memref<77x768xf32, #tpu.memory_space<vmem>>, vector<1x16xf32>,
        %parallel_loop3A_467 = vector.shape_cast %parallel_loop3A_466 : vector<1x16xf32> to vector<16xf32>
        %parallel_loop3A_468 = vector.shape_cast %parallel_loop3A_463 : vector<16xf32> to vector<1x16xf32>
        tpu.vector_store %arg8[%parallel_loop3A_464, %parallel_loop3A_465], %parallel_loop3A_468 {strides = array<i32>} : memref<77x768xf32, #tpu.memory_space<vmem>>, vector<1x16xf32>,
        %parallel_loop3A_469 = arith.index_cast %parallel_loop3A_90 : i32 to index
        %parallel_loop3A_470 = arith.constant 432 : index
        %parallel_loop3A_471 = tpu.vector_load %arg8[%parallel_loop3A_469, %parallel_loop3A_470] {strides = array<i32>} : memref<77x768xf32, #tpu.memory_space<vmem>>, vector<1x16xf32>,
        %parallel_loop3A_472 = vector.shape_cast %parallel_loop3A_471 : vector<1x16xf32> to vector<16xf32>
        %parallel_loop3A_473 = arith.index_cast %parallel_loop3A_90 : i32 to index
        %parallel_loop3A_474 = arith.constant 432 : index
        %parallel_loop3A_475 = tpu.vector_load %arg7[%parallel_loop3A_473, %parallel_loop3A_474] {strides = array<i32>} : memref<77x768xf32, #tpu.memory_space<vmem>>, vector<1x16xf32>,
        %parallel_loop3A_476 = vector.shape_cast %parallel_loop3A_475 : vector<1x16xf32> to vector<16xf32>
        %parallel_loop3A_477 = arith.addf %parallel_loop3A_472, %parallel_loop3A_476 : vector<16xf32>
        %parallel_loop3A_478 = arith.index_cast %parallel_loop3A_90 : i32 to index
        %parallel_loop3A_479 = arith.constant 432 : index
        %parallel_loop3A_480 = tpu.vector_load %arg8[%parallel_loop3A_478, %parallel_loop3A_479] {strides = array<i32>} : memref<77x768xf32, #tpu.memory_space<vmem>>, vector<1x16xf32>,
        %parallel_loop3A_481 = vector.shape_cast %parallel_loop3A_480 : vector<1x16xf32> to vector<16xf32>
        %parallel_loop3A_482 = vector.shape_cast %parallel_loop3A_477 : vector<16xf32> to vector<1x16xf32>
        tpu.vector_store %arg8[%parallel_loop3A_478, %parallel_loop3A_479], %parallel_loop3A_482 {strides = array<i32>} : memref<77x768xf32, #tpu.memory_space<vmem>>, vector<1x16xf32>,
        %parallel_loop3A_483 = arith.index_cast %parallel_loop3A_90 : i32 to index
        %parallel_loop3A_484 = arith.constant 448 : index
        %parallel_loop3A_485 = tpu.vector_load %arg8[%parallel_loop3A_483, %parallel_loop3A_484] {strides = array<i32>} : memref<77x768xf32, #tpu.memory_space<vmem>>, vector<1x16xf32>,
        %parallel_loop3A_486 = vector.shape_cast %parallel_loop3A_485 : vector<1x16xf32> to vector<16xf32>
        %parallel_loop3A_487 = arith.index_cast %parallel_loop3A_90 : i32 to index
        %parallel_loop3A_488 = arith.constant 448 : index
        %parallel_loop3A_489 = tpu.vector_load %arg7[%parallel_loop3A_487, %parallel_loop3A_488] {strides = array<i32>} : memref<77x768xf32, #tpu.memory_space<vmem>>, vector<1x16xf32>,
        %parallel_loop3A_490 = vector.shape_cast %parallel_loop3A_489 : vector<1x16xf32> to vector<16xf32>
        %parallel_loop3A_491 = arith.addf %parallel_loop3A_486, %parallel_loop3A_490 : vector<16xf32>
        %parallel_loop3A_492 = arith.index_cast %parallel_loop3A_90 : i32 to index
        %parallel_loop3A_493 = arith.constant 448 : index
        %parallel_loop3A_494 = tpu.vector_load %arg8[%parallel_loop3A_492, %parallel_loop3A_493] {strides = array<i32>} : memref<77x768xf32, #tpu.memory_space<vmem>>, vector<1x16xf32>,
        %parallel_loop3A_495 = vector.shape_cast %parallel_loop3A_494 : vector<1x16xf32> to vector<16xf32>
        %parallel_loop3A_496 = vector.shape_cast %parallel_loop3A_491 : vector<16xf32> to vector<1x16xf32>
        tpu.vector_store %arg8[%parallel_loop3A_492, %parallel_loop3A_493], %parallel_loop3A_496 {strides = array<i32>} : memref<77x768xf32, #tpu.memory_space<vmem>>, vector<1x16xf32>,
        %parallel_loop3A_497 = arith.index_cast %parallel_loop3A_90 : i32 to index
        %parallel_loop3A_498 = arith.constant 464 : index
        %parallel_loop3A_499 = tpu.vector_load %arg8[%parallel_loop3A_497, %parallel_loop3A_498] {strides = array<i32>} : memref<77x768xf32, #tpu.memory_space<vmem>>, vector<1x16xf32>,
        %parallel_loop3A_500 = vector.shape_cast %parallel_loop3A_499 : vector<1x16xf32> to vector<16xf32>
        %parallel_loop3A_501 = arith.index_cast %parallel_loop3A_90 : i32 to index
        %parallel_loop3A_502 = arith.constant 464 : index
        %parallel_loop3A_503 = tpu.vector_load %arg7[%parallel_loop3A_501, %parallel_loop3A_502] {strides = array<i32>} : memref<77x768xf32, #tpu.memory_space<vmem>>, vector<1x16xf32>,
        %parallel_loop3A_504 = vector.shape_cast %parallel_loop3A_503 : vector<1x16xf32> to vector<16xf32>
        %parallel_loop3A_505 = arith.addf %parallel_loop3A_500, %parallel_loop3A_504 : vector<16xf32>
        %parallel_loop3A_506 = arith.index_cast %parallel_loop3A_90 : i32 to index
        %parallel_loop3A_507 = arith.constant 464 : index
        %parallel_loop3A_508 = tpu.vector_load %arg8[%parallel_loop3A_506, %parallel_loop3A_507] {strides = array<i32>} : memref<77x768xf32, #tpu.memory_space<vmem>>, vector<1x16xf32>,
        %parallel_loop3A_509 = vector.shape_cast %parallel_loop3A_508 : vector<1x16xf32> to vector<16xf32>
        %parallel_loop3A_510 = vector.shape_cast %parallel_loop3A_505 : vector<16xf32> to vector<1x16xf32>
        tpu.vector_store %arg8[%parallel_loop3A_506, %parallel_loop3A_507], %parallel_loop3A_510 {strides = array<i32>} : memref<77x768xf32, #tpu.memory_space<vmem>>, vector<1x16xf32>,
        %parallel_loop3A_511 = arith.index_cast %parallel_loop3A_90 : i32 to index
        %parallel_loop3A_512 = arith.constant 480 : index
        %parallel_loop3A_513 = tpu.vector_load %arg8[%parallel_loop3A_511, %parallel_loop3A_512] {strides = array<i32>} : memref<77x768xf32, #tpu.memory_space<vmem>>, vector<1x16xf32>,
        %parallel_loop3A_514 = vector.shape_cast %parallel_loop3A_513 : vector<1x16xf32> to vector<16xf32>
        %parallel_loop3A_515 = arith.index_cast %parallel_loop3A_90 : i32 to index
        %parallel_loop3A_516 = arith.constant 480 : index
        %parallel_loop3A_517 = tpu.vector_load %arg7[%parallel_loop3A_515, %parallel_loop3A_516] {strides = array<i32>} : memref<77x768xf32, #tpu.memory_space<vmem>>, vector<1x16xf32>,
        %parallel_loop3A_518 = vector.shape_cast %parallel_loop3A_517 : vector<1x16xf32> to vector<16xf32>
        %parallel_loop3A_519 = arith.addf %parallel_loop3A_514, %parallel_loop3A_518 : vector<16xf32>
        %parallel_loop3A_520 = arith.index_cast %parallel_loop3A_90 : i32 to index
        %parallel_loop3A_521 = arith.constant 480 : index
        %parallel_loop3A_522 = tpu.vector_load %arg8[%parallel_loop3A_520, %parallel_loop3A_521] {strides = array<i32>} : memref<77x768xf32, #tpu.memory_space<vmem>>, vector<1x16xf32>,
        %parallel_loop3A_523 = vector.shape_cast %parallel_loop3A_522 : vector<1x16xf32> to vector<16xf32>
        %parallel_loop3A_524 = vector.shape_cast %parallel_loop3A_519 : vector<16xf32> to vector<1x16xf32>
        tpu.vector_store %arg8[%parallel_loop3A_520, %parallel_loop3A_521], %parallel_loop3A_524 {strides = array<i32>} : memref<77x768xf32, #tpu.memory_space<vmem>>, vector<1x16xf32>,
        %parallel_loop3A_525 = arith.index_cast %parallel_loop3A_90 : i32 to index
        %parallel_loop3A_526 = arith.constant 496 : index
        %parallel_loop3A_527 = tpu.vector_load %arg8[%parallel_loop3A_525, %parallel_loop3A_526] {strides = array<i32>} : memref<77x768xf32, #tpu.memory_space<vmem>>, vector<1x16xf32>,
        %parallel_loop3A_528 = vector.shape_cast %parallel_loop3A_527 : vector<1x16xf32> to vector<16xf32>
        %parallel_loop3A_529 = arith.index_cast %parallel_loop3A_90 : i32 to index
        %parallel_loop3A_530 = arith.constant 496 : index
        %parallel_loop3A_531 = tpu.vector_load %arg7[%parallel_loop3A_529, %parallel_loop3A_530] {strides = array<i32>} : memref<77x768xf32, #tpu.memory_space<vmem>>, vector<1x16xf32>,
        %parallel_loop3A_532 = vector.shape_cast %parallel_loop3A_531 : vector<1x16xf32> to vector<16xf32>
        %parallel_loop3A_533 = arith.addf %parallel_loop3A_528, %parallel_loop3A_532 : vector<16xf32>
        %parallel_loop3A_534 = arith.index_cast %parallel_loop3A_90 : i32 to index
        %parallel_loop3A_535 = arith.constant 496 : index
        %parallel_loop3A_536 = tpu.vector_load %arg8[%parallel_loop3A_534, %parallel_loop3A_535] {strides = array<i32>} : memref<77x768xf32, #tpu.memory_space<vmem>>, vector<1x16xf32>,
        %parallel_loop3A_537 = vector.shape_cast %parallel_loop3A_536 : vector<1x16xf32> to vector<16xf32>
        %parallel_loop3A_538 = vector.shape_cast %parallel_loop3A_533 : vector<16xf32> to vector<1x16xf32>
        tpu.vector_store %arg8[%parallel_loop3A_534, %parallel_loop3A_535], %parallel_loop3A_538 {strides = array<i32>} : memref<77x768xf32, #tpu.memory_space<vmem>>, vector<1x16xf32>,
        %parallel_loop3A_539 = arith.index_cast %parallel_loop3A_90 : i32 to index
        %parallel_loop3A_540 = arith.constant 512 : index
        %parallel_loop3A_541 = tpu.vector_load %arg8[%parallel_loop3A_539, %parallel_loop3A_540] {strides = array<i32>} : memref<77x768xf32, #tpu.memory_space<vmem>>, vector<1x16xf32>,
        %parallel_loop3A_542 = vector.shape_cast %parallel_loop3A_541 : vector<1x16xf32> to vector<16xf32>
        %parallel_loop3A_543 = arith.index_cast %parallel_loop3A_90 : i32 to index
        %parallel_loop3A_544 = arith.constant 512 : index
        %parallel_loop3A_545 = tpu.vector_load %arg7[%parallel_loop3A_543, %parallel_loop3A_544] {strides = array<i32>} : memref<77x768xf32, #tpu.memory_space<vmem>>, vector<1x16xf32>,
        %parallel_loop3A_546 = vector.shape_cast %parallel_loop3A_545 : vector<1x16xf32> to vector<16xf32>
        %parallel_loop3A_547 = arith.addf %parallel_loop3A_542, %parallel_loop3A_546 : vector<16xf32>
        %parallel_loop3A_548 = arith.index_cast %parallel_loop3A_90 : i32 to index
        %parallel_loop3A_549 = arith.constant 512 : index
        %parallel_loop3A_550 = tpu.vector_load %arg8[%parallel_loop3A_548, %parallel_loop3A_549] {strides = array<i32>} : memref<77x768xf32, #tpu.memory_space<vmem>>, vector<1x16xf32>,
        %parallel_loop3A_551 = vector.shape_cast %parallel_loop3A_550 : vector<1x16xf32> to vector<16xf32>
        %parallel_loop3A_552 = vector.shape_cast %parallel_loop3A_547 : vector<16xf32> to vector<1x16xf32>
        tpu.vector_store %arg8[%parallel_loop3A_548, %parallel_loop3A_549], %parallel_loop3A_552 {strides = array<i32>} : memref<77x768xf32, #tpu.memory_space<vmem>>, vector<1x16xf32>,
        %parallel_loop3A_553 = arith.index_cast %parallel_loop3A_90 : i32 to index
        %parallel_loop3A_554 = arith.constant 528 : index
        %parallel_loop3A_555 = tpu.vector_load %arg8[%parallel_loop3A_553, %parallel_loop3A_554] {strides = array<i32>} : memref<77x768xf32, #tpu.memory_space<vmem>>, vector<1x16xf32>,
        %parallel_loop3A_556 = vector.shape_cast %parallel_loop3A_555 : vector<1x16xf32> to vector<16xf32>
        %parallel_loop3A_557 = arith.index_cast %parallel_loop3A_90 : i32 to index
        %parallel_loop3A_558 = arith.constant 528 : index
        %parallel_loop3A_559 = tpu.vector_load %arg7[%parallel_loop3A_557, %parallel_loop3A_558] {strides = array<i32>} : memref<77x768xf32, #tpu.memory_space<vmem>>, vector<1x16xf32>,
        %parallel_loop3A_560 = vector.shape_cast %parallel_loop3A_559 : vector<1x16xf32> to vector<16xf32>
        %parallel_loop3A_561 = arith.addf %parallel_loop3A_556, %parallel_loop3A_560 : vector<16xf32>
        %parallel_loop3A_562 = arith.index_cast %parallel_loop3A_90 : i32 to index
        %parallel_loop3A_563 = arith.constant 528 : index
        %parallel_loop3A_564 = tpu.vector_load %arg8[%parallel_loop3A_562, %parallel_loop3A_563] {strides = array<i32>} : memref<77x768xf32, #tpu.memory_space<vmem>>, vector<1x16xf32>,
        %parallel_loop3A_565 = vector.shape_cast %parallel_loop3A_564 : vector<1x16xf32> to vector<16xf32>
        %parallel_loop3A_566 = vector.shape_cast %parallel_loop3A_561 : vector<16xf32> to vector<1x16xf32>
        tpu.vector_store %arg8[%parallel_loop3A_562, %parallel_loop3A_563], %parallel_loop3A_566 {strides = array<i32>} : memref<77x768xf32, #tpu.memory_space<vmem>>, vector<1x16xf32>,
        %parallel_loop3A_567 = arith.index_cast %parallel_loop3A_90 : i32 to index
        %parallel_loop3A_568 = arith.constant 544 : index
        %parallel_loop3A_569 = tpu.vector_load %arg8[%parallel_loop3A_567, %parallel_loop3A_568] {strides = array<i32>} : memref<77x768xf32, #tpu.memory_space<vmem>>, vector<1x16xf32>,
        %parallel_loop3A_570 = vector.shape_cast %parallel_loop3A_569 : vector<1x16xf32> to vector<16xf32>
        %parallel_loop3A_571 = arith.index_cast %parallel_loop3A_90 : i32 to index
        %parallel_loop3A_572 = arith.constant 544 : index
        %parallel_loop3A_573 = tpu.vector_load %arg7[%parallel_loop3A_571, %parallel_loop3A_572] {strides = array<i32>} : memref<77x768xf32, #tpu.memory_space<vmem>>, vector<1x16xf32>,
        %parallel_loop3A_574 = vector.shape_cast %parallel_loop3A_573 : vector<1x16xf32> to vector<16xf32>
        %parallel_loop3A_575 = arith.addf %parallel_loop3A_570, %parallel_loop3A_574 : vector<16xf32>
        %parallel_loop3A_576 = arith.index_cast %parallel_loop3A_90 : i32 to index
        %parallel_loop3A_577 = arith.constant 544 : index
        %parallel_loop3A_578 = tpu.vector_load %arg8[%parallel_loop3A_576, %parallel_loop3A_577] {strides = array<i32>} : memref<77x768xf32, #tpu.memory_space<vmem>>, vector<1x16xf32>,
        %parallel_loop3A_579 = vector.shape_cast %parallel_loop3A_578 : vector<1x16xf32> to vector<16xf32>
        %parallel_loop3A_580 = vector.shape_cast %parallel_loop3A_575 : vector<16xf32> to vector<1x16xf32>
        tpu.vector_store %arg8[%parallel_loop3A_576, %parallel_loop3A_577], %parallel_loop3A_580 {strides = array<i32>} : memref<77x768xf32, #tpu.memory_space<vmem>>, vector<1x16xf32>,
        %parallel_loop3A_581 = arith.index_cast %parallel_loop3A_90 : i32 to index
        %parallel_loop3A_582 = arith.constant 560 : index
        %parallel_loop3A_583 = tpu.vector_load %arg8[%parallel_loop3A_581, %parallel_loop3A_582] {strides = array<i32>} : memref<77x768xf32, #tpu.memory_space<vmem>>, vector<1x16xf32>,
        %parallel_loop3A_584 = vector.shape_cast %parallel_loop3A_583 : vector<1x16xf32> to vector<16xf32>
        %parallel_loop3A_585 = arith.index_cast %parallel_loop3A_90 : i32 to index
        %parallel_loop3A_586 = arith.constant 560 : index
        %parallel_loop3A_587 = tpu.vector_load %arg7[%parallel_loop3A_585, %parallel_loop3A_586] {strides = array<i32>} : memref<77x768xf32, #tpu.memory_space<vmem>>, vector<1x16xf32>,
        %parallel_loop3A_588 = vector.shape_cast %parallel_loop3A_587 : vector<1x16xf32> to vector<16xf32>
        %parallel_loop3A_589 = arith.addf %parallel_loop3A_584, %parallel_loop3A_588 : vector<16xf32>
        %parallel_loop3A_590 = arith.index_cast %parallel_loop3A_90 : i32 to index
        %parallel_loop3A_591 = arith.constant 560 : index
        %parallel_loop3A_592 = tpu.vector_load %arg8[%parallel_loop3A_590, %parallel_loop3A_591] {strides = array<i32>} : memref<77x768xf32, #tpu.memory_space<vmem>>, vector<1x16xf32>,
        %parallel_loop3A_593 = vector.shape_cast %parallel_loop3A_592 : vector<1x16xf32> to vector<16xf32>
        %parallel_loop3A_594 = vector.shape_cast %parallel_loop3A_589 : vector<16xf32> to vector<1x16xf32>
        tpu.vector_store %arg8[%parallel_loop3A_590, %parallel_loop3A_591], %parallel_loop3A_594 {strides = array<i32>} : memref<77x768xf32, #tpu.memory_space<vmem>>, vector<1x16xf32>,
        %parallel_loop3A_595 = arith.index_cast %parallel_loop3A_90 : i32 to index
        %parallel_loop3A_596 = arith.constant 576 : index
        %parallel_loop3A_597 = tpu.vector_load %arg8[%parallel_loop3A_595, %parallel_loop3A_596] {strides = array<i32>} : memref<77x768xf32, #tpu.memory_space<vmem>>, vector<1x16xf32>,
        %parallel_loop3A_598 = vector.shape_cast %parallel_loop3A_597 : vector<1x16xf32> to vector<16xf32>
        %parallel_loop3A_599 = arith.index_cast %parallel_loop3A_90 : i32 to index
        %parallel_loop3A_600 = arith.constant 576 : index
        %parallel_loop3A_601 = tpu.vector_load %arg7[%parallel_loop3A_599, %parallel_loop3A_600] {strides = array<i32>} : memref<77x768xf32, #tpu.memory_space<vmem>>, vector<1x16xf32>,
        %parallel_loop3A_602 = vector.shape_cast %parallel_loop3A_601 : vector<1x16xf32> to vector<16xf32>
        %parallel_loop3A_603 = arith.addf %parallel_loop3A_598, %parallel_loop3A_602 : vector<16xf32>
        %parallel_loop3A_604 = arith.index_cast %parallel_loop3A_90 : i32 to index
        %parallel_loop3A_605 = arith.constant 576 : index
        %parallel_loop3A_606 = tpu.vector_load %arg8[%parallel_loop3A_604, %parallel_loop3A_605] {strides = array<i32>} : memref<77x768xf32, #tpu.memory_space<vmem>>, vector<1x16xf32>,
        %parallel_loop3A_607 = vector.shape_cast %parallel_loop3A_606 : vector<1x16xf32> to vector<16xf32>
        %parallel_loop3A_608 = vector.shape_cast %parallel_loop3A_603 : vector<16xf32> to vector<1x16xf32>
        tpu.vector_store %arg8[%parallel_loop3A_604, %parallel_loop3A_605], %parallel_loop3A_608 {strides = array<i32>} : memref<77x768xf32, #tpu.memory_space<vmem>>, vector<1x16xf32>,
        %parallel_loop3A_609 = arith.index_cast %parallel_loop3A_90 : i32 to index
        %parallel_loop3A_610 = arith.constant 592 : index
        %parallel_loop3A_611 = tpu.vector_load %arg8[%parallel_loop3A_609, %parallel_loop3A_610] {strides = array<i32>} : memref<77x768xf32, #tpu.memory_space<vmem>>, vector<1x16xf32>,
        %parallel_loop3A_612 = vector.shape_cast %parallel_loop3A_611 : vector<1x16xf32> to vector<16xf32>
        %parallel_loop3A_613 = arith.index_cast %parallel_loop3A_90 : i32 to index
        %parallel_loop3A_614 = arith.constant 592 : index
        %parallel_loop3A_615 = tpu.vector_load %arg7[%parallel_loop3A_613, %parallel_loop3A_614] {strides = array<i32>} : memref<77x768xf32, #tpu.memory_space<vmem>>, vector<1x16xf32>,
        %parallel_loop3A_616 = vector.shape_cast %parallel_loop3A_615 : vector<1x16xf32> to vector<16xf32>
        %parallel_loop3A_617 = arith.addf %parallel_loop3A_612, %parallel_loop3A_616 : vector<16xf32>
        %parallel_loop3A_618 = arith.index_cast %parallel_loop3A_90 : i32 to index
        %parallel_loop3A_619 = arith.constant 592 : index
        %parallel_loop3A_620 = tpu.vector_load %arg8[%parallel_loop3A_618, %parallel_loop3A_619] {strides = array<i32>} : memref<77x768xf32, #tpu.memory_space<vmem>>, vector<1x16xf32>,
        %parallel_loop3A_621 = vector.shape_cast %parallel_loop3A_620 : vector<1x16xf32> to vector<16xf32>
        %parallel_loop3A_622 = vector.shape_cast %parallel_loop3A_617 : vector<16xf32> to vector<1x16xf32>
        tpu.vector_store %arg8[%parallel_loop3A_618, %parallel_loop3A_619], %parallel_loop3A_622 {strides = array<i32>} : memref<77x768xf32, #tpu.memory_space<vmem>>, vector<1x16xf32>,
        %parallel_loop3A_623 = arith.index_cast %parallel_loop3A_90 : i32 to index
        %parallel_loop3A_624 = arith.constant 608 : index
        %parallel_loop3A_625 = tpu.vector_load %arg8[%parallel_loop3A_623, %parallel_loop3A_624] {strides = array<i32>} : memref<77x768xf32, #tpu.memory_space<vmem>>, vector<1x16xf32>,
        %parallel_loop3A_626 = vector.shape_cast %parallel_loop3A_625 : vector<1x16xf32> to vector<16xf32>
        %parallel_loop3A_627 = arith.index_cast %parallel_loop3A_90 : i32 to index
        %parallel_loop3A_628 = arith.constant 608 : index
        %parallel_loop3A_629 = tpu.vector_load %arg7[%parallel_loop3A_627, %parallel_loop3A_628] {strides = array<i32>} : memref<77x768xf32, #tpu.memory_space<vmem>>, vector<1x16xf32>,
        %parallel_loop3A_630 = vector.shape_cast %parallel_loop3A_629 : vector<1x16xf32> to vector<16xf32>
        %parallel_loop3A_631 = arith.addf %parallel_loop3A_626, %parallel_loop3A_630 : vector<16xf32>
        %parallel_loop3A_632 = arith.index_cast %parallel_loop3A_90 : i32 to index
        %parallel_loop3A_633 = arith.constant 608 : index
        %parallel_loop3A_634 = tpu.vector_load %arg8[%parallel_loop3A_632, %parallel_loop3A_633] {strides = array<i32>} : memref<77x768xf32, #tpu.memory_space<vmem>>, vector<1x16xf32>,
        %parallel_loop3A_635 = vector.shape_cast %parallel_loop3A_634 : vector<1x16xf32> to vector<16xf32>
        %parallel_loop3A_636 = vector.shape_cast %parallel_loop3A_631 : vector<16xf32> to vector<1x16xf32>
        tpu.vector_store %arg8[%parallel_loop3A_632, %parallel_loop3A_633], %parallel_loop3A_636 {strides = array<i32>} : memref<77x768xf32, #tpu.memory_space<vmem>>, vector<1x16xf32>,
        %parallel_loop3A_637 = arith.index_cast %parallel_loop3A_90 : i32 to index
        %parallel_loop3A_638 = arith.constant 624 : index
        %parallel_loop3A_639 = tpu.vector_load %arg8[%parallel_loop3A_637, %parallel_loop3A_638] {strides = array<i32>} : memref<77x768xf32, #tpu.memory_space<vmem>>, vector<1x16xf32>,
        %parallel_loop3A_640 = vector.shape_cast %parallel_loop3A_639 : vector<1x16xf32> to vector<16xf32>
        %parallel_loop3A_641 = arith.index_cast %parallel_loop3A_90 : i32 to index
        %parallel_loop3A_642 = arith.constant 624 : index
        %parallel_loop3A_643 = tpu.vector_load %arg7[%parallel_loop3A_641, %parallel_loop3A_642] {strides = array<i32>} : memref<77x768xf32, #tpu.memory_space<vmem>>, vector<1x16xf32>,
        %parallel_loop3A_644 = vector.shape_cast %parallel_loop3A_643 : vector<1x16xf32> to vector<16xf32>
        %parallel_loop3A_645 = arith.addf %parallel_loop3A_640, %parallel_loop3A_644 : vector<16xf32>
        %parallel_loop3A_646 = arith.index_cast %parallel_loop3A_90 : i32 to index
        %parallel_loop3A_647 = arith.constant 624 : index
        %parallel_loop3A_648 = tpu.vector_load %arg8[%parallel_loop3A_646, %parallel_loop3A_647] {strides = array<i32>} : memref<77x768xf32, #tpu.memory_space<vmem>>, vector<1x16xf32>,
        %parallel_loop3A_649 = vector.shape_cast %parallel_loop3A_648 : vector<1x16xf32> to vector<16xf32>
        %parallel_loop3A_650 = vector.shape_cast %parallel_loop3A_645 : vector<16xf32> to vector<1x16xf32>
        tpu.vector_store %arg8[%parallel_loop3A_646, %parallel_loop3A_647], %parallel_loop3A_650 {strides = array<i32>} : memref<77x768xf32, #tpu.memory_space<vmem>>, vector<1x16xf32>,
        %parallel_loop3A_651 = arith.index_cast %parallel_loop3A_90 : i32 to index
        %parallel_loop3A_652 = arith.constant 640 : index
        %parallel_loop3A_653 = tpu.vector_load %arg8[%parallel_loop3A_651, %parallel_loop3A_652] {strides = array<i32>} : memref<77x768xf32, #tpu.memory_space<vmem>>, vector<1x16xf32>,
        %parallel_loop3A_654 = vector.shape_cast %parallel_loop3A_653 : vector<1x16xf32> to vector<16xf32>
        %parallel_loop3A_655 = arith.index_cast %parallel_loop3A_90 : i32 to index
        %parallel_loop3A_656 = arith.constant 640 : index
        %parallel_loop3A_657 = tpu.vector_load %arg7[%parallel_loop3A_655, %parallel_loop3A_656] {strides = array<i32>} : memref<77x768xf32, #tpu.memory_space<vmem>>, vector<1x16xf32>,
        %parallel_loop3A_658 = vector.shape_cast %parallel_loop3A_657 : vector<1x16xf32> to vector<16xf32>
        %parallel_loop3A_659 = arith.addf %parallel_loop3A_654, %parallel_loop3A_658 : vector<16xf32>
        %parallel_loop3A_660 = arith.index_cast %parallel_loop3A_90 : i32 to index
        %parallel_loop3A_661 = arith.constant 640 : index
        %parallel_loop3A_662 = tpu.vector_load %arg8[%parallel_loop3A_660, %parallel_loop3A_661] {strides = array<i32>} : memref<77x768xf32, #tpu.memory_space<vmem>>, vector<1x16xf32>,
        %parallel_loop3A_663 = vector.shape_cast %parallel_loop3A_662 : vector<1x16xf32> to vector<16xf32>
        %parallel_loop3A_664 = vector.shape_cast %parallel_loop3A_659 : vector<16xf32> to vector<1x16xf32>
        tpu.vector_store %arg8[%parallel_loop3A_660, %parallel_loop3A_661], %parallel_loop3A_664 {strides = array<i32>} : memref<77x768xf32, #tpu.memory_space<vmem>>, vector<1x16xf32>,
        %parallel_loop3A_665 = arith.index_cast %parallel_loop3A_90 : i32 to index
        %parallel_loop3A_666 = arith.constant 656 : index
        %parallel_loop3A_667 = tpu.vector_load %arg8[%parallel_loop3A_665, %parallel_loop3A_666] {strides = array<i32>} : memref<77x768xf32, #tpu.memory_space<vmem>>, vector<1x16xf32>,
        %parallel_loop3A_668 = vector.shape_cast %parallel_loop3A_667 : vector<1x16xf32> to vector<16xf32>
        %parallel_loop3A_669 = arith.index_cast %parallel_loop3A_90 : i32 to index
        %parallel_loop3A_670 = arith.constant 656 : index
        %parallel_loop3A_671 = tpu.vector_load %arg7[%parallel_loop3A_669, %parallel_loop3A_670] {strides = array<i32>} : memref<77x768xf32, #tpu.memory_space<vmem>>, vector<1x16xf32>,
        %parallel_loop3A_672 = vector.shape_cast %parallel_loop3A_671 : vector<1x16xf32> to vector<16xf32>
        %parallel_loop3A_673 = arith.addf %parallel_loop3A_668, %parallel_loop3A_672 : vector<16xf32>
        %parallel_loop3A_674 = arith.index_cast %parallel_loop3A_90 : i32 to index
        %parallel_loop3A_675 = arith.constant 656 : index
        %parallel_loop3A_676 = tpu.vector_load %arg8[%parallel_loop3A_674, %parallel_loop3A_675] {strides = array<i32>} : memref<77x768xf32, #tpu.memory_space<vmem>>, vector<1x16xf32>,
        %parallel_loop3A_677 = vector.shape_cast %parallel_loop3A_676 : vector<1x16xf32> to vector<16xf32>
        %parallel_loop3A_678 = vector.shape_cast %parallel_loop3A_673 : vector<16xf32> to vector<1x16xf32>
        tpu.vector_store %arg8[%parallel_loop3A_674, %parallel_loop3A_675], %parallel_loop3A_678 {strides = array<i32>} : memref<77x768xf32, #tpu.memory_space<vmem>>, vector<1x16xf32>,
        %parallel_loop3A_679 = arith.index_cast %parallel_loop3A_90 : i32 to index
        %parallel_loop3A_680 = arith.constant 672 : index
        %parallel_loop3A_681 = tpu.vector_load %arg8[%parallel_loop3A_679, %parallel_loop3A_680] {strides = array<i32>} : memref<77x768xf32, #tpu.memory_space<vmem>>, vector<1x16xf32>,
        %parallel_loop3A_682 = vector.shape_cast %parallel_loop3A_681 : vector<1x16xf32> to vector<16xf32>
        %parallel_loop3A_683 = arith.index_cast %parallel_loop3A_90 : i32 to index
        %parallel_loop3A_684 = arith.constant 672 : index
        %parallel_loop3A_685 = tpu.vector_load %arg7[%parallel_loop3A_683, %parallel_loop3A_684] {strides = array<i32>} : memref<77x768xf32, #tpu.memory_space<vmem>>, vector<1x16xf32>,
        %parallel_loop3A_686 = vector.shape_cast %parallel_loop3A_685 : vector<1x16xf32> to vector<16xf32>
        %parallel_loop3A_687 = arith.addf %parallel_loop3A_682, %parallel_loop3A_686 : vector<16xf32>
        %parallel_loop3A_688 = arith.index_cast %parallel_loop3A_90 : i32 to index
        %parallel_loop3A_689 = arith.constant 672 : index
        %parallel_loop3A_690 = tpu.vector_load %arg8[%parallel_loop3A_688, %parallel_loop3A_689] {strides = array<i32>} : memref<77x768xf32, #tpu.memory_space<vmem>>, vector<1x16xf32>,
        %parallel_loop3A_691 = vector.shape_cast %parallel_loop3A_690 : vector<1x16xf32> to vector<16xf32>
        %parallel_loop3A_692 = vector.shape_cast %parallel_loop3A_687 : vector<16xf32> to vector<1x16xf32>
        tpu.vector_store %arg8[%parallel_loop3A_688, %parallel_loop3A_689], %parallel_loop3A_692 {strides = array<i32>} : memref<77x768xf32, #tpu.memory_space<vmem>>, vector<1x16xf32>,
        %parallel_loop3A_693 = arith.index_cast %parallel_loop3A_90 : i32 to index
        %parallel_loop3A_694 = arith.constant 688 : index
        %parallel_loop3A_695 = tpu.vector_load %arg8[%parallel_loop3A_693, %parallel_loop3A_694] {strides = array<i32>} : memref<77x768xf32, #tpu.memory_space<vmem>>, vector<1x16xf32>,
        %parallel_loop3A_696 = vector.shape_cast %parallel_loop3A_695 : vector<1x16xf32> to vector<16xf32>
        %parallel_loop3A_697 = arith.index_cast %parallel_loop3A_90 : i32 to index
        %parallel_loop3A_698 = arith.constant 688 : index
        %parallel_loop3A_699 = tpu.vector_load %arg7[%parallel_loop3A_697, %parallel_loop3A_698] {strides = array<i32>} : memref<77x768xf32, #tpu.memory_space<vmem>>, vector<1x16xf32>,
        %parallel_loop3A_700 = vector.shape_cast %parallel_loop3A_699 : vector<1x16xf32> to vector<16xf32>
        %parallel_loop3A_701 = arith.addf %parallel_loop3A_696, %parallel_loop3A_700 : vector<16xf32>
        %parallel_loop3A_702 = arith.index_cast %parallel_loop3A_90 : i32 to index
        %parallel_loop3A_703 = arith.constant 688 : index
        %parallel_loop3A_704 = tpu.vector_load %arg8[%parallel_loop3A_702, %parallel_loop3A_703] {strides = array<i32>} : memref<77x768xf32, #tpu.memory_space<vmem>>, vector<1x16xf32>,
        %parallel_loop3A_705 = vector.shape_cast %parallel_loop3A_704 : vector<1x16xf32> to vector<16xf32>
        %parallel_loop3A_706 = vector.shape_cast %parallel_loop3A_701 : vector<16xf32> to vector<1x16xf32>
        tpu.vector_store %arg8[%parallel_loop3A_702, %parallel_loop3A_703], %parallel_loop3A_706 {strides = array<i32>} : memref<77x768xf32, #tpu.memory_space<vmem>>, vector<1x16xf32>,
        %parallel_loop3A_707 = arith.index_cast %parallel_loop3A_90 : i32 to index
        %parallel_loop3A_708 = arith.constant 704 : index
        %parallel_loop3A_709 = tpu.vector_load %arg8[%parallel_loop3A_707, %parallel_loop3A_708] {strides = array<i32>} : memref<77x768xf32, #tpu.memory_space<vmem>>, vector<1x16xf32>,
        %parallel_loop3A_710 = vector.shape_cast %parallel_loop3A_709 : vector<1x16xf32> to vector<16xf32>
        %parallel_loop3A_711 = arith.index_cast %parallel_loop3A_90 : i32 to index
        %parallel_loop3A_712 = arith.constant 704 : index
        %parallel_loop3A_713 = tpu.vector_load %arg7[%parallel_loop3A_711, %parallel_loop3A_712] {strides = array<i32>} : memref<77x768xf32, #tpu.memory_space<vmem>>, vector<1x16xf32>,
        %parallel_loop3A_714 = vector.shape_cast %parallel_loop3A_713 : vector<1x16xf32> to vector<16xf32>
        %parallel_loop3A_715 = arith.addf %parallel_loop3A_710, %parallel_loop3A_714 : vector<16xf32>
        %parallel_loop3A_716 = arith.index_cast %parallel_loop3A_90 : i32 to index
        %parallel_loop3A_717 = arith.constant 704 : index
        %parallel_loop3A_718 = tpu.vector_load %arg8[%parallel_loop3A_716, %parallel_loop3A_717] {strides = array<i32>} : memref<77x768xf32, #tpu.memory_space<vmem>>, vector<1x16xf32>,
        %parallel_loop3A_719 = vector.shape_cast %parallel_loop3A_718 : vector<1x16xf32> to vector<16xf32>
        %parallel_loop3A_720 = vector.shape_cast %parallel_loop3A_715 : vector<16xf32> to vector<1x16xf32>
        tpu.vector_store %arg8[%parallel_loop3A_716, %parallel_loop3A_717], %parallel_loop3A_720 {strides = array<i32>} : memref<77x768xf32, #tpu.memory_space<vmem>>, vector<1x16xf32>,
        %parallel_loop3A_721 = arith.index_cast %parallel_loop3A_90 : i32 to index
        %parallel_loop3A_722 = arith.constant 720 : index
        %parallel_loop3A_723 = tpu.vector_load %arg8[%parallel_loop3A_721, %parallel_loop3A_722] {strides = array<i32>} : memref<77x768xf32, #tpu.memory_space<vmem>>, vector<1x16xf32>,
        %parallel_loop3A_724 = vector.shape_cast %parallel_loop3A_723 : vector<1x16xf32> to vector<16xf32>
        %parallel_loop3A_725 = arith.index_cast %parallel_loop3A_90 : i32 to index
        %parallel_loop3A_726 = arith.constant 720 : index
        %parallel_loop3A_727 = tpu.vector_load %arg7[%parallel_loop3A_725, %parallel_loop3A_726] {strides = array<i32>} : memref<77x768xf32, #tpu.memory_space<vmem>>, vector<1x16xf32>,
        %parallel_loop3A_728 = vector.shape_cast %parallel_loop3A_727 : vector<1x16xf32> to vector<16xf32>
        %parallel_loop3A_729 = arith.addf %parallel_loop3A_724, %parallel_loop3A_728 : vector<16xf32>
        %parallel_loop3A_730 = arith.index_cast %parallel_loop3A_90 : i32 to index
        %parallel_loop3A_731 = arith.constant 720 : index
        %parallel_loop3A_732 = tpu.vector_load %arg8[%parallel_loop3A_730, %parallel_loop3A_731] {strides = array<i32>} : memref<77x768xf32, #tpu.memory_space<vmem>>, vector<1x16xf32>,
        %parallel_loop3A_733 = vector.shape_cast %parallel_loop3A_732 : vector<1x16xf32> to vector<16xf32>
        %parallel_loop3A_734 = vector.shape_cast %parallel_loop3A_729 : vector<16xf32> to vector<1x16xf32>
        tpu.vector_store %arg8[%parallel_loop3A_730, %parallel_loop3A_731], %parallel_loop3A_734 {strides = array<i32>} : memref<77x768xf32, #tpu.memory_space<vmem>>, vector<1x16xf32>,
        %parallel_loop3A_735 = arith.index_cast %parallel_loop3A_90 : i32 to index
        %parallel_loop3A_736 = arith.constant 736 : index
        %parallel_loop3A_737 = tpu.vector_load %arg8[%parallel_loop3A_735, %parallel_loop3A_736] {strides = array<i32>} : memref<77x768xf32, #tpu.memory_space<vmem>>, vector<1x16xf32>,
        %parallel_loop3A_738 = vector.shape_cast %parallel_loop3A_737 : vector<1x16xf32> to vector<16xf32>
        %parallel_loop3A_739 = arith.index_cast %parallel_loop3A_90 : i32 to index
        %parallel_loop3A_740 = arith.constant 736 : index
        %parallel_loop3A_741 = tpu.vector_load %arg7[%parallel_loop3A_739, %parallel_loop3A_740] {strides = array<i32>} : memref<77x768xf32, #tpu.memory_space<vmem>>, vector<1x16xf32>,
        %parallel_loop3A_742 = vector.shape_cast %parallel_loop3A_741 : vector<1x16xf32> to vector<16xf32>
        %parallel_loop3A_743 = arith.addf %parallel_loop3A_738, %parallel_loop3A_742 : vector<16xf32>
        %parallel_loop3A_744 = arith.index_cast %parallel_loop3A_90 : i32 to index
        %parallel_loop3A_745 = arith.constant 736 : index
        %parallel_loop3A_746 = tpu.vector_load %arg8[%parallel_loop3A_744, %parallel_loop3A_745] {strides = array<i32>} : memref<77x768xf32, #tpu.memory_space<vmem>>, vector<1x16xf32>,
        %parallel_loop3A_747 = vector.shape_cast %parallel_loop3A_746 : vector<1x16xf32> to vector<16xf32>
        %parallel_loop3A_748 = vector.shape_cast %parallel_loop3A_743 : vector<16xf32> to vector<1x16xf32>
        tpu.vector_store %arg8[%parallel_loop3A_744, %parallel_loop3A_745], %parallel_loop3A_748 {strides = array<i32>} : memref<77x768xf32, #tpu.memory_space<vmem>>, vector<1x16xf32>,
        %parallel_loop3A_749 = arith.index_cast %parallel_loop3A_90 : i32 to index
        %parallel_loop3A_750 = arith.constant 752 : index
        %parallel_loop3A_751 = tpu.vector_load %arg8[%parallel_loop3A_749, %parallel_loop3A_750] {strides = array<i32>} : memref<77x768xf32, #tpu.memory_space<vmem>>, vector<1x16xf32>,
        %parallel_loop3A_752 = vector.shape_cast %parallel_loop3A_751 : vector<1x16xf32> to vector<16xf32>
        %parallel_loop3A_753 = arith.index_cast %parallel_loop3A_90 : i32 to index
        %parallel_loop3A_754 = arith.constant 752 : index
        %parallel_loop3A_755 = tpu.vector_load %arg7[%parallel_loop3A_753, %parallel_loop3A_754] {strides = array<i32>} : memref<77x768xf32, #tpu.memory_space<vmem>>, vector<1x16xf32>,
        %parallel_loop3A_756 = vector.shape_cast %parallel_loop3A_755 : vector<1x16xf32> to vector<16xf32>
        %parallel_loop3A_757 = arith.addf %parallel_loop3A_752, %parallel_loop3A_756 : vector<16xf32>
        %parallel_loop3A_758 = arith.index_cast %parallel_loop3A_90 : i32 to index
        %parallel_loop3A_759 = arith.constant 752 : index
        %parallel_loop3A_760 = tpu.vector_load %arg8[%parallel_loop3A_758, %parallel_loop3A_759] {strides = array<i32>} : memref<77x768xf32, #tpu.memory_space<vmem>>, vector<1x16xf32>,
        %parallel_loop3A_761 = vector.shape_cast %parallel_loop3A_760 : vector<1x16xf32> to vector<16xf32>
        %parallel_loop3A_762 = vector.shape_cast %parallel_loop3A_757 : vector<16xf32> to vector<1x16xf32>
        tpu.vector_store %arg8[%parallel_loop3A_758, %parallel_loop3A_759], %parallel_loop3A_762 {strides = array<i32>} : memref<77x768xf32, #tpu.memory_space<vmem>>, vector<1x16xf32>,
      } {sc.loop_unroll_factor = 4 : i64, sc.parallel_access}
      %dma_wait3A_60 = arith.constant 0 : i32
      %dma_wait3A_61 = arith.constant 0 : i32
      %dma_wait3A_62 = tpu.memref_slice %arg6[%dma_wait3A_60, %dma_wait3A_61] : memref<16x77xi32, #tpu.memory_space<vmem>> -> memref<1x8xi32, #tpu.memory_space<vmem>>
      %dma_wait3A_63 = tpu.memref_squeeze %dma_wait3A_62 : memref<1x8xi32, #tpu.memory_space<vmem>> -> memref<8xi32, #tpu.memory_space<vmem>>
      %dma_wait3A_64 = arith.constant 0 : i32
      %dma_wait3A_65 = arith.constant 0 : i32
      %dma_wait3A_66 = tpu.memref_slice %arg3[%dma_wait3A_64, %dma_wait3A_65] : memref<49408x768xf32, #tpu.memory_space<hbm>> -> memref<49408x768xf32, #tpu.memory_space<hbm>>
      tpu.wait_indirect_dma semaphore(%arg13 : memref<!tpu.dma_semaphore, #tpu.memory_space<semaphore_mem>>) src(%dma_wait3A_66 : memref<49408x768xf32, #tpu.memory_space<hbm>>) dst(%arg9 : memref<8x768xf32, #tpu.memory_space<vmem>>)
      %scan3A_67 = arith.constant 0 : i32
      %scan3A_68 = arith.constant 0 : i32
      %scan3A_69 = arith.constant 5 : i32
      %scan3A_70 = arith.addi %scan3A_68, %scan3A_69 : i32
      %scan3A_71 = arith.constant 1 : i32
      scf.for %scan3A_90 = %scan3A_68 to %scan3A_70 step %scan3A_71  : i32 {
        %add3A_91 = arith.constant 3 : i32
        %add3A_92 = arith.addi %add3A_91, %scan3A_90 : i32
        %get3A = arith.index_cast %add3A_92 : i32 to index
        %get3A_93 = arith.constant 0 : index
        %get3A_94 = tpu.vector_load %arg9[%get3A, %get3A_93] {strides = array<i32>} : memref<8x768xf32, #tpu.memory_space<vmem>>, vector<1x16xf32>,
        %get3A_95 = vector.shape_cast %get3A_94 : vector<1x16xf32> to vector<16xf32>
        %add3A_96 = arith.constant 72 : i32
        %add3A_97 = arith.addi %add3A_96, %scan3A_90 : i32
        %get3A_98 = arith.index_cast %add3A_97 : i32 to index
        %get3A_99 = arith.constant 0 : index
        %get3A_100 = tpu.vector_load %arg7[%get3A_98, %get3A_99] {strides = array<i32>} : memref<77x768xf32, #tpu.memory_space<vmem>>, vector<1x16xf32>,
        %get3A_101 = vector.shape_cast %get3A_100 : vector<1x16xf32> to vector<16xf32>
        %add3A_102 = arith.addf %get3A_95, %get3A_101 : vector<16xf32>
        %add3A_103 = arith.constant 72 : i32
        %add3A_104 = arith.addi %add3A_103, %scan3A_90 : i32
        %swap3A = arith.index_cast %add3A_104 : i32 to index
        %swap3A_105 = arith.constant 0 : index
        %swap3A_106 = tpu.vector_load %arg8[%swap3A, %swap3A_105] {strides = array<i32>} : memref<77x768xf32, #tpu.memory_space<vmem>>, vector<1x16xf32>,
        %swap3A_107 = vector.shape_cast %swap3A_106 : vector<1x16xf32> to vector<16xf32>
        %swap3A_108 = vector.shape_cast %add3A_102 : vector<16xf32> to vector<1x16xf32>
        tpu.vector_store %arg8[%swap3A, %swap3A_105], %swap3A_108 {strides = array<i32>} : memref<77x768xf32, #tpu.memory_space<vmem>>, vector<1x16xf32>,
        %add3A_109 = arith.constant 3 : i32
        %add3A_110 = arith.addi %add3A_109, %scan3A_90 : i32
        %get3A_111 = arith.index_cast %add3A_110 : i32 to index
        %get3A_112 = arith.constant 16 : index
        %get3A_113 = tpu.vector_load %arg9[%get3A_111, %get3A_112] {strides = array<i32>} : memref<8x768xf32, #tpu.memory_space<vmem>>, vector<1x16xf32>,
        %get3A_114 = vector.shape_cast %get3A_113 : vector<1x16xf32> to vector<16xf32>
        %add3A_115 = arith.constant 72 : i32
        %add3A_116 = arith.addi %add3A_115, %scan3A_90 : i32
        %get3A_117 = arith.index_cast %add3A_116 : i32 to index
        %get3A_118 = arith.constant 16 : index
        %get3A_119 = tpu.vector_load %arg7[%get3A_117, %get3A_118] {strides = array<i32>} : memref<77x768xf32, #tpu.memory_space<vmem>>, vector<1x16xf32>,
        %get3A_120 = vector.shape_cast %get3A_119 : vector<1x16xf32> to vector<16xf32>
        %add3A_121 = arith.addf %get3A_114, %get3A_120 : vector<16xf32>
        %add3A_122 = arith.constant 72 : i32
        %add3A_123 = arith.addi %add3A_122, %scan3A_90 : i32
        %swap3A_124 = arith.index_cast %add3A_123 : i32 to index
        %swap3A_125 = arith.constant 16 : index
        %swap3A_126 = tpu.vector_load %arg8[%swap3A_124, %swap3A_125] {strides = array<i32>} : memref<77x768xf32, #tpu.memory_space<vmem>>, vector<1x16xf32>,
        %swap3A_127 = vector.shape_cast %swap3A_126 : vector<1x16xf32> to vector<16xf32>
        %swap3A_128 = vector.shape_cast %add3A_121 : vector<16xf32> to vector<1x16xf32>
        tpu.vector_store %arg8[%swap3A_124, %swap3A_125], %swap3A_128 {strides = array<i32>} : memref<77x768xf32, #tpu.memory_space<vmem>>, vector<1x16xf32>,
        %add3A_129 = arith.constant 3 : i32
        %add3A_130 = arith.addi %add3A_129, %scan3A_90 : i32
        %get3A_131 = arith.index_cast %add3A_130 : i32 to index
        %get3A_132 = arith.constant 32 : index
        %get3A_133 = tpu.vector_load %arg9[%get3A_131, %get3A_132] {strides = array<i32>} : memref<8x768xf32, #tpu.memory_space<vmem>>, vector<1x16xf32>,
        %get3A_134 = vector.shape_cast %get3A_133 : vector<1x16xf32> to vector<16xf32>
        %add3A_135 = arith.constant 72 : i32
        %add3A_136 = arith.addi %add3A_135, %scan3A_90 : i32
        %get3A_137 = arith.index_cast %add3A_136 : i32 to index
        %get3A_138 = arith.constant 32 : index
        %get3A_139 = tpu.vector_load %arg7[%get3A_137, %get3A_138] {strides = array<i32>} : memref<77x768xf32, #tpu.memory_space<vmem>>, vector<1x16xf32>,
        %get3A_140 = vector.shape_cast %get3A_139 : vector<1x16xf32> to vector<16xf32>
        %add3A_141 = arith.addf %get3A_134, %get3A_140 : vector<16xf32>
        %add3A_142 = arith.constant 72 : i32
        %add3A_143 = arith.addi %add3A_142, %scan3A_90 : i32
        %swap3A_144 = arith.index_cast %add3A_143 : i32 to index
        %swap3A_145 = arith.constant 32 : index
        %swap3A_146 = tpu.vector_load %arg8[%swap3A_144, %swap3A_145] {strides = array<i32>} : memref<77x768xf32, #tpu.memory_space<vmem>>, vector<1x16xf32>,
        %swap3A_147 = vector.shape_cast %swap3A_146 : vector<1x16xf32> to vector<16xf32>
        %swap3A_148 = vector.shape_cast %add3A_141 : vector<16xf32> to vector<1x16xf32>
        tpu.vector_store %arg8[%swap3A_144, %swap3A_145], %swap3A_148 {strides = array<i32>} : memref<77x768xf32, #tpu.memory_space<vmem>>, vector<1x16xf32>,
        %add3A_149 = arith.constant 3 : i32
        %add3A_150 = arith.addi %add3A_149, %scan3A_90 : i32
        %get3A_151 = arith.index_cast %add3A_150 : i32 to index
        %get3A_152 = arith.constant 48 : index
        %get3A_153 = tpu.vector_load %arg9[%get3A_151, %get3A_152] {strides = array<i32>} : memref<8x768xf32, #tpu.memory_space<vmem>>, vector<1x16xf32>,
        %get3A_154 = vector.shape_cast %get3A_153 : vector<1x16xf32> to vector<16xf32>
        %add3A_155 = arith.constant 72 : i32
        %add3A_156 = arith.addi %add3A_155, %scan3A_90 : i32
        %get3A_157 = arith.index_cast %add3A_156 : i32 to index
        %get3A_158 = arith.constant 48 : index
        %get3A_159 = tpu.vector_load %arg7[%get3A_157, %get3A_158] {strides = array<i32>} : memref<77x768xf32, #tpu.memory_space<vmem>>, vector<1x16xf32>,
        %get3A_160 = vector.shape_cast %get3A_159 : vector<1x16xf32> to vector<16xf32>
        %add3A_161 = arith.addf %get3A_154, %get3A_160 : vector<16xf32>
        %add3A_162 = arith.constant 72 : i32
        %add3A_163 = arith.addi %add3A_162, %scan3A_90 : i32
        %swap3A_164 = arith.index_cast %add3A_163 : i32 to index
        %swap3A_165 = arith.constant 48 : index
        %swap3A_166 = tpu.vector_load %arg8[%swap3A_164, %swap3A_165] {strides = array<i32>} : memref<77x768xf32, #tpu.memory_space<vmem>>, vector<1x16xf32>,
        %swap3A_167 = vector.shape_cast %swap3A_166 : vector<1x16xf32> to vector<16xf32>
        %swap3A_168 = vector.shape_cast %add3A_161 : vector<16xf32> to vector<1x16xf32>
        tpu.vector_store %arg8[%swap3A_164, %swap3A_165], %swap3A_168 {strides = array<i32>} : memref<77x768xf32, #tpu.memory_space<vmem>>, vector<1x16xf32>,
        %add3A_169 = arith.constant 3 : i32
        %add3A_170 = arith.addi %add3A_169, %scan3A_90 : i32
        %get3A_171 = arith.index_cast %add3A_170 : i32 to index
        %get3A_172 = arith.constant 64 : index
        %get3A_173 = tpu.vector_load %arg9[%get3A_171, %get3A_172] {strides = array<i32>} : memref<8x768xf32, #tpu.memory_space<vmem>>, vector<1x16xf32>,
        %get3A_174 = vector.shape_cast %get3A_173 : vector<1x16xf32> to vector<16xf32>
        %add3A_175 = arith.constant 72 : i32
        %add3A_176 = arith.addi %add3A_175, %scan3A_90 : i32
        %get3A_177 = arith.index_cast %add3A_176 : i32 to index
        %get3A_178 = arith.constant 64 : index
        %get3A_179 = tpu.vector_load %arg7[%get3A_177, %get3A_178] {strides = array<i32>} : memref<77x768xf32, #tpu.memory_space<vmem>>, vector<1x16xf32>,
        %get3A_180 = vector.shape_cast %get3A_179 : vector<1x16xf32> to vector<16xf32>
        %add3A_181 = arith.addf %get3A_174, %get3A_180 : vector<16xf32>
        %add3A_182 = arith.constant 72 : i32
        %add3A_183 = arith.addi %add3A_182, %scan3A_90 : i32
        %swap3A_184 = arith.index_cast %add3A_183 : i32 to index
        %swap3A_185 = arith.constant 64 : index
        %swap3A_186 = tpu.vector_load %arg8[%swap3A_184, %swap3A_185] {strides = array<i32>} : memref<77x768xf32, #tpu.memory_space<vmem>>, vector<1x16xf32>,
        %swap3A_187 = vector.shape_cast %swap3A_186 : vector<1x16xf32> to vector<16xf32>
        %swap3A_188 = vector.shape_cast %add3A_181 : vector<16xf32> to vector<1x16xf32>
        tpu.vector_store %arg8[%swap3A_184, %swap3A_185], %swap3A_188 {strides = array<i32>} : memref<77x768xf32, #tpu.memory_space<vmem>>, vector<1x16xf32>,
        %add3A_189 = arith.constant 3 : i32
        %add3A_190 = arith.addi %add3A_189, %scan3A_90 : i32
        %get3A_191 = arith.index_cast %add3A_190 : i32 to index
        %get3A_192 = arith.constant 80 : index
        %get3A_193 = tpu.vector_load %arg9[%get3A_191, %get3A_192] {strides = array<i32>} : memref<8x768xf32, #tpu.memory_space<vmem>>, vector<1x16xf32>,
        %get3A_194 = vector.shape_cast %get3A_193 : vector<1x16xf32> to vector<16xf32>
        %add3A_195 = arith.constant 72 : i32
        %add3A_196 = arith.addi %add3A_195, %scan3A_90 : i32
        %get3A_197 = arith.index_cast %add3A_196 : i32 to index
        %get3A_198 = arith.constant 80 : index
        %get3A_199 = tpu.vector_load %arg7[%get3A_197, %get3A_198] {strides = array<i32>} : memref<77x768xf32, #tpu.memory_space<vmem>>, vector<1x16xf32>,
        %get3A_200 = vector.shape_cast %get3A_199 : vector<1x16xf32> to vector<16xf32>
        %add3A_201 = arith.addf %get3A_194, %get3A_200 : vector<16xf32>
        %add3A_202 = arith.constant 72 : i32
        %add3A_203 = arith.addi %add3A_202, %scan3A_90 : i32
        %swap3A_204 = arith.index_cast %add3A_203 : i32 to index
        %swap3A_205 = arith.constant 80 : index
        %swap3A_206 = tpu.vector_load %arg8[%swap3A_204, %swap3A_205] {strides = array<i32>} : memref<77x768xf32, #tpu.memory_space<vmem>>, vector<1x16xf32>,
        %swap3A_207 = vector.shape_cast %swap3A_206 : vector<1x16xf32> to vector<16xf32>
        %swap3A_208 = vector.shape_cast %add3A_201 : vector<16xf32> to vector<1x16xf32>
        tpu.vector_store %arg8[%swap3A_204, %swap3A_205], %swap3A_208 {strides = array<i32>} : memref<77x768xf32, #tpu.memory_space<vmem>>, vector<1x16xf32>,
        %add3A_209 = arith.constant 3 : i32
        %add3A_210 = arith.addi %add3A_209, %scan3A_90 : i32
        %get3A_211 = arith.index_cast %add3A_210 : i32 to index
        %get3A_212 = arith.constant 96 : index
        %get3A_213 = tpu.vector_load %arg9[%get3A_211, %get3A_212] {strides = array<i32>} : memref<8x768xf32, #tpu.memory_space<vmem>>, vector<1x16xf32>,
        %get3A_214 = vector.shape_cast %get3A_213 : vector<1x16xf32> to vector<16xf32>
        %add3A_215 = arith.constant 72 : i32
        %add3A_216 = arith.addi %add3A_215, %scan3A_90 : i32
        %get3A_217 = arith.index_cast %add3A_216 : i32 to index
        %get3A_218 = arith.constant 96 : index
        %get3A_219 = tpu.vector_load %arg7[%get3A_217, %get3A_218] {strides = array<i32>} : memref<77x768xf32, #tpu.memory_space<vmem>>, vector<1x16xf32>,
        %get3A_220 = vector.shape_cast %get3A_219 : vector<1x16xf32> to vector<16xf32>
        %add3A_221 = arith.addf %get3A_214, %get3A_220 : vector<16xf32>
        %add3A_222 = arith.constant 72 : i32
        %add3A_223 = arith.addi %add3A_222, %scan3A_90 : i32
        %swap3A_224 = arith.index_cast %add3A_223 : i32 to index
        %swap3A_225 = arith.constant 96 : index
        %swap3A_226 = tpu.vector_load %arg8[%swap3A_224, %swap3A_225] {strides = array<i32>} : memref<77x768xf32, #tpu.memory_space<vmem>>, vector<1x16xf32>,
        %swap3A_227 = vector.shape_cast %swap3A_226 : vector<1x16xf32> to vector<16xf32>
        %swap3A_228 = vector.shape_cast %add3A_221 : vector<16xf32> to vector<1x16xf32>
        tpu.vector_store %arg8[%swap3A_224, %swap3A_225], %swap3A_228 {strides = array<i32>} : memref<77x768xf32, #tpu.memory_space<vmem>>, vector<1x16xf32>,
        %add3A_229 = arith.constant 3 : i32
        %add3A_230 = arith.addi %add3A_229, %scan3A_90 : i32
        %get3A_231 = arith.index_cast %add3A_230 : i32 to index
        %get3A_232 = arith.constant 112 : index
        %get3A_233 = tpu.vector_load %arg9[%get3A_231, %get3A_232] {strides = array<i32>} : memref<8x768xf32, #tpu.memory_space<vmem>>, vector<1x16xf32>,
        %get3A_234 = vector.shape_cast %get3A_233 : vector<1x16xf32> to vector<16xf32>
        %add3A_235 = arith.constant 72 : i32
        %add3A_236 = arith.addi %add3A_235, %scan3A_90 : i32
        %get3A_237 = arith.index_cast %add3A_236 : i32 to index
        %get3A_238 = arith.constant 112 : index
        %get3A_239 = tpu.vector_load %arg7[%get3A_237, %get3A_238] {strides = array<i32>} : memref<77x768xf32, #tpu.memory_space<vmem>>, vector<1x16xf32>,
        %get3A_240 = vector.shape_cast %get3A_239 : vector<1x16xf32> to vector<16xf32>
        %add3A_241 = arith.addf %get3A_234, %get3A_240 : vector<16xf32>
        %add3A_242 = arith.constant 72 : i32
        %add3A_243 = arith.addi %add3A_242, %scan3A_90 : i32
        %swap3A_244 = arith.index_cast %add3A_243 : i32 to index
        %swap3A_245 = arith.constant 112 : index
        %swap3A_246 = tpu.vector_load %arg8[%swap3A_244, %swap3A_245] {strides = array<i32>} : memref<77x768xf32, #tpu.memory_space<vmem>>, vector<1x16xf32>,
        %swap3A_247 = vector.shape_cast %swap3A_246 : vector<1x16xf32> to vector<16xf32>
        %swap3A_248 = vector.shape_cast %add3A_241 : vector<16xf32> to vector<1x16xf32>
        tpu.vector_store %arg8[%swap3A_244, %swap3A_245], %swap3A_248 {strides = array<i32>} : memref<77x768xf32, #tpu.memory_space<vmem>>, vector<1x16xf32>,
        %add3A_249 = arith.constant 3 : i32
        %add3A_250 = arith.addi %add3A_249, %scan3A_90 : i32
        %get3A_251 = arith.index_cast %add3A_250 : i32 to index
        %get3A_252 = arith.constant 128 : index
        %get3A_253 = tpu.vector_load %arg9[%get3A_251, %get3A_252] {strides = array<i32>} : memref<8x768xf32, #tpu.memory_space<vmem>>, vector<1x16xf32>,
        %get3A_254 = vector.shape_cast %get3A_253 : vector<1x16xf32> to vector<16xf32>
        %add3A_255 = arith.constant 72 : i32
        %add3A_256 = arith.addi %add3A_255, %scan3A_90 : i32
        %get3A_257 = arith.index_cast %add3A_256 : i32 to index
        %get3A_258 = arith.constant 128 : index
        %get3A_259 = tpu.vector_load %arg7[%get3A_257, %get3A_258] {strides = array<i32>} : memref<77x768xf32, #tpu.memory_space<vmem>>, vector<1x16xf32>,
        %get3A_260 = vector.shape_cast %get3A_259 : vector<1x16xf32> to vector<16xf32>
        %add3A_261 = arith.addf %get3A_254, %get3A_260 : vector<16xf32>
        %add3A_262 = arith.constant 72 : i32
        %add3A_263 = arith.addi %add3A_262, %scan3A_90 : i32
        %swap3A_264 = arith.index_cast %add3A_263 : i32 to index
        %swap3A_265 = arith.constant 128 : index
        %swap3A_266 = tpu.vector_load %arg8[%swap3A_264, %swap3A_265] {strides = array<i32>} : memref<77x768xf32, #tpu.memory_space<vmem>>, vector<1x16xf32>,
        %swap3A_267 = vector.shape_cast %swap3A_266 : vector<1x16xf32> to vector<16xf32>
        %swap3A_268 = vector.shape_cast %add3A_261 : vector<16xf32> to vector<1x16xf32>
        tpu.vector_store %arg8[%swap3A_264, %swap3A_265], %swap3A_268 {strides = array<i32>} : memref<77x768xf32, #tpu.memory_space<vmem>>, vector<1x16xf32>,
        %add3A_269 = arith.constant 3 : i32
        %add3A_270 = arith.addi %add3A_269, %scan3A_90 : i32
        %get3A_271 = arith.index_cast %add3A_270 : i32 to index
        %get3A_272 = arith.constant 144 : index
        %get3A_273 = tpu.vector_load %arg9[%get3A_271, %get3A_272] {strides = array<i32>} : memref<8x768xf32, #tpu.memory_space<vmem>>, vector<1x16xf32>,
        %get3A_274 = vector.shape_cast %get3A_273 : vector<1x16xf32> to vector<16xf32>
        %add3A_275 = arith.constant 72 : i32
        %add3A_276 = arith.addi %add3A_275, %scan3A_90 : i32
        %get3A_277 = arith.index_cast %add3A_276 : i32 to index
        %get3A_278 = arith.constant 144 : index
        %get3A_279 = tpu.vector_load %arg7[%get3A_277, %get3A_278] {strides = array<i32>} : memref<77x768xf32, #tpu.memory_space<vmem>>, vector<1x16xf32>,
        %get3A_280 = vector.shape_cast %get3A_279 : vector<1x16xf32> to vector<16xf32>
        %add3A_281 = arith.addf %get3A_274, %get3A_280 : vector<16xf32>
        %add3A_282 = arith.constant 72 : i32
        %add3A_283 = arith.addi %add3A_282, %scan3A_90 : i32
        %swap3A_284 = arith.index_cast %add3A_283 : i32 to index
        %swap3A_285 = arith.constant 144 : index
        %swap3A_286 = tpu.vector_load %arg8[%swap3A_284, %swap3A_285] {strides = array<i32>} : memref<77x768xf32, #tpu.memory_space<vmem>>, vector<1x16xf32>,
        %swap3A_287 = vector.shape_cast %swap3A_286 : vector<1x16xf32> to vector<16xf32>
        %swap3A_288 = vector.shape_cast %add3A_281 : vector<16xf32> to vector<1x16xf32>
        tpu.vector_store %arg8[%swap3A_284, %swap3A_285], %swap3A_288 {strides = array<i32>} : memref<77x768xf32, #tpu.memory_space<vmem>>, vector<1x16xf32>,
        %add3A_289 = arith.constant 3 : i32
        %add3A_290 = arith.addi %add3A_289, %scan3A_90 : i32
        %get3A_291 = arith.index_cast %add3A_290 : i32 to index
        %get3A_292 = arith.constant 160 : index
        %get3A_293 = tpu.vector_load %arg9[%get3A_291, %get3A_292] {strides = array<i32>} : memref<8x768xf32, #tpu.memory_space<vmem>>, vector<1x16xf32>,
        %get3A_294 = vector.shape_cast %get3A_293 : vector<1x16xf32> to vector<16xf32>
        %add3A_295 = arith.constant 72 : i32
        %add3A_296 = arith.addi %add3A_295, %scan3A_90 : i32
        %get3A_297 = arith.index_cast %add3A_296 : i32 to index
        %get3A_298 = arith.constant 160 : index
        %get3A_299 = tpu.vector_load %arg7[%get3A_297, %get3A_298] {strides = array<i32>} : memref<77x768xf32, #tpu.memory_space<vmem>>, vector<1x16xf32>,
        %get3A_300 = vector.shape_cast %get3A_299 : vector<1x16xf32> to vector<16xf32>
        %add3A_301 = arith.addf %get3A_294, %get3A_300 : vector<16xf32>
        %add3A_302 = arith.constant 72 : i32
        %add3A_303 = arith.addi %add3A_302, %scan3A_90 : i32
        %swap3A_304 = arith.index_cast %add3A_303 : i32 to index
        %swap3A_305 = arith.constant 160 : index
        %swap3A_306 = tpu.vector_load %arg8[%swap3A_304, %swap3A_305] {strides = array<i32>} : memref<77x768xf32, #tpu.memory_space<vmem>>, vector<1x16xf32>,
        %swap3A_307 = vector.shape_cast %swap3A_306 : vector<1x16xf32> to vector<16xf32>
        %swap3A_308 = vector.shape_cast %add3A_301 : vector<16xf32> to vector<1x16xf32>
        tpu.vector_store %arg8[%swap3A_304, %swap3A_305], %swap3A_308 {strides = array<i32>} : memref<77x768xf32, #tpu.memory_space<vmem>>, vector<1x16xf32>,
        %add3A_309 = arith.constant 3 : i32
        %add3A_310 = arith.addi %add3A_309, %scan3A_90 : i32
        %get3A_311 = arith.index_cast %add3A_310 : i32 to index
        %get3A_312 = arith.constant 176 : index
        %get3A_313 = tpu.vector_load %arg9[%get3A_311, %get3A_312] {strides = array<i32>} : memref<8x768xf32, #tpu.memory_space<vmem>>, vector<1x16xf32>,
        %get3A_314 = vector.shape_cast %get3A_313 : vector<1x16xf32> to vector<16xf32>
        %add3A_315 = arith.constant 72 : i32
        %add3A_316 = arith.addi %add3A_315, %scan3A_90 : i32
        %get3A_317 = arith.index_cast %add3A_316 : i32 to index
        %get3A_318 = arith.constant 176 : index
        %get3A_319 = tpu.vector_load %arg7[%get3A_317, %get3A_318] {strides = array<i32>} : memref<77x768xf32, #tpu.memory_space<vmem>>, vector<1x16xf32>,
        %get3A_320 = vector.shape_cast %get3A_319 : vector<1x16xf32> to vector<16xf32>
        %add3A_321 = arith.addf %get3A_314, %get3A_320 : vector<16xf32>
        %add3A_322 = arith.constant 72 : i32
        %add3A_323 = arith.addi %add3A_322, %scan3A_90 : i32
        %swap3A_324 = arith.index_cast %add3A_323 : i32 to index
        %swap3A_325 = arith.constant 176 : index
        %swap3A_326 = tpu.vector_load %arg8[%swap3A_324, %swap3A_325] {strides = array<i32>} : memref<77x768xf32, #tpu.memory_space<vmem>>, vector<1x16xf32>,
        %swap3A_327 = vector.shape_cast %swap3A_326 : vector<1x16xf32> to vector<16xf32>
        %swap3A_328 = vector.shape_cast %add3A_321 : vector<16xf32> to vector<1x16xf32>
        tpu.vector_store %arg8[%swap3A_324, %swap3A_325], %swap3A_328 {strides = array<i32>} : memref<77x768xf32, #tpu.memory_space<vmem>>, vector<1x16xf32>,
        %add3A_329 = arith.constant 3 : i32
        %add3A_330 = arith.addi %add3A_329, %scan3A_90 : i32
        %get3A_331 = arith.index_cast %add3A_330 : i32 to index
        %get3A_332 = arith.constant 192 : index
        %get3A_333 = tpu.vector_load %arg9[%get3A_331, %get3A_332] {strides = array<i32>} : memref<8x768xf32, #tpu.memory_space<vmem>>, vector<1x16xf32>,
        %get3A_334 = vector.shape_cast %get3A_333 : vector<1x16xf32> to vector<16xf32>
        %add3A_335 = arith.constant 72 : i32
        %add3A_336 = arith.addi %add3A_335, %scan3A_90 : i32
        %get3A_337 = arith.index_cast %add3A_336 : i32 to index
        %get3A_338 = arith.constant 192 : index
        %get3A_339 = tpu.vector_load %arg7[%get3A_337, %get3A_338] {strides = array<i32>} : memref<77x768xf32, #tpu.memory_space<vmem>>, vector<1x16xf32>,
        %get3A_340 = vector.shape_cast %get3A_339 : vector<1x16xf32> to vector<16xf32>
        %add3A_341 = arith.addf %get3A_334, %get3A_340 : vector<16xf32>
        %add3A_342 = arith.constant 72 : i32
        %add3A_343 = arith.addi %add3A_342, %scan3A_90 : i32
        %swap3A_344 = arith.index_cast %add3A_343 : i32 to index
        %swap3A_345 = arith.constant 192 : index
        %swap3A_346 = tpu.vector_load %arg8[%swap3A_344, %swap3A_345] {strides = array<i32>} : memref<77x768xf32, #tpu.memory_space<vmem>>, vector<1x16xf32>,
        %swap3A_347 = vector.shape_cast %swap3A_346 : vector<1x16xf32> to vector<16xf32>
        %swap3A_348 = vector.shape_cast %add3A_341 : vector<16xf32> to vector<1x16xf32>
        tpu.vector_store %arg8[%swap3A_344, %swap3A_345], %swap3A_348 {strides = array<i32>} : memref<77x768xf32, #tpu.memory_space<vmem>>, vector<1x16xf32>,
        %add3A_349 = arith.constant 3 : i32
        %add3A_350 = arith.addi %add3A_349, %scan3A_90 : i32
        %get3A_351 = arith.index_cast %add3A_350 : i32 to index
        %get3A_352 = arith.constant 208 : index
        %get3A_353 = tpu.vector_load %arg9[%get3A_351, %get3A_352] {strides = array<i32>} : memref<8x768xf32, #tpu.memory_space<vmem>>, vector<1x16xf32>,
        %get3A_354 = vector.shape_cast %get3A_353 : vector<1x16xf32> to vector<16xf32>
        %add3A_355 = arith.constant 72 : i32
        %add3A_356 = arith.addi %add3A_355, %scan3A_90 : i32
        %get3A_357 = arith.index_cast %add3A_356 : i32 to index
        %get3A_358 = arith.constant 208 : index
        %get3A_359 = tpu.vector_load %arg7[%get3A_357, %get3A_358] {strides = array<i32>} : memref<77x768xf32, #tpu.memory_space<vmem>>, vector<1x16xf32>,
        %get3A_360 = vector.shape_cast %get3A_359 : vector<1x16xf32> to vector<16xf32>
        %add3A_361 = arith.addf %get3A_354, %get3A_360 : vector<16xf32>
        %add3A_362 = arith.constant 72 : i32
        %add3A_363 = arith.addi %add3A_362, %scan3A_90 : i32
        %swap3A_364 = arith.index_cast %add3A_363 : i32 to index
        %swap3A_365 = arith.constant 208 : index
        %swap3A_366 = tpu.vector_load %arg8[%swap3A_364, %swap3A_365] {strides = array<i32>} : memref<77x768xf32, #tpu.memory_space<vmem>>, vector<1x16xf32>,
        %swap3A_367 = vector.shape_cast %swap3A_366 : vector<1x16xf32> to vector<16xf32>
        %swap3A_368 = vector.shape_cast %add3A_361 : vector<16xf32> to vector<1x16xf32>
        tpu.vector_store %arg8[%swap3A_364, %swap3A_365], %swap3A_368 {strides = array<i32>} : memref<77x768xf32, #tpu.memory_space<vmem>>, vector<1x16xf32>,
        %add3A_369 = arith.constant 3 : i32
        %add3A_370 = arith.addi %add3A_369, %scan3A_90 : i32
        %get3A_371 = arith.index_cast %add3A_370 : i32 to index
        %get3A_372 = arith.constant 224 : index
        %get3A_373 = tpu.vector_load %arg9[%get3A_371, %get3A_372] {strides = array<i32>} : memref<8x768xf32, #tpu.memory_space<vmem>>, vector<1x16xf32>,
        %get3A_374 = vector.shape_cast %get3A_373 : vector<1x16xf32> to vector<16xf32>
        %add3A_375 = arith.constant 72 : i32
        %add3A_376 = arith.addi %add3A_375, %scan3A_90 : i32
        %get3A_377 = arith.index_cast %add3A_376 : i32 to index
        %get3A_378 = arith.constant 224 : index
        %get3A_379 = tpu.vector_load %arg7[%get3A_377, %get3A_378] {strides = array<i32>} : memref<77x768xf32, #tpu.memory_space<vmem>>, vector<1x16xf32>,
        %get3A_380 = vector.shape_cast %get3A_379 : vector<1x16xf32> to vector<16xf32>
        %add3A_381 = arith.addf %get3A_374, %get3A_380 : vector<16xf32>
        %add3A_382 = arith.constant 72 : i32
        %add3A_383 = arith.addi %add3A_382, %scan3A_90 : i32
        %swap3A_384 = arith.index_cast %add3A_383 : i32 to index
        %swap3A_385 = arith.constant 224 : index
        %swap3A_386 = tpu.vector_load %arg8[%swap3A_384, %swap3A_385] {strides = array<i32>} : memref<77x768xf32, #tpu.memory_space<vmem>>, vector<1x16xf32>,
        %swap3A_387 = vector.shape_cast %swap3A_386 : vector<1x16xf32> to vector<16xf32>
        %swap3A_388 = vector.shape_cast %add3A_381 : vector<16xf32> to vector<1x16xf32>
        tpu.vector_store %arg8[%swap3A_384, %swap3A_385], %swap3A_388 {strides = array<i32>} : memref<77x768xf32, #tpu.memory_space<vmem>>, vector<1x16xf32>,
        %add3A_389 = arith.constant 3 : i32
        %add3A_390 = arith.addi %add3A_389, %scan3A_90 : i32
        %get3A_391 = arith.index_cast %add3A_390 : i32 to index
        %get3A_392 = arith.constant 240 : index
        %get3A_393 = tpu.vector_load %arg9[%get3A_391, %get3A_392] {strides = array<i32>} : memref<8x768xf32, #tpu.memory_space<vmem>>, vector<1x16xf32>,
        %get3A_394 = vector.shape_cast %get3A_393 : vector<1x16xf32> to vector<16xf32>
        %add3A_395 = arith.constant 72 : i32
        %add3A_396 = arith.addi %add3A_395, %scan3A_90 : i32
        %get3A_397 = arith.index_cast %add3A_396 : i32 to index
        %get3A_398 = arith.constant 240 : index
        %get3A_399 = tpu.vector_load %arg7[%get3A_397, %get3A_398] {strides = array<i32>} : memref<77x768xf32, #tpu.memory_space<vmem>>, vector<1x16xf32>,
        %get3A_400 = vector.shape_cast %get3A_399 : vector<1x16xf32> to vector<16xf32>
        %add3A_401 = arith.addf %get3A_394, %get3A_400 : vector<16xf32>
        %add3A_402 = arith.constant 72 : i32
        %add3A_403 = arith.addi %add3A_402, %scan3A_90 : i32
        %swap3A_404 = arith.index_cast %add3A_403 : i32 to index
        %swap3A_405 = arith.constant 240 : index
        %swap3A_406 = tpu.vector_load %arg8[%swap3A_404, %swap3A_405] {strides = array<i32>} : memref<77x768xf32, #tpu.memory_space<vmem>>, vector<1x16xf32>,
        %swap3A_407 = vector.shape_cast %swap3A_406 : vector<1x16xf32> to vector<16xf32>
        %swap3A_408 = vector.shape_cast %add3A_401 : vector<16xf32> to vector<1x16xf32>
        tpu.vector_store %arg8[%swap3A_404, %swap3A_405], %swap3A_408 {strides = array<i32>} : memref<77x768xf32, #tpu.memory_space<vmem>>, vector<1x16xf32>,
        %add3A_409 = arith.constant 3 : i32
        %add3A_410 = arith.addi %add3A_409, %scan3A_90 : i32
        %get3A_411 = arith.index_cast %add3A_410 : i32 to index
        %get3A_412 = arith.constant 256 : index
        %get3A_413 = tpu.vector_load %arg9[%get3A_411, %get3A_412] {strides = array<i32>} : memref<8x768xf32, #tpu.memory_space<vmem>>, vector<1x16xf32>,
        %get3A_414 = vector.shape_cast %get3A_413 : vector<1x16xf32> to vector<16xf32>
        %add3A_415 = arith.constant 72 : i32
        %add3A_416 = arith.addi %add3A_415, %scan3A_90 : i32
        %get3A_417 = arith.index_cast %add3A_416 : i32 to index
        %get3A_418 = arith.constant 256 : index
        %get3A_419 = tpu.vector_load %arg7[%get3A_417, %get3A_418] {strides = array<i32>} : memref<77x768xf32, #tpu.memory_space<vmem>>, vector<1x16xf32>,
        %get3A_420 = vector.shape_cast %get3A_419 : vector<1x16xf32> to vector<16xf32>
        %add3A_421 = arith.addf %get3A_414, %get3A_420 : vector<16xf32>
        %add3A_422 = arith.constant 72 : i32
        %add3A_423 = arith.addi %add3A_422, %scan3A_90 : i32
        %swap3A_424 = arith.index_cast %add3A_423 : i32 to index
        %swap3A_425 = arith.constant 256 : index
        %swap3A_426 = tpu.vector_load %arg8[%swap3A_424, %swap3A_425] {strides = array<i32>} : memref<77x768xf32, #tpu.memory_space<vmem>>, vector<1x16xf32>,
        %swap3A_427 = vector.shape_cast %swap3A_426 : vector<1x16xf32> to vector<16xf32>
        %swap3A_428 = vector.shape_cast %add3A_421 : vector<16xf32> to vector<1x16xf32>
        tpu.vector_store %arg8[%swap3A_424, %swap3A_425], %swap3A_428 {strides = array<i32>} : memref<77x768xf32, #tpu.memory_space<vmem>>, vector<1x16xf32>,
        %add3A_429 = arith.constant 3 : i32
        %add3A_430 = arith.addi %add3A_429, %scan3A_90 : i32
        %get3A_431 = arith.index_cast %add3A_430 : i32 to index
        %get3A_432 = arith.constant 272 : index
        %get3A_433 = tpu.vector_load %arg9[%get3A_431, %get3A_432] {strides = array<i32>} : memref<8x768xf32, #tpu.memory_space<vmem>>, vector<1x16xf32>,
        %get3A_434 = vector.shape_cast %get3A_433 : vector<1x16xf32> to vector<16xf32>
        %add3A_435 = arith.constant 72 : i32
        %add3A_436 = arith.addi %add3A_435, %scan3A_90 : i32
        %get3A_437 = arith.index_cast %add3A_436 : i32 to index
        %get3A_438 = arith.constant 272 : index
        %get3A_439 = tpu.vector_load %arg7[%get3A_437, %get3A_438] {strides = array<i32>} : memref<77x768xf32, #tpu.memory_space<vmem>>, vector<1x16xf32>,
        %get3A_440 = vector.shape_cast %get3A_439 : vector<1x16xf32> to vector<16xf32>
        %add3A_441 = arith.addf %get3A_434, %get3A_440 : vector<16xf32>
        %add3A_442 = arith.constant 72 : i32
        %add3A_443 = arith.addi %add3A_442, %scan3A_90 : i32
        %swap3A_444 = arith.index_cast %add3A_443 : i32 to index
        %swap3A_445 = arith.constant 272 : index
        %swap3A_446 = tpu.vector_load %arg8[%swap3A_444, %swap3A_445] {strides = array<i32>} : memref<77x768xf32, #tpu.memory_space<vmem>>, vector<1x16xf32>,
        %swap3A_447 = vector.shape_cast %swap3A_446 : vector<1x16xf32> to vector<16xf32>
        %swap3A_448 = vector.shape_cast %add3A_441 : vector<16xf32> to vector<1x16xf32>
        tpu.vector_store %arg8[%swap3A_444, %swap3A_445], %swap3A_448 {strides = array<i32>} : memref<77x768xf32, #tpu.memory_space<vmem>>, vector<1x16xf32>,
        %add3A_449 = arith.constant 3 : i32
        %add3A_450 = arith.addi %add3A_449, %scan3A_90 : i32
        %get3A_451 = arith.index_cast %add3A_450 : i32 to index
        %get3A_452 = arith.constant 288 : index
        %get3A_453 = tpu.vector_load %arg9[%get3A_451, %get3A_452] {strides = array<i32>} : memref<8x768xf32, #tpu.memory_space<vmem>>, vector<1x16xf32>,
        %get3A_454 = vector.shape_cast %get3A_453 : vector<1x16xf32> to vector<16xf32>
        %add3A_455 = arith.constant 72 : i32
        %add3A_456 = arith.addi %add3A_455, %scan3A_90 : i32
        %get3A_457 = arith.index_cast %add3A_456 : i32 to index
        %get3A_458 = arith.constant 288 : index
        %get3A_459 = tpu.vector_load %arg7[%get3A_457, %get3A_458] {strides = array<i32>} : memref<77x768xf32, #tpu.memory_space<vmem>>, vector<1x16xf32>,
        %get3A_460 = vector.shape_cast %get3A_459 : vector<1x16xf32> to vector<16xf32>
        %add3A_461 = arith.addf %get3A_454, %get3A_460 : vector<16xf32>
        %add3A_462 = arith.constant 72 : i32
        %add3A_463 = arith.addi %add3A_462, %scan3A_90 : i32
        %swap3A_464 = arith.index_cast %add3A_463 : i32 to index
        %swap3A_465 = arith.constant 288 : index
        %swap3A_466 = tpu.vector_load %arg8[%swap3A_464, %swap3A_465] {strides = array<i32>} : memref<77x768xf32, #tpu.memory_space<vmem>>, vector<1x16xf32>,
        %swap3A_467 = vector.shape_cast %swap3A_466 : vector<1x16xf32> to vector<16xf32>
        %swap3A_468 = vector.shape_cast %add3A_461 : vector<16xf32> to vector<1x16xf32>
        tpu.vector_store %arg8[%swap3A_464, %swap3A_465], %swap3A_468 {strides = array<i32>} : memref<77x768xf32, #tpu.memory_space<vmem>>, vector<1x16xf32>,
        %add3A_469 = arith.constant 3 : i32
        %add3A_470 = arith.addi %add3A_469, %scan3A_90 : i32
        %get3A_471 = arith.index_cast %add3A_470 : i32 to index
        %get3A_472 = arith.constant 304 : index
        %get3A_473 = tpu.vector_load %arg9[%get3A_471, %get3A_472] {strides = array<i32>} : memref<8x768xf32, #tpu.memory_space<vmem>>, vector<1x16xf32>,
        %get3A_474 = vector.shape_cast %get3A_473 : vector<1x16xf32> to vector<16xf32>
        %add3A_475 = arith.constant 72 : i32
        %add3A_476 = arith.addi %add3A_475, %scan3A_90 : i32
        %get3A_477 = arith.index_cast %add3A_476 : i32 to index
        %get3A_478 = arith.constant 304 : index
        %get3A_479 = tpu.vector_load %arg7[%get3A_477, %get3A_478] {strides = array<i32>} : memref<77x768xf32, #tpu.memory_space<vmem>>, vector<1x16xf32>,
        %get3A_480 = vector.shape_cast %get3A_479 : vector<1x16xf32> to vector<16xf32>
        %add3A_481 = arith.addf %get3A_474, %get3A_480 : vector<16xf32>
        %add3A_482 = arith.constant 72 : i32
        %add3A_483 = arith.addi %add3A_482, %scan3A_90 : i32
        %swap3A_484 = arith.index_cast %add3A_483 : i32 to index
        %swap3A_485 = arith.constant 304 : index
        %swap3A_486 = tpu.vector_load %arg8[%swap3A_484, %swap3A_485] {strides = array<i32>} : memref<77x768xf32, #tpu.memory_space<vmem>>, vector<1x16xf32>,
        %swap3A_487 = vector.shape_cast %swap3A_486 : vector<1x16xf32> to vector<16xf32>
        %swap3A_488 = vector.shape_cast %add3A_481 : vector<16xf32> to vector<1x16xf32>
        tpu.vector_store %arg8[%swap3A_484, %swap3A_485], %swap3A_488 {strides = array<i32>} : memref<77x768xf32, #tpu.memory_space<vmem>>, vector<1x16xf32>,
        %add3A_489 = arith.constant 3 : i32
        %add3A_490 = arith.addi %add3A_489, %scan3A_90 : i32
        %get3A_491 = arith.index_cast %add3A_490 : i32 to index
        %get3A_492 = arith.constant 320 : index
        %get3A_493 = tpu.vector_load %arg9[%get3A_491, %get3A_492] {strides = array<i32>} : memref<8x768xf32, #tpu.memory_space<vmem>>, vector<1x16xf32>,
        %get3A_494 = vector.shape_cast %get3A_493 : vector<1x16xf32> to vector<16xf32>
        %add3A_495 = arith.constant 72 : i32
        %add3A_496 = arith.addi %add3A_495, %scan3A_90 : i32
        %get3A_497 = arith.index_cast %add3A_496 : i32 to index
        %get3A_498 = arith.constant 320 : index
        %get3A_499 = tpu.vector_load %arg7[%get3A_497, %get3A_498] {strides = array<i32>} : memref<77x768xf32, #tpu.memory_space<vmem>>, vector<1x16xf32>,
        %get3A_500 = vector.shape_cast %get3A_499 : vector<1x16xf32> to vector<16xf32>
        %add3A_501 = arith.addf %get3A_494, %get3A_500 : vector<16xf32>
        %add3A_502 = arith.constant 72 : i32
        %add3A_503 = arith.addi %add3A_502, %scan3A_90 : i32
        %swap3A_504 = arith.index_cast %add3A_503 : i32 to index
        %swap3A_505 = arith.constant 320 : index
        %swap3A_506 = tpu.vector_load %arg8[%swap3A_504, %swap3A_505] {strides = array<i32>} : memref<77x768xf32, #tpu.memory_space<vmem>>, vector<1x16xf32>,
        %swap3A_507 = vector.shape_cast %swap3A_506 : vector<1x16xf32> to vector<16xf32>
        %swap3A_508 = vector.shape_cast %add3A_501 : vector<16xf32> to vector<1x16xf32>
        tpu.vector_store %arg8[%swap3A_504, %swap3A_505], %swap3A_508 {strides = array<i32>} : memref<77x768xf32, #tpu.memory_space<vmem>>, vector<1x16xf32>,
        %add3A_509 = arith.constant 3 : i32
        %add3A_510 = arith.addi %add3A_509, %scan3A_90 : i32
        %get3A_511 = arith.index_cast %add3A_510 : i32 to index
        %get3A_512 = arith.constant 336 : index
        %get3A_513 = tpu.vector_load %arg9[%get3A_511, %get3A_512] {strides = array<i32>} : memref<8x768xf32, #tpu.memory_space<vmem>>, vector<1x16xf32>,
        %get3A_514 = vector.shape_cast %get3A_513 : vector<1x16xf32> to vector<16xf32>
        %add3A_515 = arith.constant 72 : i32
        %add3A_516 = arith.addi %add3A_515, %scan3A_90 : i32
        %get3A_517 = arith.index_cast %add3A_516 : i32 to index
        %get3A_518 = arith.constant 336 : index
        %get3A_519 = tpu.vector_load %arg7[%get3A_517, %get3A_518] {strides = array<i32>} : memref<77x768xf32, #tpu.memory_space<vmem>>, vector<1x16xf32>,
        %get3A_520 = vector.shape_cast %get3A_519 : vector<1x16xf32> to vector<16xf32>
        %add3A_521 = arith.addf %get3A_514, %get3A_520 : vector<16xf32>
        %add3A_522 = arith.constant 72 : i32
        %add3A_523 = arith.addi %add3A_522, %scan3A_90 : i32
        %swap3A_524 = arith.index_cast %add3A_523 : i32 to index
        %swap3A_525 = arith.constant 336 : index
        %swap3A_526 = tpu.vector_load %arg8[%swap3A_524, %swap3A_525] {strides = array<i32>} : memref<77x768xf32, #tpu.memory_space<vmem>>, vector<1x16xf32>,
        %swap3A_527 = vector.shape_cast %swap3A_526 : vector<1x16xf32> to vector<16xf32>
        %swap3A_528 = vector.shape_cast %add3A_521 : vector<16xf32> to vector<1x16xf32>
        tpu.vector_store %arg8[%swap3A_524, %swap3A_525], %swap3A_528 {strides = array<i32>} : memref<77x768xf32, #tpu.memory_space<vmem>>, vector<1x16xf32>,
        %add3A_529 = arith.constant 3 : i32
        %add3A_530 = arith.addi %add3A_529, %scan3A_90 : i32
        %get3A_531 = arith.index_cast %add3A_530 : i32 to index
        %get3A_532 = arith.constant 352 : index
        %get3A_533 = tpu.vector_load %arg9[%get3A_531, %get3A_532] {strides = array<i32>} : memref<8x768xf32, #tpu.memory_space<vmem>>, vector<1x16xf32>,
        %get3A_534 = vector.shape_cast %get3A_533 : vector<1x16xf32> to vector<16xf32>
        %add3A_535 = arith.constant 72 : i32
        %add3A_536 = arith.addi %add3A_535, %scan3A_90 : i32
        %get3A_537 = arith.index_cast %add3A_536 : i32 to index
        %get3A_538 = arith.constant 352 : index
        %get3A_539 = tpu.vector_load %arg7[%get3A_537, %get3A_538] {strides = array<i32>} : memref<77x768xf32, #tpu.memory_space<vmem>>, vector<1x16xf32>,
        %get3A_540 = vector.shape_cast %get3A_539 : vector<1x16xf32> to vector<16xf32>
        %add3A_541 = arith.addf %get3A_534, %get3A_540 : vector<16xf32>
        %add3A_542 = arith.constant 72 : i32
        %add3A_543 = arith.addi %add3A_542, %scan3A_90 : i32
        %swap3A_544 = arith.index_cast %add3A_543 : i32 to index
        %swap3A_545 = arith.constant 352 : index
        %swap3A_546 = tpu.vector_load %arg8[%swap3A_544, %swap3A_545] {strides = array<i32>} : memref<77x768xf32, #tpu.memory_space<vmem>>, vector<1x16xf32>,
        %swap3A_547 = vector.shape_cast %swap3A_546 : vector<1x16xf32> to vector<16xf32>
        %swap3A_548 = vector.shape_cast %add3A_541 : vector<16xf32> to vector<1x16xf32>
        tpu.vector_store %arg8[%swap3A_544, %swap3A_545], %swap3A_548 {strides = array<i32>} : memref<77x768xf32, #tpu.memory_space<vmem>>, vector<1x16xf32>,
        %add3A_549 = arith.constant 3 : i32
        %add3A_550 = arith.addi %add3A_549, %scan3A_90 : i32
        %get3A_551 = arith.index_cast %add3A_550 : i32 to index
        %get3A_552 = arith.constant 368 : index
        %get3A_553 = tpu.vector_load %arg9[%get3A_551, %get3A_552] {strides = array<i32>} : memref<8x768xf32, #tpu.memory_space<vmem>>, vector<1x16xf32>,
        %get3A_554 = vector.shape_cast %get3A_553 : vector<1x16xf32> to vector<16xf32>
        %add3A_555 = arith.constant 72 : i32
        %add3A_556 = arith.addi %add3A_555, %scan3A_90 : i32
        %get3A_557 = arith.index_cast %add3A_556 : i32 to index
        %get3A_558 = arith.constant 368 : index
        %get3A_559 = tpu.vector_load %arg7[%get3A_557, %get3A_558] {strides = array<i32>} : memref<77x768xf32, #tpu.memory_space<vmem>>, vector<1x16xf32>,
        %get3A_560 = vector.shape_cast %get3A_559 : vector<1x16xf32> to vector<16xf32>
        %add3A_561 = arith.addf %get3A_554, %get3A_560 : vector<16xf32>
        %add3A_562 = arith.constant 72 : i32
        %add3A_563 = arith.addi %add3A_562, %scan3A_90 : i32
        %swap3A_564 = arith.index_cast %add3A_563 : i32 to index
        %swap3A_565 = arith.constant 368 : index
        %swap3A_566 = tpu.vector_load %arg8[%swap3A_564, %swap3A_565] {strides = array<i32>} : memref<77x768xf32, #tpu.memory_space<vmem>>, vector<1x16xf32>,
        %swap3A_567 = vector.shape_cast %swap3A_566 : vector<1x16xf32> to vector<16xf32>
        %swap3A_568 = vector.shape_cast %add3A_561 : vector<16xf32> to vector<1x16xf32>
        tpu.vector_store %arg8[%swap3A_564, %swap3A_565], %swap3A_568 {strides = array<i32>} : memref<77x768xf32, #tpu.memory_space<vmem>>, vector<1x16xf32>,
        %add3A_569 = arith.constant 3 : i32
        %add3A_570 = arith.addi %add3A_569, %scan3A_90 : i32
        %get3A_571 = arith.index_cast %add3A_570 : i32 to index
        %get3A_572 = arith.constant 384 : index
        %get3A_573 = tpu.vector_load %arg9[%get3A_571, %get3A_572] {strides = array<i32>} : memref<8x768xf32, #tpu.memory_space<vmem>>, vector<1x16xf32>,
        %get3A_574 = vector.shape_cast %get3A_573 : vector<1x16xf32> to vector<16xf32>
        %add3A_575 = arith.constant 72 : i32
        %add3A_576 = arith.addi %add3A_575, %scan3A_90 : i32
        %get3A_577 = arith.index_cast %add3A_576 : i32 to index
        %get3A_578 = arith.constant 384 : index
        %get3A_579 = tpu.vector_load %arg7[%get3A_577, %get3A_578] {strides = array<i32>} : memref<77x768xf32, #tpu.memory_space<vmem>>, vector<1x16xf32>,
        %get3A_580 = vector.shape_cast %get3A_579 : vector<1x16xf32> to vector<16xf32>
        %add3A_581 = arith.addf %get3A_574, %get3A_580 : vector<16xf32>
        %add3A_582 = arith.constant 72 : i32
        %add3A_583 = arith.addi %add3A_582, %scan3A_90 : i32
        %swap3A_584 = arith.index_cast %add3A_583 : i32 to index
        %swap3A_585 = arith.constant 384 : index
        %swap3A_586 = tpu.vector_load %arg8[%swap3A_584, %swap3A_585] {strides = array<i32>} : memref<77x768xf32, #tpu.memory_space<vmem>>, vector<1x16xf32>,
        %swap3A_587 = vector.shape_cast %swap3A_586 : vector<1x16xf32> to vector<16xf32>
        %swap3A_588 = vector.shape_cast %add3A_581 : vector<16xf32> to vector<1x16xf32>
        tpu.vector_store %arg8[%swap3A_584, %swap3A_585], %swap3A_588 {strides = array<i32>} : memref<77x768xf32, #tpu.memory_space<vmem>>, vector<1x16xf32>,
        %add3A_589 = arith.constant 3 : i32
        %add3A_590 = arith.addi %add3A_589, %scan3A_90 : i32
        %get3A_591 = arith.index_cast %add3A_590 : i32 to index
        %get3A_592 = arith.constant 400 : index
        %get3A_593 = tpu.vector_load %arg9[%get3A_591, %get3A_592] {strides = array<i32>} : memref<8x768xf32, #tpu.memory_space<vmem>>, vector<1x16xf32>,
        %get3A_594 = vector.shape_cast %get3A_593 : vector<1x16xf32> to vector<16xf32>
        %add3A_595 = arith.constant 72 : i32
        %add3A_596 = arith.addi %add3A_595, %scan3A_90 : i32
        %get3A_597 = arith.index_cast %add3A_596 : i32 to index
        %get3A_598 = arith.constant 400 : index
        %get3A_599 = tpu.vector_load %arg7[%get3A_597, %get3A_598] {strides = array<i32>} : memref<77x768xf32, #tpu.memory_space<vmem>>, vector<1x16xf32>,
        %get3A_600 = vector.shape_cast %get3A_599 : vector<1x16xf32> to vector<16xf32>
        %add3A_601 = arith.addf %get3A_594, %get3A_600 : vector<16xf32>
        %add3A_602 = arith.constant 72 : i32
        %add3A_603 = arith.addi %add3A_602, %scan3A_90 : i32
        %swap3A_604 = arith.index_cast %add3A_603 : i32 to index
        %swap3A_605 = arith.constant 400 : index
        %swap3A_606 = tpu.vector_load %arg8[%swap3A_604, %swap3A_605] {strides = array<i32>} : memref<77x768xf32, #tpu.memory_space<vmem>>, vector<1x16xf32>,
        %swap3A_607 = vector.shape_cast %swap3A_606 : vector<1x16xf32> to vector<16xf32>
        %swap3A_608 = vector.shape_cast %add3A_601 : vector<16xf32> to vector<1x16xf32>
        tpu.vector_store %arg8[%swap3A_604, %swap3A_605], %swap3A_608 {strides = array<i32>} : memref<77x768xf32, #tpu.memory_space<vmem>>, vector<1x16xf32>,
        %add3A_609 = arith.constant 3 : i32
        %add3A_610 = arith.addi %add3A_609, %scan3A_90 : i32
        %get3A_611 = arith.index_cast %add3A_610 : i32 to index
        %get3A_612 = arith.constant 416 : index
        %get3A_613 = tpu.vector_load %arg9[%get3A_611, %get3A_612] {strides = array<i32>} : memref<8x768xf32, #tpu.memory_space<vmem>>, vector<1x16xf32>,
        %get3A_614 = vector.shape_cast %get3A_613 : vector<1x16xf32> to vector<16xf32>
        %add3A_615 = arith.constant 72 : i32
        %add3A_616 = arith.addi %add3A_615, %scan3A_90 : i32
        %get3A_617 = arith.index_cast %add3A_616 : i32 to index
        %get3A_618 = arith.constant 416 : index
        %get3A_619 = tpu.vector_load %arg7[%get3A_617, %get3A_618] {strides = array<i32>} : memref<77x768xf32, #tpu.memory_space<vmem>>, vector<1x16xf32>,
        %get3A_620 = vector.shape_cast %get3A_619 : vector<1x16xf32> to vector<16xf32>
        %add3A_621 = arith.addf %get3A_614, %get3A_620 : vector<16xf32>
        %add3A_622 = arith.constant 72 : i32
        %add3A_623 = arith.addi %add3A_622, %scan3A_90 : i32
        %swap3A_624 = arith.index_cast %add3A_623 : i32 to index
        %swap3A_625 = arith.constant 416 : index
        %swap3A_626 = tpu.vector_load %arg8[%swap3A_624, %swap3A_625] {strides = array<i32>} : memref<77x768xf32, #tpu.memory_space<vmem>>, vector<1x16xf32>,
        %swap3A_627 = vector.shape_cast %swap3A_626 : vector<1x16xf32> to vector<16xf32>
        %swap3A_628 = vector.shape_cast %add3A_621 : vector<16xf32> to vector<1x16xf32>
        tpu.vector_store %arg8[%swap3A_624, %swap3A_625], %swap3A_628 {strides = array<i32>} : memref<77x768xf32, #tpu.memory_space<vmem>>, vector<1x16xf32>,
        %add3A_629 = arith.constant 3 : i32
        %add3A_630 = arith.addi %add3A_629, %scan3A_90 : i32
        %get3A_631 = arith.index_cast %add3A_630 : i32 to index
        %get3A_632 = arith.constant 432 : index
        %get3A_633 = tpu.vector_load %arg9[%get3A_631, %get3A_632] {strides = array<i32>} : memref<8x768xf32, #tpu.memory_space<vmem>>, vector<1x16xf32>,
        %get3A_634 = vector.shape_cast %get3A_633 : vector<1x16xf32> to vector<16xf32>
        %add3A_635 = arith.constant 72 : i32
        %add3A_636 = arith.addi %add3A_635, %scan3A_90 : i32
        %get3A_637 = arith.index_cast %add3A_636 : i32 to index
        %get3A_638 = arith.constant 432 : index
        %get3A_639 = tpu.vector_load %arg7[%get3A_637, %get3A_638] {strides = array<i32>} : memref<77x768xf32, #tpu.memory_space<vmem>>, vector<1x16xf32>,
        %get3A_640 = vector.shape_cast %get3A_639 : vector<1x16xf32> to vector<16xf32>
        %add3A_641 = arith.addf %get3A_634, %get3A_640 : vector<16xf32>
        %add3A_642 = arith.constant 72 : i32
        %add3A_643 = arith.addi %add3A_642, %scan3A_90 : i32
        %swap3A_644 = arith.index_cast %add3A_643 : i32 to index
        %swap3A_645 = arith.constant 432 : index
        %swap3A_646 = tpu.vector_load %arg8[%swap3A_644, %swap3A_645] {strides = array<i32>} : memref<77x768xf32, #tpu.memory_space<vmem>>, vector<1x16xf32>,
        %swap3A_647 = vector.shape_cast %swap3A_646 : vector<1x16xf32> to vector<16xf32>
        %swap3A_648 = vector.shape_cast %add3A_641 : vector<16xf32> to vector<1x16xf32>
        tpu.vector_store %arg8[%swap3A_644, %swap3A_645], %swap3A_648 {strides = array<i32>} : memref<77x768xf32, #tpu.memory_space<vmem>>, vector<1x16xf32>,
        %add3A_649 = arith.constant 3 : i32
        %add3A_650 = arith.addi %add3A_649, %scan3A_90 : i32
        %get3A_651 = arith.index_cast %add3A_650 : i32 to index
        %get3A_652 = arith.constant 448 : index
        %get3A_653 = tpu.vector_load %arg9[%get3A_651, %get3A_652] {strides = array<i32>} : memref<8x768xf32, #tpu.memory_space<vmem>>, vector<1x16xf32>,
        %get3A_654 = vector.shape_cast %get3A_653 : vector<1x16xf32> to vector<16xf32>
        %add3A_655 = arith.constant 72 : i32
        %add3A_656 = arith.addi %add3A_655, %scan3A_90 : i32
        %get3A_657 = arith.index_cast %add3A_656 : i32 to index
        %get3A_658 = arith.constant 448 : index
        %get3A_659 = tpu.vector_load %arg7[%get3A_657, %get3A_658] {strides = array<i32>} : memref<77x768xf32, #tpu.memory_space<vmem>>, vector<1x16xf32>,
        %get3A_660 = vector.shape_cast %get3A_659 : vector<1x16xf32> to vector<16xf32>
        %add3A_661 = arith.addf %get3A_654, %get3A_660 : vector<16xf32>
        %add3A_662 = arith.constant 72 : i32
        %add3A_663 = arith.addi %add3A_662, %scan3A_90 : i32
        %swap3A_664 = arith.index_cast %add3A_663 : i32 to index
        %swap3A_665 = arith.constant 448 : index
        %swap3A_666 = tpu.vector_load %arg8[%swap3A_664, %swap3A_665] {strides = array<i32>} : memref<77x768xf32, #tpu.memory_space<vmem>>, vector<1x16xf32>,
        %swap3A_667 = vector.shape_cast %swap3A_666 : vector<1x16xf32> to vector<16xf32>
        %swap3A_668 = vector.shape_cast %add3A_661 : vector<16xf32> to vector<1x16xf32>
        tpu.vector_store %arg8[%swap3A_664, %swap3A_665], %swap3A_668 {strides = array<i32>} : memref<77x768xf32, #tpu.memory_space<vmem>>, vector<1x16xf32>,
        %add3A_669 = arith.constant 3 : i32
        %add3A_670 = arith.addi %add3A_669, %scan3A_90 : i32
        %get3A_671 = arith.index_cast %add3A_670 : i32 to index
        %get3A_672 = arith.constant 464 : index
        %get3A_673 = tpu.vector_load %arg9[%get3A_671, %get3A_672] {strides = array<i32>} : memref<8x768xf32, #tpu.memory_space<vmem>>, vector<1x16xf32>,
        %get3A_674 = vector.shape_cast %get3A_673 : vector<1x16xf32> to vector<16xf32>
        %add3A_675 = arith.constant 72 : i32
        %add3A_676 = arith.addi %add3A_675, %scan3A_90 : i32
        %get3A_677 = arith.index_cast %add3A_676 : i32 to index
        %get3A_678 = arith.constant 464 : index
        %get3A_679 = tpu.vector_load %arg7[%get3A_677, %get3A_678] {strides = array<i32>} : memref<77x768xf32, #tpu.memory_space<vmem>>, vector<1x16xf32>,
        %get3A_680 = vector.shape_cast %get3A_679 : vector<1x16xf32> to vector<16xf32>
        %add3A_681 = arith.addf %get3A_674, %get3A_680 : vector<16xf32>
        %add3A_682 = arith.constant 72 : i32
        %add3A_683 = arith.addi %add3A_682, %scan3A_90 : i32
        %swap3A_684 = arith.index_cast %add3A_683 : i32 to index
        %swap3A_685 = arith.constant 464 : index
        %swap3A_686 = tpu.vector_load %arg8[%swap3A_684, %swap3A_685] {strides = array<i32>} : memref<77x768xf32, #tpu.memory_space<vmem>>, vector<1x16xf32>,
        %swap3A_687 = vector.shape_cast %swap3A_686 : vector<1x16xf32> to vector<16xf32>
        %swap3A_688 = vector.shape_cast %add3A_681 : vector<16xf32> to vector<1x16xf32>
        tpu.vector_store %arg8[%swap3A_684, %swap3A_685], %swap3A_688 {strides = array<i32>} : memref<77x768xf32, #tpu.memory_space<vmem>>, vector<1x16xf32>,
        %add3A_689 = arith.constant 3 : i32
        %add3A_690 = arith.addi %add3A_689, %scan3A_90 : i32
        %get3A_691 = arith.index_cast %add3A_690 : i32 to index
        %get3A_692 = arith.constant 480 : index
        %get3A_693 = tpu.vector_load %arg9[%get3A_691, %get3A_692] {strides = array<i32>} : memref<8x768xf32, #tpu.memory_space<vmem>>, vector<1x16xf32>,
        %get3A_694 = vector.shape_cast %get3A_693 : vector<1x16xf32> to vector<16xf32>
        %add3A_695 = arith.constant 72 : i32
        %add3A_696 = arith.addi %add3A_695, %scan3A_90 : i32
        %get3A_697 = arith.index_cast %add3A_696 : i32 to index
        %get3A_698 = arith.constant 480 : index
        %get3A_699 = tpu.vector_load %arg7[%get3A_697, %get3A_698] {strides = array<i32>} : memref<77x768xf32, #tpu.memory_space<vmem>>, vector<1x16xf32>,
        %get3A_700 = vector.shape_cast %get3A_699 : vector<1x16xf32> to vector<16xf32>
        %add3A_701 = arith.addf %get3A_694, %get3A_700 : vector<16xf32>
        %add3A_702 = arith.constant 72 : i32
        %add3A_703 = arith.addi %add3A_702, %scan3A_90 : i32
        %swap3A_704 = arith.index_cast %add3A_703 : i32 to index
        %swap3A_705 = arith.constant 480 : index
        %swap3A_706 = tpu.vector_load %arg8[%swap3A_704, %swap3A_705] {strides = array<i32>} : memref<77x768xf32, #tpu.memory_space<vmem>>, vector<1x16xf32>,
        %swap3A_707 = vector.shape_cast %swap3A_706 : vector<1x16xf32> to vector<16xf32>
        %swap3A_708 = vector.shape_cast %add3A_701 : vector<16xf32> to vector<1x16xf32>
        tpu.vector_store %arg8[%swap3A_704, %swap3A_705], %swap3A_708 {strides = array<i32>} : memref<77x768xf32, #tpu.memory_space<vmem>>, vector<1x16xf32>,
        %add3A_709 = arith.constant 3 : i32
        %add3A_710 = arith.addi %add3A_709, %scan3A_90 : i32
        %get3A_711 = arith.index_cast %add3A_710 : i32 to index
        %get3A_712 = arith.constant 496 : index
        %get3A_713 = tpu.vector_load %arg9[%get3A_711, %get3A_712] {strides = array<i32>} : memref<8x768xf32, #tpu.memory_space<vmem>>, vector<1x16xf32>,
        %get3A_714 = vector.shape_cast %get3A_713 : vector<1x16xf32> to vector<16xf32>
        %add3A_715 = arith.constant 72 : i32
        %add3A_716 = arith.addi %add3A_715, %scan3A_90 : i32
        %get3A_717 = arith.index_cast %add3A_716 : i32 to index
        %get3A_718 = arith.constant 496 : index
        %get3A_719 = tpu.vector_load %arg7[%get3A_717, %get3A_718] {strides = array<i32>} : memref<77x768xf32, #tpu.memory_space<vmem>>, vector<1x16xf32>,
        %get3A_720 = vector.shape_cast %get3A_719 : vector<1x16xf32> to vector<16xf32>
        %add3A_721 = arith.addf %get3A_714, %get3A_720 : vector<16xf32>
        %add3A_722 = arith.constant 72 : i32
        %add3A_723 = arith.addi %add3A_722, %scan3A_90 : i32
        %swap3A_724 = arith.index_cast %add3A_723 : i32 to index
        %swap3A_725 = arith.constant 496 : index
        %swap3A_726 = tpu.vector_load %arg8[%swap3A_724, %swap3A_725] {strides = array<i32>} : memref<77x768xf32, #tpu.memory_space<vmem>>, vector<1x16xf32>,
        %swap3A_727 = vector.shape_cast %swap3A_726 : vector<1x16xf32> to vector<16xf32>
        %swap3A_728 = vector.shape_cast %add3A_721 : vector<16xf32> to vector<1x16xf32>
        tpu.vector_store %arg8[%swap3A_724, %swap3A_725], %swap3A_728 {strides = array<i32>} : memref<77x768xf32, #tpu.memory_space<vmem>>, vector<1x16xf32>,
        %add3A_729 = arith.constant 3 : i32
        %add3A_730 = arith.addi %add3A_729, %scan3A_90 : i32
        %get3A_731 = arith.index_cast %add3A_730 : i32 to index
        %get3A_732 = arith.constant 512 : index
        %get3A_733 = tpu.vector_load %arg9[%get3A_731, %get3A_732] {strides = array<i32>} : memref<8x768xf32, #tpu.memory_space<vmem>>, vector<1x16xf32>,
        %get3A_734 = vector.shape_cast %get3A_733 : vector<1x16xf32> to vector<16xf32>
        %add3A_735 = arith.constant 72 : i32
        %add3A_736 = arith.addi %add3A_735, %scan3A_90 : i32
        %get3A_737 = arith.index_cast %add3A_736 : i32 to index
        %get3A_738 = arith.constant 512 : index
        %get3A_739 = tpu.vector_load %arg7[%get3A_737, %get3A_738] {strides = array<i32>} : memref<77x768xf32, #tpu.memory_space<vmem>>, vector<1x16xf32>,
        %get3A_740 = vector.shape_cast %get3A_739 : vector<1x16xf32> to vector<16xf32>
        %add3A_741 = arith.addf %get3A_734, %get3A_740 : vector<16xf32>
        %add3A_742 = arith.constant 72 : i32
        %add3A_743 = arith.addi %add3A_742, %scan3A_90 : i32
        %swap3A_744 = arith.index_cast %add3A_743 : i32 to index
        %swap3A_745 = arith.constant 512 : index
        %swap3A_746 = tpu.vector_load %arg8[%swap3A_744, %swap3A_745] {strides = array<i32>} : memref<77x768xf32, #tpu.memory_space<vmem>>, vector<1x16xf32>,
        %swap3A_747 = vector.shape_cast %swap3A_746 : vector<1x16xf32> to vector<16xf32>
        %swap3A_748 = vector.shape_cast %add3A_741 : vector<16xf32> to vector<1x16xf32>
        tpu.vector_store %arg8[%swap3A_744, %swap3A_745], %swap3A_748 {strides = array<i32>} : memref<77x768xf32, #tpu.memory_space<vmem>>, vector<1x16xf32>,
        %add3A_749 = arith.constant 3 : i32
        %add3A_750 = arith.addi %add3A_749, %scan3A_90 : i32
        %get3A_751 = arith.index_cast %add3A_750 : i32 to index
        %get3A_752 = arith.constant 528 : index
        %get3A_753 = tpu.vector_load %arg9[%get3A_751, %get3A_752] {strides = array<i32>} : memref<8x768xf32, #tpu.memory_space<vmem>>, vector<1x16xf32>,
        %get3A_754 = vector.shape_cast %get3A_753 : vector<1x16xf32> to vector<16xf32>
        %add3A_755 = arith.constant 72 : i32
        %add3A_756 = arith.addi %add3A_755, %scan3A_90 : i32
        %get3A_757 = arith.index_cast %add3A_756 : i32 to index
        %get3A_758 = arith.constant 528 : index
        %get3A_759 = tpu.vector_load %arg7[%get3A_757, %get3A_758] {strides = array<i32>} : memref<77x768xf32, #tpu.memory_space<vmem>>, vector<1x16xf32>,
        %get3A_760 = vector.shape_cast %get3A_759 : vector<1x16xf32> to vector<16xf32>
        %add3A_761 = arith.addf %get3A_754, %get3A_760 : vector<16xf32>
        %add3A_762 = arith.constant 72 : i32
        %add3A_763 = arith.addi %add3A_762, %scan3A_90 : i32
        %swap3A_764 = arith.index_cast %add3A_763 : i32 to index
        %swap3A_765 = arith.constant 528 : index
        %swap3A_766 = tpu.vector_load %arg8[%swap3A_764, %swap3A_765] {strides = array<i32>} : memref<77x768xf32, #tpu.memory_space<vmem>>, vector<1x16xf32>,
        %swap3A_767 = vector.shape_cast %swap3A_766 : vector<1x16xf32> to vector<16xf32>
        %swap3A_768 = vector.shape_cast %add3A_761 : vector<16xf32> to vector<1x16xf32>
        tpu.vector_store %arg8[%swap3A_764, %swap3A_765], %swap3A_768 {strides = array<i32>} : memref<77x768xf32, #tpu.memory_space<vmem>>, vector<1x16xf32>,
        %add3A_769 = arith.constant 3 : i32
        %add3A_770 = arith.addi %add3A_769, %scan3A_90 : i32
        %get3A_771 = arith.index_cast %add3A_770 : i32 to index
        %get3A_772 = arith.constant 544 : index
        %get3A_773 = tpu.vector_load %arg9[%get3A_771, %get3A_772] {strides = array<i32>} : memref<8x768xf32, #tpu.memory_space<vmem>>, vector<1x16xf32>,
        %get3A_774 = vector.shape_cast %get3A_773 : vector<1x16xf32> to vector<16xf32>
        %add3A_775 = arith.constant 72 : i32
        %add3A_776 = arith.addi %add3A_775, %scan3A_90 : i32
        %get3A_777 = arith.index_cast %add3A_776 : i32 to index
        %get3A_778 = arith.constant 544 : index
        %get3A_779 = tpu.vector_load %arg7[%get3A_777, %get3A_778] {strides = array<i32>} : memref<77x768xf32, #tpu.memory_space<vmem>>, vector<1x16xf32>,
        %get3A_780 = vector.shape_cast %get3A_779 : vector<1x16xf32> to vector<16xf32>
        %add3A_781 = arith.addf %get3A_774, %get3A_780 : vector<16xf32>
        %add3A_782 = arith.constant 72 : i32
        %add3A_783 = arith.addi %add3A_782, %scan3A_90 : i32
        %swap3A_784 = arith.index_cast %add3A_783 : i32 to index
        %swap3A_785 = arith.constant 544 : index
        %swap3A_786 = tpu.vector_load %arg8[%swap3A_784, %swap3A_785] {strides = array<i32>} : memref<77x768xf32, #tpu.memory_space<vmem>>, vector<1x16xf32>,
        %swap3A_787 = vector.shape_cast %swap3A_786 : vector<1x16xf32> to vector<16xf32>
        %swap3A_788 = vector.shape_cast %add3A_781 : vector<16xf32> to vector<1x16xf32>
        tpu.vector_store %arg8[%swap3A_784, %swap3A_785], %swap3A_788 {strides = array<i32>} : memref<77x768xf32, #tpu.memory_space<vmem>>, vector<1x16xf32>,
        %add3A_789 = arith.constant 3 : i32
        %add3A_790 = arith.addi %add3A_789, %scan3A_90 : i32
        %get3A_791 = arith.index_cast %add3A_790 : i32 to index
        %get3A_792 = arith.constant 560 : index
        %get3A_793 = tpu.vector_load %arg9[%get3A_791, %get3A_792] {strides = array<i32>} : memref<8x768xf32, #tpu.memory_space<vmem>>, vector<1x16xf32>,
        %get3A_794 = vector.shape_cast %get3A_793 : vector<1x16xf32> to vector<16xf32>
        %add3A_795 = arith.constant 72 : i32
        %add3A_796 = arith.addi %add3A_795, %scan3A_90 : i32
        %get3A_797 = arith.index_cast %add3A_796 : i32 to index
        %get3A_798 = arith.constant 560 : index
        %get3A_799 = tpu.vector_load %arg7[%get3A_797, %get3A_798] {strides = array<i32>} : memref<77x768xf32, #tpu.memory_space<vmem>>, vector<1x16xf32>,
        %get3A_800 = vector.shape_cast %get3A_799 : vector<1x16xf32> to vector<16xf32>
        %add3A_801 = arith.addf %get3A_794, %get3A_800 : vector<16xf32>
        %add3A_802 = arith.constant 72 : i32
        %add3A_803 = arith.addi %add3A_802, %scan3A_90 : i32
        %swap3A_804 = arith.index_cast %add3A_803 : i32 to index
        %swap3A_805 = arith.constant 560 : index
        %swap3A_806 = tpu.vector_load %arg8[%swap3A_804, %swap3A_805] {strides = array<i32>} : memref<77x768xf32, #tpu.memory_space<vmem>>, vector<1x16xf32>,
        %swap3A_807 = vector.shape_cast %swap3A_806 : vector<1x16xf32> to vector<16xf32>
        %swap3A_808 = vector.shape_cast %add3A_801 : vector<16xf32> to vector<1x16xf32>
        tpu.vector_store %arg8[%swap3A_804, %swap3A_805], %swap3A_808 {strides = array<i32>} : memref<77x768xf32, #tpu.memory_space<vmem>>, vector<1x16xf32>,
        %add3A_809 = arith.constant 3 : i32
        %add3A_810 = arith.addi %add3A_809, %scan3A_90 : i32
        %get3A_811 = arith.index_cast %add3A_810 : i32 to index
        %get3A_812 = arith.constant 576 : index
        %get3A_813 = tpu.vector_load %arg9[%get3A_811, %get3A_812] {strides = array<i32>} : memref<8x768xf32, #tpu.memory_space<vmem>>, vector<1x16xf32>,
        %get3A_814 = vector.shape_cast %get3A_813 : vector<1x16xf32> to vector<16xf32>
        %add3A_815 = arith.constant 72 : i32
        %add3A_816 = arith.addi %add3A_815, %scan3A_90 : i32
        %get3A_817 = arith.index_cast %add3A_816 : i32 to index
        %get3A_818 = arith.constant 576 : index
        %get3A_819 = tpu.vector_load %arg7[%get3A_817, %get3A_818] {strides = array<i32>} : memref<77x768xf32, #tpu.memory_space<vmem>>, vector<1x16xf32>,
        %get3A_820 = vector.shape_cast %get3A_819 : vector<1x16xf32> to vector<16xf32>
        %add3A_821 = arith.addf %get3A_814, %get3A_820 : vector<16xf32>
        %add3A_822 = arith.constant 72 : i32
        %add3A_823 = arith.addi %add3A_822, %scan3A_90 : i32
        %swap3A_824 = arith.index_cast %add3A_823 : i32 to index
        %swap3A_825 = arith.constant 576 : index
        %swap3A_826 = tpu.vector_load %arg8[%swap3A_824, %swap3A_825] {strides = array<i32>} : memref<77x768xf32, #tpu.memory_space<vmem>>, vector<1x16xf32>,
        %swap3A_827 = vector.shape_cast %swap3A_826 : vector<1x16xf32> to vector<16xf32>
        %swap3A_828 = vector.shape_cast %add3A_821 : vector<16xf32> to vector<1x16xf32>
        tpu.vector_store %arg8[%swap3A_824, %swap3A_825], %swap3A_828 {strides = array<i32>} : memref<77x768xf32, #tpu.memory_space<vmem>>, vector<1x16xf32>,
        %add3A_829 = arith.constant 3 : i32
        %add3A_830 = arith.addi %add3A_829, %scan3A_90 : i32
        %get3A_831 = arith.index_cast %add3A_830 : i32 to index
        %get3A_832 = arith.constant 592 : index
        %get3A_833 = tpu.vector_load %arg9[%get3A_831, %get3A_832] {strides = array<i32>} : memref<8x768xf32, #tpu.memory_space<vmem>>, vector<1x16xf32>,
        %get3A_834 = vector.shape_cast %get3A_833 : vector<1x16xf32> to vector<16xf32>
        %add3A_835 = arith.constant 72 : i32
        %add3A_836 = arith.addi %add3A_835, %scan3A_90 : i32
        %get3A_837 = arith.index_cast %add3A_836 : i32 to index
        %get3A_838 = arith.constant 592 : index
        %get3A_839 = tpu.vector_load %arg7[%get3A_837, %get3A_838] {strides = array<i32>} : memref<77x768xf32, #tpu.memory_space<vmem>>, vector<1x16xf32>,
        %get3A_840 = vector.shape_cast %get3A_839 : vector<1x16xf32> to vector<16xf32>
        %add3A_841 = arith.addf %get3A_834, %get3A_840 : vector<16xf32>
        %add3A_842 = arith.constant 72 : i32
        %add3A_843 = arith.addi %add3A_842, %scan3A_90 : i32
        %swap3A_844 = arith.index_cast %add3A_843 : i32 to index
        %swap3A_845 = arith.constant 592 : index
        %swap3A_846 = tpu.vector_load %arg8[%swap3A_844, %swap3A_845] {strides = array<i32>} : memref<77x768xf32, #tpu.memory_space<vmem>>, vector<1x16xf32>,
        %swap3A_847 = vector.shape_cast %swap3A_846 : vector<1x16xf32> to vector<16xf32>
        %swap3A_848 = vector.shape_cast %add3A_841 : vector<16xf32> to vector<1x16xf32>
        tpu.vector_store %arg8[%swap3A_844, %swap3A_845], %swap3A_848 {strides = array<i32>} : memref<77x768xf32, #tpu.memory_space<vmem>>, vector<1x16xf32>,
        %add3A_849 = arith.constant 3 : i32
        %add3A_850 = arith.addi %add3A_849, %scan3A_90 : i32
        %get3A_851 = arith.index_cast %add3A_850 : i32 to index
        %get3A_852 = arith.constant 608 : index
        %get3A_853 = tpu.vector_load %arg9[%get3A_851, %get3A_852] {strides = array<i32>} : memref<8x768xf32, #tpu.memory_space<vmem>>, vector<1x16xf32>,
        %get3A_854 = vector.shape_cast %get3A_853 : vector<1x16xf32> to vector<16xf32>
        %add3A_855 = arith.constant 72 : i32
        %add3A_856 = arith.addi %add3A_855, %scan3A_90 : i32
        %get3A_857 = arith.index_cast %add3A_856 : i32 to index
        %get3A_858 = arith.constant 608 : index
        %get3A_859 = tpu.vector_load %arg7[%get3A_857, %get3A_858] {strides = array<i32>} : memref<77x768xf32, #tpu.memory_space<vmem>>, vector<1x16xf32>,
        %get3A_860 = vector.shape_cast %get3A_859 : vector<1x16xf32> to vector<16xf32>
        %add3A_861 = arith.addf %get3A_854, %get3A_860 : vector<16xf32>
        %add3A_862 = arith.constant 72 : i32
        %add3A_863 = arith.addi %add3A_862, %scan3A_90 : i32
        %swap3A_864 = arith.index_cast %add3A_863 : i32 to index
        %swap3A_865 = arith.constant 608 : index
        %swap3A_866 = tpu.vector_load %arg8[%swap3A_864, %swap3A_865] {strides = array<i32>} : memref<77x768xf32, #tpu.memory_space<vmem>>, vector<1x16xf32>,
        %swap3A_867 = vector.shape_cast %swap3A_866 : vector<1x16xf32> to vector<16xf32>
        %swap3A_868 = vector.shape_cast %add3A_861 : vector<16xf32> to vector<1x16xf32>
        tpu.vector_store %arg8[%swap3A_864, %swap3A_865], %swap3A_868 {strides = array<i32>} : memref<77x768xf32, #tpu.memory_space<vmem>>, vector<1x16xf32>,
        %add3A_869 = arith.constant 3 : i32
        %add3A_870 = arith.addi %add3A_869, %scan3A_90 : i32
        %get3A_871 = arith.index_cast %add3A_870 : i32 to index
        %get3A_872 = arith.constant 624 : index
        %get3A_873 = tpu.vector_load %arg9[%get3A_871, %get3A_872] {strides = array<i32>} : memref<8x768xf32, #tpu.memory_space<vmem>>, vector<1x16xf32>,
        %get3A_874 = vector.shape_cast %get3A_873 : vector<1x16xf32> to vector<16xf32>
        %add3A_875 = arith.constant 72 : i32
        %add3A_876 = arith.addi %add3A_875, %scan3A_90 : i32
        %get3A_877 = arith.index_cast %add3A_876 : i32 to index
        %get3A_878 = arith.constant 624 : index
        %get3A_879 = tpu.vector_load %arg7[%get3A_877, %get3A_878] {strides = array<i32>} : memref<77x768xf32, #tpu.memory_space<vmem>>, vector<1x16xf32>,
        %get3A_880 = vector.shape_cast %get3A_879 : vector<1x16xf32> to vector<16xf32>
        %add3A_881 = arith.addf %get3A_874, %get3A_880 : vector<16xf32>
        %add3A_882 = arith.constant 72 : i32
        %add3A_883 = arith.addi %add3A_882, %scan3A_90 : i32
        %swap3A_884 = arith.index_cast %add3A_883 : i32 to index
        %swap3A_885 = arith.constant 624 : index
        %swap3A_886 = tpu.vector_load %arg8[%swap3A_884, %swap3A_885] {strides = array<i32>} : memref<77x768xf32, #tpu.memory_space<vmem>>, vector<1x16xf32>,
        %swap3A_887 = vector.shape_cast %swap3A_886 : vector<1x16xf32> to vector<16xf32>
        %swap3A_888 = vector.shape_cast %add3A_881 : vector<16xf32> to vector<1x16xf32>
        tpu.vector_store %arg8[%swap3A_884, %swap3A_885], %swap3A_888 {strides = array<i32>} : memref<77x768xf32, #tpu.memory_space<vmem>>, vector<1x16xf32>,
        %add3A_889 = arith.constant 3 : i32
        %add3A_890 = arith.addi %add3A_889, %scan3A_90 : i32
        %get3A_891 = arith.index_cast %add3A_890 : i32 to index
        %get3A_892 = arith.constant 640 : index
        %get3A_893 = tpu.vector_load %arg9[%get3A_891, %get3A_892] {strides = array<i32>} : memref<8x768xf32, #tpu.memory_space<vmem>>, vector<1x16xf32>,
        %get3A_894 = vector.shape_cast %get3A_893 : vector<1x16xf32> to vector<16xf32>
        %add3A_895 = arith.constant 72 : i32
        %add3A_896 = arith.addi %add3A_895, %scan3A_90 : i32
        %get3A_897 = arith.index_cast %add3A_896 : i32 to index
        %get3A_898 = arith.constant 640 : index
        %get3A_899 = tpu.vector_load %arg7[%get3A_897, %get3A_898] {strides = array<i32>} : memref<77x768xf32, #tpu.memory_space<vmem>>, vector<1x16xf32>,
        %get3A_900 = vector.shape_cast %get3A_899 : vector<1x16xf32> to vector<16xf32>
        %add3A_901 = arith.addf %get3A_894, %get3A_900 : vector<16xf32>
        %add3A_902 = arith.constant 72 : i32
        %add3A_903 = arith.addi %add3A_902, %scan3A_90 : i32
        %swap3A_904 = arith.index_cast %add3A_903 : i32 to index
        %swap3A_905 = arith.constant 640 : index
        %swap3A_906 = tpu.vector_load %arg8[%swap3A_904, %swap3A_905] {strides = array<i32>} : memref<77x768xf32, #tpu.memory_space<vmem>>, vector<1x16xf32>,
        %swap3A_907 = vector.shape_cast %swap3A_906 : vector<1x16xf32> to vector<16xf32>
        %swap3A_908 = vector.shape_cast %add3A_901 : vector<16xf32> to vector<1x16xf32>
        tpu.vector_store %arg8[%swap3A_904, %swap3A_905], %swap3A_908 {strides = array<i32>} : memref<77x768xf32, #tpu.memory_space<vmem>>, vector<1x16xf32>,
        %add3A_909 = arith.constant 3 : i32
        %add3A_910 = arith.addi %add3A_909, %scan3A_90 : i32
        %get3A_911 = arith.index_cast %add3A_910 : i32 to index
        %get3A_912 = arith.constant 656 : index
        %get3A_913 = tpu.vector_load %arg9[%get3A_911, %get3A_912] {strides = array<i32>} : memref<8x768xf32, #tpu.memory_space<vmem>>, vector<1x16xf32>,
        %get3A_914 = vector.shape_cast %get3A_913 : vector<1x16xf32> to vector<16xf32>
        %add3A_915 = arith.constant 72 : i32
        %add3A_916 = arith.addi %add3A_915, %scan3A_90 : i32
        %get3A_917 = arith.index_cast %add3A_916 : i32 to index
        %get3A_918 = arith.constant 656 : index
        %get3A_919 = tpu.vector_load %arg7[%get3A_917, %get3A_918] {strides = array<i32>} : memref<77x768xf32, #tpu.memory_space<vmem>>, vector<1x16xf32>,
        %get3A_920 = vector.shape_cast %get3A_919 : vector<1x16xf32> to vector<16xf32>
        %add3A_921 = arith.addf %get3A_914, %get3A_920 : vector<16xf32>
        %add3A_922 = arith.constant 72 : i32
        %add3A_923 = arith.addi %add3A_922, %scan3A_90 : i32
        %swap3A_924 = arith.index_cast %add3A_923 : i32 to index
        %swap3A_925 = arith.constant 656 : index
        %swap3A_926 = tpu.vector_load %arg8[%swap3A_924, %swap3A_925] {strides = array<i32>} : memref<77x768xf32, #tpu.memory_space<vmem>>, vector<1x16xf32>,
        %swap3A_927 = vector.shape_cast %swap3A_926 : vector<1x16xf32> to vector<16xf32>
        %swap3A_928 = vector.shape_cast %add3A_921 : vector<16xf32> to vector<1x16xf32>
        tpu.vector_store %arg8[%swap3A_924, %swap3A_925], %swap3A_928 {strides = array<i32>} : memref<77x768xf32, #tpu.memory_space<vmem>>, vector<1x16xf32>,
        %add3A_929 = arith.constant 3 : i32
        %add3A_930 = arith.addi %add3A_929, %scan3A_90 : i32
        %get3A_931 = arith.index_cast %add3A_930 : i32 to index
        %get3A_932 = arith.constant 672 : index
        %get3A_933 = tpu.vector_load %arg9[%get3A_931, %get3A_932] {strides = array<i32>} : memref<8x768xf32, #tpu.memory_space<vmem>>, vector<1x16xf32>,
        %get3A_934 = vector.shape_cast %get3A_933 : vector<1x16xf32> to vector<16xf32>
        %add3A_935 = arith.constant 72 : i32
        %add3A_936 = arith.addi %add3A_935, %scan3A_90 : i32
        %get3A_937 = arith.index_cast %add3A_936 : i32 to index
        %get3A_938 = arith.constant 672 : index
        %get3A_939 = tpu.vector_load %arg7[%get3A_937, %get3A_938] {strides = array<i32>} : memref<77x768xf32, #tpu.memory_space<vmem>>, vector<1x16xf32>,
        %get3A_940 = vector.shape_cast %get3A_939 : vector<1x16xf32> to vector<16xf32>
        %add3A_941 = arith.addf %get3A_934, %get3A_940 : vector<16xf32>
        %add3A_942 = arith.constant 72 : i32
        %add3A_943 = arith.addi %add3A_942, %scan3A_90 : i32
        %swap3A_944 = arith.index_cast %add3A_943 : i32 to index
        %swap3A_945 = arith.constant 672 : index
        %swap3A_946 = tpu.vector_load %arg8[%swap3A_944, %swap3A_945] {strides = array<i32>} : memref<77x768xf32, #tpu.memory_space<vmem>>, vector<1x16xf32>,
        %swap3A_947 = vector.shape_cast %swap3A_946 : vector<1x16xf32> to vector<16xf32>
        %swap3A_948 = vector.shape_cast %add3A_941 : vector<16xf32> to vector<1x16xf32>
        tpu.vector_store %arg8[%swap3A_944, %swap3A_945], %swap3A_948 {strides = array<i32>} : memref<77x768xf32, #tpu.memory_space<vmem>>, vector<1x16xf32>,
        %add3A_949 = arith.constant 3 : i32
        %add3A_950 = arith.addi %add3A_949, %scan3A_90 : i32
        %get3A_951 = arith.index_cast %add3A_950 : i32 to index
        %get3A_952 = arith.constant 688 : index
        %get3A_953 = tpu.vector_load %arg9[%get3A_951, %get3A_952] {strides = array<i32>} : memref<8x768xf32, #tpu.memory_space<vmem>>, vector<1x16xf32>,
        %get3A_954 = vector.shape_cast %get3A_953 : vector<1x16xf32> to vector<16xf32>
        %add3A_955 = arith.constant 72 : i32
        %add3A_956 = arith.addi %add3A_955, %scan3A_90 : i32
        %get3A_957 = arith.index_cast %add3A_956 : i32 to index
        %get3A_958 = arith.constant 688 : index
        %get3A_959 = tpu.vector_load %arg7[%get3A_957, %get3A_958] {strides = array<i32>} : memref<77x768xf32, #tpu.memory_space<vmem>>, vector<1x16xf32>,
        %get3A_960 = vector.shape_cast %get3A_959 : vector<1x16xf32> to vector<16xf32>
        %add3A_961 = arith.addf %get3A_954, %get3A_960 : vector<16xf32>
        %add3A_962 = arith.constant 72 : i32
        %add3A_963 = arith.addi %add3A_962, %scan3A_90 : i32
        %swap3A_964 = arith.index_cast %add3A_963 : i32 to index
        %swap3A_965 = arith.constant 688 : index
        %swap3A_966 = tpu.vector_load %arg8[%swap3A_964, %swap3A_965] {strides = array<i32>} : memref<77x768xf32, #tpu.memory_space<vmem>>, vector<1x16xf32>,
        %swap3A_967 = vector.shape_cast %swap3A_966 : vector<1x16xf32> to vector<16xf32>
        %swap3A_968 = vector.shape_cast %add3A_961 : vector<16xf32> to vector<1x16xf32>
        tpu.vector_store %arg8[%swap3A_964, %swap3A_965], %swap3A_968 {strides = array<i32>} : memref<77x768xf32, #tpu.memory_space<vmem>>, vector<1x16xf32>,
        %add3A_969 = arith.constant 3 : i32
        %add3A_970 = arith.addi %add3A_969, %scan3A_90 : i32
        %get3A_971 = arith.index_cast %add3A_970 : i32 to index
        %get3A_972 = arith.constant 704 : index
        %get3A_973 = tpu.vector_load %arg9[%get3A_971, %get3A_972] {strides = array<i32>} : memref<8x768xf32, #tpu.memory_space<vmem>>, vector<1x16xf32>,
        %get3A_974 = vector.shape_cast %get3A_973 : vector<1x16xf32> to vector<16xf32>
        %add3A_975 = arith.constant 72 : i32
        %add3A_976 = arith.addi %add3A_975, %scan3A_90 : i32
        %get3A_977 = arith.index_cast %add3A_976 : i32 to index
        %get3A_978 = arith.constant 704 : index
        %get3A_979 = tpu.vector_load %arg7[%get3A_977, %get3A_978] {strides = array<i32>} : memref<77x768xf32, #tpu.memory_space<vmem>>, vector<1x16xf32>,
        %get3A_980 = vector.shape_cast %get3A_979 : vector<1x16xf32> to vector<16xf32>
        %add3A_981 = arith.addf %get3A_974, %get3A_980 : vector<16xf32>
        %add3A_982 = arith.constant 72 : i32
        %add3A_983 = arith.addi %add3A_982, %scan3A_90 : i32
        %swap3A_984 = arith.index_cast %add3A_983 : i32 to index
        %swap3A_985 = arith.constant 704 : index
        %swap3A_986 = tpu.vector_load %arg8[%swap3A_984, %swap3A_985] {strides = array<i32>} : memref<77x768xf32, #tpu.memory_space<vmem>>, vector<1x16xf32>,
        %swap3A_987 = vector.shape_cast %swap3A_986 : vector<1x16xf32> to vector<16xf32>
        %swap3A_988 = vector.shape_cast %add3A_981 : vector<16xf32> to vector<1x16xf32>
        tpu.vector_store %arg8[%swap3A_984, %swap3A_985], %swap3A_988 {strides = array<i32>} : memref<77x768xf32, #tpu.memory_space<vmem>>, vector<1x16xf32>,
        %add3A_989 = arith.constant 3 : i32
        %add3A_990 = arith.addi %add3A_989, %scan3A_90 : i32
        %get3A_991 = arith.index_cast %add3A_990 : i32 to index
        %get3A_992 = arith.constant 720 : index
        %get3A_993 = tpu.vector_load %arg9[%get3A_991, %get3A_992] {strides = array<i32>} : memref<8x768xf32, #tpu.memory_space<vmem>>, vector<1x16xf32>,
        %get3A_994 = vector.shape_cast %get3A_993 : vector<1x16xf32> to vector<16xf32>
        %add3A_995 = arith.constant 72 : i32
        %add3A_996 = arith.addi %add3A_995, %scan3A_90 : i32
        %get3A_997 = arith.index_cast %add3A_996 : i32 to index
        %get3A_998 = arith.constant 720 : index
        %get3A_999 = tpu.vector_load %arg7[%get3A_997, %get3A_998] {strides = array<i32>} : memref<77x768xf32, #tpu.memory_space<vmem>>, vector<1x16xf32>,
        %get3A_1000 = vector.shape_cast %get3A_999 : vector<1x16xf32> to vector<16xf32>
        %add3A_1001 = arith.addf %get3A_994, %get3A_1000 : vector<16xf32>
        %add3A_1002 = arith.constant 72 : i32
        %add3A_1003 = arith.addi %add3A_1002, %scan3A_90 : i32
        %swap3A_1004 = arith.index_cast %add3A_1003 : i32 to index
        %swap3A_1005 = arith.constant 720 : index
        %swap3A_1006 = tpu.vector_load %arg8[%swap3A_1004, %swap3A_1005] {strides = array<i32>} : memref<77x768xf32, #tpu.memory_space<vmem>>, vector<1x16xf32>,
        %swap3A_1007 = vector.shape_cast %swap3A_1006 : vector<1x16xf32> to vector<16xf32>
        %swap3A_1008 = vector.shape_cast %add3A_1001 : vector<16xf32> to vector<1x16xf32>
        tpu.vector_store %arg8[%swap3A_1004, %swap3A_1005], %swap3A_1008 {strides = array<i32>} : memref<77x768xf32, #tpu.memory_space<vmem>>, vector<1x16xf32>,
        %add3A_1009 = arith.constant 3 : i32
        %add3A_1010 = arith.addi %add3A_1009, %scan3A_90 : i32
        %get3A_1011 = arith.index_cast %add3A_1010 : i32 to index
        %get3A_1012 = arith.constant 736 : index
        %get3A_1013 = tpu.vector_load %arg9[%get3A_1011, %get3A_1012] {strides = array<i32>} : memref<8x768xf32, #tpu.memory_space<vmem>>, vector<1x16xf32>,
        %get3A_1014 = vector.shape_cast %get3A_1013 : vector<1x16xf32> to vector<16xf32>
        %add3A_1015 = arith.constant 72 : i32
        %add3A_1016 = arith.addi %add3A_1015, %scan3A_90 : i32
        %get3A_1017 = arith.index_cast %add3A_1016 : i32 to index
        %get3A_1018 = arith.constant 736 : index
        %get3A_1019 = tpu.vector_load %arg7[%get3A_1017, %get3A_1018] {strides = array<i32>} : memref<77x768xf32, #tpu.memory_space<vmem>>, vector<1x16xf32>,
        %get3A_1020 = vector.shape_cast %get3A_1019 : vector<1x16xf32> to vector<16xf32>
        %add3A_1021 = arith.addf %get3A_1014, %get3A_1020 : vector<16xf32>
        %add3A_1022 = arith.constant 72 : i32
        %add3A_1023 = arith.addi %add3A_1022, %scan3A_90 : i32
        %swap3A_1024 = arith.index_cast %add3A_1023 : i32 to index
        %swap3A_1025 = arith.constant 736 : index
        %swap3A_1026 = tpu.vector_load %arg8[%swap3A_1024, %swap3A_1025] {strides = array<i32>} : memref<77x768xf32, #tpu.memory_space<vmem>>, vector<1x16xf32>,
        %swap3A_1027 = vector.shape_cast %swap3A_1026 : vector<1x16xf32> to vector<16xf32>
        %swap3A_1028 = vector.shape_cast %add3A_1021 : vector<16xf32> to vector<1x16xf32>
        tpu.vector_store %arg8[%swap3A_1024, %swap3A_1025], %swap3A_1028 {strides = array<i32>} : memref<77x768xf32, #tpu.memory_space<vmem>>, vector<1x16xf32>,
        %add3A_1029 = arith.constant 3 : i32
        %add3A_1030 = arith.addi %add3A_1029, %scan3A_90 : i32
        %get3A_1031 = arith.index_cast %add3A_1030 : i32 to index
        %get3A_1032 = arith.constant 752 : index
        %get3A_1033 = tpu.vector_load %arg9[%get3A_1031, %get3A_1032] {strides = array<i32>} : memref<8x768xf32, #tpu.memory_space<vmem>>, vector<1x16xf32>,
        %get3A_1034 = vector.shape_cast %get3A_1033 : vector<1x16xf32> to vector<16xf32>
        %add3A_1035 = arith.constant 72 : i32
        %add3A_1036 = arith.addi %add3A_1035, %scan3A_90 : i32
        %get3A_1037 = arith.index_cast %add3A_1036 : i32 to index
        %get3A_1038 = arith.constant 752 : index
        %get3A_1039 = tpu.vector_load %arg7[%get3A_1037, %get3A_1038] {strides = array<i32>} : memref<77x768xf32, #tpu.memory_space<vmem>>, vector<1x16xf32>,
        %get3A_1040 = vector.shape_cast %get3A_1039 : vector<1x16xf32> to vector<16xf32>
        %add3A_1041 = arith.addf %get3A_1034, %get3A_1040 : vector<16xf32>
        %add3A_1042 = arith.constant 72 : i32
        %add3A_1043 = arith.addi %add3A_1042, %scan3A_90 : i32
        %swap3A_1044 = arith.index_cast %add3A_1043 : i32 to index
        %swap3A_1045 = arith.constant 752 : index
        %swap3A_1046 = tpu.vector_load %arg8[%swap3A_1044, %swap3A_1045] {strides = array<i32>} : memref<77x768xf32, #tpu.memory_space<vmem>>, vector<1x16xf32>,
        %swap3A_1047 = vector.shape_cast %swap3A_1046 : vector<1x16xf32> to vector<16xf32>
        %swap3A_1048 = vector.shape_cast %add3A_1041 : vector<16xf32> to vector<1x16xf32>
        tpu.vector_store %arg8[%swap3A_1044, %swap3A_1045], %swap3A_1048 {strides = array<i32>} : memref<77x768xf32, #tpu.memory_space<vmem>>, vector<1x16xf32>,
      }
      %scan3A_72 = arith.constant 5 : i32
      %add3A_73 = arith.constant 1 : i32
      %add3A_74 = arith.addi %scan3A_35, %add3A_73 : i32
      %rem3A_75 = arith.constant 16 : i32
      %rem3A_76 = arith.remsi %add3A_74, %rem3A_75 : i32
      %eq3A = arith.constant 0 : i32
      %eq3A_77 = arith.cmpi eq, %rem3A_76, %eq3A : i32
      %add3A_78 = arith.constant 1 : i32
      %add3A_79 = arith.addi %scan3A_35, %add3A_78 : i32
      %lt3A = arith.constant 32 : i32
      %lt3A_80 = arith.cmpi slt, %add3A_79, %lt3A : i32
      %and3A = arith.andi %eq3A_77, %lt3A_80 : i1
      %convert_element_type3A = arith.extui %and3A : i1 to i32
      %cond3A = arith.constant 0 : i32
      %cond3A_81 = arith.cmpi ne, %convert_element_type3A, %cond3A : i32
      scf.if %cond3A_81 {
        %add3A_90 = arith.constant 1 : i32
        %add3A_91 = arith.addi %scan3A_35, %add3A_90 : i32
        %add3A_92 = arith.addi %mul3A_2, %add3A_91 : i32
        %multiple_of3A_93 = tpu.assume_multiple %add3A_92, 16 : i32
        "tpu.region"() ({
          %run_scoped3A = tpu.sem_alloc : memref<!tpu.dma_semaphore, #tpu.memory_space<semaphore_mem>>
          %dma_start3A_94 = arith.constant 0 : i32
          %dma_start3A_95 = tpu.memref_slice %arg2[%multiple_of3A_93, %dma_start3A_94] : memref<1024x77xi32, #tpu.memory_space<hbm>> -> memref<16x77xi32, #tpu.memory_space<hbm>>
          %dma_start3A_96 = arith.constant 0 : i32
          %dma_start3A_97 = tpu.memref_slice %arg2[%multiple_of3A_93, %dma_start3A_96] : memref<1024x77xi32, #tpu.memory_space<hbm>> -> memref<16x77xi32, #tpu.memory_space<hbm>>
          tpu.enqueue_dma source(%dma_start3A_97 : memref<16x77xi32, #tpu.memory_space<hbm>>) target(%arg6 : memref<16x77xi32, #tpu.memory_space<vmem>>) target_semaphore(%run_scoped3A : memref<!tpu.dma_semaphore, #tpu.memory_space<semaphore_mem>>)
          %dma_wait3A_98 = arith.constant 0 : i32
          %dma_wait3A_99 = tpu.memref_slice %arg2[%multiple_of3A_93, %dma_wait3A_98] : memref<1024x77xi32, #tpu.memory_space<hbm>> -> memref<16x77xi32, #tpu.memory_space<hbm>>
          %dma_wait3A_100 = arith.constant 0 : i32
          %dma_wait3A_101 = tpu.memref_slice %arg2[%multiple_of3A_93, %dma_wait3A_100] : memref<1024x77xi32, #tpu.memory_space<hbm>> -> memref<16x77xi32, #tpu.memory_space<hbm>>
          tpu.wait_dma2 semaphore(%run_scoped3A : memref<!tpu.dma_semaphore, #tpu.memory_space<semaphore_mem>>) src(%dma_wait3A_101 : memref<16x77xi32, #tpu.memory_space<hbm>>) dst(%arg6 : memref<16x77xi32, #tpu.memory_space<vmem>>)
          tpu.yield
        }) : () -> ()
      } else {
      }
      %add3A_82 = arith.addi %mul3A_2, %scan3A_35 : i32
      "tpu.region"() ({
        %run_scoped3A = tpu.sem_alloc : memref<!tpu.dma_semaphore, #tpu.memory_space<semaphore_mem>>
        %dma_start3A_90 = arith.constant 0 : i32
        %dma_start3A_91 = arith.constant 0 : i32
        %dma_start3A_92 = tpu.memref_slice %arg5[%add3A_82, %dma_start3A_90, %dma_start3A_91] : memref<1024x77x768xf32, #tpu.memory_space<hbm>> -> memref<1x77x768xf32, #tpu.memory_space<hbm>>
        %dma_start3A_93 = tpu.memref_squeeze %dma_start3A_92 : memref<1x77x768xf32, #tpu.memory_space<hbm>> -> memref<77x768xf32, #tpu.memory_space<hbm>>
        %dma_start3A_94 = arith.constant 0 : i32
        %dma_start3A_95 = arith.constant 0 : i32
        %dma_start3A_96 = tpu.memref_slice %arg5[%add3A_82, %dma_start3A_94, %dma_start3A_95] : memref<1024x77x768xf32, #tpu.memory_space<hbm>> -> memref<1x77x768xf32, #tpu.memory_space<hbm>>
        %dma_start3A_97 = tpu.memref_squeeze %dma_start3A_96 : memref<1x77x768xf32, #tpu.memory_space<hbm>> -> memref<77x768xf32, #tpu.memory_space<hbm>>
        tpu.enqueue_dma source(%arg8 : memref<77x768xf32, #tpu.memory_space<vmem>>) target(%dma_start3A_97 : memref<77x768xf32, #tpu.memory_space<hbm>>) target_semaphore(%run_scoped3A : memref<!tpu.dma_semaphore, #tpu.memory_space<semaphore_mem>>)
        %dma_wait3A_98 = arith.constant 0 : i32
        %dma_wait3A_99 = arith.constant 0 : i32
        %dma_wait3A_100 = tpu.memref_slice %arg5[%add3A_82, %dma_wait3A_98, %dma_wait3A_99] : memref<1024x77x768xf32, #tpu.memory_space<hbm>> -> memref<1x77x768xf32, #tpu.memory_space<hbm>>
        %dma_wait3A_101 = tpu.memref_squeeze %dma_wait3A_100 : memref<1x77x768xf32, #tpu.memory_space<hbm>> -> memref<77x768xf32, #tpu.memory_space<hbm>>
        %dma_wait3A_102 = arith.constant 0 : i32
        %dma_wait3A_103 = arith.constant 0 : i32
        %dma_wait3A_104 = tpu.memref_slice %arg5[%add3A_82, %dma_wait3A_102, %dma_wait3A_103] : memref<1024x77x768xf32, #tpu.memory_space<hbm>> -> memref<1x77x768xf32, #tpu.memory_space<hbm>>
        %dma_wait3A_105 = tpu.memref_squeeze %dma_wait3A_104 : memref<1x77x768xf32, #tpu.memory_space<hbm>> -> memref<77x768xf32, #tpu.memory_space<hbm>>
        tpu.wait_dma2 semaphore(%run_scoped3A : memref<!tpu.dma_semaphore, #tpu.memory_space<semaphore_mem>>) src(%arg8 : memref<77x768xf32, #tpu.memory_space<vmem>>) dst(%dma_wait3A_105 : memref<77x768xf32, #tpu.memory_space<hbm>>)
        tpu.yield
      }) : () -> ()
      %add3A_83 = arith.constant 1 : i32
      %add3A_84 = arith.addi %scan3A_35, %add3A_83 : i32
      %lt3A_85 = arith.constant 32 : i32
      %lt3A_86 = arith.cmpi slt, %add3A_84, %lt3A_85 : i32
      %convert_element_type3A_87 = arith.extui %lt3A_86 : i1 to i32
      %cond3A_88 = arith.constant 0 : i32
      %cond3A_89 = arith.cmpi ne, %convert_element_type3A_87, %cond3A_88 : i32
      scf.if %cond3A_89 {
        %add3A_90 = arith.constant 1 : i32
        %add3A_91 = arith.addi %scan3A_35, %add3A_90 : i32
        %rem3A_92 = arith.constant 16 : i32
        %rem3A_93 = arith.remsi %add3A_91, %rem3A_92 : i32
        %dma_start3A_94 = arith.constant 0 : i32
        %dma_start3A_95 = arith.constant 0 : i32
        %dma_start3A_96 = tpu.memref_slice %arg8[%dma_start3A_94, %dma_start3A_95] : memref<77x768xf32, #tpu.memory_space<vmem>> -> memref<40x768xf32, #tpu.memory_space<vmem>>
        %dma_start3A_97 = arith.constant 0 : i32
        %dma_start3A_98 = tpu.memref_slice %arg6[%rem3A_93, %dma_start3A_97] : memref<16x77xi32, #tpu.memory_space<vmem>> -> memref<1x40xi32, #tpu.memory_space<vmem>>
        %dma_start3A_99 = tpu.memref_squeeze %dma_start3A_98 : memref<1x40xi32, #tpu.memory_space<vmem>> -> memref<40xi32, #tpu.memory_space<vmem>>
        %dma_start3A_100 = arith.constant 0 : i32
        %dma_start3A_101 = arith.constant 0 : i32
        %dma_start3A_102 = tpu.memref_slice %arg3[%dma_start3A_100, %dma_start3A_101] : memref<49408x768xf32, #tpu.memory_space<hbm>> -> memref<49408x768xf32, #tpu.memory_space<hbm>>
        tpu.enqueue_indirect_dma source(%dma_start3A_102 : memref<49408x768xf32, #tpu.memory_space<hbm>>) target(%dma_start3A_96 : memref<40x768xf32, #tpu.memory_space<vmem>>) offsets(%dma_start3A_99 : memref<40xi32, #tpu.memory_space<vmem>>) semaphore(%arg11 : memref<!tpu.dma_semaphore, #tpu.memory_space<semaphore_mem>>)
        %dma_start3A_103 = arith.constant 40 : i32
        %dma_start3A_104 = arith.constant 0 : i32
        %dma_start3A_105 = tpu.memref_slice %arg8[%dma_start3A_103, %dma_start3A_104] : memref<77x768xf32, #tpu.memory_space<vmem>> -> memref<32x768xf32, #tpu.memory_space<vmem>>
        %dma_start3A_106 = arith.constant 40 : i32
        %dma_start3A_107 = tpu.memref_slice %arg6[%rem3A_93, %dma_start3A_106] : memref<16x77xi32, #tpu.memory_space<vmem>> -> memref<1x32xi32, #tpu.memory_space<vmem>>
        %dma_start3A_108 = tpu.memref_squeeze %dma_start3A_107 : memref<1x32xi32, #tpu.memory_space<vmem>> -> memref<32xi32, #tpu.memory_space<vmem>>
        %dma_start3A_109 = arith.constant 0 : i32
        %dma_start3A_110 = arith.constant 0 : i32
        %dma_start3A_111 = tpu.memref_slice %arg3[%dma_start3A_109, %dma_start3A_110] : memref<49408x768xf32, #tpu.memory_space<hbm>> -> memref<49408x768xf32, #tpu.memory_space<hbm>>
        tpu.enqueue_indirect_dma source(%dma_start3A_111 : memref<49408x768xf32, #tpu.memory_space<hbm>>) target(%dma_start3A_105 : memref<32x768xf32, #tpu.memory_space<vmem>>) offsets(%dma_start3A_108 : memref<32xi32, #tpu.memory_space<vmem>>) semaphore(%arg12 : memref<!tpu.dma_semaphore, #tpu.memory_space<semaphore_mem>>)
        %dma_start3A_112 = arith.constant 69 : i32
        %dma_start3A_113 = tpu.memref_slice %arg6[%rem3A_93, %dma_start3A_112] : memref<16x77xi32, #tpu.memory_space<vmem>> -> memref<1x8xi32, #tpu.memory_space<vmem>>
        %dma_start3A_114 = tpu.memref_squeeze %dma_start3A_113 : memref<1x8xi32, #tpu.memory_space<vmem>> -> memref<8xi32, #tpu.memory_space<vmem>>
        %dma_start3A_115 = arith.constant 0 : i32
        %dma_start3A_116 = arith.constant 0 : i32
        %dma_start3A_117 = tpu.memref_slice %arg3[%dma_start3A_115, %dma_start3A_116] : memref<49408x768xf32, #tpu.memory_space<hbm>> -> memref<49408x768xf32, #tpu.memory_space<hbm>>
        tpu.enqueue_indirect_dma source(%dma_start3A_117 : memref<49408x768xf32, #tpu.memory_space<hbm>>) target(%arg9 : memref<8x768xf32, #tpu.memory_space<vmem>>) offsets(%dma_start3A_114 : memref<8xi32, #tpu.memory_space<vmem>>) semaphore(%arg13 : memref<!tpu.dma_semaphore, #tpu.memory_space<semaphore_mem>>)
      } else {
      }
    }
    %scan3A_34 = arith.constant 32 : i32
    return
  }
}

</mosaic_0001>

<sc_bundles>
// kernel: _embed.3.cloned.1.call-start
scs
__scs_entry_jumppad:
0x0: {  	(pc) =	sbr.rel $0x88, $3  }
0x1: {  	(tag) =	ssettag $0x0;
	lr =	simm.s32 $0x1  }
0x2: {  	[smem:$0x3F9E] =	sst lr;
	_ =	strace $0xD0000000  }
0x3: {  	_ = 	snop  }
0x4: {  	_ = 	snop  }
0x5: {  	_ = 	snop  }
0x6: {  	_ = 	snop  }
0x7: {  	_ = 	snop  }
__scs_overlays_trampoline_lowered:
0x8: {  	[smem:$0x3FAD] =	sst s0  }
0x9: {  	[smem:$0x3FAE] =	sst s1  }
0xa: {  	[smem:$0x3FAF] =	sst s2  }
0xb: {  	[smem:$0x3FB0] =	sst s3  }
0xc: {  	[smem:$0x3FB1] =	sst s4  }
0xd: {  	[smem:$0x3FB2] =	sst s5  }
0xe: {  	[smem:$0x3FB3] =	sst s6  }
0xf: {  	[smem:$0x3FB4] =	sst s7  }
0x10: {  	[smem:$0x3FB5] =	sst s8  }
0x11: {  	[smem:$0x3FB6] =	sst s9;
	s0 =	simm.s32 @!p0 $0x0  }
0x12: {  	s1 =	sld [smem:$0x3F9C];
	s0 =	simm.s32 @p0 $0x1  }
0x13: {  	[smem:$0x3FB7] =	sst s0;
	s0 =	simm.s32 @!p1 $0x0  }
0x14: {  	s2 =	sld [smem:$0x3F9B];
	s0 =	simm.s32 @p1 $0x1  }
0x15: {  	[smem:$0x3FB8] =	sst s0;
	s0 =	simm.s32 @!p2 $0x0  }
0x16: {  	s3 =	sld [smem:$0x3FDB];
	s0 =	simm.s32 @p2 $0x1  }
0x17: {  	s4 =	simm.s32 $0x1BF5;
	[smem:$0x3FBA] =	sst s0  }
0x18: {  	s0 =	sld [smem:$0x3F9D];
	_ =	swait.ge [sflag:s4], $0x0  }
0x19: {  	s7 =	sld [smem:$0x3F9E]  }
0x1a: {  	s8 =	sadd.s32 $0xFFFFE003, lr  }
0x1b: {  	s9 =	sadd.s32 $0xFFFFFEF7, lr;
	s5 =	simm.s32 $0xFFFFFFFF;
	p2 =	slt.u32 s8, $0xFFFFF086  }
0x1c: {  	p1 =	slt.u32 s9, $0xF7A;
	s5 =	simm.s32 @!p2 $0x0  }
0x1d: {  	s5 =	simm.s32 @p1 $0x1;
	p0 =	seq.s32 s7, s2  }
0x1e: {  	s7 =	smul.u32 @!p0 $0xF7A, s2;
	p2 =	seq.s32 @!p0 s5, $0x0  }
0x1f: {  	s9 =	smul.u32 $0xF7A, s1;
	s8 =	simm.s32 @!p0 $0x1BF5;
	p2 =	por !p2, p0  }
0x20: {  	[sflag:s8] =	ssyncset.s32 @!p0 $0xFFFFF086;
	s6 =	sadd.s32 @!p0 s3, s7;
	s7 =	simm.s32 @!p0 $0x108  }
0x21: {  	s3 =	sadd.s32 s3, s9;
	s6 =	sadd.s32 @!p0 $0x88, s6;
	s7 =	simm.s32 @p2 $0x1082  }
0x22: {  	[simem:s7], [sflag:s8] =	dma.local @!p0 [hbm:s6], $0xF7A  }
0x23: {  	s9 =	sor.u32 $0xD0000000, s2;
	s6 =	simm.s32 $0x108;
	_ =	swait.ge @!p0 [sflag:s8], $0x0  }
0x24: {  	s3 =	sadd.s32 $0x88, s3;
	s6 =	simm.s32 @!p1 $0x1082;
	[sflag:s4] =	ssyncset.s32 $0xFFFFF086  }
0x25: {  	[simem:s6], [sflag:s4] =	dma.local [hbm:s3], $0xF7A  }
0x26: {  	[smem:$0x3F9E] =	sst s1;
	(tag) =	ssettag s2;
	_ =	strace s9  }
0x27: {  	s1 =	sld [smem:$0x3FAE]  }
0x28: {  	s2 =	sld [smem:$0x3FAF]  }
0x29: {  	s4 =	sld [smem:$0x3FB1]  }
0x2a: {  	p0 =	seq.s32 s5, $0x0;
	s5 =	sld [smem:$0x3FB2]  }
0x2b: {  	s6 =	sld [smem:$0x3FB3]  }
0x2c: {  	s7 =	sld [smem:$0x3FB4]  }
0x2d: {  	s3 =	simm.s32 $0x108;
	s8 =	sld [smem:$0x3FB5]  }
0x2e: {  	s3 =	simm.s32 @!p0 $0x1082;
	s9 =	sld [smem:$0x3FB6]  }
0x2f: {  	lr =	sadd.s32 s0, s3;
	s0 =	sld [smem:$0x3FAD]  }
0x30: {  	s3 =	sld [smem:$0x3FB0]  }
0x31: {  	[smem:$0x3FB9] =	sst s10  }
0x32: {  	s10 =	sld [smem:$0x3FB7];
	_ =	sdelay $0x3  }
0x33: {  	p0 =	seq.s32 s10, $0x1;
	s10 =	sld [smem:$0x3FB9];
	_ =	sdelay $0x3  }
0x34: {  	[smem:$0x3FB9] =	sst s10  }
0x35: {  	s10 =	sld [smem:$0x3FB8];
	_ =	sdelay $0x3  }
0x36: {  	p1 =	seq.s32 s10, $0x1;
	s10 =	sld [smem:$0x3FB9];
	_ =	sdelay $0x3  }
0x37: {  	[smem:$0x3FB9] =	sst s10  }
0x38: {  	s10 =	sld [smem:$0x3FBA]  }
0x39: {  	_ = 	snop;
	(pc) =	sbr.ind lr, $3  }
0x3a: {  	_ = 	snop  }
0x3b: {  	_ = 	snop  }
0x3c: {  	p2 =	seq.s32 s10, $0x1;
	s10 =	sld [smem:$0x3FB9]  }
0x3d: {  	_ =	shalt  }
0x3e: {  	_ =	shalt  }
0x3f: {  	_ =	shalt  }
0x40: {  	_ =	shalt  }
0x41: {  	_ =	shalt  }
0x42: {  	_ =	shalt  }
0x43: {  	_ =	shalt  }
0x44: {  	_ =	shalt  }
0x45: {  	_ =	shalt  }
0x46: {  	_ =	shalt  }
0x47: {  	_ =	shalt  }
0x48: {  	_ =	shalt  }
0x49: {  	_ =	shalt  }
0x4a: {  	_ =	shalt  }
0x4b: {  	_ =	shalt  }
0x4c: {  	_ =	shalt  }
0x4d: {  	_ =	shalt  }
0x4e: {  	_ =	shalt  }
0x4f: {  	_ =	shalt  }
0x50: {  	_ =	shalt  }
0x51: {  	_ =	shalt  }
0x52: {  	_ =	shalt  }
0x53: {  	_ =	shalt  }
0x54: {  	_ =	shalt  }
0x55: {  	_ =	shalt  }
0x56: {  	_ =	shalt  }
0x57: {  	_ =	shalt  }
0x58: {  	_ =	shalt  }
0x59: {  	_ =	shalt  }
0x5a: {  	_ =	shalt  }
0x5b: {  	_ =	shalt  }
0x5c: {  	_ =	shalt  }
0x5d: {  	_ =	shalt  }
0x5e: {  	_ =	shalt  }
0x5f: {  	_ =	shalt  }
0x60: {  	_ =	shalt  }
0x61: {  	_ =	shalt  }
0x62: {  	_ =	shalt  }
0x63: {  	_ =	shalt  }
0x64: {  	_ =	shalt  }
0x65: {  	_ =	shalt  }
0x66: {  	_ =	shalt  }
0x67: {  	_ =	shalt  }
0x68: {  	_ =	shalt  }
0x69: {  	_ =	shalt  }
0x6a: {  	_ =	shalt  }
0x6b: {  	_ =	shalt  }
0x6c: {  	_ =	shalt  }
0x6d: {  	_ =	shalt  }
0x6e: {  	_ =	shalt  }
0x6f: {  	_ =	shalt  }
0x70: {  	_ =	shalt  }
0x71: {  	_ =	shalt  }
0x72: {  	_ =	shalt  }
0x73: {  	_ =	shalt  }
0x74: {  	_ =	shalt  }
0x75: {  	_ =	shalt  }
0x76: {  	_ =	shalt  }
0x77: {  	_ =	shalt  }
0x78: {  	_ =	shalt  }
0x79: {  	_ =	shalt  }
0x7a: {  	_ =	shalt  }
0x7b: {  	_ =	shalt  }
0x7c: {  	_ =	shalt  }
0x7d: {  	_ =	shalt  }
0x7e: {  	_ =	shalt  }
0x7f: {  	_ =	shalt  }
0x80: {  	_ =	shalt  }
0x81: {  	_ =	shalt  }
0x82: {  	_ =	shalt  }
0x83: {  	_ =	shalt  }
0x84: {  	_ =	shalt  }
0x85: {  	_ =	shalt  }
0x86: {  	_ =	shalt  }
0x87: {  	_ =	shalt  }
.Lfunc_end0:
.L_simem_size_0:
called_computation_lowered:
.L_overlay_start_0:
0x88: {  	s2 =	sld [smem:$0x3FD9]  }
0x89: {  	s3 =	sld [smem:$0x3FFE];
	_ =	sdelay $0x1  }
0x8a: {  	s1 =	srdreg.scid  }
0x8b: {  	s0 =	sand.u32 $0x1, s1  }
0x8c: {  	s17 =	sshll.u32 s0, $0xA;
	s2 =	sadd.s32 s3, s2  }
0x8d: {  	s2 =	sadd.s32 s2, s17  }
0x8e: {  	[smem:$0x3FC5] =	sst s2  }
0x8f: {  	_ = 	snop  }
0x90: {  	s2 =	sld [smem:$0x3FC8]  }
0x91: {  	s18 =	sld [smem:$0x3FC7]  }
0x92: {  	s4 =	sld [smem:$0x3FD0];
	(tm) =	ssettm $0x1  }
0x93: {  	s5 =	sld [smem:$0x3FFB];
	_ =	sdelay $0x3  }
0x94: {  	_ =	strace s5  }
0x95: {  	s5 =	sld [smem:$0x3FFC];
	_ =	sdelay $0x3  }
0x96: {  	_ =	strace s5  }
0x97: {  	s5 =	sld [smem:$0x3FFD];
	_ =	sdelay $0x3  }
0x98: {  	_ =	strace s5  }
0x99: {  	_ =	strace $0x8FFFFFFF  }
0x9a: {  	s19 =	sld [smem:$0x3FDB];
	_ =	sdelay $0x1  }
0x9b: {  	s6 =	simm.s32 $_scs_section_size  }
0x9c: {  	s7 =	simm.s32 $_size__tile_overlayer_lowered;
	s8 =	simm.s32 $_tile_overlayer_lowered  }
0x9d: {  	s22 =	simm.s32 $0x1BFF;
	s21 =	sshll.u32 s8, $0x1;
	s5 =	sadd.s32 s6, s19  }
0x9e: {  	s9 =	simm.s32 $0x0;
	s20 =	sshll.u32 s7, $0x1;
	s7 =	sadd.s32 s21, s5  }
0x9f: {  	[timem:s9], [sflag:s22] =	dma.local [hbm:s7], s20  }
0xa0: {  	_ =	swait.ge [sflag:s22], s20  }
0xa1: {  	s6 =	ssub.s32 $0x0, s20;
	[sflag:s22] =	ssyncset.done $0x0  }
0xa2: {  	[sflag:s22] =	ssyncadd.s32 s6;
	_ =	sdelay $0x1  }
0xa3: {  	s23 =	simm.s32 $0x1B8B  }
0xa4: {  	_ =	swait.ge [sflag:s23], $0x1  }
0xa5: {  	[sflag:s23] =	ssyncset.done $0x0  }
0xa6: {  	s25 =	simm.s32 $0x1B8E;
	s24 =	sld [smem:$0x3FFE];
	[sflag:s23] =	ssyncadd.s32 $0xFFFFFFFF  }
0xa7: {  	s26 =	simm.s32 $execute0_lowered;
	[smem:$0x3FD2] =	sst s25  }
0xa8: {  	s7 =	sshll.u32 s26, $0x1;
	_ =	strace $0x80000046;
	[dreg:$0x1] =	wrdreg $0xFFFFFFFF  }
0xa9: {  	s28 =	simm.s32 $_size_execute0_lowered;
	s5 =	sadd.s32 s5, s7;
	[dreg:$0x0] =	wrdreg $0x0  }
0xaa: {  	s7 =	sshll.u32 s28, $0x1;
	[dreg:$0x2] =	wrdreg s5  }
0xab: {  	[dreg:$0x3] =	wrdreg s7  }
0xac: {  	[dreg:$0x4] =	wrdreg $0xC0  }
0xad: {  	_ =	task [dreg:s9], $0x5FFFF  }
0xae: {  	[dreg:$0x1] =	wrdreg $0xFFFFFFFF  }
0xaf: {  	[dreg:$0x0] =	wrdreg $0x60  }
0xb0: {  	[dreg:$0x2] =	wrdreg s4  }
0xb1: {  	[dreg:$0x3] =	wrdreg s2  }
0xb2: {  	[dreg:$0x4] =	wrdreg s18  }
0xb3: {  	[dreg:$0x5] =	wrdreg s24  }
0xb4: {  	[dreg:$0x6] =	wrdreg $0x9  }
0xb5: {  	_ =	task.clear_ibuf [dreg:s9], $0x7FFFF;
	_ =	strace $0x90000046  }
0xb6: {  	s29 =	simm.s32 $0x9;
	_ =	strace $0x80000048  }
0xb7: {  	_ =	swait.ge [sflag:s29], $0x1  }
0xb8: {  	[sflag:s29] =	ssyncadd.s32 $0xFFFFFFFF  }
0xb9: {  	_ =	strace $0x90000048  }
0xba: {  	_ =	sfence  }
0xbb: {  	s30 =	sld [smem:$0x0];
	_ =	sdelay $0x2  }
0xbc: {  	s31 =	sshll.u32 s1, $0xD;
	s1 =	sshrl.u32 s1, $0x2  }
0xbd: {  	s3 =	sand.u32 $0x4000, s31;
	s1 =	sadd.s32 s1, s30  }
0xbe: {  	s0 =	sor.u32 s3, s0;
	s1 =	sshll.u32 s1, $0x11  }
0xbf: {  	s0 =	sor.u32 s1, s0  }
0xc0: {  	s0 =	sadd.s32 $0x8F2B, s0  }
0xc1: {  	[sflag:s0] =	ssyncadd.remote.s32 $0x1  }
0xc2: {  	_ =	sfence.sel $0xFFFF  }
0xc3: {  	[dreg:$0x0] =	wrdreg $0xFFFFFFFF;
	(pc) =	sbr.abs _section_cstart, $3  }
0xc4: {  	[dreg:$0x1] =	wrdreg $0xFFFFFFFF  }
0xc5: {  	_ =	task.clear_ibuf [dreg:s9], $0x2FFFF;
	_ =	strace $0x9FFFFFFF  }
0xc6: {  	(tm) =	ssettm $0x7FFFFFFF  }
0xc7: {  	_ =	shalt  }
tec
execute0_lowered:
.L_overlay_start_1:
0x0: {  	(tag) =	ssettag $0x1  }
0x1: {  	s1 =	rddreg [dreg:$0x0]  }
0x2: {  	s2 =	rddreg [dreg:$0x1]  }
0x3: {  	s0 =	rddreg [dreg:$0x3];
	s5 =	simm.s32 $0x0  }
0x4: {  	s3 =	srdreg.scid;
	s6 =	stileid.u32;
	s12 =	simm.s32 $0x4  }
0x5: {  	s13 =	simm.s32 $0xF800;
	s24 =	simm.s32 $0x1;
	s3 =	sand.u32 $0x1, s3  }
0x6: {  	s6 =	sshll.u32 s6, $0x6;
	s4 =	ssub.s32 $0x2, s3;
	s3 =	sshll.u32 s3, $0x5  }
0x7: {  	s25 =	simm.s32 $0x2;
	[smem:$0x7FF] =	sst s5;
	s6 =	sor.u32 s3, s6  }
0x8: {  	s7 =	sadd.s32 $0x400, s0;
	s8 =	sshrl.u32 s4, $0x1;
	s3 =	sshll.u32 s6, $0x4  }
0x9: {  	v2 =	vlaneseq.u32;
	s9 =	sadd.s32 $0x100, s2;
	s31 =	ssub.s32 s4, s8;
	s1 =	sadd.s32 s1, s3  }
0xa: {  	vm0 =	vmmov $0xffff;
	v1 =	vshrl.u32 v2, $0x3;
	_ =	strace $0x80000047;
	s0 =	smax.u32 s31, $0x1;
	[dreg:$0x5] =	wrdreg s1  }
0xb: {  	s10 =	sadd.s32 $0x200, s2;
	v0 =	vand.u32 $0x7, v2;
	v2 =	vor.u32 $0x8, v2;
	v1 =	vmul.u32 $0x8, v1;
	[dreg:$0x6] =	wrdreg s0;
	s1 =	simm.s32 $0x0  }
.LBB2_1:
0xc: {  	[dreg:$0x7] =	wrdreg s1  }
0xd: {  	s0 =	rddreg [dreg:$0x5]  }
0xe: {  	[tilespmem:s5], [sflag:$0x4] =	stream.linear.gather [hbm4b:s0+s5], $0x800, $0x38;
	v63 =	vld [tilespmem:$0x0]  }
0xf: {  	_ =	swait.ge [sflag:s12], $0x800  }
0x10: {  	[sflag:s12] =	ssyncset.done $0x0  }
0x11: {  	[sflag:s12] =	ssyncadd.s32 $0xFFFFF800  }
0x12: {  	v3 =	vld [tilespmem:$0x0];
	_ =	sdelay $0x4  }
0x13: {  	v4 =	vshrl.u32 v3, $0x3  }
0x14: {  	v4 =	vmul.u32 $0x30, v4  }
0x15: {  	v3 =	vand.u32 $0x7, v3  }
0x16: {  	v3 =	vor.u32 v3, v4  }
0x17: {  	v4 =	vperm.xlane v3, v0;
	_ =	sdelay $0x1  }
0x18: {  	v4 =	vadd.s32 v1, v4;
	_ =	sdelay $0x3  }
0x19: {  	v3 =	vperm.xlane v3, v2  }
0x1a: {  	[tilespmem:s13], [sflag:$0x1] =	stream.indirect_vreg.gather [hbm4b:s2+s5], $0x80, v4, vm0, $0xb8;
	v63 =	vld [tilespmem:$0x0]  }
0x1b: {  	s16 =	simm.s32 $0x10000;
	v3 =	vadd.s32 v1, v3  }
0x1c: {  	[tilespmem:s16], [sflag:$0x1] =	stream.indirect_vreg.gather [hbm4b:s9+s5], $0x80, v4, vm0, $0xb8;
	v63 =	vld [tilespmem:$0x0]  }
0x1d: {  	s17 =	simm.s32 $0x10800  }
0x1e: {  	[tilespmem:s17], [sflag:$0x1] =	stream.indirect_vreg.gather [hbm4b:s10+s5], $0x80, v4, vm0, $0xb8;
	v63 =	vld [tilespmem:$0x0]  }
0x1f: {  	s18 =	simm.s32 $0x11000  }
0x20: {  	[tilespmem:s18], [sflag:$0x1] =	stream.indirect_vreg.gather [hbm4b:s2+s5], $0x80, v3, vm0, $0xb8;
	v63 =	vld [tilespmem:$0x0]  }
0x21: {  	s19 =	simm.s32 $0x11800  }
0x22: {  	[tilespmem:s19], [sflag:$0x1] =	stream.indirect_vreg.gather [hbm4b:s9+s5], $0x80, v3, vm0, $0xb8;
	v63 =	vld [tilespmem:$0x0]  }
0x23: {  	s20 =	simm.s32 $0x12000  }
0x24: {  	[tilespmem:s20], [sflag:$0x1] =	stream.indirect_vreg.gather [hbm4b:s10+s5], $0x80, v3, vm0, $0xb8;
	v63 =	vld [tilespmem:$0x0]  }
0x25: {  	v3 =	vld [tilespmem:$0x10];
	_ =	sdelay $0x4  }
0x26: {  	v58 =	vshrl.u32 v3, $0x3  }
0x27: {  	v4 =	vmul.u32 $0x30, v58  }
0x28: {  	v3 =	vand.u32 $0x7, v3  }
0x29: {  	v3 =	vor.u32 v3, v4  }
0x2a: {  	v4 =	vperm.xlane v3, v0;
	_ =	sdelay $0x1  }
0x2b: {  	v4 =	vadd.s32 v1, v4;
	_ =	sdelay $0x3  }
0x2c: {  	s21 =	simm.s32 $0x12800;
	v3 =	vperm.xlane v3, v2  }
0x2d: {  	[tilespmem:s21], [sflag:$0x1] =	stream.indirect_vreg.gather [hbm4b:s2+s5], $0x80, v4, vm0, $0xb8;
	v63 =	vld [tilespmem:$0x0]  }
0x2e: {  	s22 =	simm.s32 $0x13000;
	v3 =	vadd.s32 v1, v3  }
0x2f: {  	[tilespmem:s22], [sflag:$0x1] =	stream.indirect_vreg.gather [hbm4b:s9+s5], $0x80, v4, vm0, $0xb8;
	v63 =	vld [tilespmem:$0x0]  }
0x30: {  	s23 =	simm.s32 $0x13800  }
0x31: {  	[tilespmem:s23], [sflag:$0x1] =	stream.indirect_vreg.gather [hbm4b:s10+s5], $0x80, v4, vm0, $0xb8;
	v63 =	vld [tilespmem:$0x0]  }
0x32: {  	s26 =	simm.s32 $0x14000  }
0x33: {  	[tilespmem:s26], [sflag:$0x1] =	stream.indirect_vreg.gather [hbm4b:s2+s5], $0x80, v3, vm0, $0xb8;
	v63 =	vld [tilespmem:$0x0]  }
0x34: {  	s29 =	simm.s32 $0x14800  }
0x35: {  	[tilespmem:s29], [sflag:$0x1] =	stream.indirect_vreg.gather [hbm4b:s9+s5], $0x80, v3, vm0, $0xb8;
	v63 =	vld [tilespmem:$0x0]  }
0x36: {  	s30 =	simm.s32 $0x15000  }
0x37: {  	[tilespmem:s30], [sflag:$0x1] =	stream.indirect_vreg.gather [hbm4b:s10+s5], $0x80, v3, vm0, $0xb8;
	v63 =	vld [tilespmem:$0x0]  }
0x38: {  	v3 =	vld.msk [tilespmem:$0x20], $0xff;
	_ =	sdelay $0x4  }
0x39: {  	v59 =	vshrl.u32 v3, $0x3  }
0x3a: {  	v4 =	vmul.u32 $0x30, v59  }
0x3b: {  	v3 =	vand.u32 $0x7, v3  }
0x3c: {  	v3 =	vor.u32 v3, v4  }
0x3d: {  	v3 =	vperm.xlane v3, v0;
	_ =	sdelay $0x1  }
0x3e: {  	v3 =	vadd.s32 v1, v3;
	_ =	sdelay $0x3  }
0x3f: {  	s31 =	simm.s32 $0x15800  }
0x40: {  	[tilespmem:s31], [sflag:$0x1] =	stream.indirect_vreg.gather [hbm4b:s2+s5], $0x80, v3, vm0, $0xb8;
	v63 =	vld [tilespmem:$0x0]  }
0x41: {  	s1 =	simm.s32 $0x16000  }
0x42: {  	[tilespmem:s1], [sflag:$0x1] =	stream.indirect_vreg.gather [hbm4b:s9+s5], $0x80, v3, vm0, $0xb8;
	v63 =	vld [tilespmem:$0x0]  }
0x43: {  	s3 =	simm.s32 $0x16800  }
0x44: {  	[tilespmem:s3], [sflag:$0x1] =	stream.indirect_vreg.gather [hbm4b:s10+s5], $0x80, v3, vm0, $0xb8;
	v63 =	vld [tilespmem:$0x0]  }
0x45: {  	v3 =	vld [tilespmem:$0x28];
	_ =	sdelay $0x4  }
0x46: {  	v60 =	vshrl.u32 v3, $0x3  }
0x47: {  	v4 =	vmul.u32 $0x30, v60  }
0x48: {  	v3 =	vand.u32 $0x7, v3  }
0x49: {  	v3 =	vor.u32 v3, v4  }
0x4a: {  	v4 =	vperm.xlane v3, v0;
	_ =	sdelay $0x1  }
0x4b: {  	v4 =	vadd.s32 v1, v4;
	_ =	sdelay $0x3  }
0x4c: {  	s4 =	simm.s32 $0x17000;
	v3 =	vperm.xlane v3, v2  }
0x4d: {  	[tilespmem:s4], [sflag:$0x2] =	stream.indirect_vreg.gather [hbm4b:s2+s5], $0x80, v4, vm0, $0xb8;
	v63 =	vld [tilespmem:$0x0]  }
0x4e: {  	s8 =	simm.s32 $0x17800;
	v3 =	vadd.s32 v1, v3  }
0x4f: {  	[tilespmem:s8], [sflag:$0x2] =	stream.indirect_vreg.gather [hbm4b:s9+s5], $0x80, v4, vm0, $0xb8;
	v63 =	vld [tilespmem:$0x0]  }
0x50: {  	s11 =	simm.s32 $0x18000  }
0x51: {  	[tilespmem:s11], [sflag:$0x2] =	stream.indirect_vreg.gather [hbm4b:s10+s5], $0x80, v4, vm0, $0xb8;
	v63 =	vld [tilespmem:$0x0]  }
0x52: {  	s14 =	simm.s32 $0x18800  }
0x53: {  	[tilespmem:s14], [sflag:$0x2] =	stream.indirect_vreg.gather [hbm4b:s2+s5], $0x80, v3, vm0, $0xb8;
	v63 =	vld [tilespmem:$0x0]  }
0x54: {  	s15 =	simm.s32 $0x19000  }
0x55: {  	[tilespmem:s15], [sflag:$0x2] =	stream.indirect_vreg.gather [hbm4b:s9+s5], $0x80, v3, vm0, $0xb8;
	v63 =	vld [tilespmem:$0x0]  }
0x56: {  	s16 =	simm.s32 $0x19800  }
0x57: {  	[tilespmem:s16], [sflag:$0x2] =	stream.indirect_vreg.gather [hbm4b:s10+s5], $0x80, v3, vm0, $0xb8;
	v63 =	vld [tilespmem:$0x0]  }
0x58: {  	v3 =	vld [tilespmem:$0x38];
	_ =	sdelay $0x4  }
0x59: {  	v61 =	vshrl.u32 v3, $0x3  }
0x5a: {  	v4 =	vmul.u32 $0x30, v61  }
0x5b: {  	v3 =	vand.u32 $0x7, v3  }
0x5c: {  	v3 =	vor.u32 v3, v4  }
0x5d: {  	v4 =	vperm.xlane v3, v0;
	_ =	sdelay $0x1  }
0x5e: {  	v4 =	vadd.s32 v1, v4;
	_ =	sdelay $0x3  }
0x5f: {  	s17 =	simm.s32 $0x1A000;
	v3 =	vperm.xlane v3, v2  }
0x60: {  	[tilespmem:s17], [sflag:$0x2] =	stream.indirect_vreg.gather [hbm4b:s2+s5], $0x80, v4, vm0, $0xb8;
	v63 =	vld [tilespmem:$0x0]  }
0x61: {  	s18 =	simm.s32 $0x1A800;
	v3 =	vadd.s32 v1, v3  }
0x62: {  	[tilespmem:s18], [sflag:$0x2] =	stream.indirect_vreg.gather [hbm4b:s9+s5], $0x80, v4, vm0, $0xb8;
	v63 =	vld [tilespmem:$0x0]  }
0x63: {  	s19 =	simm.s32 $0x1B000  }
0x64: {  	[tilespmem:s19], [sflag:$0x2] =	stream.indirect_vreg.gather [hbm4b:s10+s5], $0x80, v4, vm0, $0xb8;
	v63 =	vld [tilespmem:$0x0]  }
0x65: {  	s20 =	simm.s32 $0x1B800  }
0x66: {  	[tilespmem:s20], [sflag:$0x2] =	stream.indirect_vreg.gather [hbm4b:s2+s5], $0x80, v3, vm0, $0xb8;
	v63 =	vld [tilespmem:$0x0]  }
0x67: {  	s21 =	simm.s32 $0x1C000  }
0x68: {  	[tilespmem:s21], [sflag:$0x2] =	stream.indirect_vreg.gather [hbm4b:s9+s5], $0x80, v3, vm0, $0xb8;
	v63 =	vld [tilespmem:$0x0]  }
0x69: {  	s22 =	simm.s32 $0x1C800  }
0x6a: {  	[tilespmem:s22], [sflag:$0x2] =	stream.indirect_vreg.gather [hbm4b:s10+s5], $0x80, v3, vm0, $0xb8;
	v63 =	vld [tilespmem:$0x0]  }
0x6b: {  	v3 =	vld.msk [tilespmem:$0x45], $0xff;
	_ =	sdelay $0x4  }
0x6c: {  	v62 =	vshrl.u32 v3, $0x3  }
0x6d: {  	v4 =	vmul.u32 $0x30, v62  }
0x6e: {  	v3 =	vand.u32 $0x7, v3  }
0x6f: {  	v3 =	vor.u32 v3, v4  }
0x70: {  	v3 =	vperm.xlane v3, v0;
	_ =	sdelay $0x1  }
0x71: {  	v3 =	vadd.s32 v1, v3;
	_ =	sdelay $0x3  }
0x72: {  	s23 =	simm.s32 $0x1E800  }
0x73: {  	[tilespmem:s23], [sflag:$0x3] =	stream.indirect_vreg.gather [hbm4b:s2+s5], $0x80, v3, vm0, $0xb8;
	v63 =	vld [tilespmem:$0x0]  }
0x74: {  	s26 =	simm.s32 $0x1F000  }
0x75: {  	[tilespmem:s26], [sflag:$0x3] =	stream.indirect_vreg.gather [hbm4b:s9+s5], $0x80, v3, vm0, $0xb8;
	v63 =	vld [tilespmem:$0x0]  }
0x76: {  	s29 =	simm.s32 $0x1F800  }
0x77: {  	[tilespmem:s29], [sflag:$0x3] =	stream.indirect_vreg.gather [hbm4b:s10+s5], $0x80, v3, vm0, $0xb8;
	v63 =	vld [tilespmem:$0x0]  }
0x78: {  	s30 =	rddreg [dreg:$0x2];
	s31 =	simm.s32 $0x800  }
0x79: {  	[tilespmem:s31], [sflag:$0x4] =	stream.linear.gather [hbm4b:s30+s5], $0xF000, $0x38;
	v63 =	vld [tilespmem:$0x0]  }
0x7a: {  	_ =	swait.ge [sflag:s12], $0xF000  }
0x7b: {  	[sflag:s12] =	ssyncset.done $0x0  }
0x7c: {  	s28 =	simm.s32 $0x0;
	[sflag:s12] =	ssyncadd.s32 $0xFFFF1000  }
.LBB2_2:
0x7d: {  	s0 =	simm.s32 $0x0  }
0x7e: {  	_ =	swait.ge [sflag:s24], $0x7800;
	s29 =	simm.s32 $0x0;
	s17 =	smul.u32 $0x1800, s0  }
0x7f: {  	[sflag:s24] =	ssyncset.done $0x0;
	s0 =	sand.u32 $0x200, s29  }
0x80: {  	[sflag:s24] =	ssyncadd.s32 $0xFFFF8800;
	s3 =	sor.u32 s0, s17  }
0x81: {  	v3 =	vld [tilespmem:s3+$0xF800]  }
0x82: {  	v4 =	vld [tilespmem:s3+$0x800]  }
0x83: {  	v5 =	vld [tilespmem:s3+$0xF810]  }
0x84: {  	v6 =	vld [tilespmem:s3+$0x810]  }
0x85: {  	v7 =	vld [tilespmem:s3+$0xF820]  }
0x86: {  	v8 =	vld [tilespmem:s3+$0x820]  }
0x87: {  	v9 =	vld [tilespmem:s3+$0xF830]  }
0x88: {  	v10 =	vld [tilespmem:s3+$0x830]  }
0x89: {  	v11 =	vld [tilespmem:s3+$0xF840]  }
0x8a: {  	v12 =	vld [tilespmem:s3+$0x840]  }
0x8b: {  	v13 =	vld [tilespmem:s3+$0xF850]  }
0x8c: {  	v14 =	vld [tilespmem:s3+$0x850]  }
0x8d: {  	v15 =	vld [tilespmem:s3+$0xF860]  }
0x8e: {  	v16 =	vld [tilespmem:s3+$0x860]  }
0x8f: {  	v17 =	vld [tilespmem:s3+$0xF870]  }
0x90: {  	v18 =	vld [tilespmem:s3+$0x870]  }
0x91: {  	v19 =	vld [tilespmem:s3+$0xFC00]  }
0x92: {  	v20 =	vld [tilespmem:s3+$0xC00]  }
0x93: {  	v21 =	vld [tilespmem:s3+$0xFC10]  }
0x94: {  	v22 =	vld [tilespmem:s3+$0xC10]  }
0x95: {  	v23 =	vld [tilespmem:s3+$0xFC20];
	v3 =	vadd.f32 v4, v3  }
0x96: {  	v59 =	vld [tilespmem:s3+$0xFC60];
	v5 =	vadd.f32 v6, v5  }
0x97: {  	v60 =	vld [tilespmem:s3+$0xC60];
	[tilespmem:s3+$0xF800] =	vst v3;
	v3 =	vadd.f32 v8, v7  }
0x98: {  	v4 =	vld [tilespmem:s3+$0xC20];
	[tilespmem:s3+$0xF810] =	vst v5;
	v5 =	vadd.f32 v10, v9  }
0x99: {  	v6 =	vld [tilespmem:s3+$0xFC30];
	[tilespmem:s3+$0xF820] =	vst v3;
	v3 =	vadd.f32 v12, v11  }
0x9a: {  	v7 =	vld [tilespmem:s3+$0xC30];
	[tilespmem:s3+$0xF830] =	vst v5;
	v5 =	vadd.f32 v14, v13  }
0x9b: {  	v8 =	vld [tilespmem:s3+$0xFC40];
	[tilespmem:s3+$0xF840] =	vst v3;
	v3 =	vadd.f32 v16, v15  }
0x9c: {  	v9 =	vld [tilespmem:s3+$0xC40];
	[tilespmem:s3+$0xF850] =	vst v5;
	v5 =	vadd.f32 v18, v17  }
0x9d: {  	v10 =	vld [tilespmem:s3+$0xFC50];
	[tilespmem:s3+$0xF860] =	vst v3  }
0x9e: {  	s11 =	sor.u32 $0x180, s0;
	v11 =	vld [tilespmem:s3+$0xC50];
	[tilespmem:s3+$0xF870] =	vst v5  }
0x9f: {  	s8 =	sor.u32 s17, s11;
	v61 =	vld [tilespmem:s3+$0xFC70]  }
0xa0: {  	v39 =	vld [tilespmem:s8+$0xF800]  }
0xa1: {  	v40 =	vld [tilespmem:s8+$0x800]  }
0xa2: {  	v41 =	vld [tilespmem:s8+$0xF810]  }
0xa3: {  	v42 =	vld [tilespmem:s8+$0x810]  }
0xa4: {  	v43 =	vld [tilespmem:s8+$0xF820]  }
0xa5: {  	v24 =	vld [tilespmem:s8+$0x820]  }
0xa6: {  	v25 =	vld [tilespmem:s8+$0xF830]  }
0xa7: {  	v26 =	vld [tilespmem:s8+$0x830]  }
0xa8: {  	v27 =	vld [tilespmem:s8+$0xF840]  }
0xa9: {  	v28 =	vld [tilespmem:s8+$0x840]  }
0xaa: {  	v29 =	vld [tilespmem:s8+$0xF850]  }
0xab: {  	v30 =	vld [tilespmem:s8+$0x850]  }
0xac: {  	v3 =	vadd.f32 v20, v19;
	v31 =	vld [tilespmem:s8+$0xF860]  }
0xad: {  	v5 =	vadd.f32 v22, v21;
	v44 =	vld [tilespmem:s8+$0xFC20]  }
0xae: {  	[tilespmem:s3+$0xFC00] =	vst v3;
	v3 =	vadd.f32 v4, v23;
	v4 =	vld [tilespmem:s3+$0xC70]  }
0xaf: {  	v45 =	vld [tilespmem:s8+$0xC20];
	[tilespmem:s3+$0xFC10] =	vst v5;
	v5 =	vadd.f32 v7, v6  }
0xb0: {  	v46 =	vld [tilespmem:s8+$0xFC30];
	[tilespmem:s3+$0xFC20] =	vst v3;
	v3 =	vadd.f32 v9, v8  }
0xb1: {  	v47 =	vld [tilespmem:s8+$0xC30];
	[tilespmem:s3+$0xFC30] =	vst v5;
	v5 =	vadd.f32 v11, v10  }
0xb2: {  	v48 =	vld [tilespmem:s8+$0xFC40];
	[tilespmem:s3+$0xFC40] =	vst v3;
	v3 =	vadd.f32 v60, v59  }
0xb3: {  	v49 =	vld [tilespmem:s8+$0xFC50];
	[tilespmem:s3+$0xFC50] =	vst v5;
	v4 =	vadd.f32 v4, v61  }
0xb4: {  	s14 =	sadd.s32 $0x800, s17;
	v50 =	vld [tilespmem:s8+$0xC50];
	[tilespmem:s3+$0xFC60] =	vst v3  }
0xb5: {  	s4 =	sor.u32 s0, s14;
	v51 =	vld [tilespmem:s8+$0xFC60];
	[tilespmem:s3+$0xFC70] =	vst v4  }
0xb6: {  	v3 =	vld [tilespmem:s4+$0xF800]  }
0xb7: {  	v4 =	vld [tilespmem:s4+$0x800]  }
0xb8: {  	v5 =	vld [tilespmem:s4+$0xF810]  }
0xb9: {  	v6 =	vld [tilespmem:s4+$0x810]  }
0xba: {  	v7 =	vld [tilespmem:s4+$0xF820]  }
0xbb: {  	v8 =	vld [tilespmem:s4+$0x820]  }
0xbc: {  	v9 =	vld [tilespmem:s4+$0xF830]  }
0xbd: {  	v10 =	vld [tilespmem:s4+$0x830]  }
0xbe: {  	v11 =	vld [tilespmem:s4+$0xF840]  }
0xbf: {  	v62 =	vld [tilespmem:s4+$0x840]  }
0xc0: {  	v33 =	vld [tilespmem:s4+$0xF850]  }
0xc1: {  	v34 =	vld [tilespmem:s4+$0x850]  }
0xc2: {  	v35 =	vld [tilespmem:s4+$0xF860]  }
0xc3: {  	v36 =	vld [tilespmem:s4+$0x860]  }
0xc4: {  	s3 =	sor.u32 $0x80, s0;
	v37 =	vld [tilespmem:s4+$0xF870]  }
0xc5: {  	v38 =	vld [tilespmem:s4+$0x870];
	s18 =	sor.u32 s17, s3  }
0xc6: {  	v14 =	vld [tilespmem:s18+$0x820]  }
0xc7: {  	v15 =	vld [tilespmem:s18+$0xF830]  }
0xc8: {  	v17 =	vld [tilespmem:s18+$0x830]  }
0xc9: {  	v16 =	vld [tilespmem:s18+$0xF840]  }
0xca: {  	v18 =	vld [tilespmem:s18+$0x840];
	v3 =	vadd.f32 v4, v3  }
0xcb: {  	v22 =	vld [tilespmem:s18+$0xF850];
	v5 =	vadd.f32 v6, v5  }
0xcc: {  	v23 =	vld [tilespmem:s18+$0x850];
	[tilespmem:s4+$0xF800] =	vst v3;
	v3 =	vadd.f32 v8, v7  }
0xcd: {  	v20 =	vld [tilespmem:s18+$0xF870];
	[tilespmem:s4+$0xF810] =	vst v5;
	v5 =	vadd.f32 v10, v9  }
0xce: {  	v21 =	vld [tilespmem:s18+$0xFC00];
	[tilespmem:s4+$0xF820] =	vst v3;
	v3 =	vadd.f32 v62, v11  }
0xcf: {  	v4 =	vld [tilespmem:s8+$0x860];
	[tilespmem:s4+$0xF830] =	vst v5;
	v5 =	vadd.f32 v34, v33  }
0xd0: {  	v6 =	vld [tilespmem:s8+$0xF870];
	[tilespmem:s4+$0xF840] =	vst v3;
	v3 =	vadd.f32 v36, v35  }
0xd1: {  	v7 =	vld [tilespmem:s8+$0x870];
	[tilespmem:s4+$0xF850] =	vst v5;
	v5 =	vadd.f32 v38, v37  }
0xd2: {  	v8 =	vld [tilespmem:s8+$0xFC00];
	[tilespmem:s4+$0xF860] =	vst v3;
	v3 =	vadd.f32 v40, v39  }
0xd3: {  	v9 =	vld [tilespmem:s8+$0xC00];
	[tilespmem:s4+$0xF870] =	vst v5;
	v5 =	vadd.f32 v42, v41  }
0xd4: {  	v10 =	vld [tilespmem:s8+$0xFC10];
	[tilespmem:s8+$0xF800] =	vst v3;
	v3 =	vadd.f32 v24, v43  }
0xd5: {  	v11 =	vld [tilespmem:s8+$0xC10];
	[tilespmem:s8+$0xF810] =	vst v5;
	v5 =	vadd.f32 v26, v25  }
0xd6: {  	v24 =	vld [tilespmem:s18+$0xF860];
	[tilespmem:s8+$0xF820] =	vst v3;
	v3 =	vadd.f32 v28, v27  }
0xd7: {  	v26 =	vld [tilespmem:s18+$0x860];
	[tilespmem:s8+$0xF830] =	vst v5;
	v5 =	vadd.f32 v30, v29  }
0xd8: {  	v27 =	vld [tilespmem:s18+$0xC20];
	[tilespmem:s8+$0xF840] =	vst v3;
	v3 =	vadd.f32 v4, v31  }
0xd9: {  	[tilespmem:s8+$0xF850] =	vst v5;
	v4 =	vadd.f32 v7, v6;
	v6 =	vld [tilespmem:s8+$0xC60]  }
0xda: {  	v7 =	vld [tilespmem:s8+$0xFC70];
	v5 =	vadd.f32 v45, v44;
	[tilespmem:s8+$0xF860] =	vst v3  }
0xdb: {  	s16 =	sadd.s32 $0xC00, s17;
	v3 =	vadd.f32 v9, v8;
	[tilespmem:s8+$0xF870] =	vst v4;
	v8 =	vld [tilespmem:s8+$0xC70]  }
0xdc: {  	s4 =	sor.u32 s0, s16;
	v4 =	vadd.f32 v11, v10;
	v10 =	vld [tilespmem:s8+$0xC40];
	[tilespmem:s8+$0xFC20] =	vst v5  }
0xdd: {  	v9 =	vadd.f32 v47, v46;
	v5 =	vld [tilespmem:s4+$0xF810];
	[tilespmem:s8+$0xFC00] =	vst v3  }
0xde: {  	v11 =	vadd.f32 v50, v49;
	v3 =	vld [tilespmem:s4+$0xF800];
	[tilespmem:s8+$0xFC10] =	vst v4  }
0xdf: {  	v4 =	vld [tilespmem:s4+$0x800];
	[tilespmem:s8+$0xFC30] =	vst v9;
	v52 =	vadd.f32 v6, v51  }
0xe0: {  	[tilespmem:s8+$0xFC50] =	vst v11;
	v9 =	vld [tilespmem:s18+$0xF800];
	v7 =	vadd.f32 v8, v7  }
0xe1: {  	v11 =	vld [tilespmem:s18+$0xF810];
	v8 =	vadd.f32 v10, v48;
	[tilespmem:s8+$0xFC60] =	vst v52  }
0xe2: {  	v6 =	vld [tilespmem:s4+$0x810];
	[tilespmem:s8+$0xFC70] =	vst v7  }
0xe3: {  	s15 =	sor.u32 s11, s14;
	v10 =	vld [tilespmem:s18+$0x800];
	[tilespmem:s8+$0xFC40] =	vst v8  }
0xe4: {  	v7 =	vld [tilespmem:s15+$0xF800]  }
0xe5: {  	v8 =	vld [tilespmem:s15+$0x800]  }
0xe6: {  	v12 =	vld [tilespmem:s15+$0xF810]  }
0xe7: {  	v53 =	vld [tilespmem:s15+$0x810]  }
0xe8: {  	v54 =	vld [tilespmem:s15+$0xF820]  }
0xe9: {  	v55 =	vld [tilespmem:s15+$0x820]  }
0xea: {  	v56 =	vld [tilespmem:s15+$0xF830]  }
0xeb: {  	v57 =	vld [tilespmem:s15+$0x830]  }
0xec: {  	v58 =	vld [tilespmem:s15+$0xF840]  }
0xed: {  	v59 =	vld [tilespmem:s15+$0xF850]  }
0xee: {  	v60 =	vld [tilespmem:s15+$0x850]  }
0xef: {  	v61 =	vld [tilespmem:s15+$0xF860]  }
0xf0: {  	v62 =	vld [tilespmem:s15+$0x860]  }
0xf1: {  	v28 =	vld [tilespmem:s15+$0x870]  }
0xf2: {  	v29 =	vld [tilespmem:s15+$0x840]  }
0xf3: {  	v7 =	vadd.f32 v8, v7;
	v8 =	vld [tilespmem:s15+$0xF870]  }
0xf4: {  	v13 =	vadd.f32 v53, v12;
	v12 =	vld [tilespmem:s18+$0x810]  }
0xf5: {  	v30 =	vadd.f32 v57, v56;
	v57 =	vld [tilespmem:s18+$0xFC30]  }
0xf6: {  	v31 =	vadd.f32 v62, v61;
	v61 =	vld [tilespmem:s18+$0xFC50];
	[tilespmem:s15+$0xF800] =	vst v7;
	v7 =	vadd.f32 v55, v54  }
0xf7: {  	v62 =	vld [tilespmem:s18+$0xC50];
	[tilespmem:s15+$0xF810] =	vst v13  }
0xf8: {  	v13 =	vld [tilespmem:s18+$0xF820];
	[tilespmem:s15+$0xF820] =	vst v7;
	v7 =	vadd.f32 v60, v59  }
0xf9: {  	[tilespmem:s15+$0xF860] =	vst v31;
	v31 =	vld [tilespmem:s18+$0xFC10]  }
0xfa: {  	v59 =	vld [tilespmem:s18+$0xFC40];
	[tilespmem:s15+$0xF850] =	vst v7;
	v7 =	vadd.f32 v28, v8  }
0xfb: {  	[tilespmem:s15+$0xF830] =	vst v30;
	v60 =	vld [tilespmem:s18+$0xC40];
	v8 =	vadd.f32 v29, v58  }
0xfc: {  	v29 =	vld [tilespmem:s18+$0xC00];
	[tilespmem:s15+$0xF870] =	vst v7  }
0xfd: {  	s23 =	sor.u32 s11, s16;
	v58 =	vld [tilespmem:s18+$0xC30];
	[tilespmem:s15+$0xF840] =	vst v8  }
0xfe: {  	v7 =	vld [tilespmem:s23+$0xF800]  }
0xff: {  	v8 =	vld [tilespmem:s23+$0x800]  }
0x100: {  	v32 =	vld [tilespmem:s23+$0xF810]  }
0x101: {  	v33 =	vld [tilespmem:s23+$0x810]  }
0x102: {  	v34 =	vld [tilespmem:s23+$0xF820]  }
0x103: {  	v35 =	vld [tilespmem:s23+$0x820]  }
0x104: {  	v36 =	vld [tilespmem:s23+$0xF830]  }
0x105: {  	v37 =	vld [tilespmem:s23+$0x830]  }
0x106: {  	v38 =	vld [tilespmem:s23+$0xF840]  }
0x107: {  	v39 =	vld [tilespmem:s23+$0xF850]  }
0x108: {  	v40 =	vld [tilespmem:s23+$0x850]  }
0x109: {  	v41 =	vld [tilespmem:s23+$0xF860]  }
0x10a: {  	v42 =	vld [tilespmem:s23+$0x860]  }
0x10b: {  	s26 =	sor.u32 $0x100, s0;
	v43 =	vld [tilespmem:s23+$0x870]  }
0x10c: {  	s8 =	sadd.s32 $0x1400, s17;
	s15 =	sadd.s32 $0x1000, s17;
	s17 =	sor.u32 s17, s26;
	v44 =	vld [tilespmem:s23+$0x840]  }
0x10d: {  	v9 =	vadd.f32 v10, v9;
	v10 =	vld [tilespmem:s17+$0xF870]  }
0x10e: {  	v11 =	vadd.f32 v12, v11;
	v12 =	vld [tilespmem:s17+$0x870]  }
0x10f: {  	[tilespmem:s18+$0xF800] =	vst v9;
	v9 =	vadd.f32 v14, v13;
	v13 =	vld [tilespmem:s17+$0xFC00]  }
0x110: {  	v14 =	vld [tilespmem:s17+$0xC00]  }
0x111: {  	[tilespmem:s18+$0xF810] =	vst v11;
	v11 =	vadd.f32 v17, v15;
	v15 =	vld [tilespmem:s17+$0xFC10]  }
0x112: {  	[tilespmem:s18+$0xF820] =	vst v9;
	v9 =	vadd.f32 v18, v16;
	v16 =	vld [tilespmem:s17+$0xC10]  }
0x113: {  	v17 =	vld [tilespmem:s17+$0xFC20]  }
0x114: {  	[tilespmem:s18+$0xF830] =	vst v11;
	v18 =	vld [tilespmem:s17+$0xC20]  }
0x115: {  	v11 =	vadd.f32 v23, v22;
	v22 =	vld [tilespmem:s17+$0xC40];
	[tilespmem:s18+$0xF840] =	vst v9;
	v9 =	vadd.f32 v26, v24  }
0x116: {  	v23 =	vld [tilespmem:s17+$0xFC50]  }
0x117: {  	[tilespmem:s18+$0xF860] =	vst v9;
	v9 =	vadd.f32 v29, v21;
	v21 =	vld [tilespmem:s17+$0xFC40]  }
0x118: {  	v7 =	vadd.f32 v8, v7;
	v8 =	vld [tilespmem:s23+$0xF870]  }
0x119: {  	v45 =	vadd.f32 v37, v36;
	v37 =	vld [tilespmem:s18+$0xFC60]  }
0x11a: {  	v19 =	vadd.f32 v33, v32;
	v46 =	vadd.f32 v42, v41;
	v41 =	vld [tilespmem:s17+$0xF800]  }
0x11b: {  	v42 =	vld [tilespmem:s17+$0x800];
	[tilespmem:s23+$0xF800] =	vst v7  }
0x11c: {  	[tilespmem:s23+$0xF810] =	vst v19;
	v19 =	vld [tilespmem:s18+$0x870]  }
0x11d: {  	v7 =	vadd.f32 v35, v34;
	[tilespmem:s23+$0xF830] =	vst v45;
	v45 =	vld [tilespmem:s17+$0xF820]  }
0x11e: {  	[tilespmem:s23+$0xF860] =	vst v46;
	v46 =	vld [tilespmem:s17+$0x820]  }
0x11f: {  	[tilespmem:s23+$0xF820] =	vst v7;
	v7 =	vadd.f32 v40, v39;
	v39 =	vld [tilespmem:s18+$0xFC70]  }
0x120: {  	v40 =	vld [tilespmem:s18+$0xC70]  }
0x121: {  	[tilespmem:s23+$0xF850] =	vst v7;
	v7 =	vadd.f32 v43, v8;
	v8 =	vadd.f32 v44, v38;
	v38 =	vld [tilespmem:s18+$0xC60]  }
0x122: {  	v43 =	vld [tilespmem:s17+$0xF810]  }
0x123: {  	[tilespmem:s18+$0xF850] =	vst v11;
	v44 =	vld [tilespmem:s17+$0x810]  }
0x124: {  	v11 =	vadd.f32 v19, v20;
	v19 =	vld [tilespmem:s17+$0xFC30];
	[tilespmem:s23+$0xF870] =	vst v7  }
0x125: {  	s19 =	sor.u32 s11, s15;
	v20 =	vld [tilespmem:s17+$0xC30];
	[tilespmem:s23+$0xF840] =	vst v8  }
0x126: {  	v7 =	vld [tilespmem:s19+$0xF800]  }
0x127: {  	v8 =	vld [tilespmem:s19+$0x800]  }
0x128: {  	v47 =	vld [tilespmem:s19+$0xF810]  }
0x129: {  	v48 =	vld [tilespmem:s19+$0x810]  }
0x12a: {  	v49 =	vld [tilespmem:s19+$0xF820]  }
0x12b: {  	v50 =	vld [tilespmem:s19+$0x820]  }
0x12c: {  	v51 =	vld [tilespmem:s19+$0xF830]  }
0x12d: {  	v52 =	vld [tilespmem:s19+$0xF840]  }
0x12e: {  	v32 =	vld [tilespmem:s19+$0x840]  }
0x12f: {  	v33 =	vld [tilespmem:s19+$0xF850]  }
0x130: {  	v34 =	vld [tilespmem:s19+$0x850]  }
0x131: {  	v35 =	vld [tilespmem:s19+$0xF860]  }
0x132: {  	v36 =	vld [tilespmem:s19+$0x860]  }
0x133: {  	v53 =	vld [tilespmem:s19+$0x870]  }
0x134: {  	v54 =	vld [tilespmem:s19+$0x830]  }
0x135: {  	v7 =	vadd.f32 v8, v7;
	v8 =	vld [tilespmem:s19+$0xF870]  }
0x136: {  	[tilespmem:s18+$0xFC00] =	vst v9;
	v55 =	vadd.f32 v32, v52;
	v32 =	vld [tilespmem:s18+$0xC10]  }
0x137: {  	[tilespmem:s18+$0xF870] =	vst v11;
	v25 =	vadd.f32 v48, v47;
	v47 =	vld [tilespmem:s17+$0xF830]  }
0x138: {  	v48 =	vld [tilespmem:s17+$0x830];
	[tilespmem:s19+$0xF800] =	vst v7  }
0x139: {  	v52 =	vld [tilespmem:s17+$0x850];
	v7 =	vadd.f32 v50, v49;
	[tilespmem:s19+$0xF810] =	vst v25  }
0x13a: {  	v56 =	vadd.f32 v36, v35;
	[tilespmem:s19+$0xF840] =	vst v55;
	v49 =	vld [tilespmem:s17+$0xF840]  }
0x13b: {  	[tilespmem:s19+$0xF820] =	vst v7;
	v7 =	vadd.f32 v34, v33;
	v33 =	vld [tilespmem:s18+$0xFC20]  }
0x13c: {  	[tilespmem:s19+$0xF860] =	vst v56;
	v50 =	vld [tilespmem:s17+$0x840];
	v11 =	vadd.f32 v32, v31  }
0x13d: {  	v55 =	vld [tilespmem:s17+$0xC50];
	[tilespmem:s19+$0xF850] =	vst v7;
	v7 =	vadd.f32 v53, v8  }
0x13e: {  	v56 =	vld [tilespmem:s17+$0xFC60];
	v8 =	vadd.f32 v54, v51;
	[tilespmem:s18+$0xFC10] =	vst v11  }
0x13f: {  	v51 =	vld [tilespmem:s17+$0xF850];
	v11 =	vadd.f32 v58, v57;
	[tilespmem:s19+$0xF870] =	vst v7  }
0x140: {  	v53 =	vld [tilespmem:s17+$0xF860];
	[tilespmem:s19+$0xF830] =	vst v8;
	v9 =	vadd.f32 v27, v33  }
0x141: {  	v54 =	vld [tilespmem:s17+$0x860];
	[tilespmem:s18+$0xFC30] =	vst v11;
	v11 =	vadd.f32 v62, v61  }
0x142: {  	v57 =	vld [tilespmem:s17+$0xC60];
	[tilespmem:s18+$0xFC20] =	vst v9;
	v9 =	vadd.f32 v60, v59  }
0x143: {  	s30 =	sor.u32 s11, s8;
	v58 =	vld [tilespmem:s17+$0xFC70];
	[tilespmem:s18+$0xFC50] =	vst v11;
	v11 =	vadd.f32 v40, v39  }
0x144: {  	v7 =	vld [tilespmem:s30+$0xF870];
	[tilespmem:s18+$0xFC40] =	vst v9;
	v9 =	vadd.f32 v38, v37  }
0x145: {  	v10 =	vadd.f32 v12, v10;
	v8 =	vld [tilespmem:s30+$0x870];
	[tilespmem:s18+$0xFC70] =	vst v11  }
0x146: {  	s1 =	sor.u32 s3, s14;
	v59 =	vld [tilespmem:s17+$0xC70];
	[tilespmem:s18+$0xFC60] =	vst v9  }
0x147: {  	[tilespmem:s17+$0xF870] =	vst v10;
	v10 =	vadd.f32 v16, v15;
	v60 =	vld [tilespmem:s1+$0xF800]  }
0x148: {  	v11 =	vadd.f32 v44, v43;
	v61 =	vld [tilespmem:s1+$0x800]  }
0x149: {  	[tilespmem:s17+$0xFC10] =	vst v10;
	v9 =	vadd.f32 v42, v41;
	v62 =	vld [tilespmem:s1+$0xF810]  }
0x14a: {  	[tilespmem:s17+$0xF810] =	vst v11;
	v11 =	vadd.f32 v48, v47;
	v36 =	vld [tilespmem:s1+$0x810]  }
0x14b: {  	v37 =	vld [tilespmem:s1+$0xF820];
	[tilespmem:s17+$0xF800] =	vst v9;
	v9 =	vadd.f32 v46, v45  }
0x14c: {  	v38 =	vld [tilespmem:s1+$0xF830];
	[tilespmem:s17+$0xF830] =	vst v11;
	v11 =	vadd.f32 v52, v51  }
0x14d: {  	v40 =	vld [tilespmem:s1+$0xF840];
	[tilespmem:s17+$0xF820] =	vst v9;
	v9 =	vadd.f32 v50, v49  }
0x14e: {  	v10 =	vadd.f32 v20, v19;
	v41 =	vld [tilespmem:s1+$0x840];
	[tilespmem:s17+$0xF850] =	vst v11  }
0x14f: {  	v11 =	vld [tilespmem:s1+$0x820];
	[tilespmem:s17+$0xF840] =	vst v9;
	v9 =	vadd.f32 v54, v53  }
0x150: {  	[tilespmem:s17+$0xFC30] =	vst v10;
	v10 =	vadd.f32 v55, v23;
	v42 =	vld [tilespmem:s1+$0xF850]  }
0x151: {  	v43 =	vld [tilespmem:s1+$0x850];
	[tilespmem:s17+$0xF860] =	vst v9;
	v9 =	vadd.f32 v14, v13  }
0x152: {  	[tilespmem:s17+$0xFC50] =	vst v10;
	v44 =	vld [tilespmem:s1+$0xF860];
	v10 =	vadd.f32 v59, v58  }
0x153: {  	v45 =	vld [tilespmem:s1+$0x860];
	[tilespmem:s17+$0xFC00] =	vst v9;
	v9 =	vadd.f32 v18, v17  }
0x154: {  	v39 =	vld [tilespmem:s1+$0x830];
	[tilespmem:s17+$0xFC70] =	vst v10;
	v11 =	vadd.f32 v11, v37  }
0x155: {  	v10 =	vld [tilespmem:s1+$0x870];
	[tilespmem:s17+$0xFC20] =	vst v9;
	v9 =	vadd.f32 v22, v21  }
0x156: {  	v59 =	vadd.f32 v43, v42;
	v42 =	vld [tilespmem:s4+$0x820];
	[tilespmem:s1+$0xF820] =	vst v11;
	v11 =	vadd.f32 v41, v40  }
0x157: {  	v41 =	vld [tilespmem:s4+$0xF820];
	[tilespmem:s17+$0xFC40] =	vst v9;
	v9 =	vadd.f32 v57, v56  }
0x158: {  	[tilespmem:s1+$0xF840] =	vst v11;
	v11 =	vadd.f32 v45, v44;
	v44 =	vld [tilespmem:s4+$0xF860]  }
0x159: {  	s14 =	sor.u32 s26, s14;
	[tilespmem:s17+$0xFC60] =	vst v9;
	v9 =	vld [tilespmem:s1+$0xF870]  }
0x15a: {  	v46 =	vld [tilespmem:s14+$0xF800]  }
0x15b: {  	v47 =	vld [tilespmem:s14+$0x800]  }
0x15c: {  	v48 =	vld [tilespmem:s14+$0xF810]  }
0x15d: {  	v49 =	vld [tilespmem:s14+$0x810]  }
0x15e: {  	v50 =	vld [tilespmem:s14+$0xF820]  }
0x15f: {  	v51 =	vld [tilespmem:s14+$0x820]  }
0x160: {  	v53 =	vld [tilespmem:s14+$0xF830]  }
0x161: {  	v55 =	vld [tilespmem:s14+$0x830]  }
0x162: {  	v52 =	vadd.f32 v61, v60;
	v56 =	vld [tilespmem:s14+$0xF840]  }
0x163: {  	v54 =	vadd.f32 v36, v62;
	v57 =	vld [tilespmem:s14+$0x840]  }
0x164: {  	v12 =	vadd.f32 v39, v38;
	[tilespmem:s1+$0xF800] =	vst v52;
	v58 =	vld [tilespmem:s14+$0xF850]  }
0x165: {  	[tilespmem:s1+$0xF810] =	vst v54;
	v60 =	vld [tilespmem:s14+$0x850]  }
0x166: {  	[tilespmem:s1+$0xF830] =	vst v12;
	v61 =	vld [tilespmem:s14+$0xF860]  }
0x167: {  	[tilespmem:s1+$0xF860] =	vst v11;
	v11 =	vld [tilespmem:s14+$0xF870];
	v9 =	vadd.f32 v10, v9  }
0x168: {  	[tilespmem:s1+$0xF850] =	vst v59;
	v10 =	vld [tilespmem:s14+$0x860]  }
0x169: {  	s20 =	sor.u32 s3, s16;
	[tilespmem:s1+$0xF870] =	vst v9;
	v9 =	vld [tilespmem:s14+$0x870]  }
0x16a: {  	v12 =	vld [tilespmem:s20+$0xF800]  }
0x16b: {  	v17 =	vld [tilespmem:s20+$0x800]  }
0x16c: {  	v18 =	vld [tilespmem:s20+$0xF810]  }
0x16d: {  	v19 =	vld [tilespmem:s20+$0x810]  }
0x16e: {  	v28 =	vld [tilespmem:s20+$0xF820]  }
0x16f: {  	v62 =	vld [tilespmem:s20+$0x820]  }
0x170: {  	v21 =	vld [tilespmem:s20+$0xF830]  }
0x171: {  	v23 =	vld [tilespmem:s20+$0x830]  }
0x172: {  	v20 =	vadd.f32 v47, v46;
	v24 =	vld [tilespmem:s20+$0xF840]  }
0x173: {  	v25 =	vld [tilespmem:s20+$0x840]  }
0x174: {  	[tilespmem:s14+$0xF800] =	vst v20;
	v20 =	vld [tilespmem:s20+$0xF850]  }
0x175: {  	v50 =	vadd.f32 v51, v50;
	v51 =	vadd.f32 v55, v53;
	v52 =	vld [tilespmem:s20+$0x850]  }
0x176: {  	v53 =	vld [tilespmem:s20+$0xF860]  }
0x177: {  	[tilespmem:s14+$0xF830] =	vst v51;
	v51 =	vld [tilespmem:s4+$0x830];
	v10 =	vadd.f32 v10, v61  }
0x178: {  	v22 =	vadd.f32 v49, v48;
	v9 =	vadd.f32 v9, v11;
	v11 =	vld [tilespmem:s20+$0x860]  }
0x179: {  	[tilespmem:s14+$0xF860] =	vst v10;
	v10 =	vld [tilespmem:s20+$0xF870]  }
0x17a: {  	v13 =	vadd.f32 v57, v56;
	[tilespmem:s14+$0xF810] =	vst v22;
	v12 =	vadd.f32 v17, v12;
	v17 =	vld [tilespmem:s4+$0xF830]  }
0x17b: {  	v14 =	vadd.f32 v60, v58;
	[tilespmem:s14+$0xF820] =	vst v50;
	v62 =	vadd.f32 v62, v28;
	v28 =	vld [tilespmem:s4+$0xF840]  }
0x17c: {  	[tilespmem:s14+$0xF840] =	vst v13;
	v30 =	vadd.f32 v23, v21;
	v21 =	vld [tilespmem:s4+$0x840]  }
0x17d: {  	[tilespmem:s14+$0xF850] =	vst v14;
	v23 =	vld [tilespmem:s4+$0xF850]  }
0x17e: {  	s21 =	sor.u32 s26, s16;
	[tilespmem:s14+$0xF870] =	vst v9;
	v9 =	vld [tilespmem:s20+$0x870]  }
0x17f: {  	v14 =	vld [tilespmem:s21+$0xF800]  }
0x180: {  	v54 =	vld [tilespmem:s21+$0x800]  }
0x181: {  	v22 =	vld [tilespmem:s21+$0xF810]  }
0x182: {  	v55 =	vld [tilespmem:s21+$0x810]  }
0x183: {  	v56 =	vld [tilespmem:s21+$0xF820]  }
0x184: {  	v57 =	vld [tilespmem:s21+$0x820]  }
0x185: {  	v58 =	vld [tilespmem:s21+$0xF830]  }
0x186: {  	v59 =	vld [tilespmem:s21+$0x830]  }
0x187: {  	v60 =	vld [tilespmem:s21+$0xF840]  }
0x188: {  	v61 =	vld [tilespmem:s21+$0x840]  }
0x189: {  	v45 =	vld [tilespmem:s21+$0xF850]  }
0x18a: {  	v18 =	vadd.f32 v19, v18;
	v46 =	vld [tilespmem:s21+$0x850]  }
0x18b: {  	v47 =	vld [tilespmem:s21+$0xF860];
	[tilespmem:s20+$0xF800] =	vst v12  }
0x18c: {  	v48 =	vld [tilespmem:s21+$0x860];
	[tilespmem:s20+$0xF810] =	vst v18  }
0x18d: {  	v43 =	vadd.f32 v25, v24;
	v49 =	vld [tilespmem:s21+$0xF870];
	[tilespmem:s20+$0xF820] =	vst v62  }
0x18e: {  	v15 =	vadd.f32 v52, v20;
	v50 =	vld [tilespmem:s21+$0x870];
	[tilespmem:s20+$0xF830] =	vst v30  }
0x18f: {  	v18 =	vld [tilespmem:s4+$0x850];
	[tilespmem:s20+$0xF840] =	vst v43;
	v11 =	vadd.f32 v11, v53  }
0x190: {  	[tilespmem:s20+$0xF850] =	vst v15;
	v9 =	vadd.f32 v9, v10;
	v10 =	vld [tilespmem:s4+$0x860]  }
0x191: {  	[tilespmem:s20+$0xF860] =	vst v11;
	v11 =	vld [tilespmem:s4+$0xF870]  }
0x192: {  	s22 =	sor.u32 s3, s15;
	[tilespmem:s20+$0xF870] =	vst v9;
	v9 =	vld [tilespmem:s4+$0x870]  }
0x193: {  	v13 =	vld [tilespmem:s22+$0xF800]  }
0x194: {  	v15 =	vld [tilespmem:s22+$0x800]  }
0x195: {  	v20 =	vld [tilespmem:s22+$0xF810]  }
0x196: {  	v24 =	vld [tilespmem:s22+$0x810]  }
0x197: {  	v25 =	vld [tilespmem:s22+$0xF820]  }
0x198: {  	v30 =	vld [tilespmem:s22+$0x820]  }
0x199: {  	v14 =	vadd.f32 v54, v14;
	v16 =	vld [tilespmem:s22+$0xF830]  }
0x19a: {  	v22 =	vadd.f32 v55, v22;
	v26 =	vld [tilespmem:s22+$0x830]  }
0x19b: {  	v52 =	vadd.f32 v57, v56;
	[tilespmem:s21+$0xF800] =	vst v14;
	v27 =	vld [tilespmem:s22+$0xF840]  }
0x19c: {  	v53 =	vadd.f32 v59, v58;
	[tilespmem:s21+$0xF810] =	vst v22;
	v29 =	vld [tilespmem:s22+$0x840]  }
0x19d: {  	v54 =	vadd.f32 v61, v60;
	[tilespmem:s21+$0xF820] =	vst v52;
	v55 =	vld [tilespmem:s22+$0xF850]  }
0x19e: {  	v56 =	vadd.f32 v46, v45;
	[tilespmem:s21+$0xF830] =	vst v53;
	v57 =	vld [tilespmem:s22+$0x850]  }
0x19f: {  	v58 =	vadd.f32 v48, v47;
	[tilespmem:s21+$0xF840] =	vst v54;
	v59 =	vld [tilespmem:s22+$0xF860]  }
0x1a0: {  	v60 =	vadd.f32 v50, v49;
	[tilespmem:s21+$0xF850] =	vst v56;
	v61 =	vld [tilespmem:s22+$0x860]  }
0x1a1: {  	[tilespmem:s21+$0xF860] =	vst v58;
	v62 =	vld [tilespmem:s22+$0xF870]  }
0x1a2: {  	s23 =	sor.u32 s26, s15;
	[tilespmem:s21+$0xF870] =	vst v60;
	v45 =	vld [tilespmem:s22+$0x870]  }
0x1a3: {  	v46 =	vld [tilespmem:s23+$0xF800]  }
0x1a4: {  	v47 =	vld [tilespmem:s23+$0x800]  }
0x1a5: {  	v37 =	vld [tilespmem:s23+$0xF810]  }
0x1a6: {  	v48 =	vld [tilespmem:s23+$0x810]  }
0x1a7: {  	v49 =	vld [tilespmem:s23+$0xF820]  }
0x1a8: {  	v50 =	vld [tilespmem:s23+$0x820]  }
0x1a9: {  	v3 =	vadd.f32 v4, v3;
	v4 =	vld [tilespmem:s23+$0xF830]  }
0x1aa: {  	v5 =	vadd.f32 v6, v5;
	v6 =	vld [tilespmem:s23+$0x830]  }
0x1ab: {  	[tilespmem:s4+$0xF800] =	vst v3;
	v3 =	vadd.f32 v42, v41;
	v41 =	vld [tilespmem:s23+$0xF840]  }
0x1ac: {  	[tilespmem:s4+$0xF810] =	vst v5;
	v5 =	vadd.f32 v51, v17;
	v51 =	vld [tilespmem:s23+$0x840]  }
0x1ad: {  	[tilespmem:s4+$0xF820] =	vst v3;
	v3 =	vadd.f32 v21, v28;
	v19 =	vld [tilespmem:s23+$0xF850]  }
0x1ae: {  	[tilespmem:s4+$0xF830] =	vst v5;
	v5 =	vadd.f32 v18, v23;
	v52 =	vld [tilespmem:s23+$0x850]  }
0x1af: {  	[tilespmem:s4+$0xF840] =	vst v3;
	v3 =	vadd.f32 v10, v44;
	v10 =	vld [tilespmem:s23+$0xF860]  }
0x1b0: {  	[tilespmem:s4+$0xF850] =	vst v5;
	v5 =	vadd.f32 v9, v11;
	v9 =	vld [tilespmem:s23+$0x860]  }
0x1b1: {  	[tilespmem:s4+$0xF860] =	vst v3;
	v3 =	vld [tilespmem:s23+$0xF870]  }
0x1b2: {  	s15 =	sor.u32 s0, s15;
	[tilespmem:s4+$0xF870] =	vst v5;
	v5 =	vld [tilespmem:s23+$0x870]  }
0x1b3: {  	v11 =	vld [tilespmem:s15+$0xF800]  }
0x1b4: {  	v12 =	vld [tilespmem:s15+$0x800]  }
0x1b5: {  	v21 =	vld [tilespmem:s15+$0xF810]  }
0x1b6: {  	v23 =	vld [tilespmem:s15+$0x810]  }
0x1b7: {  	v28 =	vld [tilespmem:s15+$0xF820]  }
0x1b8: {  	v42 =	vld [tilespmem:s15+$0x820]  }
0x1b9: {  	v13 =	vadd.f32 v15, v13;
	v15 =	vld [tilespmem:s15+$0xF830]  }
0x1ba: {  	v20 =	vadd.f32 v24, v20;
	v24 =	vld [tilespmem:s15+$0x830]  }
0x1bb: {  	v53 =	vadd.f32 v30, v25;
	[tilespmem:s22+$0xF800] =	vst v13;
	v25 =	vld [tilespmem:s15+$0xF840]  }
0x1bc: {  	v16 =	vadd.f32 v26, v16;
	[tilespmem:s22+$0xF810] =	vst v20;
	v20 =	vld [tilespmem:s15+$0x840]  }
0x1bd: {  	v54 =	vadd.f32 v29, v27;
	[tilespmem:s22+$0xF820] =	vst v53;
	v26 =	vld [tilespmem:s15+$0xF850]  }
0x1be: {  	v55 =	vadd.f32 v57, v55;
	[tilespmem:s22+$0xF830] =	vst v16;
	v56 =	vld [tilespmem:s15+$0x850]  }
0x1bf: {  	v57 =	vadd.f32 v61, v59;
	[tilespmem:s22+$0xF840] =	vst v54;
	v58 =	vld [tilespmem:s15+$0xF860]  }
0x1c0: {  	v14 =	vadd.f32 v45, v62;
	[tilespmem:s22+$0xF850] =	vst v55;
	v59 =	vld [tilespmem:s15+$0x860]  }
0x1c1: {  	[tilespmem:s22+$0xF860] =	vst v57;
	v60 =	vld [tilespmem:s15+$0xF870]  }
0x1c2: {  	s3 =	sor.u32 s3, s8;
	[tilespmem:s22+$0xF870] =	vst v14;
	v61 =	vld [tilespmem:s15+$0x870]  }
0x1c3: {  	v62 =	vld [tilespmem:s3+$0xF800]  }
0x1c4: {  	v43 =	vld [tilespmem:s3+$0x800]  }
0x1c5: {  	v44 =	vld [tilespmem:s3+$0xF810]  }
0x1c6: {  	v45 =	vld [tilespmem:s3+$0x810]  }
0x1c7: {  	v7 =	vadd.f32 v8, v7;
	v8 =	vld [tilespmem:s3+$0xF820]  }
0x1c8: {  	v46 =	vadd.f32 v47, v46;
	v47 =	vld [tilespmem:s3+$0x820]  }
0x1c9: {  	[tilespmem:s30+$0xF870] =	vst v7;
	v7 =	vadd.f32 v48, v37;
	v48 =	vld [tilespmem:s3+$0xF830]  }
0x1ca: {  	v49 =	vadd.f32 v50, v49;
	[tilespmem:s23+$0xF800] =	vst v46;
	v50 =	vld [tilespmem:s3+$0x830]  }
0x1cb: {  	v4 =	vadd.f32 v6, v4;
	[tilespmem:s23+$0xF810] =	vst v7;
	v6 =	vld [tilespmem:s3+$0xF840]  }
0x1cc: {  	[tilespmem:s23+$0xF820] =	vst v49;
	v7 =	vadd.f32 v51, v41;
	v51 =	vld [tilespmem:s3+$0x840]  }
0x1cd: {  	[tilespmem:s23+$0xF830] =	vst v4;
	v4 =	vadd.f32 v52, v19;
	v52 =	vld [tilespmem:s3+$0xF850]  }
0x1ce: {  	[tilespmem:s23+$0xF840] =	vst v7;
	v7 =	vadd.f32 v9, v10;
	v9 =	vld [tilespmem:s3+$0x850]  }
0x1cf: {  	[tilespmem:s23+$0xF850] =	vst v4;
	v4 =	vld [tilespmem:s3+$0xF860];
	v3 =	vadd.f32 v5, v3  }
0x1d0: {  	v10 =	vld [tilespmem:s3+$0xF870];
	[tilespmem:s23+$0xF860] =	vst v7;
	v5 =	vadd.f32 v12, v11  }
0x1d1: {  	v7 =	vld [tilespmem:s3+$0x860];
	[tilespmem:s23+$0xF870] =	vst v3;
	v3 =	vadd.f32 v23, v21  }
0x1d2: {  	s26 =	sor.u32 s26, s8;
	v11 =	vld [tilespmem:s3+$0x870];
	[tilespmem:s15+$0xF800] =	vst v5;
	v5 =	vadd.f32 v42, v28  }
0x1d3: {  	v53 =	vld [tilespmem:s26+$0xF800];
	[tilespmem:s15+$0xF810] =	vst v3;
	v3 =	vadd.f32 v24, v15  }
0x1d4: {  	v54 =	vld [tilespmem:s26+$0x800];
	[tilespmem:s15+$0xF820] =	vst v5;
	v5 =	vadd.f32 v20, v25  }
0x1d5: {  	v55 =	vld [tilespmem:s26+$0xF810];
	[tilespmem:s15+$0xF830] =	vst v3;
	v3 =	vadd.f32 v56, v26  }
0x1d6: {  	v57 =	vld [tilespmem:s26+$0xF820];
	v4 =	vadd.f32 v7, v4;
	[tilespmem:s15+$0xF840] =	vst v5  }
0x1d7: {  	v56 =	vld [tilespmem:s26+$0x810];
	v5 =	vadd.f32 v59, v58;
	[tilespmem:s15+$0xF850] =	vst v3  }
0x1d8: {  	v7 =	vld [tilespmem:s26+$0xF860];
	v3 =	vadd.f32 v61, v60;
	[tilespmem:s3+$0xF860] =	vst v4  }
0x1d9: {  	v58 =	vld [tilespmem:s26+$0x820];
	[tilespmem:s15+$0xF860] =	vst v5;
	v5 =	vadd.f32 v43, v62  }
0x1da: {  	v59 =	vld [tilespmem:s26+$0xF830];
	[tilespmem:s15+$0xF870] =	vst v3;
	v3 =	vadd.f32 v45, v44  }
0x1db: {  	v60 =	vld [tilespmem:s26+$0xF840];
	[tilespmem:s3+$0xF800] =	vst v5;
	v5 =	vadd.f32 v47, v8  }
0x1dc: {  	v61 =	vld [tilespmem:s26+$0x870];
	[tilespmem:s3+$0xF810] =	vst v3;
	v3 =	vadd.f32 v50, v48  }
0x1dd: {  	v4 =	vadd.f32 v54, v53;
	v8 =	vld [tilespmem:s26+$0x830];
	[tilespmem:s3+$0xF820] =	vst v5  }
0x1de: {  	v5 =	vadd.f32 v51, v6;
	v6 =	vld [tilespmem:s26+$0x840];
	[tilespmem:s3+$0xF830] =	vst v3;
	v3 =	vadd.f32 v9, v52  }
0x1df: {  	[tilespmem:s26+$0xF800] =	vst v4;
	v9 =	vld [tilespmem:s26+$0xF850]  }
0x1e0: {  	[tilespmem:s3+$0xF850] =	vst v3;
	v3 =	vadd.f32 v11, v10;
	v10 =	vld [tilespmem:s26+$0x860]  }
0x1e1: {  	v4 =	vadd.f32 v58, v57;
	[tilespmem:s3+$0xF840] =	vst v5;
	v5 =	vld [tilespmem:s26+$0x850]  }
0x1e2: {  	v11 =	vld [tilespmem:s26+$0xF870];
	[tilespmem:s3+$0xF870] =	vst v3;
	v3 =	vadd.f32 v56, v55  }
0x1e3: {  	v62 =	vld [tilespmem:s30+$0x800];
	[tilespmem:s26+$0xF820] =	vst v4;
	v4 =	vadd.f32 v6, v60  }
0x1e4: {  	[tilespmem:s26+$0xF810] =	vst v3;
	v3 =	vadd.f32 v8, v59;
	v8 =	vld [tilespmem:s30+$0xF800]  }
0x1e5: {  	v6 =	vld [tilespmem:s30+$0xF810];
	[tilespmem:s26+$0xF840] =	vst v4;
	v4 =	vadd.f32 v10, v7  }
0x1e6: {  	v7 =	vld [tilespmem:s30+$0x810];
	[tilespmem:s26+$0xF830] =	vst v3;
	v3 =	vadd.f32 v5, v9  }
0x1e7: {  	v9 =	vadd.f32 v61, v11;
	v5 =	vld [tilespmem:s30+$0x820];
	[tilespmem:s26+$0xF860] =	vst v4  }
0x1e8: {  	[tilespmem:s26+$0xF850] =	vst v3;
	v3 =	vld [tilespmem:s30+$0xF820]  }
0x1e9: {  	s31 =	simm.s32 $0x0;
	s0 =	sor.u32 s0, s8;
	v4 =	vld [tilespmem:s30+$0xF830];
	[tilespmem:s26+$0xF870] =	vst v9;
	v8 =	vadd.f32 v62, v8  }
.LBB2_3:
0x1ea: {  	s31 =	sadd.s32 $0x4, s31;
	v9 =	vld [tilespmem:s30+$0x830]  }
0x1eb: {  	s3 =	sshrl.u32 s31, $0x3;
	p0 =	slt.u32 s31, $0x24;
	[tilespmem:s30+$0xF800] =	vst v8;
	v6 =	vadd.f32 v7, v6;
	v7 =	vld [tilespmem:s30+$0xF840]  }
0x1ec: {  	s29 =	sadd.s32 $0x200, s29;
	s21 =	smul.u32 $0x1800, s3;
	v8 =	vld [tilespmem:s30+$0x840]  }
0x1ed: {  	s18 =	sand.u32 $0x200, s29;
	[tilespmem:s30+$0xF810] =	vst v6;
	v3 =	vadd.f32 v5, v3;
	v5 =	vld [tilespmem:s30+$0xF850]  }
0x1ee: {  	s23 =	sor.u32 $0x80, s18;
	s22 =	sor.u32 $0x100, s18;
	s3 =	sor.u32 s18, s21;
	v6 =	vld [tilespmem:s30+$0x850]  }
0x1ef: {  	s20 =	sor.u32 s21, s23;
	s14 =	sor.u32 s21, s22;
	v10 =	vld [tilespmem:s3+$0xF800];
	[tilespmem:s30+$0xF820] =	vst v3;
	v3 =	vadd.f32 v9, v4  }
0x1f0: {  	v4 =	vld [tilespmem:s3+$0x800]  }
0x1f1: {  	v9 =	vld [tilespmem:s3+$0xF810];
	[tilespmem:s30+$0xF830] =	vst v3;
	v3 =	vadd.f32 v8, v7  }
0x1f2: {  	v7 =	vld [tilespmem:s3+$0x810]  }
0x1f3: {  	v8 =	vld [tilespmem:s3+$0xF820];
	[tilespmem:s30+$0xF840] =	vst v3;
	v3 =	vadd.f32 v6, v5  }
0x1f4: {  	v5 =	vld [tilespmem:s3+$0x820]  }
0x1f5: {  	v6 =	vld [tilespmem:s3+$0xF830];
	[tilespmem:s30+$0xF850] =	vst v3  }
0x1f6: {  	v3 =	vld [tilespmem:s3+$0x830]  }
0x1f7: {  	v11 =	vld [tilespmem:s3+$0xF840]  }
0x1f8: {  	v12 =	vld [tilespmem:s3+$0x840]  }
0x1f9: {  	v13 =	vld [tilespmem:s3+$0xF850]  }
0x1fa: {  	v14 =	vld [tilespmem:s3+$0x850]  }
0x1fb: {  	v15 =	vld [tilespmem:s3+$0xF860]  }
0x1fc: {  	v16 =	vld [tilespmem:s3+$0x860]  }
0x1fd: {  	v17 =	vld [tilespmem:s3+$0xF870]  }
0x1fe: {  	v18 =	vld [tilespmem:s3+$0x870]  }
0x1ff: {  	v19 =	vld [tilespmem:s3+$0xFC00]  }
0x200: {  	v20 =	vld [tilespmem:s3+$0xC00]  }
0x201: {  	v21 =	vld [tilespmem:s3+$0xFC10]  }
0x202: {  	v22 =	vld [tilespmem:s3+$0xC10]  }
0x203: {  	v23 =	vld [tilespmem:s3+$0xFC20]  }
0x204: {  	v4 =	vadd.f32 v4, v10;
	v10 =	vld [tilespmem:s3+$0xC20]  }
0x205: {  	v7 =	vadd.f32 v7, v9;
	v9 =	vld [tilespmem:s3+$0xFC30]  }
0x206: {  	[tilespmem:s3+$0xF800] =	vst v4;
	v4 =	vadd.f32 v5, v8;
	v5 =	vld [tilespmem:s3+$0xC30]  }
0x207: {  	v3 =	vadd.f32 v3, v6;
	[tilespmem:s3+$0xF810] =	vst v7;
	v6 =	vld [tilespmem:s3+$0xFC40]  }
0x208: {  	[tilespmem:s3+$0xF820] =	vst v4;
	v4 =	vadd.f32 v12, v11;
	v7 =	vld [tilespmem:s3+$0xC40]  }
0x209: {  	[tilespmem:s3+$0xF830] =	vst v3;
	v3 =	vadd.f32 v14, v13;
	v8 =	vld [tilespmem:s3+$0xFC50]  }
0x20a: {  	[tilespmem:s3+$0xF840] =	vst v4;
	v4 =	vadd.f32 v16, v15;
	v11 =	vld [tilespmem:s3+$0xC50]  }
0x20b: {  	[tilespmem:s3+$0xF850] =	vst v3;
	v3 =	vadd.f32 v18, v17;
	v12 =	vld [tilespmem:s3+$0xFC60]  }
0x20c: {  	[tilespmem:s3+$0xF860] =	vst v4;
	v4 =	vadd.f32 v20, v19;
	v13 =	vld [tilespmem:s3+$0xC60]  }
0x20d: {  	[tilespmem:s3+$0xF870] =	vst v3;
	v3 =	vadd.f32 v22, v21;
	v14 =	vld [tilespmem:s3+$0xFC70]  }
0x20e: {  	[tilespmem:s3+$0xFC00] =	vst v4;
	v4 =	vadd.f32 v10, v23;
	v10 =	vld [tilespmem:s3+$0xC70]  }
0x20f: {  	[tilespmem:s3+$0xFC10] =	vst v3;
	v3 =	vadd.f32 v5, v9;
	v5 =	vld [tilespmem:s30+$0xF860]  }
0x210: {  	[tilespmem:s3+$0xFC20] =	vst v4;
	v4 =	vadd.f32 v7, v6;
	v6 =	vld [tilespmem:s30+$0x860]  }
0x211: {  	[tilespmem:s3+$0xFC30] =	vst v3;
	v3 =	vadd.f32 v11, v8;
	v7 =	vld [tilespmem:s0+$0xF800]  }
0x212: {  	[tilespmem:s3+$0xFC40] =	vst v4;
	v4 =	vadd.f32 v13, v12;
	v8 =	vld [tilespmem:s0+$0x800]  }
0x213: {  	s8 =	sadd.s32 $0x800, s21;
	[tilespmem:s3+$0xFC50] =	vst v3;
	v3 =	vadd.f32 v10, v14;
	v9 =	vld [tilespmem:s0+$0xF810]  }
0x214: {  	s19 =	sor.u32 s18, s8;
	s17 =	sor.u32 s23, s8;
	s15 =	sor.u32 s22, s8;
	[tilespmem:s3+$0xFC60] =	vst v4;
	v4 =	vld [tilespmem:s0+$0x810]  }
0x215: {  	[tilespmem:s3+$0xFC70] =	vst v3;
	v3 =	vld [tilespmem:s19+$0xF800];
	v5 =	vadd.f32 v6, v5  }
0x216: {  	v6 =	vld [tilespmem:s19+$0x800]  }
0x217: {  	v10 =	vld [tilespmem:s19+$0xF810];
	v7 =	vadd.f32 v8, v7;
	[tilespmem:s30+$0xF860] =	vst v5  }
0x218: {  	v5 =	vld [tilespmem:s19+$0x810]  }
0x219: {  	v8 =	vld [tilespmem:s19+$0xF820];
	[tilespmem:s0+$0xF800] =	vst v7;
	v4 =	vadd.f32 v4, v9  }
0x21a: {  	v7 =	vld [tilespmem:s19+$0x820]  }
0x21b: {  	v9 =	vld [tilespmem:s19+$0xF830];
	[tilespmem:s0+$0xF810] =	vst v4  }
0x21c: {  	v4 =	vld [tilespmem:s19+$0x830]  }
0x21d: {  	v11 =	vld [tilespmem:s19+$0xF840]  }
0x21e: {  	v12 =	vld [tilespmem:s19+$0x840]  }
0x21f: {  	v13 =	vld [tilespmem:s19+$0xF850]  }
0x220: {  	v14 =	vld [tilespmem:s19+$0x850]  }
0x221: {  	v15 =	vld [tilespmem:s19+$0xF860]  }
0x222: {  	v3 =	vadd.f32 v6, v3;
	v6 =	vld [tilespmem:s19+$0x860]  }
0x223: {  	v5 =	vadd.f32 v5, v10;
	v10 =	vld [tilespmem:s19+$0xF870]  }
0x224: {  	[tilespmem:s19+$0xF800] =	vst v3;
	v3 =	vadd.f32 v7, v8;
	v7 =	vld [tilespmem:s19+$0x870]  }
0x225: {  	v4 =	vadd.f32 v4, v9;
	[tilespmem:s19+$0xF810] =	vst v5;
	v5 =	vld [tilespmem:s0+$0xF820]  }
0x226: {  	[tilespmem:s19+$0xF820] =	vst v3;
	v3 =	vadd.f32 v12, v11;
	v8 =	vld [tilespmem:s0+$0x820]  }
0x227: {  	[tilespmem:s19+$0xF830] =	vst v4;
	v4 =	vadd.f32 v14, v13;
	v9 =	vld [tilespmem:s0+$0xF830]  }
0x228: {  	[tilespmem:s19+$0xF840] =	vst v3;
	v3 =	vadd.f32 v6, v15;
	v6 =	vld [tilespmem:s0+$0x830]  }
0x229: {  	s11 =	sadd.s32 $0xC00, s21;
	[tilespmem:s19+$0xF850] =	vst v4;
	v4 =	vadd.f32 v7, v10;
	v7 =	vld [tilespmem:s0+$0xF840]  }
0x22a: {  	s4 =	sor.u32 s18, s11;
	s16 =	sor.u32 s23, s11;
	s3 =	sor.u32 s22, s11;
	[tilespmem:s19+$0xF860] =	vst v3;
	v3 =	vld [tilespmem:s0+$0x840]  }
0x22b: {  	[tilespmem:s19+$0xF870] =	vst v4;
	v4 =	vld [tilespmem:s4+$0xF800];
	v5 =	vadd.f32 v8, v5  }
0x22c: {  	v8 =	vld [tilespmem:s4+$0x800]  }
0x22d: {  	[tilespmem:s0+$0xF820] =	vst v5;
	v5 =	vadd.f32 v6, v9;
	v6 =	vld [tilespmem:s0+$0xF850]  }
0x22e: {  	v9 =	vld [tilespmem:s0+$0x850]  }
0x22f: {  	[tilespmem:s0+$0xF830] =	vst v5;
	v3 =	vadd.f32 v3, v7;
	v5 =	vld [tilespmem:s0+$0xF860]  }
0x230: {  	v7 =	vld [tilespmem:s0+$0x860]  }
0x231: {  	v4 =	vadd.f32 v8, v4;
	[tilespmem:s0+$0xF840] =	vst v3;
	v3 =	vld [tilespmem:s0+$0xF870]  }
0x232: {  	v8 =	vld [tilespmem:s0+$0x870]  }
0x233: {  	s30 =	sor.u32 $0x180, s18;
	[tilespmem:s4+$0xF800] =	vst v4;
	v4 =	vld [tilespmem:s4+$0xF810];
	v6 =	vadd.f32 v9, v6  }
0x234: {  	s19 =	sor.u32 s21, s30;
	v9 =	vld [tilespmem:s4+$0x810]  }
0x235: {  	v10 =	vld [tilespmem:s19+$0xF800];
	[tilespmem:s0+$0xF850] =	vst v6;
	v5 =	vadd.f32 v7, v5  }
0x236: {  	v6 =	vld [tilespmem:s19+$0x800]  }
0x237: {  	v7 =	vld [tilespmem:s19+$0xF810];
	[tilespmem:s0+$0xF860] =	vst v5;
	v3 =	vadd.f32 v8, v3  }
0x238: {  	v5 =	vld [tilespmem:s19+$0x810]  }
0x239: {  	v4 =	vadd.f32 v9, v4;
	v8 =	vld [tilespmem:s19+$0xF820];
	[tilespmem:s0+$0xF870] =	vst v3  }
0x23a: {  	v3 =	vld [tilespmem:s19+$0x820]  }
0x23b: {  	[tilespmem:s4+$0xF810] =	vst v4;
	v4 =	vld [tilespmem:s19+$0xF830]  }
0x23c: {  	v9 =	vld [tilespmem:s19+$0x830]  }
0x23d: {  	v11 =	vld [tilespmem:s19+$0xF840]  }
0x23e: {  	v12 =	vld [tilespmem:s19+$0x840]  }
0x23f: {  	v13 =	vld [tilespmem:s19+$0xF850]  }
0x240: {  	v14 =	vld [tilespmem:s19+$0x850]  }
0x241: {  	v15 =	vld [tilespmem:s19+$0xF860]  }
0x242: {  	v16 =	vld [tilespmem:s19+$0x860]  }
0x243: {  	v17 =	vld [tilespmem:s19+$0xF870]  }
0x244: {  	v18 =	vld [tilespmem:s19+$0x870]  }
0x245: {  	v19 =	vld [tilespmem:s19+$0xFC00]  }
0x246: {  	v20 =	vld [tilespmem:s19+$0xC00]  }
0x247: {  	v21 =	vld [tilespmem:s19+$0xFC10]  }
0x248: {  	v22 =	vld [tilespmem:s19+$0xC10]  }
0x249: {  	v23 =	vld [tilespmem:s19+$0xFC20]  }
0x24a: {  	v6 =	vadd.f32 v6, v10;
	v10 =	vld [tilespmem:s19+$0xC20]  }
0x24b: {  	v5 =	vadd.f32 v5, v7;
	v7 =	vld [tilespmem:s19+$0xFC30]  }
0x24c: {  	v3 =	vadd.f32 v3, v8;
	[tilespmem:s19+$0xF800] =	vst v6;
	v6 =	vld [tilespmem:s19+$0xC30]  }
0x24d: {  	v4 =	vadd.f32 v9, v4;
	[tilespmem:s19+$0xF810] =	vst v5;
	v5 =	vld [tilespmem:s19+$0xFC40]  }
0x24e: {  	[tilespmem:s19+$0xF820] =	vst v3;
	v3 =	vadd.f32 v12, v11;
	v8 =	vld [tilespmem:s19+$0xFC50]  }
0x24f: {  	[tilespmem:s19+$0xF830] =	vst v4;
	v4 =	vadd.f32 v14, v13;
	v9 =	vld [tilespmem:s19+$0xC50]  }
0x250: {  	[tilespmem:s19+$0xF840] =	vst v3;
	v3 =	vadd.f32 v16, v15;
	v11 =	vld [tilespmem:s19+$0xFC60]  }
0x251: {  	[tilespmem:s19+$0xF850] =	vst v4;
	v4 =	vadd.f32 v18, v17;
	v12 =	vld [tilespmem:s19+$0xC60]  }
0x252: {  	[tilespmem:s19+$0xF860] =	vst v3;
	v3 =	vadd.f32 v20, v19;
	v13 =	vld [tilespmem:s19+$0xFC70]  }
0x253: {  	[tilespmem:s19+$0xF870] =	vst v4;
	v4 =	vadd.f32 v22, v21;
	v14 =	vld [tilespmem:s19+$0xC70]  }
0x254: {  	[tilespmem:s19+$0xFC00] =	vst v3;
	v3 =	vadd.f32 v10, v23;
	v10 =	vld [tilespmem:s19+$0xC40]  }
0x255: {  	v15 =	vld [tilespmem:s20+$0xF800];
	[tilespmem:s19+$0xFC10] =	vst v4;
	v4 =	vadd.f32 v6, v7  }
0x256: {  	v6 =	vld [tilespmem:s20+$0x800];
	[tilespmem:s19+$0xFC20] =	vst v3;
	v3 =	vadd.f32 v9, v8  }
0x257: {  	v7 =	vld [tilespmem:s20+$0xF810];
	[tilespmem:s19+$0xFC30] =	vst v4;
	v4 =	vadd.f32 v12, v11  }
0x258: {  	v8 =	vld [tilespmem:s20+$0x810];
	[tilespmem:s19+$0xFC50] =	vst v3;
	v3 =	vadd.f32 v14, v13  }
0x259: {  	v9 =	vld [tilespmem:s20+$0xF820];
	v5 =	vadd.f32 v10, v5;
	[tilespmem:s19+$0xFC60] =	vst v4  }
0x25a: {  	s8 =	sor.u32 s30, s8;
	v4 =	vld [tilespmem:s20+$0x820];
	[tilespmem:s19+$0xFC70] =	vst v3  }
0x25b: {  	v3 =	vadd.f32 v6, v15;
	[tilespmem:s19+$0xFC40] =	vst v5;
	v5 =	vld [tilespmem:s8+$0xF800]  }
0x25c: {  	v6 =	vld [tilespmem:s8+$0x800]  }
0x25d: {  	[tilespmem:s20+$0xF800] =	vst v3;
	v3 =	vadd.f32 v8, v7;
	v7 =	vld [tilespmem:s8+$0xF810]  }
0x25e: {  	v8 =	vld [tilespmem:s8+$0x810]  }
0x25f: {  	[tilespmem:s20+$0xF810] =	vst v3;
	v3 =	vadd.f32 v4, v9;
	v4 =	vld [tilespmem:s8+$0xF820]  }
0x260: {  	v9 =	vld [tilespmem:s8+$0x820]  }
0x261: {  	[tilespmem:s20+$0xF820] =	vst v3;
	v3 =	vld [tilespmem:s8+$0xF830]  }
0x262: {  	v10 =	vld [tilespmem:s8+$0x830]  }
0x263: {  	v11 =	vld [tilespmem:s8+$0xF840]  }
0x264: {  	v12 =	vld [tilespmem:s8+$0xF850]  }
0x265: {  	v13 =	vld [tilespmem:s8+$0x850]  }
0x266: {  	v14 =	vld [tilespmem:s8+$0xF860]  }
0x267: {  	v15 =	vld [tilespmem:s8+$0x860]  }
0x268: {  	v5 =	vadd.f32 v6, v5;
	v6 =	vld [tilespmem:s8+$0xF870]  }
0x269: {  	v7 =	vadd.f32 v8, v7;
	v8 =	vld [tilespmem:s8+$0x870]  }
0x26a: {  	v4 =	vadd.f32 v9, v4;
	[tilespmem:s8+$0xF800] =	vst v5;
	v5 =	vld [tilespmem:s8+$0x840]  }
0x26b: {  	v3 =	vadd.f32 v10, v3;
	v9 =	vld [tilespmem:s20+$0xF830];
	[tilespmem:s8+$0xF810] =	vst v7  }
0x26c: {  	v7 =	vld [tilespmem:s20+$0x830];
	[tilespmem:s8+$0xF820] =	vst v4;
	v4 =	vadd.f32 v13, v12  }
0x26d: {  	v10 =	vld [tilespmem:s20+$0xF840];
	[tilespmem:s8+$0xF830] =	vst v3;
	v3 =	vadd.f32 v15, v14  }
0x26e: {  	v12 =	vld [tilespmem:s20+$0x840];
	[tilespmem:s8+$0xF850] =	vst v4;
	v4 =	vadd.f32 v8, v6  }
0x26f: {  	v6 =	vld [tilespmem:s20+$0xF850];
	v5 =	vadd.f32 v5, v11;
	[tilespmem:s8+$0xF860] =	vst v3  }
0x270: {  	s0 =	sor.u32 s30, s11;
	v3 =	vld [tilespmem:s20+$0x850];
	[tilespmem:s8+$0xF870] =	vst v4  }
0x271: {  	v4 =	vadd.f32 v7, v9;
	[tilespmem:s8+$0xF840] =	vst v5;
	v5 =	vld [tilespmem:s0+$0xF800]  }
0x272: {  	v7 =	vld [tilespmem:s0+$0x800]  }
0x273: {  	[tilespmem:s20+$0xF830] =	vst v4;
	v4 =	vadd.f32 v12, v10;
	v8 =	vld [tilespmem:s0+$0xF810]  }
0x274: {  	v9 =	vld [tilespmem:s0+$0x810]  }
0x275: {  	[tilespmem:s20+$0xF840] =	vst v4;
	v3 =	vadd.f32 v3, v6;
	v4 =	vld [tilespmem:s0+$0xF820]  }
0x276: {  	v6 =	vld [tilespmem:s0+$0x820]  }
0x277: {  	[tilespmem:s20+$0xF850] =	vst v3;
	v3 =	vld [tilespmem:s0+$0xF830]  }
0x278: {  	v10 =	vld [tilespmem:s0+$0x830]  }
0x279: {  	v11 =	vld [tilespmem:s0+$0xF840]  }
0x27a: {  	v12 =	vld [tilespmem:s0+$0xF850]  }
0x27b: {  	v13 =	vld [tilespmem:s0+$0x850]  }
0x27c: {  	v14 =	vld [tilespmem:s0+$0xF860]  }
0x27d: {  	v15 =	vld [tilespmem:s0+$0x860]  }
0x27e: {  	v5 =	vadd.f32 v7, v5;
	v7 =	vld [tilespmem:s0+$0xF870]  }
0x27f: {  	v8 =	vadd.f32 v9, v8;
	v9 =	vld [tilespmem:s0+$0x870]  }
0x280: {  	v4 =	vadd.f32 v6, v4;
	[tilespmem:s0+$0xF800] =	vst v5;
	v5 =	vld [tilespmem:s0+$0x840]  }
0x281: {  	v3 =	vadd.f32 v10, v3;
	v6 =	vld [tilespmem:s20+$0xF860];
	[tilespmem:s0+$0xF810] =	vst v8  }
0x282: {  	v8 =	vld [tilespmem:s20+$0x860];
	[tilespmem:s0+$0xF820] =	vst v4;
	v4 =	vadd.f32 v13, v12  }
0x283: {  	v10 =	vld [tilespmem:s20+$0xF870];
	[tilespmem:s0+$0xF830] =	vst v3;
	v3 =	vadd.f32 v15, v14  }
0x284: {  	v12 =	vld [tilespmem:s20+$0x870];
	[tilespmem:s0+$0xF850] =	vst v4;
	v4 =	vadd.f32 v9, v7  }
0x285: {  	s8 =	sadd.s32 $0x1000, s21;
	v7 =	vld [tilespmem:s20+$0xFC00];
	v5 =	vadd.f32 v5, v11;
	[tilespmem:s0+$0xF860] =	vst v3  }
0x286: {  	s19 =	sor.u32 s18, s8;
	s11 =	sor.u32 s23, s8;
	s26 =	sor.u32 s30, s8;
	v3 =	vld [tilespmem:s20+$0xC00];
	[tilespmem:s0+$0xF870] =	vst v4  }
0x287: {  	s8 =	sor.u32 s22, s8;
	v4 =	vadd.f32 v8, v6;
	[tilespmem:s0+$0xF840] =	vst v5;
	v5 =	vld [tilespmem:s26+$0xF800]  }
0x288: {  	v6 =	vld [tilespmem:s26+$0x800]  }
0x289: {  	[tilespmem:s20+$0xF860] =	vst v4;
	v4 =	vadd.f32 v12, v10;
	v8 =	vld [tilespmem:s26+$0xF810]  }
0x28a: {  	v9 =	vld [tilespmem:s26+$0x810]  }
0x28b: {  	[tilespmem:s20+$0xF870] =	vst v4;
	v3 =	vadd.f32 v3, v7;
	v4 =	vld [tilespmem:s26+$0xF820]  }
0x28c: {  	v7 =	vld [tilespmem:s26+$0x820]  }
0x28d: {  	[tilespmem:s20+$0xFC00] =	vst v3;
	v3 =	vld [tilespmem:s26+$0xF830]  }
0x28e: {  	v10 =	vld [tilespmem:s26+$0xF840]  }
0x28f: {  	v11 =	vld [tilespmem:s26+$0x840]  }
0x290: {  	v12 =	vld [tilespmem:s26+$0xF850]  }
0x291: {  	v13 =	vld [tilespmem:s26+$0x850]  }
0x292: {  	v14 =	vld [tilespmem:s26+$0xF860]  }
0x293: {  	v15 =	vld [tilespmem:s26+$0x860]  }
0x294: {  	v5 =	vadd.f32 v6, v5;
	v6 =	vld [tilespmem:s26+$0xF870]  }
0x295: {  	v8 =	vadd.f32 v9, v8;
	v9 =	vld [tilespmem:s26+$0x870]  }
0x296: {  	v4 =	vadd.f32 v7, v4;
	[tilespmem:s26+$0xF800] =	vst v5;
	v5 =	vld [tilespmem:s26+$0x830]  }
0x297: {  	v7 =	vld [tilespmem:s20+$0xFC10];
	[tilespmem:s26+$0xF810] =	vst v8;
	v8 =	vadd.f32 v11, v10  }
0x298: {  	v10 =	vld [tilespmem:s20+$0xC10];
	[tilespmem:s26+$0xF820] =	vst v4;
	v4 =	vadd.f32 v13, v12  }
0x299: {  	v11 =	vld [tilespmem:s20+$0xFC20];
	[tilespmem:s26+$0xF840] =	vst v8;
	v8 =	vadd.f32 v15, v14  }
0x29a: {  	v12 =	vld [tilespmem:s20+$0xC20];
	[tilespmem:s26+$0xF850] =	vst v4;
	v4 =	vadd.f32 v9, v6  }
0x29b: {  	s1 =	sadd.s32 $0x1400, s21;
	v6 =	vld [tilespmem:s20+$0xFC30];
	v3 =	vadd.f32 v5, v3;
	[tilespmem:s26+$0xF860] =	vst v8  }
0x29c: {  	s21 =	sor.u32 s23, s1;
	s30 =	sor.u32 s30, s1;
	s0 =	sor.u32 s18, s1;
	v5 =	vld [tilespmem:s20+$0xC30];
	[tilespmem:s26+$0xF870] =	vst v4  }
0x29d: {  	s18 =	sor.u32 s22, s1;
	v4 =	vadd.f32 v10, v7;
	[tilespmem:s26+$0xF830] =	vst v3;
	v3 =	vld [tilespmem:s30+$0xF870]  }
0x29e: {  	v7 =	vld [tilespmem:s30+$0x870]  }
0x29f: {  	[tilespmem:s20+$0xFC10] =	vst v4;
	v4 =	vadd.f32 v12, v11;
	v8 =	vld [tilespmem:s20+$0xFC40]  }
0x2a0: {  	v9 =	vld [tilespmem:s20+$0xC40]  }
0x2a1: {  	[tilespmem:s20+$0xFC20] =	vst v4;
	v4 =	vadd.f32 v5, v6;
	v5 =	vld [tilespmem:s20+$0xFC50]  }
0x2a2: {  	v6 =	vld [tilespmem:s20+$0xC50]  }
0x2a3: {  	[tilespmem:s20+$0xFC30] =	vst v4;
	v4 =	vld [tilespmem:s20+$0xFC60];
	v3 =	vadd.f32 v7, v3  }
0x2a4: {  	v7 =	vld [tilespmem:s20+$0xC60]  }
0x2a5: {  	v8 =	vadd.f32 v9, v8;
	v9 =	vld [tilespmem:s20+$0xFC70];
	[tilespmem:s30+$0xF870] =	vst v3  }
0x2a6: {  	v3 =	vld [tilespmem:s20+$0xC70]  }
0x2a7: {  	[tilespmem:s20+$0xFC40] =	vst v8;
	v5 =	vadd.f32 v6, v5;
	v6 =	vld [tilespmem:s14+$0xF800]  }
0x2a8: {  	v8 =	vld [tilespmem:s14+$0x800]  }
0x2a9: {  	[tilespmem:s20+$0xFC50] =	vst v5;
	v4 =	vadd.f32 v7, v4;
	v5 =	vld [tilespmem:s14+$0xF810]  }
0x2aa: {  	v7 =	vld [tilespmem:s14+$0x810]  }
0x2ab: {  	[tilespmem:s20+$0xFC60] =	vst v4;
	v3 =	vadd.f32 v3, v9;
	v4 =	vld [tilespmem:s14+$0xF820]  }
0x2ac: {  	v9 =	vld [tilespmem:s14+$0x820]  }
0x2ad: {  	[tilespmem:s20+$0xFC70] =	vst v3;
	v3 =	vadd.f32 v8, v6;
	v6 =	vld [tilespmem:s14+$0xF830]  }
0x2ae: {  	v8 =	vld [tilespmem:s14+$0x830]  }
0x2af: {  	[tilespmem:s14+$0xF800] =	vst v3;
	v3 =	vadd.f32 v7, v5;
	v5 =	vld [tilespmem:s14+$0xF840]  }
0x2b0: {  	v7 =	vld [tilespmem:s14+$0x840]  }
0x2b1: {  	[tilespmem:s14+$0xF810] =	vst v3;
	v3 =	vadd.f32 v9, v4;
	v4 =	vld [tilespmem:s14+$0xF850]  }
0x2b2: {  	v9 =	vld [tilespmem:s14+$0x850]  }
0x2b3: {  	[tilespmem:s14+$0xF820] =	vst v3;
	v3 =	vadd.f32 v8, v6;
	v6 =	vld [tilespmem:s14+$0xF860]  }
0x2b4: {  	v8 =	vld [tilespmem:s14+$0x860]  }
0x2b5: {  	[tilespmem:s14+$0xF830] =	vst v3;
	v3 =	vadd.f32 v7, v5;
	v5 =	vld [tilespmem:s14+$0xF870]  }
0x2b6: {  	v7 =	vld [tilespmem:s14+$0x870]  }
0x2b7: {  	[tilespmem:s14+$0xF840] =	vst v3;
	v3 =	vadd.f32 v9, v4;
	v4 =	vld [tilespmem:s14+$0xFC00]  }
0x2b8: {  	v9 =	vld [tilespmem:s14+$0xC00]  }
0x2b9: {  	[tilespmem:s14+$0xF850] =	vst v3;
	v3 =	vadd.f32 v8, v6;
	v6 =	vld [tilespmem:s14+$0xFC10]  }
0x2ba: {  	v8 =	vld [tilespmem:s14+$0xC10]  }
0x2bb: {  	[tilespmem:s14+$0xF860] =	vst v3;
	v3 =	vadd.f32 v7, v5;
	v5 =	vld [tilespmem:s14+$0xFC20]  }
0x2bc: {  	v7 =	vld [tilespmem:s14+$0xC20]  }
0x2bd: {  	[tilespmem:s14+$0xF870] =	vst v3;
	v3 =	vadd.f32 v9, v4;
	v4 =	vld [tilespmem:s14+$0xFC30]  }
0x2be: {  	v9 =	vld [tilespmem:s14+$0xC30]  }
0x2bf: {  	[tilespmem:s14+$0xFC00] =	vst v3;
	v3 =	vadd.f32 v8, v6;
	v6 =	vld [tilespmem:s14+$0xFC40]  }
0x2c0: {  	v8 =	vld [tilespmem:s14+$0xC40]  }
0x2c1: {  	[tilespmem:s14+$0xFC10] =	vst v3;
	v3 =	vadd.f32 v7, v5;
	v5 =	vld [tilespmem:s14+$0xFC50]  }
0x2c2: {  	v7 =	vld [tilespmem:s14+$0xC50]  }
0x2c3: {  	[tilespmem:s14+$0xFC20] =	vst v3;
	v3 =	vadd.f32 v9, v4;
	v4 =	vld [tilespmem:s14+$0xFC60]  }
0x2c4: {  	v9 =	vld [tilespmem:s14+$0xC60]  }
0x2c5: {  	[tilespmem:s14+$0xFC30] =	vst v3;
	v3 =	vadd.f32 v8, v6;
	v6 =	vld [tilespmem:s14+$0xFC70]  }
0x2c6: {  	v8 =	vld [tilespmem:s14+$0xC70]  }
0x2c7: {  	v10 =	vld [tilespmem:s17+$0xF800];
	[tilespmem:s14+$0xFC40] =	vst v3;
	v3 =	vadd.f32 v7, v5  }
0x2c8: {  	v5 =	vld [tilespmem:s17+$0x800]  }
0x2c9: {  	v7 =	vld [tilespmem:s17+$0xF810];
	[tilespmem:s14+$0xFC50] =	vst v3;
	v3 =	vadd.f32 v9, v4  }
0x2ca: {  	v4 =	vld [tilespmem:s17+$0x810]  }
0x2cb: {  	v9 =	vld [tilespmem:s17+$0xF820];
	[tilespmem:s14+$0xFC60] =	vst v3;
	v3 =	vadd.f32 v8, v6  }
0x2cc: {  	v6 =	vld [tilespmem:s17+$0x820]  }
0x2cd: {  	v5 =	vadd.f32 v5, v10;
	v8 =	vld [tilespmem:s17+$0xF830];
	[tilespmem:s14+$0xFC70] =	vst v3  }
0x2ce: {  	v3 =	vld [tilespmem:s17+$0x830]  }
0x2cf: {  	[tilespmem:s17+$0xF800] =	vst v5;
	v4 =	vadd.f32 v4, v7;
	v5 =	vld [tilespmem:s17+$0xF840]  }
0x2d0: {  	v7 =	vld [tilespmem:s17+$0x840]  }
0x2d1: {  	[tilespmem:s17+$0xF810] =	vst v4;
	v4 =	vadd.f32 v6, v9;
	v6 =	vld [tilespmem:s17+$0xF850]  }
0x2d2: {  	v9 =	vld [tilespmem:s17+$0x850]  }
0x2d3: {  	[tilespmem:s17+$0xF820] =	vst v4;
	v3 =	vadd.f32 v3, v8;
	v4 =	vld [tilespmem:s17+$0xF860]  }
0x2d4: {  	v8 =	vld [tilespmem:s17+$0x860]  }
0x2d5: {  	[tilespmem:s17+$0xF830] =	vst v3;
	v3 =	vadd.f32 v7, v5;
	v5 =	vld [tilespmem:s17+$0xF870]  }
0x2d6: {  	v7 =	vld [tilespmem:s17+$0x870]  }
0x2d7: {  	[tilespmem:s17+$0xF840] =	vst v3;
	v3 =	vadd.f32 v9, v6;
	v6 =	vld [tilespmem:s15+$0xF800]  }
0x2d8: {  	v9 =	vld [tilespmem:s15+$0x800]  }
0x2d9: {  	[tilespmem:s17+$0xF850] =	vst v3;
	v3 =	vadd.f32 v8, v4;
	v4 =	vld [tilespmem:s15+$0xF810]  }
0x2da: {  	v8 =	vld [tilespmem:s15+$0x810]  }
0x2db: {  	[tilespmem:s17+$0xF860] =	vst v3;
	v3 =	vadd.f32 v7, v5;
	v5 =	vld [tilespmem:s15+$0xF820]  }
0x2dc: {  	v7 =	vld [tilespmem:s15+$0x820]  }
0x2dd: {  	[tilespmem:s17+$0xF870] =	vst v3;
	v3 =	vadd.f32 v9, v6;
	v6 =	vld [tilespmem:s15+$0xF830]  }
0x2de: {  	v9 =	vld [tilespmem:s15+$0x830]  }
0x2df: {  	[tilespmem:s15+$0xF800] =	vst v3;
	v3 =	vadd.f32 v8, v4;
	v4 =	vld [tilespmem:s15+$0xF840]  }
0x2e0: {  	v8 =	vld [tilespmem:s15+$0x840]  }
0x2e1: {  	[tilespmem:s15+$0xF810] =	vst v3;
	v3 =	vadd.f32 v7, v5;
	v5 =	vld [tilespmem:s15+$0xF850]  }
0x2e2: {  	v7 =	vld [tilespmem:s15+$0x850]  }
0x2e3: {  	[tilespmem:s15+$0xF820] =	vst v3;
	v3 =	vadd.f32 v9, v6;
	v6 =	vld [tilespmem:s15+$0xF860]  }
0x2e4: {  	v9 =	vld [tilespmem:s15+$0x860]  }
0x2e5: {  	[tilespmem:s15+$0xF830] =	vst v3;
	v3 =	vadd.f32 v8, v4;
	v4 =	vld [tilespmem:s15+$0xF870]  }
0x2e6: {  	v8 =	vld [tilespmem:s15+$0x870]  }
0x2e7: {  	v10 =	vld [tilespmem:s16+$0xF800];
	[tilespmem:s15+$0xF840] =	vst v3;
	v3 =	vadd.f32 v7, v5  }
0x2e8: {  	v5 =	vld [tilespmem:s16+$0x800]  }
0x2e9: {  	v7 =	vld [tilespmem:s16+$0xF810];
	[tilespmem:s15+$0xF850] =	vst v3;
	v3 =	vadd.f32 v9, v6  }
0x2ea: {  	v6 =	vld [tilespmem:s16+$0x810]  }
0x2eb: {  	v9 =	vld [tilespmem:s16+$0xF820];
	[tilespmem:s15+$0xF860] =	vst v3;
	v3 =	vadd.f32 v8, v4  }
0x2ec: {  	v4 =	vld [tilespmem:s16+$0x820]  }
0x2ed: {  	v5 =	vadd.f32 v5, v10;
	v8 =	vld [tilespmem:s16+$0xF830];
	[tilespmem:s15+$0xF870] =	vst v3  }
0x2ee: {  	v3 =	vld [tilespmem:s16+$0x830]  }
0x2ef: {  	[tilespmem:s16+$0xF800] =	vst v5;
	v5 =	vadd.f32 v6, v7;
	v6 =	vld [tilespmem:s16+$0xF840]  }
0x2f0: {  	v7 =	vld [tilespmem:s16+$0x840]  }
0x2f1: {  	[tilespmem:s16+$0xF810] =	vst v5;
	v4 =	vadd.f32 v4, v9;
	v5 =	vld [tilespmem:s16+$0xF850]  }
0x2f2: {  	v9 =	vld [tilespmem:s16+$0x850]  }
0x2f3: {  	[tilespmem:s16+$0xF820] =	vst v4;
	v3 =	vadd.f32 v3, v8;
	v4 =	vld [tilespmem:s16+$0xF860]  }
0x2f4: {  	v8 =	vld [tilespmem:s16+$0x860]  }
0x2f5: {  	[tilespmem:s16+$0xF830] =	vst v3;
	v3 =	vadd.f32 v7, v6;
	v6 =	vld [tilespmem:s16+$0xF870]  }
0x2f6: {  	v7 =	vld [tilespmem:s16+$0x870]  }
0x2f7: {  	[tilespmem:s16+$0xF840] =	vst v3;
	v3 =	vadd.f32 v9, v5;
	v5 =	vld [tilespmem:s3+$0xF800]  }
0x2f8: {  	v9 =	vld [tilespmem:s3+$0x800]  }
0x2f9: {  	[tilespmem:s16+$0xF850] =	vst v3;
	v3 =	vadd.f32 v8, v4;
	v4 =	vld [tilespmem:s3+$0xF810]  }
0x2fa: {  	v8 =	vld [tilespmem:s3+$0x810]  }
0x2fb: {  	[tilespmem:s16+$0xF860] =	vst v3;
	v3 =	vadd.f32 v7, v6;
	v6 =	vld [tilespmem:s3+$0xF820]  }
0x2fc: {  	v7 =	vld [tilespmem:s3+$0x820]  }
0x2fd: {  	[tilespmem:s16+$0xF870] =	vst v3;
	v3 =	vadd.f32 v9, v5;
	v5 =	vld [tilespmem:s3+$0xF830]  }
0x2fe: {  	v9 =	vld [tilespmem:s3+$0x830]  }
0x2ff: {  	[tilespmem:s3+$0xF800] =	vst v3;
	v3 =	vadd.f32 v8, v4;
	v4 =	vld [tilespmem:s3+$0xF840]  }
0x300: {  	v8 =	vld [tilespmem:s3+$0x840]  }
0x301: {  	[tilespmem:s3+$0xF810] =	vst v3;
	v3 =	vadd.f32 v7, v6;
	v6 =	vld [tilespmem:s3+$0xF850]  }
0x302: {  	v7 =	vld [tilespmem:s3+$0x850]  }
0x303: {  	[tilespmem:s3+$0xF820] =	vst v3;
	v3 =	vadd.f32 v9, v5;
	v5 =	vld [tilespmem:s3+$0xF860]  }
0x304: {  	v9 =	vld [tilespmem:s3+$0x860]  }
0x305: {  	[tilespmem:s3+$0xF830] =	vst v3;
	v3 =	vadd.f32 v8, v4;
	v4 =	vld [tilespmem:s3+$0xF870]  }
0x306: {  	v8 =	vld [tilespmem:s3+$0x870]  }
0x307: {  	v10 =	vld [tilespmem:s4+$0xF820];
	[tilespmem:s3+$0xF840] =	vst v3;
	v3 =	vadd.f32 v7, v6  }
0x308: {  	v6 =	vld [tilespmem:s4+$0x820]  }
0x309: {  	v7 =	vld [tilespmem:s4+$0xF830];
	[tilespmem:s3+$0xF850] =	vst v3;
	v3 =	vadd.f32 v9, v5  }
0x30a: {  	v5 =	vld [tilespmem:s4+$0x830]  }
0x30b: {  	v9 =	vld [tilespmem:s4+$0xF840];
	[tilespmem:s3+$0xF860] =	vst v3;
	v3 =	vadd.f32 v8, v4  }
0x30c: {  	v4 =	vld [tilespmem:s4+$0x840]  }
0x30d: {  	v6 =	vadd.f32 v6, v10;
	v8 =	vld [tilespmem:s4+$0xF850];
	[tilespmem:s3+$0xF870] =	vst v3  }
0x30e: {  	v3 =	vld [tilespmem:s4+$0x850]  }
0x30f: {  	[tilespmem:s4+$0xF820] =	vst v6;
	v5 =	vadd.f32 v5, v7;
	v6 =	vld [tilespmem:s4+$0xF860]  }
0x310: {  	v7 =	vld [tilespmem:s4+$0x860]  }
0x311: {  	[tilespmem:s4+$0xF830] =	vst v5;
	v4 =	vadd.f32 v4, v9;
	v5 =	vld [tilespmem:s4+$0xF870]  }
0x312: {  	v9 =	vld [tilespmem:s4+$0x870]  }
0x313: {  	[tilespmem:s4+$0xF840] =	vst v4;
	v3 =	vadd.f32 v3, v8;
	v4 =	vld [tilespmem:s11+$0xF800]  }
0x314: {  	v8 =	vld [tilespmem:s11+$0x800]  }
0x315: {  	[tilespmem:s4+$0xF850] =	vst v3;
	v3 =	vadd.f32 v7, v6;
	v6 =	vld [tilespmem:s11+$0xF810]  }
0x316: {  	v7 =	vld [tilespmem:s11+$0x810]  }
0x317: {  	[tilespmem:s4+$0xF860] =	vst v3;
	v3 =	vadd.f32 v9, v5;
	v5 =	vld [tilespmem:s11+$0xF820]  }
0x318: {  	v9 =	vld [tilespmem:s11+$0x820]  }
0x319: {  	[tilespmem:s4+$0xF870] =	vst v3;
	v3 =	vadd.f32 v8, v4;
	v4 =	vld [tilespmem:s11+$0xF830]  }
0x31a: {  	v8 =	vld [tilespmem:s11+$0x830]  }
0x31b: {  	[tilespmem:s11+$0xF800] =	vst v3;
	v3 =	vadd.f32 v7, v6;
	v6 =	vld [tilespmem:s11+$0xF840]  }
0x31c: {  	v7 =	vld [tilespmem:s11+$0x840]  }
0x31d: {  	[tilespmem:s11+$0xF810] =	vst v3;
	v3 =	vadd.f32 v9, v5;
	v5 =	vld [tilespmem:s11+$0xF850]  }
0x31e: {  	v9 =	vld [tilespmem:s11+$0x850]  }
0x31f: {  	[tilespmem:s11+$0xF820] =	vst v3;
	v3 =	vadd.f32 v8, v4;
	v4 =	vld [tilespmem:s11+$0xF860]  }
0x320: {  	v8 =	vld [tilespmem:s11+$0x860]  }
0x321: {  	[tilespmem:s11+$0xF830] =	vst v3;
	v3 =	vadd.f32 v7, v6;
	v6 =	vld [tilespmem:s11+$0xF870]  }
0x322: {  	v7 =	vld [tilespmem:s11+$0x870]  }
0x323: {  	[tilespmem:s11+$0xF840] =	vst v3;
	v3 =	vadd.f32 v9, v5;
	v5 =	vld [tilespmem:s8+$0xF800]  }
0x324: {  	v9 =	vld [tilespmem:s8+$0x800]  }
0x325: {  	[tilespmem:s11+$0xF850] =	vst v3;
	v3 =	vadd.f32 v8, v4;
	v4 =	vld [tilespmem:s8+$0xF810]  }
0x326: {  	v8 =	vld [tilespmem:s8+$0x810]  }
0x327: {  	[tilespmem:s11+$0xF860] =	vst v3;
	v3 =	vadd.f32 v7, v6;
	v6 =	vld [tilespmem:s8+$0xF820]  }
0x328: {  	v7 =	vld [tilespmem:s8+$0x820]  }
0x329: {  	[tilespmem:s11+$0xF870] =	vst v3;
	v3 =	vadd.f32 v9, v5;
	v5 =	vld [tilespmem:s8+$0xF830]  }
0x32a: {  	v9 =	vld [tilespmem:s8+$0x830]  }
0x32b: {  	[tilespmem:s8+$0xF800] =	vst v3;
	v3 =	vadd.f32 v8, v4;
	v4 =	vld [tilespmem:s8+$0xF840]  }
0x32c: {  	v8 =	vld [tilespmem:s8+$0x840]  }
0x32d: {  	[tilespmem:s8+$0xF810] =	vst v3;
	v3 =	vadd.f32 v7, v6;
	v6 =	vld [tilespmem:s8+$0xF850]  }
0x32e: {  	v7 =	vld [tilespmem:s8+$0x850]  }
0x32f: {  	[tilespmem:s8+$0xF820] =	vst v3;
	v3 =	vadd.f32 v9, v5;
	v5 =	vld [tilespmem:s8+$0xF860]  }
0x330: {  	v9 =	vld [tilespmem:s8+$0x860]  }
0x331: {  	[tilespmem:s8+$0xF830] =	vst v3;
	v3 =	vadd.f32 v8, v4;
	v4 =	vld [tilespmem:s8+$0xF870]  }
0x332: {  	v8 =	vld [tilespmem:s8+$0x870]  }
0x333: {  	v10 =	vld [tilespmem:s19+$0xF800];
	[tilespmem:s8+$0xF840] =	vst v3;
	v3 =	vadd.f32 v7, v6  }
0x334: {  	v6 =	vld [tilespmem:s19+$0x800]  }
0x335: {  	v7 =	vld [tilespmem:s19+$0xF810];
	[tilespmem:s8+$0xF850] =	vst v3;
	v3 =	vadd.f32 v9, v5  }
0x336: {  	v5 =	vld [tilespmem:s19+$0x810]  }
0x337: {  	v9 =	vld [tilespmem:s19+$0xF820];
	[tilespmem:s8+$0xF860] =	vst v3;
	v3 =	vadd.f32 v8, v4  }
0x338: {  	v4 =	vld [tilespmem:s19+$0x820]  }
0x339: {  	v6 =	vadd.f32 v6, v10;
	v8 =	vld [tilespmem:s19+$0xF830];
	[tilespmem:s8+$0xF870] =	vst v3  }
0x33a: {  	v3 =	vld [tilespmem:s19+$0x830]  }
0x33b: {  	[tilespmem:s19+$0xF800] =	vst v6;
	v5 =	vadd.f32 v5, v7;
	v6 =	vld [tilespmem:s19+$0xF840]  }
0x33c: {  	v7 =	vld [tilespmem:s19+$0x840]  }
0x33d: {  	[tilespmem:s19+$0xF810] =	vst v5;
	v4 =	vadd.f32 v4, v9;
	v5 =	vld [tilespmem:s19+$0xF850]  }
0x33e: {  	v9 =	vld [tilespmem:s19+$0x850]  }
0x33f: {  	[tilespmem:s19+$0xF820] =	vst v4;
	v3 =	vadd.f32 v3, v8;
	v4 =	vld [tilespmem:s19+$0xF860]  }
0x340: {  	v8 =	vld [tilespmem:s19+$0x860]  }
0x341: {  	[tilespmem:s19+$0xF830] =	vst v3;
	v3 =	vadd.f32 v7, v6;
	v6 =	vld [tilespmem:s19+$0xF870]  }
0x342: {  	v7 =	vld [tilespmem:s19+$0x870]  }
0x343: {  	[tilespmem:s19+$0xF840] =	vst v3;
	v3 =	vadd.f32 v9, v5;
	v5 =	vld [tilespmem:s21+$0xF800]  }
0x344: {  	v9 =	vld [tilespmem:s21+$0x800]  }
0x345: {  	[tilespmem:s19+$0xF850] =	vst v3;
	v3 =	vadd.f32 v8, v4;
	v4 =	vld [tilespmem:s21+$0xF810]  }
0x346: {  	v8 =	vld [tilespmem:s21+$0x810]  }
0x347: {  	[tilespmem:s19+$0xF860] =	vst v3;
	v3 =	vadd.f32 v7, v6;
	v6 =	vld [tilespmem:s21+$0xF820]  }
0x348: {  	v7 =	vld [tilespmem:s21+$0x820]  }
0x349: {  	[tilespmem:s19+$0xF870] =	vst v3;
	v3 =	vadd.f32 v9, v5;
	v5 =	vld [tilespmem:s21+$0xF830]  }
0x34a: {  	v9 =	vld [tilespmem:s21+$0x830]  }
0x34b: {  	[tilespmem:s21+$0xF800] =	vst v3;
	v3 =	vadd.f32 v8, v4;
	v4 =	vld [tilespmem:s21+$0xF840]  }
0x34c: {  	v8 =	vld [tilespmem:s21+$0x840]  }
0x34d: {  	[tilespmem:s21+$0xF810] =	vst v3;
	v3 =	vadd.f32 v7, v6;
	v6 =	vld [tilespmem:s21+$0xF850]  }
0x34e: {  	v7 =	vld [tilespmem:s21+$0x850]  }
0x34f: {  	[tilespmem:s21+$0xF820] =	vst v3;
	v3 =	vadd.f32 v9, v5;
	v5 =	vld [tilespmem:s21+$0xF860]  }
0x350: {  	v9 =	vld [tilespmem:s21+$0x860]  }
0x351: {  	[tilespmem:s21+$0xF830] =	vst v3;
	v3 =	vadd.f32 v8, v4;
	v4 =	vld [tilespmem:s21+$0xF870]  }
0x352: {  	v8 =	vld [tilespmem:s21+$0x870]  }
0x353: {  	[tilespmem:s21+$0xF840] =	vst v3;
	v3 =	vadd.f32 v7, v6;
	v6 =	vld [tilespmem:s18+$0xF800]  }
0x354: {  	v7 =	vld [tilespmem:s18+$0x800]  }
0x355: {  	[tilespmem:s21+$0xF850] =	vst v3;
	v3 =	vadd.f32 v9, v5;
	v5 =	vld [tilespmem:s18+$0xF810]  }
0x356: {  	v9 =	vld [tilespmem:s18+$0x810]  }
0x357: {  	[tilespmem:s21+$0xF860] =	vst v3;
	v3 =	vadd.f32 v8, v4;
	v4 =	vld [tilespmem:s18+$0xF820]  }
0x358: {  	v8 =	vld [tilespmem:s18+$0x820]  }
0x359: {  	[tilespmem:s21+$0xF870] =	vst v3;
	v3 =	vadd.f32 v7, v6;
	v6 =	vld [tilespmem:s18+$0xF830]  }
0x35a: {  	v7 =	vld [tilespmem:s18+$0x830]  }
0x35b: {  	[tilespmem:s18+$0xF800] =	vst v3;
	v3 =	vadd.f32 v9, v5;
	v5 =	vld [tilespmem:s18+$0xF840]  }
0x35c: {  	v9 =	vld [tilespmem:s18+$0x840]  }
0x35d: {  	[tilespmem:s18+$0xF810] =	vst v3;
	v3 =	vadd.f32 v8, v4;
	v4 =	vld [tilespmem:s18+$0xF850]  }
0x35e: {  	v8 =	vld [tilespmem:s18+$0x850]  }
0x35f: {  	[tilespmem:s18+$0xF820] =	vst v3;
	v3 =	vadd.f32 v7, v6;
	v6 =	vld [tilespmem:s18+$0xF860]  }
0x360: {  	v7 =	vld [tilespmem:s18+$0x860]  }
0x361: {  	[tilespmem:s18+$0xF830] =	vst v3;
	v3 =	vadd.f32 v9, v5;
	v5 =	vld [tilespmem:s18+$0xF870]  }
0x362: {  	v9 =	vld [tilespmem:s18+$0x870]  }
0x363: {  	[tilespmem:s18+$0xF840] =	vst v3;
	v3 =	vadd.f32 v8, v4;
	v4 =	vld [tilespmem:s30+$0xF800]  }
0x364: {  	v8 =	vld [tilespmem:s30+$0x800]  }
.Ltmp0:
0x365: {  	[tilespmem:s18+$0xF850] =	vst v3;
	v3 =	vadd.f32 v7, v6;
	v6 =	vld [tilespmem:s30+$0xF810];
	(pc) =	sbr.rel @p0 .LBB2_3-.Ltmp0, $4  }
0x366: {  	v7 =	vld [tilespmem:s30+$0x810]  }
0x367: {  	[tilespmem:s18+$0xF860] =	vst v3;
	v9 =	vadd.f32 v9, v5;
	v3 =	vld [tilespmem:s30+$0xF820]  }
0x368: {  	v5 =	vld [tilespmem:s30+$0x820]  }
0x369: {  	[tilespmem:s18+$0xF870] =	vst v9;
	v8 =	vadd.f32 v8, v4;
	v4 =	vld [tilespmem:s30+$0xF830]  }
0x36a: {  	v9 =	vld [tilespmem:s0+$0xF800]  }
0x36b: {  	v10 =	vld [tilespmem:s0+$0x800]  }
0x36c: {  	v11 =	vld [tilespmem:s0+$0xF810]  }
0x36d: {  	v12 =	vld [tilespmem:s0+$0x810]  }
0x36e: {  	v13 =	vld [tilespmem:s30+$0x830]  }
0x36f: {  	v6 =	vadd.f32 v7, v6;
	v7 =	vld [tilespmem:s30+$0xF840]  }
0x370: {  	[tilespmem:s30+$0xF800] =	vst v8;
	v8 =	vld [tilespmem:s30+$0x840];
	v9 =	vadd.f32 v10, v9  }
0x371: {  	v10 =	vld [tilespmem:s30+$0xF850]  }
0x372: {  	[tilespmem:s0+$0xF800] =	vst v9;
	v9 =	vld [tilespmem:s30+$0x850]  }
0x373: {  	v3 =	vadd.f32 v5, v3;
	v5 =	vld [tilespmem:s0+$0xF830]  }
0x374: {  	[tilespmem:s30+$0xF810] =	vst v6;
	v6 =	vadd.f32 v12, v11;
	v11 =	vld [tilespmem:s0+$0x820]  }
0x375: {  	v4 =	vadd.f32 v13, v4;
	[tilespmem:s30+$0xF820] =	vst v3;
	v3 =	vadd.f32 v8, v7;
	v7 =	vld [tilespmem:s0+$0x830]  }
0x376: {  	v8 =	vld [tilespmem:s30+$0xF860];
	[tilespmem:s0+$0xF810] =	vst v6  }
0x377: {  	v6 =	vld [tilespmem:s0+$0xF820];
	[tilespmem:s30+$0xF830] =	vst v4;
	v4 =	vadd.f32 v9, v10  }
0x378: {  	[tilespmem:s30+$0xF840] =	vst v3;
	v3 =	vld [tilespmem:s0+$0xF840]  }
0x379: {  	[tilespmem:s30+$0xF850] =	vst v4;
	v4 =	vld [tilespmem:s0+$0x840]  }
0x37a: {  	v5 =	vadd.f32 v7, v5;
	v7 =	vld [tilespmem:s0+$0x850]  }
0x37b: {  	v9 =	vld [tilespmem:s30+$0x860]  }
0x37c: {  	v6 =	vadd.f32 v11, v6;
	v10 =	vld [tilespmem:s0+$0x870]  }
0x37d: {  	[tilespmem:s0+$0xF830] =	vst v5;
	v5 =	vld [tilespmem:s0+$0x860]  }
0x37e: {  	[tilespmem:s0+$0xF820] =	vst v6;
	v6 =	vld [tilespmem:s0+$0xF850];
	v3 =	vadd.f32 v4, v3  }
0x37f: {  	v4 =	vld [tilespmem:s0+$0xF860]  }
0x380: {  	[tilespmem:s0+$0xF840] =	vst v3;
	v3 =	vld [tilespmem:s0+$0xF870];
	_ =	sdelay $0x1  }
0x381: {  	v8 =	vadd.f32 v9, v8  }
0x382: {  	v6 =	vadd.f32 v7, v6  }
0x383: {  	[tilespmem:s30+$0xF860] =	vst v8;
	v4 =	vadd.f32 v5, v4  }
0x384: {  	[tilespmem:s0+$0xF850] =	vst v6;
	v3 =	vadd.f32 v10, v3  }
0x385: {  	[tilespmem:s0+$0xF860] =	vst v4  }
0x386: {  	s21 =	simm.s32 $0x5;
	[tilespmem:s0+$0xF870] =	vst v3  }
0x387: {  	s29 =	simm.s32 $0x1400;
	s17 =	smul.u32 $0x1800, s21;
	_ =	swait.ge [sflag:s25], $0x6000  }
0x388: {  	s0 =	sand.u32 $0x200, s29;
	[sflag:s25] =	ssyncset.done $0x0  }
0x389: {  	s3 =	sor.u32 s0, s17;
	[sflag:s25] =	ssyncadd.s32 $0xFFFFA000  }
0x38a: {  	v3 =	vld [tilespmem:s3+$0xF800]  }
0x38b: {  	v4 =	vld [tilespmem:s3+$0x800]  }
0x38c: {  	v5 =	vld [tilespmem:s3+$0xF810]  }
0x38d: {  	v6 =	vld [tilespmem:s3+$0x810]  }
0x38e: {  	v7 =	vld [tilespmem:s3+$0xF820]  }
0x38f: {  	v8 =	vld [tilespmem:s3+$0x820]  }
0x390: {  	v9 =	vld [tilespmem:s3+$0xF830]  }
0x391: {  	v10 =	vld [tilespmem:s3+$0x830]  }
0x392: {  	v11 =	vld [tilespmem:s3+$0xF840]  }
0x393: {  	v57 =	vld [tilespmem:s3+$0x840]  }
0x394: {  	v58 =	vld [tilespmem:s3+$0xF850]  }
0x395: {  	v14 =	vld [tilespmem:s3+$0x850]  }
0x396: {  	v15 =	vld [tilespmem:s3+$0xF860]  }
0x397: {  	v16 =	vld [tilespmem:s3+$0x860]  }
0x398: {  	v17 =	vld [tilespmem:s3+$0xF870]  }
0x399: {  	v18 =	vld [tilespmem:s3+$0x870]  }
0x39a: {  	v19 =	vld [tilespmem:s3+$0xFC00]  }
0x39b: {  	v20 =	vld [tilespmem:s3+$0xC00]  }
0x39c: {  	v21 =	vld [tilespmem:s3+$0xFC10]  }
0x39d: {  	v22 =	vld [tilespmem:s3+$0xC10]  }
0x39e: {  	v23 =	vld [tilespmem:s3+$0xFC20];
	v3 =	vadd.f32 v4, v3  }
0x39f: {  	v59 =	vld [tilespmem:s3+$0xFC60];
	v5 =	vadd.f32 v6, v5  }
0x3a0: {  	v60 =	vld [tilespmem:s3+$0xC60];
	[tilespmem:s3+$0xF800] =	vst v3;
	v3 =	vadd.f32 v8, v7  }
0x3a1: {  	v4 =	vld [tilespmem:s3+$0xC20];
	[tilespmem:s3+$0xF810] =	vst v5;
	v5 =	vadd.f32 v10, v9  }
0x3a2: {  	v6 =	vld [tilespmem:s3+$0xFC30];
	[tilespmem:s3+$0xF820] =	vst v3;
	v3 =	vadd.f32 v57, v11  }
0x3a3: {  	v7 =	vld [tilespmem:s3+$0xC30];
	[tilespmem:s3+$0xF830] =	vst v5;
	v5 =	vadd.f32 v14, v58  }
0x3a4: {  	v8 =	vld [tilespmem:s3+$0xFC40];
	[tilespmem:s3+$0xF840] =	vst v3;
	v3 =	vadd.f32 v16, v15  }
0x3a5: {  	v9 =	vld [tilespmem:s3+$0xC40];
	[tilespmem:s3+$0xF850] =	vst v5;
	v5 =	vadd.f32 v18, v17  }
0x3a6: {  	v10 =	vld [tilespmem:s3+$0xFC50];
	[tilespmem:s3+$0xF860] =	vst v3  }
0x3a7: {  	s11 =	sor.u32 $0x180, s0;
	v11 =	vld [tilespmem:s3+$0xC50];
	[tilespmem:s3+$0xF870] =	vst v5  }
0x3a8: {  	s8 =	sor.u32 s17, s11;
	v61 =	vld [tilespmem:s3+$0xFC70]  }
0x3a9: {  	v39 =	vld [tilespmem:s8+$0xF800]  }
0x3aa: {  	v40 =	vld [tilespmem:s8+$0x800]  }
0x3ab: {  	v41 =	vld [tilespmem:s8+$0xF810]  }
0x3ac: {  	v42 =	vld [tilespmem:s8+$0x810]  }
0x3ad: {  	v43 =	vld [tilespmem:s8+$0xF820]  }
0x3ae: {  	v24 =	vld [tilespmem:s8+$0x820]  }
0x3af: {  	v25 =	vld [tilespmem:s8+$0xF830]  }
0x3b0: {  	v26 =	vld [tilespmem:s8+$0x830]  }
0x3b1: {  	v27 =	vld [tilespmem:s8+$0xF840]  }
0x3b2: {  	v28 =	vld [tilespmem:s8+$0x840]  }
0x3b3: {  	v29 =	vld [tilespmem:s8+$0xF850]  }
0x3b4: {  	v30 =	vld [tilespmem:s8+$0x850]  }
0x3b5: {  	v3 =	vadd.f32 v20, v19;
	v31 =	vld [tilespmem:s8+$0xF860]  }
0x3b6: {  	v5 =	vadd.f32 v22, v21;
	v44 =	vld [tilespmem:s8+$0xFC20]  }
0x3b7: {  	[tilespmem:s3+$0xFC00] =	vst v3;
	v3 =	vadd.f32 v4, v23;
	v4 =	vld [tilespmem:s3+$0xC70]  }
0x3b8: {  	v45 =	vld [tilespmem:s8+$0xC20];
	[tilespmem:s3+$0xFC10] =	vst v5;
	v5 =	vadd.f32 v7, v6  }
0x3b9: {  	v46 =	vld [tilespmem:s8+$0xFC30];
	[tilespmem:s3+$0xFC20] =	vst v3;
	v3 =	vadd.f32 v9, v8  }
0x3ba: {  	v47 =	vld [tilespmem:s8+$0xC30];
	[tilespmem:s3+$0xFC30] =	vst v5;
	v5 =	vadd.f32 v11, v10  }
0x3bb: {  	v48 =	vld [tilespmem:s8+$0xFC40];
	[tilespmem:s3+$0xFC40] =	vst v3;
	v3 =	vadd.f32 v60, v59  }
0x3bc: {  	v49 =	vld [tilespmem:s8+$0xFC50];
	[tilespmem:s3+$0xFC50] =	vst v5;
	v4 =	vadd.f32 v4, v61  }
0x3bd: {  	s14 =	sadd.s32 $0x800, s17;
	v50 =	vld [tilespmem:s8+$0xC50];
	[tilespmem:s3+$0xFC60] =	vst v3  }
0x3be: {  	s1 =	sor.u32 s0, s14;
	v51 =	vld [tilespmem:s8+$0xFC60];
	[tilespmem:s3+$0xFC70] =	vst v4  }
0x3bf: {  	v3 =	vld [tilespmem:s1+$0xF800]  }
0x3c0: {  	v4 =	vld [tilespmem:s1+$0x800]  }
0x3c1: {  	v5 =	vld [tilespmem:s1+$0xF810]  }
0x3c2: {  	v6 =	vld [tilespmem:s1+$0x810]  }
0x3c3: {  	v7 =	vld [tilespmem:s1+$0xF820]  }
0x3c4: {  	v8 =	vld [tilespmem:s1+$0x820]  }
0x3c5: {  	v9 =	vld [tilespmem:s1+$0xF830]  }
0x3c6: {  	v10 =	vld [tilespmem:s1+$0x830]  }
0x3c7: {  	v11 =	vld [tilespmem:s1+$0xF840]  }
0x3c8: {  	v62 =	vld [tilespmem:s1+$0x840]  }
0x3c9: {  	v33 =	vld [tilespmem:s1+$0xF850]  }
0x3ca: {  	v34 =	vld [tilespmem:s1+$0x850]  }
0x3cb: {  	v35 =	vld [tilespmem:s1+$0xF860]  }
0x3cc: {  	v36 =	vld [tilespmem:s1+$0x860]  }
0x3cd: {  	s3 =	sor.u32 $0x80, s0;
	v37 =	vld [tilespmem:s1+$0xF870]  }
0x3ce: {  	v38 =	vld [tilespmem:s1+$0x870];
	s18 =	sor.u32 s17, s3  }
0x3cf: {  	v14 =	vld [tilespmem:s18+$0x820]  }
0x3d0: {  	v15 =	vld [tilespmem:s18+$0xF830]  }
0x3d1: {  	v17 =	vld [tilespmem:s18+$0x830]  }
0x3d2: {  	v16 =	vld [tilespmem:s18+$0xF840]  }
0x3d3: {  	v18 =	vld [tilespmem:s18+$0x840];
	v3 =	vadd.f32 v4, v3  }
0x3d4: {  	v22 =	vld [tilespmem:s18+$0xF850];
	v5 =	vadd.f32 v6, v5  }
0x3d5: {  	v23 =	vld [tilespmem:s18+$0x850];
	[tilespmem:s1+$0xF800] =	vst v3;
	v3 =	vadd.f32 v8, v7  }
0x3d6: {  	v20 =	vld [tilespmem:s18+$0xF870];
	[tilespmem:s1+$0xF810] =	vst v5;
	v5 =	vadd.f32 v10, v9  }
0x3d7: {  	v21 =	vld [tilespmem:s18+$0xFC00];
	[tilespmem:s1+$0xF820] =	vst v3;
	v3 =	vadd.f32 v62, v11  }
0x3d8: {  	v4 =	vld [tilespmem:s8+$0x860];
	[tilespmem:s1+$0xF830] =	vst v5;
	v5 =	vadd.f32 v34, v33  }
0x3d9: {  	v6 =	vld [tilespmem:s8+$0xF870];
	[tilespmem:s1+$0xF840] =	vst v3;
	v3 =	vadd.f32 v36, v35  }
0x3da: {  	v7 =	vld [tilespmem:s8+$0x870];
	[tilespmem:s1+$0xF850] =	vst v5;
	v5 =	vadd.f32 v38, v37  }
0x3db: {  	v8 =	vld [tilespmem:s8+$0xFC00];
	[tilespmem:s1+$0xF860] =	vst v3;
	v3 =	vadd.f32 v40, v39  }
0x3dc: {  	v9 =	vld [tilespmem:s8+$0xC00];
	[tilespmem:s1+$0xF870] =	vst v5;
	v5 =	vadd.f32 v42, v41  }
0x3dd: {  	v10 =	vld [tilespmem:s8+$0xFC10];
	[tilespmem:s8+$0xF800] =	vst v3;
	v3 =	vadd.f32 v24, v43  }
0x3de: {  	v11 =	vld [tilespmem:s8+$0xC10];
	[tilespmem:s8+$0xF810] =	vst v5;
	v5 =	vadd.f32 v26, v25  }
0x3df: {  	v24 =	vld [tilespmem:s18+$0xF860];
	[tilespmem:s8+$0xF820] =	vst v3;
	v3 =	vadd.f32 v28, v27  }
0x3e0: {  	v26 =	vld [tilespmem:s18+$0x860];
	[tilespmem:s8+$0xF830] =	vst v5;
	v5 =	vadd.f32 v30, v29  }
0x3e1: {  	v27 =	vld [tilespmem:s18+$0xC20];
	[tilespmem:s8+$0xF840] =	vst v3;
	v3 =	vadd.f32 v4, v31  }
0x3e2: {  	[tilespmem:s8+$0xF850] =	vst v5;
	v4 =	vadd.f32 v7, v6;
	v6 =	vld [tilespmem:s8+$0xC60]  }
0x3e3: {  	v7 =	vld [tilespmem:s8+$0xFC70];
	v5 =	vadd.f32 v45, v44;
	[tilespmem:s8+$0xF860] =	vst v3  }
0x3e4: {  	s16 =	sadd.s32 $0xC00, s17;
	v3 =	vadd.f32 v9, v8;
	[tilespmem:s8+$0xF870] =	vst v4;
	v8 =	vld [tilespmem:s8+$0xC70]  }
0x3e5: {  	s4 =	sor.u32 s0, s16;
	v4 =	vadd.f32 v11, v10;
	v10 =	vld [tilespmem:s8+$0xC40];
	[tilespmem:s8+$0xFC20] =	vst v5  }
0x3e6: {  	v9 =	vadd.f32 v47, v46;
	v5 =	vld [tilespmem:s4+$0xF810];
	[tilespmem:s8+$0xFC00] =	vst v3  }
0x3e7: {  	v11 =	vadd.f32 v50, v49;
	v3 =	vld [tilespmem:s4+$0xF800];
	[tilespmem:s8+$0xFC10] =	vst v4  }
0x3e8: {  	v4 =	vld [tilespmem:s4+$0x800];
	[tilespmem:s8+$0xFC30] =	vst v9;
	v52 =	vadd.f32 v6, v51  }
0x3e9: {  	[tilespmem:s8+$0xFC50] =	vst v11;
	v9 =	vld [tilespmem:s18+$0xF800];
	v7 =	vadd.f32 v8, v7  }
0x3ea: {  	v11 =	vld [tilespmem:s18+$0xF810];
	v8 =	vadd.f32 v10, v48;
	[tilespmem:s8+$0xFC60] =	vst v52  }
0x3eb: {  	v6 =	vld [tilespmem:s4+$0x810];
	[tilespmem:s8+$0xFC70] =	vst v7  }
0x3ec: {  	s22 =	sor.u32 s11, s14;
	v10 =	vld [tilespmem:s18+$0x800];
	[tilespmem:s8+$0xFC40] =	vst v8  }
0x3ed: {  	v7 =	vld [tilespmem:s22+$0xF800]  }
0x3ee: {  	v8 =	vld [tilespmem:s22+$0x800]  }
0x3ef: {  	v12 =	vld [tilespmem:s22+$0xF810]  }
0x3f0: {  	v53 =	vld [tilespmem:s22+$0x810]  }
0x3f1: {  	v54 =	vld [tilespmem:s22+$0xF820]  }
0x3f2: {  	v55 =	vld [tilespmem:s22+$0x820]  }
0x3f3: {  	v56 =	vld [tilespmem:s22+$0xF830]  }
0x3f4: {  	v57 =	vld [tilespmem:s22+$0x830]  }
0x3f5: {  	v58 =	vld [tilespmem:s22+$0xF840]  }
0x3f6: {  	v59 =	vld [tilespmem:s22+$0xF850]  }
0x3f7: {  	v60 =	vld [tilespmem:s22+$0x850]  }
0x3f8: {  	v61 =	vld [tilespmem:s22+$0xF860]  }
0x3f9: {  	v62 =	vld [tilespmem:s22+$0x860]  }
0x3fa: {  	s1 =	sor.u32 $0x100, s0;
	v28 =	vld [tilespmem:s22+$0x870]  }
0x3fb: {  	s15 =	sadd.s32 $0x1000, s17;
	s8 =	sadd.s32 $0x1400, s17;
	s17 =	sor.u32 s17, s1;
	v29 =	vld [tilespmem:s22+$0x840]  }
0x3fc: {  	v9 =	vadd.f32 v10, v9;
	v10 =	vld [tilespmem:s17+$0xF870]  }
0x3fd: {  	v7 =	vadd.f32 v8, v7;
	v8 =	vld [tilespmem:s22+$0xF870]  }
0x3fe: {  	v13 =	vadd.f32 v53, v12;
	v12 =	vld [tilespmem:s18+$0x810]  }
0x3ff: {  	v30 =	vadd.f32 v57, v56;
	v57 =	vld [tilespmem:s18+$0xFC30]  }
0x400: {  	v31 =	vadd.f32 v62, v61;
	v61 =	vld [tilespmem:s18+$0xFC50]  }
0x401: {  	v62 =	vld [tilespmem:s18+$0xC50];
	[tilespmem:s22+$0xF800] =	vst v7  }
0x402: {  	v7 =	vadd.f32 v55, v54;
	[tilespmem:s22+$0xF810] =	vst v13;
	v13 =	vld [tilespmem:s18+$0xF820]  }
0x403: {  	[tilespmem:s22+$0xF860] =	vst v31;
	v31 =	vld [tilespmem:s18+$0xFC10]  }
0x404: {  	[tilespmem:s22+$0xF820] =	vst v7;
	v7 =	vadd.f32 v60, v59;
	v59 =	vld [tilespmem:s18+$0xFC40]  }
0x405: {  	v60 =	vld [tilespmem:s18+$0xC40]  }
0x406: {  	v11 =	vadd.f32 v12, v11;
	v12 =	vld [tilespmem:s17+$0x870]  }
0x407: {  	[tilespmem:s22+$0xF850] =	vst v7;
	v7 =	vadd.f32 v28, v8;
	v8 =	vadd.f32 v29, v58;
	v29 =	vld [tilespmem:s18+$0xC00]  }
0x408: {  	[tilespmem:s18+$0xF800] =	vst v9;
	v58 =	vld [tilespmem:s18+$0xC30]  }
0x409: {  	[tilespmem:s22+$0xF830] =	vst v30;
	v9 =	vadd.f32 v14, v13;
	v13 =	vld [tilespmem:s17+$0xFC00]  }
0x40a: {  	[tilespmem:s18+$0xF810] =	vst v11;
	v14 =	vld [tilespmem:s17+$0xC00]  }
0x40b: {  	v11 =	vadd.f32 v17, v15;
	v15 =	vld [tilespmem:s17+$0xFC10];
	[tilespmem:s22+$0xF870] =	vst v7  }
0x40c: {  	s23 =	sor.u32 s11, s16;
	v17 =	vld [tilespmem:s17+$0xFC20];
	[tilespmem:s22+$0xF840] =	vst v8  }
0x40d: {  	v7 =	vld [tilespmem:s23+$0xF800]  }
0x40e: {  	v8 =	vld [tilespmem:s23+$0x800]  }
0x40f: {  	v32 =	vld [tilespmem:s23+$0xF810]  }
0x410: {  	v33 =	vld [tilespmem:s23+$0x810]  }
0x411: {  	v34 =	vld [tilespmem:s23+$0xF820]  }
0x412: {  	v35 =	vld [tilespmem:s23+$0x820]  }
0x413: {  	v36 =	vld [tilespmem:s23+$0xF830]  }
0x414: {  	v37 =	vld [tilespmem:s23+$0x830]  }
0x415: {  	v38 =	vld [tilespmem:s23+$0xF840]  }
0x416: {  	v39 =	vld [tilespmem:s23+$0xF850]  }
0x417: {  	v40 =	vld [tilespmem:s23+$0x850]  }
0x418: {  	v41 =	vld [tilespmem:s23+$0xF860]  }
0x419: {  	v42 =	vld [tilespmem:s23+$0x860]  }
0x41a: {  	v43 =	vld [tilespmem:s23+$0x870]  }
0x41b: {  	v44 =	vld [tilespmem:s23+$0x840]  }
0x41c: {  	[tilespmem:s18+$0xF820] =	vst v9;
	v9 =	vadd.f32 v18, v16;
	v16 =	vld [tilespmem:s17+$0xC10]  }
0x41d: {  	[tilespmem:s18+$0xF830] =	vst v11;
	v18 =	vld [tilespmem:s17+$0xC20]  }
0x41e: {  	v11 =	vadd.f32 v23, v22;
	v22 =	vld [tilespmem:s17+$0xC40];
	[tilespmem:s18+$0xF840] =	vst v9;
	v9 =	vadd.f32 v26, v24  }
0x41f: {  	v23 =	vld [tilespmem:s17+$0xFC50]  }
0x420: {  	[tilespmem:s18+$0xF860] =	vst v9;
	v9 =	vadd.f32 v29, v21;
	v21 =	vld [tilespmem:s17+$0xFC40]  }
0x421: {  	v7 =	vadd.f32 v8, v7;
	v8 =	vld [tilespmem:s23+$0xF870]  }
0x422: {  	v45 =	vadd.f32 v37, v36;
	v37 =	vld [tilespmem:s18+$0xFC60]  }
0x423: {  	v19 =	vadd.f32 v33, v32;
	v46 =	vadd.f32 v42, v41;
	v41 =	vld [tilespmem:s17+$0xF800]  }
0x424: {  	v42 =	vld [tilespmem:s17+$0x800];
	[tilespmem:s23+$0xF800] =	vst v7  }
0x425: {  	[tilespmem:s23+$0xF810] =	vst v19;
	v19 =	vld [tilespmem:s18+$0x870]  }
0x426: {  	v7 =	vadd.f32 v35, v34;
	[tilespmem:s23+$0xF830] =	vst v45;
	v45 =	vld [tilespmem:s17+$0xF820]  }
0x427: {  	[tilespmem:s23+$0xF860] =	vst v46;
	v46 =	vld [tilespmem:s17+$0x820]  }
0x428: {  	[tilespmem:s23+$0xF820] =	vst v7;
	v7 =	vadd.f32 v40, v39;
	v39 =	vld [tilespmem:s18+$0xFC70]  }
0x429: {  	v40 =	vld [tilespmem:s18+$0xC70]  }
0x42a: {  	[tilespmem:s23+$0xF850] =	vst v7;
	v7 =	vadd.f32 v43, v8;
	v8 =	vadd.f32 v44, v38;
	v38 =	vld [tilespmem:s18+$0xC60]  }
0x42b: {  	v43 =	vld [tilespmem:s17+$0xF810]  }
0x42c: {  	[tilespmem:s18+$0xF850] =	vst v11;
	v44 =	vld [tilespmem:s17+$0x810]  }
0x42d: {  	v11 =	vadd.f32 v19, v20;
	v19 =	vld [tilespmem:s17+$0xFC30];
	[tilespmem:s23+$0xF870] =	vst v7  }
0x42e: {  	s26 =	sor.u32 s11, s15;
	v20 =	vld [tilespmem:s17+$0xC30];
	[tilespmem:s23+$0xF840] =	vst v8  }
0x42f: {  	v7 =	vld [tilespmem:s26+$0xF800]  }
0x430: {  	v8 =	vld [tilespmem:s26+$0x800]  }
0x431: {  	v47 =	vld [tilespmem:s26+$0xF810]  }
0x432: {  	v48 =	vld [tilespmem:s26+$0x810]  }
0x433: {  	v49 =	vld [tilespmem:s26+$0xF820]  }
0x434: {  	v50 =	vld [tilespmem:s26+$0x820]  }
0x435: {  	v51 =	vld [tilespmem:s26+$0xF830]  }
0x436: {  	v52 =	vld [tilespmem:s26+$0xF840]  }
0x437: {  	v32 =	vld [tilespmem:s26+$0x840]  }
0x438: {  	v33 =	vld [tilespmem:s26+$0xF850]  }
0x439: {  	v34 =	vld [tilespmem:s26+$0x850]  }
0x43a: {  	v35 =	vld [tilespmem:s26+$0xF860]  }
0x43b: {  	v36 =	vld [tilespmem:s26+$0x860]  }
0x43c: {  	v53 =	vld [tilespmem:s26+$0x870]  }
0x43d: {  	v54 =	vld [tilespmem:s26+$0x830]  }
0x43e: {  	v7 =	vadd.f32 v8, v7;
	v8 =	vld [tilespmem:s26+$0xF870]  }
0x43f: {  	[tilespmem:s18+$0xFC00] =	vst v9;
	v55 =	vadd.f32 v32, v52;
	v32 =	vld [tilespmem:s18+$0xC10]  }
0x440: {  	[tilespmem:s18+$0xF870] =	vst v11;
	v25 =	vadd.f32 v48, v47;
	v47 =	vld [tilespmem:s17+$0xF830]  }
0x441: {  	v48 =	vld [tilespmem:s17+$0x830];
	[tilespmem:s26+$0xF800] =	vst v7  }
0x442: {  	v52 =	vld [tilespmem:s17+$0x850];
	v7 =	vadd.f32 v50, v49;
	[tilespmem:s26+$0xF810] =	vst v25  }
0x443: {  	v56 =	vadd.f32 v36, v35;
	[tilespmem:s26+$0xF840] =	vst v55;
	v49 =	vld [tilespmem:s17+$0xF840]  }
0x444: {  	[tilespmem:s26+$0xF820] =	vst v7;
	v7 =	vadd.f32 v34, v33;
	v33 =	vld [tilespmem:s18+$0xFC20]  }
0x445: {  	[tilespmem:s26+$0xF860] =	vst v56;
	v50 =	vld [tilespmem:s17+$0x840];
	v11 =	vadd.f32 v32, v31  }
0x446: {  	v55 =	vld [tilespmem:s17+$0xC50];
	[tilespmem:s26+$0xF850] =	vst v7;
	v7 =	vadd.f32 v53, v8  }
0x447: {  	v56 =	vld [tilespmem:s17+$0xFC60];
	v8 =	vadd.f32 v54, v51;
	[tilespmem:s18+$0xFC10] =	vst v11  }
0x448: {  	v51 =	vld [tilespmem:s17+$0xF850];
	v11 =	vadd.f32 v58, v57;
	[tilespmem:s26+$0xF870] =	vst v7  }
0x449: {  	v53 =	vld [tilespmem:s17+$0xF860];
	[tilespmem:s26+$0xF830] =	vst v8;
	v9 =	vadd.f32 v27, v33  }
0x44a: {  	v54 =	vld [tilespmem:s17+$0x860];
	[tilespmem:s18+$0xFC30] =	vst v11;
	v11 =	vadd.f32 v62, v61  }
0x44b: {  	v57 =	vld [tilespmem:s17+$0xC60];
	[tilespmem:s18+$0xFC20] =	vst v9;
	v9 =	vadd.f32 v60, v59  }
0x44c: {  	s30 =	sor.u32 s11, s8;
	v58 =	vld [tilespmem:s17+$0xFC70];
	[tilespmem:s18+$0xFC50] =	vst v11;
	v11 =	vadd.f32 v40, v39  }
0x44d: {  	v7 =	vld [tilespmem:s30+$0xF870];
	[tilespmem:s18+$0xFC40] =	vst v9;
	v9 =	vadd.f32 v38, v37  }
0x44e: {  	v10 =	vadd.f32 v12, v10;
	v8 =	vld [tilespmem:s30+$0x870];
	[tilespmem:s18+$0xFC70] =	vst v11  }
0x44f: {  	s19 =	sor.u32 s3, s14;
	v59 =	vld [tilespmem:s17+$0xC70];
	[tilespmem:s18+$0xFC60] =	vst v9  }
0x450: {  	[tilespmem:s17+$0xF870] =	vst v10;
	v10 =	vadd.f32 v16, v15;
	v60 =	vld [tilespmem:s19+$0xF800]  }
0x451: {  	v11 =	vadd.f32 v44, v43;
	v61 =	vld [tilespmem:s19+$0x800]  }
0x452: {  	[tilespmem:s17+$0xFC10] =	vst v10;
	v9 =	vadd.f32 v42, v41;
	v62 =	vld [tilespmem:s19+$0xF810]  }
0x453: {  	[tilespmem:s17+$0xF810] =	vst v11;
	v11 =	vadd.f32 v48, v47;
	v36 =	vld [tilespmem:s19+$0x810]  }
0x454: {  	v37 =	vld [tilespmem:s19+$0xF820];
	[tilespmem:s17+$0xF800] =	vst v9;
	v9 =	vadd.f32 v46, v45  }
0x455: {  	v38 =	vld [tilespmem:s19+$0xF830];
	[tilespmem:s17+$0xF830] =	vst v11;
	v11 =	vadd.f32 v52, v51  }
0x456: {  	v40 =	vld [tilespmem:s19+$0xF840];
	[tilespmem:s17+$0xF820] =	vst v9;
	v9 =	vadd.f32 v50, v49  }
0x457: {  	v10 =	vadd.f32 v20, v19;
	v41 =	vld [tilespmem:s19+$0x840];
	[tilespmem:s17+$0xF850] =	vst v11  }
0x458: {  	v11 =	vld [tilespmem:s19+$0x820];
	[tilespmem:s17+$0xF840] =	vst v9;
	v9 =	vadd.f32 v54, v53  }
0x459: {  	[tilespmem:s17+$0xFC30] =	vst v10;
	v10 =	vadd.f32 v55, v23;
	v42 =	vld [tilespmem:s19+$0xF850]  }
0x45a: {  	v43 =	vld [tilespmem:s19+$0x850];
	[tilespmem:s17+$0xF860] =	vst v9;
	v9 =	vadd.f32 v14, v13  }
0x45b: {  	[tilespmem:s17+$0xFC50] =	vst v10;
	v44 =	vld [tilespmem:s19+$0xF860];
	v10 =	vadd.f32 v59, v58  }
0x45c: {  	v45 =	vld [tilespmem:s19+$0x860];
	[tilespmem:s17+$0xFC00] =	vst v9;
	v9 =	vadd.f32 v18, v17  }
0x45d: {  	v39 =	vld [tilespmem:s19+$0x830];
	[tilespmem:s17+$0xFC70] =	vst v10;
	v11 =	vadd.f32 v11, v37  }
0x45e: {  	v10 =	vld [tilespmem:s19+$0x870];
	[tilespmem:s17+$0xFC20] =	vst v9;
	v9 =	vadd.f32 v22, v21  }
0x45f: {  	v59 =	vadd.f32 v43, v42;
	v42 =	vld [tilespmem:s4+$0x820];
	[tilespmem:s19+$0xF820] =	vst v11;
	v11 =	vadd.f32 v41, v40  }
0x460: {  	v41 =	vld [tilespmem:s4+$0xF820];
	[tilespmem:s17+$0xFC40] =	vst v9;
	v9 =	vadd.f32 v57, v56  }
0x461: {  	[tilespmem:s19+$0xF840] =	vst v11;
	v11 =	vadd.f32 v45, v44;
	v44 =	vld [tilespmem:s4+$0xF860]  }
0x462: {  	s14 =	sor.u32 s1, s14;
	[tilespmem:s17+$0xFC60] =	vst v9;
	v9 =	vld [tilespmem:s19+$0xF870]  }
0x463: {  	v46 =	vld [tilespmem:s14+$0xF800]  }
0x464: {  	v47 =	vld [tilespmem:s14+$0x800]  }
0x465: {  	v48 =	vld [tilespmem:s14+$0xF810]  }
0x466: {  	v49 =	vld [tilespmem:s14+$0x810]  }
0x467: {  	v50 =	vld [tilespmem:s14+$0xF820]  }
0x468: {  	v51 =	vld [tilespmem:s14+$0x820]  }
0x469: {  	v53 =	vld [tilespmem:s14+$0xF830]  }
0x46a: {  	v55 =	vld [tilespmem:s14+$0x830]  }
0x46b: {  	v52 =	vadd.f32 v61, v60;
	v56 =	vld [tilespmem:s14+$0xF840]  }
0x46c: {  	v54 =	vadd.f32 v36, v62;
	v57 =	vld [tilespmem:s14+$0x840]  }
0x46d: {  	v12 =	vadd.f32 v39, v38;
	[tilespmem:s19+$0xF800] =	vst v52;
	v58 =	vld [tilespmem:s14+$0xF850]  }
0x46e: {  	[tilespmem:s19+$0xF810] =	vst v54;
	v60 =	vld [tilespmem:s14+$0x850]  }
0x46f: {  	[tilespmem:s19+$0xF830] =	vst v12;
	v61 =	vld [tilespmem:s14+$0xF860]  }
0x470: {  	[tilespmem:s19+$0xF860] =	vst v11;
	v11 =	vld [tilespmem:s14+$0xF870];
	v9 =	vadd.f32 v10, v9  }
0x471: {  	[tilespmem:s19+$0xF850] =	vst v59;
	v10 =	vld [tilespmem:s14+$0x860]  }
0x472: {  	s20 =	sor.u32 s3, s16;
	[tilespmem:s19+$0xF870] =	vst v9;
	v9 =	vld [tilespmem:s14+$0x870]  }
0x473: {  	v12 =	vld [tilespmem:s20+$0xF800]  }
0x474: {  	v17 =	vld [tilespmem:s20+$0x800]  }
0x475: {  	v18 =	vld [tilespmem:s20+$0xF810]  }
0x476: {  	v19 =	vld [tilespmem:s20+$0x810]  }
0x477: {  	v28 =	vld [tilespmem:s20+$0xF820]  }
0x478: {  	v62 =	vld [tilespmem:s20+$0x820]  }
0x479: {  	v21 =	vld [tilespmem:s20+$0xF830]  }
0x47a: {  	v23 =	vld [tilespmem:s20+$0x830]  }
0x47b: {  	v20 =	vadd.f32 v47, v46;
	v24 =	vld [tilespmem:s20+$0xF840]  }
0x47c: {  	v25 =	vld [tilespmem:s20+$0x840]  }
0x47d: {  	[tilespmem:s14+$0xF800] =	vst v20;
	v20 =	vld [tilespmem:s20+$0xF850]  }
0x47e: {  	v50 =	vadd.f32 v51, v50;
	v51 =	vadd.f32 v55, v53;
	v52 =	vld [tilespmem:s20+$0x850]  }
0x47f: {  	v53 =	vld [tilespmem:s20+$0xF860]  }
0x480: {  	[tilespmem:s14+$0xF830] =	vst v51;
	v51 =	vld [tilespmem:s4+$0x830];
	v10 =	vadd.f32 v10, v61  }
0x481: {  	v22 =	vadd.f32 v49, v48;
	v9 =	vadd.f32 v9, v11;
	v11 =	vld [tilespmem:s20+$0x860]  }
0x482: {  	[tilespmem:s14+$0xF860] =	vst v10;
	v10 =	vld [tilespmem:s20+$0xF870]  }
0x483: {  	v13 =	vadd.f32 v57, v56;
	[tilespmem:s14+$0xF810] =	vst v22;
	v12 =	vadd.f32 v17, v12;
	v17 =	vld [tilespmem:s4+$0xF830]  }
0x484: {  	v14 =	vadd.f32 v60, v58;
	[tilespmem:s14+$0xF820] =	vst v50;
	v62 =	vadd.f32 v62, v28;
	v28 =	vld [tilespmem:s4+$0xF840]  }
0x485: {  	[tilespmem:s14+$0xF840] =	vst v13;
	v30 =	vadd.f32 v23, v21;
	v21 =	vld [tilespmem:s4+$0x840]  }
0x486: {  	[tilespmem:s14+$0xF850] =	vst v14;
	v23 =	vld [tilespmem:s4+$0xF850]  }
0x487: {  	s21 =	sor.u32 s1, s16;
	[tilespmem:s14+$0xF870] =	vst v9;
	v9 =	vld [tilespmem:s20+$0x870]  }
0x488: {  	v14 =	vld [tilespmem:s21+$0xF800]  }
0x489: {  	v54 =	vld [tilespmem:s21+$0x800]  }
0x48a: {  	v22 =	vld [tilespmem:s21+$0xF810]  }
0x48b: {  	v55 =	vld [tilespmem:s21+$0x810]  }
0x48c: {  	v56 =	vld [tilespmem:s21+$0xF820]  }
0x48d: {  	v57 =	vld [tilespmem:s21+$0x820]  }
0x48e: {  	v58 =	vld [tilespmem:s21+$0xF830]  }
0x48f: {  	v59 =	vld [tilespmem:s21+$0x830]  }
0x490: {  	v60 =	vld [tilespmem:s21+$0xF840]  }
0x491: {  	v61 =	vld [tilespmem:s21+$0x840]  }
0x492: {  	v45 =	vld [tilespmem:s21+$0xF850]  }
0x493: {  	v18 =	vadd.f32 v19, v18;
	v46 =	vld [tilespmem:s21+$0x850]  }
0x494: {  	v47 =	vld [tilespmem:s21+$0xF860];
	[tilespmem:s20+$0xF800] =	vst v12  }
0x495: {  	v48 =	vld [tilespmem:s21+$0x860];
	[tilespmem:s20+$0xF810] =	vst v18  }
0x496: {  	v43 =	vadd.f32 v25, v24;
	v49 =	vld [tilespmem:s21+$0xF870];
	[tilespmem:s20+$0xF820] =	vst v62  }
0x497: {  	v15 =	vadd.f32 v52, v20;
	v50 =	vld [tilespmem:s21+$0x870];
	[tilespmem:s20+$0xF830] =	vst v30  }
0x498: {  	v18 =	vld [tilespmem:s4+$0x850];
	[tilespmem:s20+$0xF840] =	vst v43;
	v11 =	vadd.f32 v11, v53  }
0x499: {  	[tilespmem:s20+$0xF850] =	vst v15;
	v9 =	vadd.f32 v9, v10;
	v10 =	vld [tilespmem:s4+$0x860]  }
0x49a: {  	[tilespmem:s20+$0xF860] =	vst v11;
	v11 =	vld [tilespmem:s4+$0xF870]  }
0x49b: {  	s22 =	sor.u32 s3, s15;
	[tilespmem:s20+$0xF870] =	vst v9;
	v9 =	vld [tilespmem:s4+$0x870]  }
0x49c: {  	v13 =	vld [tilespmem:s22+$0xF800]  }
0x49d: {  	v15 =	vld [tilespmem:s22+$0x800]  }
0x49e: {  	v20 =	vld [tilespmem:s22+$0xF810]  }
0x49f: {  	v24 =	vld [tilespmem:s22+$0x810]  }
0x4a0: {  	v25 =	vld [tilespmem:s22+$0xF820]  }
0x4a1: {  	v30 =	vld [tilespmem:s22+$0x820]  }
0x4a2: {  	v14 =	vadd.f32 v54, v14;
	v16 =	vld [tilespmem:s22+$0xF830]  }
0x4a3: {  	v22 =	vadd.f32 v55, v22;
	v26 =	vld [tilespmem:s22+$0x830]  }
0x4a4: {  	v52 =	vadd.f32 v57, v56;
	[tilespmem:s21+$0xF800] =	vst v14;
	v27 =	vld [tilespmem:s22+$0xF840]  }
0x4a5: {  	v53 =	vadd.f32 v59, v58;
	[tilespmem:s21+$0xF810] =	vst v22;
	v29 =	vld [tilespmem:s22+$0x840]  }
0x4a6: {  	v54 =	vadd.f32 v61, v60;
	[tilespmem:s21+$0xF820] =	vst v52;
	v55 =	vld [tilespmem:s22+$0xF850]  }
0x4a7: {  	v56 =	vadd.f32 v46, v45;
	[tilespmem:s21+$0xF830] =	vst v53;
	v57 =	vld [tilespmem:s22+$0x850]  }
0x4a8: {  	v58 =	vadd.f32 v48, v47;
	[tilespmem:s21+$0xF840] =	vst v54;
	v59 =	vld [tilespmem:s22+$0xF860]  }
0x4a9: {  	v60 =	vadd.f32 v50, v49;
	[tilespmem:s21+$0xF850] =	vst v56;
	v61 =	vld [tilespmem:s22+$0x860]  }
0x4aa: {  	[tilespmem:s21+$0xF860] =	vst v58;
	v62 =	vld [tilespmem:s22+$0xF870]  }
0x4ab: {  	s23 =	sor.u32 s1, s15;
	[tilespmem:s21+$0xF870] =	vst v60;
	v45 =	vld [tilespmem:s22+$0x870]  }
0x4ac: {  	v46 =	vld [tilespmem:s23+$0xF800]  }
0x4ad: {  	v47 =	vld [tilespmem:s23+$0x800]  }
0x4ae: {  	v37 =	vld [tilespmem:s23+$0xF810]  }
0x4af: {  	v48 =	vld [tilespmem:s23+$0x810]  }
0x4b0: {  	v49 =	vld [tilespmem:s23+$0xF820]  }
0x4b1: {  	v50 =	vld [tilespmem:s23+$0x820]  }
0x4b2: {  	v3 =	vadd.f32 v4, v3;
	v4 =	vld [tilespmem:s23+$0xF830]  }
0x4b3: {  	v5 =	vadd.f32 v6, v5;
	v6 =	vld [tilespmem:s23+$0x830]  }
0x4b4: {  	[tilespmem:s4+$0xF800] =	vst v3;
	v3 =	vadd.f32 v42, v41;
	v41 =	vld [tilespmem:s23+$0xF840]  }
0x4b5: {  	[tilespmem:s4+$0xF810] =	vst v5;
	v5 =	vadd.f32 v51, v17;
	v51 =	vld [tilespmem:s23+$0x840]  }
0x4b6: {  	[tilespmem:s4+$0xF820] =	vst v3;
	v3 =	vadd.f32 v21, v28;
	v19 =	vld [tilespmem:s23+$0xF850]  }
0x4b7: {  	[tilespmem:s4+$0xF830] =	vst v5;
	v5 =	vadd.f32 v18, v23;
	v52 =	vld [tilespmem:s23+$0x850]  }
0x4b8: {  	[tilespmem:s4+$0xF840] =	vst v3;
	v3 =	vadd.f32 v10, v44;
	v10 =	vld [tilespmem:s23+$0xF860]  }
0x4b9: {  	[tilespmem:s4+$0xF850] =	vst v5;
	v5 =	vadd.f32 v9, v11;
	v9 =	vld [tilespmem:s23+$0x860]  }
0x4ba: {  	[tilespmem:s4+$0xF860] =	vst v3;
	v3 =	vld [tilespmem:s23+$0xF870]  }
0x4bb: {  	s15 =	sor.u32 s0, s15;
	[tilespmem:s4+$0xF870] =	vst v5;
	v5 =	vld [tilespmem:s23+$0x870]  }
0x4bc: {  	v11 =	vld [tilespmem:s15+$0xF800]  }
0x4bd: {  	v12 =	vld [tilespmem:s15+$0x800]  }
0x4be: {  	v21 =	vld [tilespmem:s15+$0xF810]  }
0x4bf: {  	v23 =	vld [tilespmem:s15+$0x810]  }
0x4c0: {  	v28 =	vld [tilespmem:s15+$0xF820]  }
0x4c1: {  	v42 =	vld [tilespmem:s15+$0x820]  }
0x4c2: {  	v13 =	vadd.f32 v15, v13;
	v15 =	vld [tilespmem:s15+$0xF830]  }
0x4c3: {  	v20 =	vadd.f32 v24, v20;
	v24 =	vld [tilespmem:s15+$0x830]  }
0x4c4: {  	v53 =	vadd.f32 v30, v25;
	[tilespmem:s22+$0xF800] =	vst v13;
	v25 =	vld [tilespmem:s15+$0xF840]  }
0x4c5: {  	v16 =	vadd.f32 v26, v16;
	[tilespmem:s22+$0xF810] =	vst v20;
	v20 =	vld [tilespmem:s15+$0x840]  }
0x4c6: {  	v54 =	vadd.f32 v29, v27;
	[tilespmem:s22+$0xF820] =	vst v53;
	v26 =	vld [tilespmem:s15+$0xF850]  }
0x4c7: {  	v55 =	vadd.f32 v57, v55;
	[tilespmem:s22+$0xF830] =	vst v16;
	v56 =	vld [tilespmem:s15+$0x850]  }
0x4c8: {  	v57 =	vadd.f32 v61, v59;
	[tilespmem:s22+$0xF840] =	vst v54;
	v58 =	vld [tilespmem:s15+$0xF860]  }
0x4c9: {  	v14 =	vadd.f32 v45, v62;
	[tilespmem:s22+$0xF850] =	vst v55;
	v59 =	vld [tilespmem:s15+$0x860]  }
0x4ca: {  	[tilespmem:s22+$0xF860] =	vst v57;
	v60 =	vld [tilespmem:s15+$0xF870]  }
0x4cb: {  	s3 =	sor.u32 s3, s8;
	[tilespmem:s22+$0xF870] =	vst v14;
	v61 =	vld [tilespmem:s15+$0x870]  }
0x4cc: {  	v62 =	vld [tilespmem:s3+$0xF800]  }
0x4cd: {  	v43 =	vld [tilespmem:s3+$0x800]  }
0x4ce: {  	v44 =	vld [tilespmem:s3+$0xF810]  }
0x4cf: {  	v45 =	vld [tilespmem:s3+$0x810]  }
0x4d0: {  	v7 =	vadd.f32 v8, v7;
	v8 =	vld [tilespmem:s3+$0xF820]  }
0x4d1: {  	v46 =	vadd.f32 v47, v46;
	v47 =	vld [tilespmem:s3+$0x820]  }
0x4d2: {  	[tilespmem:s30+$0xF870] =	vst v7;
	v7 =	vadd.f32 v48, v37;
	v48 =	vld [tilespmem:s3+$0xF830]  }
0x4d3: {  	v49 =	vadd.f32 v50, v49;
	[tilespmem:s23+$0xF800] =	vst v46;
	v50 =	vld [tilespmem:s3+$0x830]  }
0x4d4: {  	v4 =	vadd.f32 v6, v4;
	[tilespmem:s23+$0xF810] =	vst v7;
	v6 =	vld [tilespmem:s3+$0xF840]  }
0x4d5: {  	[tilespmem:s23+$0xF820] =	vst v49;
	v7 =	vadd.f32 v51, v41;
	v51 =	vld [tilespmem:s3+$0x840]  }
0x4d6: {  	[tilespmem:s23+$0xF830] =	vst v4;
	v4 =	vadd.f32 v52, v19;
	v52 =	vld [tilespmem:s3+$0xF850]  }
0x4d7: {  	[tilespmem:s23+$0xF840] =	vst v7;
	v7 =	vadd.f32 v9, v10;
	v9 =	vld [tilespmem:s3+$0x850]  }
0x4d8: {  	[tilespmem:s23+$0xF850] =	vst v4;
	v4 =	vld [tilespmem:s3+$0xF860];
	v3 =	vadd.f32 v5, v3  }
0x4d9: {  	v10 =	vld [tilespmem:s3+$0xF870];
	[tilespmem:s23+$0xF860] =	vst v7;
	v5 =	vadd.f32 v12, v11  }
0x4da: {  	v7 =	vld [tilespmem:s3+$0x860];
	[tilespmem:s23+$0xF870] =	vst v3;
	v3 =	vadd.f32 v23, v21  }
0x4db: {  	s26 =	sor.u32 s1, s8;
	v11 =	vld [tilespmem:s3+$0x870];
	[tilespmem:s15+$0xF800] =	vst v5;
	v5 =	vadd.f32 v42, v28  }
0x4dc: {  	v53 =	vld [tilespmem:s26+$0xF800];
	[tilespmem:s15+$0xF810] =	vst v3;
	v3 =	vadd.f32 v24, v15  }
0x4dd: {  	v54 =	vld [tilespmem:s26+$0x800];
	[tilespmem:s15+$0xF820] =	vst v5;
	v5 =	vadd.f32 v20, v25  }
0x4de: {  	v55 =	vld [tilespmem:s26+$0xF810];
	[tilespmem:s15+$0xF830] =	vst v3;
	v3 =	vadd.f32 v56, v26  }
0x4df: {  	v57 =	vld [tilespmem:s26+$0xF820];
	v4 =	vadd.f32 v7, v4;
	[tilespmem:s15+$0xF840] =	vst v5  }
0x4e0: {  	v56 =	vld [tilespmem:s26+$0x810];
	v5 =	vadd.f32 v59, v58;
	[tilespmem:s15+$0xF850] =	vst v3  }
0x4e1: {  	v7 =	vld [tilespmem:s26+$0xF860];
	v3 =	vadd.f32 v61, v60;
	[tilespmem:s3+$0xF860] =	vst v4  }
0x4e2: {  	v58 =	vld [tilespmem:s26+$0x820];
	[tilespmem:s15+$0xF860] =	vst v5;
	v5 =	vadd.f32 v43, v62  }
0x4e3: {  	v59 =	vld [tilespmem:s26+$0xF830];
	[tilespmem:s15+$0xF870] =	vst v3;
	v3 =	vadd.f32 v45, v44  }
0x4e4: {  	v60 =	vld [tilespmem:s26+$0xF840];
	[tilespmem:s3+$0xF800] =	vst v5;
	v5 =	vadd.f32 v47, v8  }
0x4e5: {  	v61 =	vld [tilespmem:s26+$0x870];
	[tilespmem:s3+$0xF810] =	vst v3;
	v3 =	vadd.f32 v50, v48  }
0x4e6: {  	v4 =	vadd.f32 v54, v53;
	v8 =	vld [tilespmem:s26+$0x830];
	[tilespmem:s3+$0xF820] =	vst v5  }
0x4e7: {  	v5 =	vadd.f32 v51, v6;
	v6 =	vld [tilespmem:s26+$0x840];
	[tilespmem:s3+$0xF830] =	vst v3;
	v3 =	vadd.f32 v9, v52  }
0x4e8: {  	[tilespmem:s26+$0xF800] =	vst v4;
	v9 =	vld [tilespmem:s26+$0xF850]  }
0x4e9: {  	[tilespmem:s3+$0xF850] =	vst v3;
	v3 =	vadd.f32 v11, v10;
	v10 =	vld [tilespmem:s26+$0x860]  }
0x4ea: {  	v4 =	vadd.f32 v58, v57;
	[tilespmem:s3+$0xF840] =	vst v5;
	v5 =	vld [tilespmem:s26+$0x850]  }
0x4eb: {  	v11 =	vld [tilespmem:s26+$0xF870];
	[tilespmem:s3+$0xF870] =	vst v3;
	v3 =	vadd.f32 v56, v55  }
0x4ec: {  	v62 =	vld [tilespmem:s30+$0x800];
	[tilespmem:s26+$0xF820] =	vst v4;
	v4 =	vadd.f32 v6, v60  }
0x4ed: {  	[tilespmem:s26+$0xF810] =	vst v3;
	v3 =	vadd.f32 v8, v59;
	v8 =	vld [tilespmem:s30+$0xF800]  }
0x4ee: {  	v6 =	vld [tilespmem:s30+$0xF810];
	[tilespmem:s26+$0xF840] =	vst v4;
	v4 =	vadd.f32 v10, v7  }
0x4ef: {  	v7 =	vld [tilespmem:s30+$0x810];
	[tilespmem:s26+$0xF830] =	vst v3;
	v3 =	vadd.f32 v5, v9  }
0x4f0: {  	v9 =	vadd.f32 v61, v11;
	v5 =	vld [tilespmem:s30+$0x820];
	[tilespmem:s26+$0xF860] =	vst v4  }
0x4f1: {  	[tilespmem:s26+$0xF850] =	vst v3;
	v3 =	vld [tilespmem:s30+$0xF820]  }
0x4f2: {  	s31 =	simm.s32 $0x28;
	s0 =	sor.u32 s0, s8;
	v4 =	vld [tilespmem:s30+$0xF830];
	[tilespmem:s26+$0xF870] =	vst v9;
	v8 =	vadd.f32 v62, v8  }
.LBB2_5:
0x4f3: {  	s31 =	sadd.s32 $0x4, s31;
	v9 =	vld [tilespmem:s30+$0x830]  }
0x4f4: {  	s1 =	sshrl.u32 s31, $0x3;
	p0 =	slt.u32 s31, $0x44;
	[tilespmem:s30+$0xF800] =	vst v8;
	v6 =	vadd.f32 v7, v6;
	v7 =	vld [tilespmem:s30+$0xF840]  }
0x4f5: {  	s29 =	sadd.s32 $0x200, s29;
	s21 =	smul.u32 $0x1800, s1;
	v8 =	vld [tilespmem:s30+$0x840]  }
0x4f6: {  	s18 =	sand.u32 $0x200, s29;
	[tilespmem:s30+$0xF810] =	vst v6;
	v3 =	vadd.f32 v5, v3;
	v5 =	vld [tilespmem:s30+$0xF850]  }
0x4f7: {  	s23 =	sor.u32 $0x80, s18;
	s22 =	sor.u32 $0x100, s18;
	s3 =	sor.u32 s18, s21;
	v6 =	vld [tilespmem:s30+$0x850]  }
0x4f8: {  	s20 =	sor.u32 s21, s23;
	s14 =	sor.u32 s21, s22;
	v10 =	vld [tilespmem:s3+$0xF800];
	[tilespmem:s30+$0xF820] =	vst v3;
	v3 =	vadd.f32 v9, v4  }
0x4f9: {  	v4 =	vld [tilespmem:s3+$0x800]  }
0x4fa: {  	v9 =	vld [tilespmem:s3+$0xF810];
	[tilespmem:s30+$0xF830] =	vst v3;
	v3 =	vadd.f32 v8, v7  }
0x4fb: {  	v7 =	vld [tilespmem:s3+$0x810]  }
0x4fc: {  	v8 =	vld [tilespmem:s3+$0xF820];
	[tilespmem:s30+$0xF840] =	vst v3;
	v3 =	vadd.f32 v6, v5  }
0x4fd: {  	v5 =	vld [tilespmem:s3+$0x820]  }
0x4fe: {  	v6 =	vld [tilespmem:s3+$0xF830];
	[tilespmem:s30+$0xF850] =	vst v3  }
0x4ff: {  	v3 =	vld [tilespmem:s3+$0x830]  }
0x500: {  	v11 =	vld [tilespmem:s3+$0xF840]  }
0x501: {  	v12 =	vld [tilespmem:s3+$0x840]  }
0x502: {  	v13 =	vld [tilespmem:s3+$0xF850]  }
0x503: {  	v14 =	vld [tilespmem:s3+$0x850]  }
0x504: {  	v15 =	vld [tilespmem:s3+$0xF860]  }
0x505: {  	v16 =	vld [tilespmem:s3+$0x860]  }
0x506: {  	v17 =	vld [tilespmem:s3+$0xF870]  }
0x507: {  	v18 =	vld [tilespmem:s3+$0x870]  }
0x508: {  	v19 =	vld [tilespmem:s3+$0xFC00]  }
0x509: {  	v20 =	vld [tilespmem:s3+$0xC00]  }
0x50a: {  	v21 =	vld [tilespmem:s3+$0xFC10]  }
0x50b: {  	v22 =	vld [tilespmem:s3+$0xC10]  }
0x50c: {  	v23 =	vld [tilespmem:s3+$0xFC20]  }
0x50d: {  	v4 =	vadd.f32 v4, v10;
	v10 =	vld [tilespmem:s3+$0xC20]  }
0x50e: {  	v7 =	vadd.f32 v7, v9;
	v9 =	vld [tilespmem:s3+$0xFC30]  }
0x50f: {  	[tilespmem:s3+$0xF800] =	vst v4;
	v4 =	vadd.f32 v5, v8;
	v5 =	vld [tilespmem:s3+$0xC30]  }
0x510: {  	v3 =	vadd.f32 v3, v6;
	[tilespmem:s3+$0xF810] =	vst v7;
	v6 =	vld [tilespmem:s3+$0xFC40]  }
0x511: {  	[tilespmem:s3+$0xF820] =	vst v4;
	v4 =	vadd.f32 v12, v11;
	v7 =	vld [tilespmem:s3+$0xC40]  }
0x512: {  	[tilespmem:s3+$0xF830] =	vst v3;
	v3 =	vadd.f32 v14, v13;
	v8 =	vld [tilespmem:s3+$0xFC50]  }
0x513: {  	[tilespmem:s3+$0xF840] =	vst v4;
	v4 =	vadd.f32 v16, v15;
	v11 =	vld [tilespmem:s3+$0xC50]  }
0x514: {  	[tilespmem:s3+$0xF850] =	vst v3;
	v3 =	vadd.f32 v18, v17;
	v12 =	vld [tilespmem:s3+$0xFC60]  }
0x515: {  	[tilespmem:s3+$0xF860] =	vst v4;
	v4 =	vadd.f32 v20, v19;
	v13 =	vld [tilespmem:s3+$0xC60]  }
0x516: {  	[tilespmem:s3+$0xF870] =	vst v3;
	v3 =	vadd.f32 v22, v21;
	v14 =	vld [tilespmem:s3+$0xFC70]  }
0x517: {  	[tilespmem:s3+$0xFC00] =	vst v4;
	v4 =	vadd.f32 v10, v23;
	v10 =	vld [tilespmem:s3+$0xC70]  }
0x518: {  	[tilespmem:s3+$0xFC10] =	vst v3;
	v3 =	vadd.f32 v5, v9;
	v5 =	vld [tilespmem:s30+$0xF860]  }
0x519: {  	[tilespmem:s3+$0xFC20] =	vst v4;
	v4 =	vadd.f32 v7, v6;
	v6 =	vld [tilespmem:s30+$0x860]  }
0x51a: {  	[tilespmem:s3+$0xFC30] =	vst v3;
	v3 =	vadd.f32 v11, v8;
	v7 =	vld [tilespmem:s0+$0xF800]  }
0x51b: {  	[tilespmem:s3+$0xFC40] =	vst v4;
	v4 =	vadd.f32 v13, v12;
	v8 =	vld [tilespmem:s0+$0x800]  }
0x51c: {  	s8 =	sadd.s32 $0x800, s21;
	[tilespmem:s3+$0xFC50] =	vst v3;
	v3 =	vadd.f32 v10, v14;
	v9 =	vld [tilespmem:s0+$0xF810]  }
0x51d: {  	s19 =	sor.u32 s18, s8;
	s17 =	sor.u32 s23, s8;
	s15 =	sor.u32 s22, s8;
	[tilespmem:s3+$0xFC60] =	vst v4;
	v4 =	vld [tilespmem:s0+$0x810]  }
0x51e: {  	[tilespmem:s3+$0xFC70] =	vst v3;
	v3 =	vld [tilespmem:s19+$0xF800];
	v5 =	vadd.f32 v6, v5  }
0x51f: {  	v6 =	vld [tilespmem:s19+$0x800]  }
0x520: {  	v10 =	vld [tilespmem:s19+$0xF810];
	v7 =	vadd.f32 v8, v7;
	[tilespmem:s30+$0xF860] =	vst v5  }
0x521: {  	v5 =	vld [tilespmem:s19+$0x810]  }
0x522: {  	v8 =	vld [tilespmem:s19+$0xF820];
	[tilespmem:s0+$0xF800] =	vst v7;
	v4 =	vadd.f32 v4, v9  }
0x523: {  	v7 =	vld [tilespmem:s19+$0x820]  }
0x524: {  	v9 =	vld [tilespmem:s19+$0xF830];
	[tilespmem:s0+$0xF810] =	vst v4  }
0x525: {  	v4 =	vld [tilespmem:s19+$0x830]  }
0x526: {  	v11 =	vld [tilespmem:s19+$0xF840]  }
0x527: {  	v12 =	vld [tilespmem:s19+$0x840]  }
0x528: {  	v13 =	vld [tilespmem:s19+$0xF850]  }
0x529: {  	v14 =	vld [tilespmem:s19+$0x850]  }
0x52a: {  	v15 =	vld [tilespmem:s19+$0xF860]  }
0x52b: {  	v3 =	vadd.f32 v6, v3;
	v6 =	vld [tilespmem:s19+$0x860]  }
0x52c: {  	v5 =	vadd.f32 v5, v10;
	v10 =	vld [tilespmem:s19+$0xF870]  }
0x52d: {  	[tilespmem:s19+$0xF800] =	vst v3;
	v3 =	vadd.f32 v7, v8;
	v7 =	vld [tilespmem:s19+$0x870]  }
0x52e: {  	v4 =	vadd.f32 v4, v9;
	[tilespmem:s19+$0xF810] =	vst v5;
	v5 =	vld [tilespmem:s0+$0xF820]  }
0x52f: {  	[tilespmem:s19+$0xF820] =	vst v3;
	v3 =	vadd.f32 v12, v11;
	v8 =	vld [tilespmem:s0+$0x820]  }
0x530: {  	[tilespmem:s19+$0xF830] =	vst v4;
	v4 =	vadd.f32 v14, v13;
	v9 =	vld [tilespmem:s0+$0xF830]  }
0x531: {  	[tilespmem:s19+$0xF840] =	vst v3;
	v3 =	vadd.f32 v6, v15;
	v6 =	vld [tilespmem:s0+$0x830]  }
0x532: {  	s11 =	sadd.s32 $0xC00, s21;
	[tilespmem:s19+$0xF850] =	vst v4;
	v4 =	vadd.f32 v7, v10;
	v7 =	vld [tilespmem:s0+$0xF840]  }
0x533: {  	s4 =	sor.u32 s18, s11;
	s16 =	sor.u32 s23, s11;
	s3 =	sor.u32 s22, s11;
	[tilespmem:s19+$0xF860] =	vst v3;
	v3 =	vld [tilespmem:s0+$0x840]  }
0x534: {  	[tilespmem:s19+$0xF870] =	vst v4;
	v4 =	vld [tilespmem:s4+$0xF800];
	v5 =	vadd.f32 v8, v5  }
0x535: {  	v8 =	vld [tilespmem:s4+$0x800]  }
0x536: {  	[tilespmem:s0+$0xF820] =	vst v5;
	v5 =	vadd.f32 v6, v9;
	v6 =	vld [tilespmem:s0+$0xF850]  }
0x537: {  	v9 =	vld [tilespmem:s0+$0x850]  }
0x538: {  	[tilespmem:s0+$0xF830] =	vst v5;
	v3 =	vadd.f32 v3, v7;
	v5 =	vld [tilespmem:s0+$0xF860]  }
0x539: {  	v7 =	vld [tilespmem:s0+$0x860]  }
0x53a: {  	v4 =	vadd.f32 v8, v4;
	[tilespmem:s0+$0xF840] =	vst v3;
	v3 =	vld [tilespmem:s0+$0xF870]  }
0x53b: {  	v8 =	vld [tilespmem:s0+$0x870]  }
0x53c: {  	s30 =	sor.u32 $0x180, s18;
	[tilespmem:s4+$0xF800] =	vst v4;
	v4 =	vld [tilespmem:s4+$0xF810];
	v6 =	vadd.f32 v9, v6  }
0x53d: {  	s19 =	sor.u32 s21, s30;
	v9 =	vld [tilespmem:s4+$0x810]  }
0x53e: {  	v10 =	vld [tilespmem:s19+$0xF800];
	[tilespmem:s0+$0xF850] =	vst v6;
	v5 =	vadd.f32 v7, v5  }
0x53f: {  	v6 =	vld [tilespmem:s19+$0x800]  }
0x540: {  	v7 =	vld [tilespmem:s19+$0xF810];
	[tilespmem:s0+$0xF860] =	vst v5;
	v3 =	vadd.f32 v8, v3  }
0x541: {  	v5 =	vld [tilespmem:s19+$0x810]  }
0x542: {  	v4 =	vadd.f32 v9, v4;
	v8 =	vld [tilespmem:s19+$0xF820];
	[tilespmem:s0+$0xF870] =	vst v3  }
0x543: {  	v3 =	vld [tilespmem:s19+$0x820]  }
0x544: {  	[tilespmem:s4+$0xF810] =	vst v4;
	v4 =	vld [tilespmem:s19+$0xF830]  }
0x545: {  	v9 =	vld [tilespmem:s19+$0x830]  }
0x546: {  	v11 =	vld [tilespmem:s19+$0xF840]  }
0x547: {  	v12 =	vld [tilespmem:s19+$0x840]  }
0x548: {  	v13 =	vld [tilespmem:s19+$0xF850]  }
0x549: {  	v14 =	vld [tilespmem:s19+$0x850]  }
0x54a: {  	v15 =	vld [tilespmem:s19+$0xF860]  }
0x54b: {  	v16 =	vld [tilespmem:s19+$0x860]  }
0x54c: {  	v17 =	vld [tilespmem:s19+$0xF870]  }
0x54d: {  	v18 =	vld [tilespmem:s19+$0x870]  }
0x54e: {  	v19 =	vld [tilespmem:s19+$0xFC00]  }
0x54f: {  	v20 =	vld [tilespmem:s19+$0xC00]  }
0x550: {  	v21 =	vld [tilespmem:s19+$0xFC10]  }
0x551: {  	v22 =	vld [tilespmem:s19+$0xC10]  }
0x552: {  	v23 =	vld [tilespmem:s19+$0xFC20]  }
0x553: {  	v6 =	vadd.f32 v6, v10;
	v10 =	vld [tilespmem:s19+$0xC20]  }
0x554: {  	v5 =	vadd.f32 v5, v7;
	v7 =	vld [tilespmem:s19+$0xFC30]  }
0x555: {  	v3 =	vadd.f32 v3, v8;
	[tilespmem:s19+$0xF800] =	vst v6;
	v6 =	vld [tilespmem:s19+$0xC30]  }
0x556: {  	v4 =	vadd.f32 v9, v4;
	[tilespmem:s19+$0xF810] =	vst v5;
	v5 =	vld [tilespmem:s19+$0xFC40]  }
0x557: {  	[tilespmem:s19+$0xF820] =	vst v3;
	v3 =	vadd.f32 v12, v11;
	v8 =	vld [tilespmem:s19+$0xFC50]  }
0x558: {  	[tilespmem:s19+$0xF830] =	vst v4;
	v4 =	vadd.f32 v14, v13;
	v9 =	vld [tilespmem:s19+$0xC50]  }
0x559: {  	[tilespmem:s19+$0xF840] =	vst v3;
	v3 =	vadd.f32 v16, v15;
	v11 =	vld [tilespmem:s19+$0xFC60]  }
0x55a: {  	[tilespmem:s19+$0xF850] =	vst v4;
	v4 =	vadd.f32 v18, v17;
	v12 =	vld [tilespmem:s19+$0xC60]  }
0x55b: {  	[tilespmem:s19+$0xF860] =	vst v3;
	v3 =	vadd.f32 v20, v19;
	v13 =	vld [tilespmem:s19+$0xFC70]  }
0x55c: {  	[tilespmem:s19+$0xF870] =	vst v4;
	v4 =	vadd.f32 v22, v21;
	v14 =	vld [tilespmem:s19+$0xC70]  }
0x55d: {  	[tilespmem:s19+$0xFC00] =	vst v3;
	v3 =	vadd.f32 v10, v23;
	v10 =	vld [tilespmem:s19+$0xC40]  }
0x55e: {  	v15 =	vld [tilespmem:s20+$0xF800];
	[tilespmem:s19+$0xFC10] =	vst v4;
	v4 =	vadd.f32 v6, v7  }
0x55f: {  	v6 =	vld [tilespmem:s20+$0x800];
	[tilespmem:s19+$0xFC20] =	vst v3;
	v3 =	vadd.f32 v9, v8  }
0x560: {  	v7 =	vld [tilespmem:s20+$0xF810];
	[tilespmem:s19+$0xFC30] =	vst v4;
	v4 =	vadd.f32 v12, v11  }
0x561: {  	v8 =	vld [tilespmem:s20+$0x810];
	[tilespmem:s19+$0xFC50] =	vst v3;
	v3 =	vadd.f32 v14, v13  }
0x562: {  	v9 =	vld [tilespmem:s20+$0xF820];
	v5 =	vadd.f32 v10, v5;
	[tilespmem:s19+$0xFC60] =	vst v4  }
0x563: {  	s8 =	sor.u32 s30, s8;
	v4 =	vld [tilespmem:s20+$0x820];
	[tilespmem:s19+$0xFC70] =	vst v3  }
0x564: {  	v3 =	vadd.f32 v6, v15;
	[tilespmem:s19+$0xFC40] =	vst v5;
	v5 =	vld [tilespmem:s8+$0xF800]  }
0x565: {  	v6 =	vld [tilespmem:s8+$0x800]  }
0x566: {  	[tilespmem:s20+$0xF800] =	vst v3;
	v3 =	vadd.f32 v8, v7;
	v7 =	vld [tilespmem:s8+$0xF810]  }
0x567: {  	v8 =	vld [tilespmem:s8+$0x810]  }
0x568: {  	[tilespmem:s20+$0xF810] =	vst v3;
	v3 =	vadd.f32 v4, v9;
	v4 =	vld [tilespmem:s8+$0xF820]  }
0x569: {  	v9 =	vld [tilespmem:s8+$0x820]  }
0x56a: {  	[tilespmem:s20+$0xF820] =	vst v3;
	v3 =	vld [tilespmem:s8+$0xF830]  }
0x56b: {  	v10 =	vld [tilespmem:s8+$0x830]  }
0x56c: {  	v11 =	vld [tilespmem:s8+$0xF840]  }
0x56d: {  	v12 =	vld [tilespmem:s8+$0xF850]  }
0x56e: {  	v13 =	vld [tilespmem:s8+$0x850]  }
0x56f: {  	v14 =	vld [tilespmem:s8+$0xF860]  }
0x570: {  	v15 =	vld [tilespmem:s8+$0x860]  }
0x571: {  	v5 =	vadd.f32 v6, v5;
	v6 =	vld [tilespmem:s8+$0xF870]  }
0x572: {  	v7 =	vadd.f32 v8, v7;
	v8 =	vld [tilespmem:s8+$0x870]  }
0x573: {  	v4 =	vadd.f32 v9, v4;
	[tilespmem:s8+$0xF800] =	vst v5;
	v5 =	vld [tilespmem:s8+$0x840]  }
0x574: {  	v3 =	vadd.f32 v10, v3;
	v9 =	vld [tilespmem:s20+$0xF830];
	[tilespmem:s8+$0xF810] =	vst v7  }
0x575: {  	v7 =	vld [tilespmem:s20+$0x830];
	[tilespmem:s8+$0xF820] =	vst v4;
	v4 =	vadd.f32 v13, v12  }
0x576: {  	v10 =	vld [tilespmem:s20+$0xF840];
	[tilespmem:s8+$0xF830] =	vst v3;
	v3 =	vadd.f32 v15, v14  }
0x577: {  	v12 =	vld [tilespmem:s20+$0x840];
	[tilespmem:s8+$0xF850] =	vst v4;
	v4 =	vadd.f32 v8, v6  }
0x578: {  	v6 =	vld [tilespmem:s20+$0xF850];
	v5 =	vadd.f32 v5, v11;
	[tilespmem:s8+$0xF860] =	vst v3  }
0x579: {  	s0 =	sor.u32 s30, s11;
	v3 =	vld [tilespmem:s20+$0x850];
	[tilespmem:s8+$0xF870] =	vst v4  }
0x57a: {  	v4 =	vadd.f32 v7, v9;
	[tilespmem:s8+$0xF840] =	vst v5;
	v5 =	vld [tilespmem:s0+$0xF800]  }
0x57b: {  	v7 =	vld [tilespmem:s0+$0x800]  }
0x57c: {  	[tilespmem:s20+$0xF830] =	vst v4;
	v4 =	vadd.f32 v12, v10;
	v8 =	vld [tilespmem:s0+$0xF810]  }
0x57d: {  	v9 =	vld [tilespmem:s0+$0x810]  }
0x57e: {  	[tilespmem:s20+$0xF840] =	vst v4;
	v3 =	vadd.f32 v3, v6;
	v4 =	vld [tilespmem:s0+$0xF820]  }
0x57f: {  	v6 =	vld [tilespmem:s0+$0x820]  }
0x580: {  	[tilespmem:s20+$0xF850] =	vst v3;
	v3 =	vld [tilespmem:s0+$0xF830]  }
0x581: {  	v10 =	vld [tilespmem:s0+$0x830]  }
0x582: {  	v11 =	vld [tilespmem:s0+$0xF840]  }
0x583: {  	v12 =	vld [tilespmem:s0+$0xF850]  }
0x584: {  	v13 =	vld [tilespmem:s0+$0x850]  }
0x585: {  	v14 =	vld [tilespmem:s0+$0xF860]  }
0x586: {  	v15 =	vld [tilespmem:s0+$0x860]  }
0x587: {  	v5 =	vadd.f32 v7, v5;
	v7 =	vld [tilespmem:s0+$0xF870]  }
0x588: {  	v8 =	vadd.f32 v9, v8;
	v9 =	vld [tilespmem:s0+$0x870]  }
0x589: {  	v4 =	vadd.f32 v6, v4;
	[tilespmem:s0+$0xF800] =	vst v5;
	v5 =	vld [tilespmem:s0+$0x840]  }
0x58a: {  	v3 =	vadd.f32 v10, v3;
	v6 =	vld [tilespmem:s20+$0xF860];
	[tilespmem:s0+$0xF810] =	vst v8  }
0x58b: {  	v8 =	vld [tilespmem:s20+$0x860];
	[tilespmem:s0+$0xF820] =	vst v4;
	v4 =	vadd.f32 v13, v12  }
0x58c: {  	v10 =	vld [tilespmem:s20+$0xF870];
	[tilespmem:s0+$0xF830] =	vst v3;
	v3 =	vadd.f32 v15, v14  }
0x58d: {  	v12 =	vld [tilespmem:s20+$0x870];
	[tilespmem:s0+$0xF850] =	vst v4;
	v4 =	vadd.f32 v9, v7  }
0x58e: {  	s1 =	sadd.s32 $0x1000, s21;
	v7 =	vld [tilespmem:s20+$0xFC00];
	v5 =	vadd.f32 v5, v11;
	[tilespmem:s0+$0xF860] =	vst v3  }
0x58f: {  	s26 =	sor.u32 s30, s1;
	s11 =	sor.u32 s23, s1;
	s19 =	sor.u32 s18, s1;
	v3 =	vld [tilespmem:s20+$0xC00];
	[tilespmem:s0+$0xF870] =	vst v4  }
0x590: {  	s8 =	sor.u32 s22, s1;
	v4 =	vadd.f32 v8, v6;
	[tilespmem:s0+$0xF840] =	vst v5;
	v5 =	vld [tilespmem:s26+$0xF800]  }
0x591: {  	v6 =	vld [tilespmem:s26+$0x800]  }
0x592: {  	[tilespmem:s20+$0xF860] =	vst v4;
	v4 =	vadd.f32 v12, v10;
	v8 =	vld [tilespmem:s26+$0xF810]  }
0x593: {  	v9 =	vld [tilespmem:s26+$0x810]  }
0x594: {  	[tilespmem:s20+$0xF870] =	vst v4;
	v3 =	vadd.f32 v3, v7;
	v4 =	vld [tilespmem:s26+$0xF820]  }
0x595: {  	v7 =	vld [tilespmem:s26+$0x820]  }
0x596: {  	[tilespmem:s20+$0xFC00] =	vst v3;
	v3 =	vld [tilespmem:s26+$0xF830]  }
0x597: {  	v10 =	vld [tilespmem:s26+$0xF840]  }
0x598: {  	v11 =	vld [tilespmem:s26+$0x840]  }
0x599: {  	v12 =	vld [tilespmem:s26+$0xF850]  }
0x59a: {  	v13 =	vld [tilespmem:s26+$0x850]  }
0x59b: {  	v14 =	vld [tilespmem:s26+$0xF860]  }
0x59c: {  	v15 =	vld [tilespmem:s26+$0x860]  }
0x59d: {  	v5 =	vadd.f32 v6, v5;
	v6 =	vld [tilespmem:s26+$0xF870]  }
0x59e: {  	v8 =	vadd.f32 v9, v8;
	v9 =	vld [tilespmem:s26+$0x870]  }
0x59f: {  	v4 =	vadd.f32 v7, v4;
	[tilespmem:s26+$0xF800] =	vst v5;
	v5 =	vld [tilespmem:s26+$0x830]  }
0x5a0: {  	v7 =	vld [tilespmem:s20+$0xFC10];
	[tilespmem:s26+$0xF810] =	vst v8;
	v8 =	vadd.f32 v11, v10  }
0x5a1: {  	v10 =	vld [tilespmem:s20+$0xC10];
	[tilespmem:s26+$0xF820] =	vst v4;
	v4 =	vadd.f32 v13, v12  }
0x5a2: {  	v11 =	vld [tilespmem:s20+$0xFC20];
	[tilespmem:s26+$0xF840] =	vst v8;
	v8 =	vadd.f32 v15, v14  }
0x5a3: {  	v12 =	vld [tilespmem:s20+$0xC20];
	[tilespmem:s26+$0xF850] =	vst v4;
	v4 =	vadd.f32 v9, v6  }
0x5a4: {  	s1 =	sadd.s32 $0x1400, s21;
	v6 =	vld [tilespmem:s20+$0xFC30];
	v3 =	vadd.f32 v5, v3;
	[tilespmem:s26+$0xF860] =	vst v8  }
0x5a5: {  	s21 =	sor.u32 s23, s1;
	s30 =	sor.u32 s30, s1;
	s0 =	sor.u32 s18, s1;
	v5 =	vld [tilespmem:s20+$0xC30];
	[tilespmem:s26+$0xF870] =	vst v4  }
0x5a6: {  	s18 =	sor.u32 s22, s1;
	v4 =	vadd.f32 v10, v7;
	[tilespmem:s26+$0xF830] =	vst v3;
	v3 =	vld [tilespmem:s30+$0xF870]  }
0x5a7: {  	v7 =	vld [tilespmem:s30+$0x870]  }
0x5a8: {  	[tilespmem:s20+$0xFC10] =	vst v4;
	v4 =	vadd.f32 v12, v11;
	v8 =	vld [tilespmem:s20+$0xFC40]  }
0x5a9: {  	v9 =	vld [tilespmem:s20+$0xC40]  }
0x5aa: {  	[tilespmem:s20+$0xFC20] =	vst v4;
	v4 =	vadd.f32 v5, v6;
	v5 =	vld [tilespmem:s20+$0xFC50]  }
0x5ab: {  	v6 =	vld [tilespmem:s20+$0xC50]  }
0x5ac: {  	[tilespmem:s20+$0xFC30] =	vst v4;
	v4 =	vld [tilespmem:s20+$0xFC60];
	v3 =	vadd.f32 v7, v3  }
0x5ad: {  	v7 =	vld [tilespmem:s20+$0xC60]  }
0x5ae: {  	v8 =	vadd.f32 v9, v8;
	v9 =	vld [tilespmem:s20+$0xFC70];
	[tilespmem:s30+$0xF870] =	vst v3  }
0x5af: {  	v3 =	vld [tilespmem:s20+$0xC70]  }
0x5b0: {  	[tilespmem:s20+$0xFC40] =	vst v8;
	v5 =	vadd.f32 v6, v5;
	v6 =	vld [tilespmem:s14+$0xF800]  }
0x5b1: {  	v8 =	vld [tilespmem:s14+$0x800]  }
0x5b2: {  	[tilespmem:s20+$0xFC50] =	vst v5;
	v4 =	vadd.f32 v7, v4;
	v5 =	vld [tilespmem:s14+$0xF810]  }
0x5b3: {  	v7 =	vld [tilespmem:s14+$0x810]  }
0x5b4: {  	[tilespmem:s20+$0xFC60] =	vst v4;
	v3 =	vadd.f32 v3, v9;
	v4 =	vld [tilespmem:s14+$0xF820]  }
0x5b5: {  	v9 =	vld [tilespmem:s14+$0x820]  }
0x5b6: {  	[tilespmem:s20+$0xFC70] =	vst v3;
	v3 =	vadd.f32 v8, v6;
	v6 =	vld [tilespmem:s14+$0xF830]  }
0x5b7: {  	v8 =	vld [tilespmem:s14+$0x830]  }
0x5b8: {  	[tilespmem:s14+$0xF800] =	vst v3;
	v3 =	vadd.f32 v7, v5;
	v5 =	vld [tilespmem:s14+$0xF840]  }
0x5b9: {  	v7 =	vld [tilespmem:s14+$0x840]  }
0x5ba: {  	[tilespmem:s14+$0xF810] =	vst v3;
	v3 =	vadd.f32 v9, v4;
	v4 =	vld [tilespmem:s14+$0xF850]  }
0x5bb: {  	v9 =	vld [tilespmem:s14+$0x850]  }
0x5bc: {  	[tilespmem:s14+$0xF820] =	vst v3;
	v3 =	vadd.f32 v8, v6;
	v6 =	vld [tilespmem:s14+$0xF860]  }
0x5bd: {  	v8 =	vld [tilespmem:s14+$0x860]  }
0x5be: {  	[tilespmem:s14+$0xF830] =	vst v3;
	v3 =	vadd.f32 v7, v5;
	v5 =	vld [tilespmem:s14+$0xF870]  }
0x5bf: {  	v7 =	vld [tilespmem:s14+$0x870]  }
0x5c0: {  	[tilespmem:s14+$0xF840] =	vst v3;
	v3 =	vadd.f32 v9, v4;
	v4 =	vld [tilespmem:s14+$0xFC00]  }
0x5c1: {  	v9 =	vld [tilespmem:s14+$0xC00]  }
0x5c2: {  	[tilespmem:s14+$0xF850] =	vst v3;
	v3 =	vadd.f32 v8, v6;
	v6 =	vld [tilespmem:s14+$0xFC10]  }
0x5c3: {  	v8 =	vld [tilespmem:s14+$0xC10]  }
0x5c4: {  	[tilespmem:s14+$0xF860] =	vst v3;
	v3 =	vadd.f32 v7, v5;
	v5 =	vld [tilespmem:s14+$0xFC20]  }
0x5c5: {  	v7 =	vld [tilespmem:s14+$0xC20]  }
0x5c6: {  	[tilespmem:s14+$0xF870] =	vst v3;
	v3 =	vadd.f32 v9, v4;
	v4 =	vld [tilespmem:s14+$0xFC30]  }
0x5c7: {  	v9 =	vld [tilespmem:s14+$0xC30]  }
0x5c8: {  	[tilespmem:s14+$0xFC00] =	vst v3;
	v3 =	vadd.f32 v8, v6;
	v6 =	vld [tilespmem:s14+$0xFC40]  }
0x5c9: {  	v8 =	vld [tilespmem:s14+$0xC40]  }
0x5ca: {  	[tilespmem:s14+$0xFC10] =	vst v3;
	v3 =	vadd.f32 v7, v5;
	v5 =	vld [tilespmem:s14+$0xFC50]  }
0x5cb: {  	v7 =	vld [tilespmem:s14+$0xC50]  }
0x5cc: {  	[tilespmem:s14+$0xFC20] =	vst v3;
	v3 =	vadd.f32 v9, v4;
	v4 =	vld [tilespmem:s14+$0xFC60]  }
0x5cd: {  	v9 =	vld [tilespmem:s14+$0xC60]  }
0x5ce: {  	[tilespmem:s14+$0xFC30] =	vst v3;
	v3 =	vadd.f32 v8, v6;
	v6 =	vld [tilespmem:s14+$0xFC70]  }
0x5cf: {  	v8 =	vld [tilespmem:s14+$0xC70]  }
0x5d0: {  	v10 =	vld [tilespmem:s17+$0xF800];
	[tilespmem:s14+$0xFC40] =	vst v3;
	v3 =	vadd.f32 v7, v5  }
0x5d1: {  	v5 =	vld [tilespmem:s17+$0x800]  }
0x5d2: {  	v7 =	vld [tilespmem:s17+$0xF810];
	[tilespmem:s14+$0xFC50] =	vst v3;
	v3 =	vadd.f32 v9, v4  }
0x5d3: {  	v4 =	vld [tilespmem:s17+$0x810]  }
0x5d4: {  	v9 =	vld [tilespmem:s17+$0xF820];
	[tilespmem:s14+$0xFC60] =	vst v3;
	v3 =	vadd.f32 v8, v6  }
0x5d5: {  	v6 =	vld [tilespmem:s17+$0x820]  }
0x5d6: {  	v5 =	vadd.f32 v5, v10;
	v8 =	vld [tilespmem:s17+$0xF830];
	[tilespmem:s14+$0xFC70] =	vst v3  }
0x5d7: {  	v3 =	vld [tilespmem:s17+$0x830]  }
0x5d8: {  	[tilespmem:s17+$0xF800] =	vst v5;
	v4 =	vadd.f32 v4, v7;
	v5 =	vld [tilespmem:s17+$0xF840]  }
0x5d9: {  	v7 =	vld [tilespmem:s17+$0x840]  }
0x5da: {  	[tilespmem:s17+$0xF810] =	vst v4;
	v4 =	vadd.f32 v6, v9;
	v6 =	vld [tilespmem:s17+$0xF850]  }
0x5db: {  	v9 =	vld [tilespmem:s17+$0x850]  }
0x5dc: {  	[tilespmem:s17+$0xF820] =	vst v4;
	v3 =	vadd.f32 v3, v8;
	v4 =	vld [tilespmem:s17+$0xF860]  }
0x5dd: {  	v8 =	vld [tilespmem:s17+$0x860]  }
0x5de: {  	[tilespmem:s17+$0xF830] =	vst v3;
	v3 =	vadd.f32 v7, v5;
	v5 =	vld [tilespmem:s17+$0xF870]  }
0x5df: {  	v7 =	vld [tilespmem:s17+$0x870]  }
0x5e0: {  	[tilespmem:s17+$0xF840] =	vst v3;
	v3 =	vadd.f32 v9, v6;
	v6 =	vld [tilespmem:s15+$0xF800]  }
0x5e1: {  	v9 =	vld [tilespmem:s15+$0x800]  }
0x5e2: {  	[tilespmem:s17+$0xF850] =	vst v3;
	v3 =	vadd.f32 v8, v4;
	v4 =	vld [tilespmem:s15+$0xF810]  }
0x5e3: {  	v8 =	vld [tilespmem:s15+$0x810]  }
0x5e4: {  	[tilespmem:s17+$0xF860] =	vst v3;
	v3 =	vadd.f32 v7, v5;
	v5 =	vld [tilespmem:s15+$0xF820]  }
0x5e5: {  	v7 =	vld [tilespmem:s15+$0x820]  }
0x5e6: {  	[tilespmem:s17+$0xF870] =	vst v3;
	v3 =	vadd.f32 v9, v6;
	v6 =	vld [tilespmem:s15+$0xF830]  }
0x5e7: {  	v9 =	vld [tilespmem:s15+$0x830]  }
0x5e8: {  	[tilespmem:s15+$0xF800] =	vst v3;
	v3 =	vadd.f32 v8, v4;
	v4 =	vld [tilespmem:s15+$0xF840]  }
0x5e9: {  	v8 =	vld [tilespmem:s15+$0x840]  }
0x5ea: {  	[tilespmem:s15+$0xF810] =	vst v3;
	v3 =	vadd.f32 v7, v5;
	v5 =	vld [tilespmem:s15+$0xF850]  }
0x5eb: {  	v7 =	vld [tilespmem:s15+$0x850]  }
0x5ec: {  	[tilespmem:s15+$0xF820] =	vst v3;
	v3 =	vadd.f32 v9, v6;
	v6 =	vld [tilespmem:s15+$0xF860]  }
0x5ed: {  	v9 =	vld [tilespmem:s15+$0x860]  }
0x5ee: {  	[tilespmem:s15+$0xF830] =	vst v3;
	v3 =	vadd.f32 v8, v4;
	v4 =	vld [tilespmem:s15+$0xF870]  }
0x5ef: {  	v8 =	vld [tilespmem:s15+$0x870]  }
0x5f0: {  	v10 =	vld [tilespmem:s16+$0xF800];
	[tilespmem:s15+$0xF840] =	vst v3;
	v3 =	vadd.f32 v7, v5  }
0x5f1: {  	v5 =	vld [tilespmem:s16+$0x800]  }
0x5f2: {  	v7 =	vld [tilespmem:s16+$0xF810];
	[tilespmem:s15+$0xF850] =	vst v3;
	v3 =	vadd.f32 v9, v6  }
0x5f3: {  	v6 =	vld [tilespmem:s16+$0x810]  }
0x5f4: {  	v9 =	vld [tilespmem:s16+$0xF820];
	[tilespmem:s15+$0xF860] =	vst v3;
	v3 =	vadd.f32 v8, v4  }
0x5f5: {  	v4 =	vld [tilespmem:s16+$0x820]  }
0x5f6: {  	v5 =	vadd.f32 v5, v10;
	v8 =	vld [tilespmem:s16+$0xF830];
	[tilespmem:s15+$0xF870] =	vst v3  }
0x5f7: {  	v3 =	vld [tilespmem:s16+$0x830]  }
0x5f8: {  	[tilespmem:s16+$0xF800] =	vst v5;
	v5 =	vadd.f32 v6, v7;
	v6 =	vld [tilespmem:s16+$0xF840]  }
0x5f9: {  	v7 =	vld [tilespmem:s16+$0x840]  }
0x5fa: {  	[tilespmem:s16+$0xF810] =	vst v5;
	v4 =	vadd.f32 v4, v9;
	v5 =	vld [tilespmem:s16+$0xF850]  }
0x5fb: {  	v9 =	vld [tilespmem:s16+$0x850]  }
0x5fc: {  	[tilespmem:s16+$0xF820] =	vst v4;
	v3 =	vadd.f32 v3, v8;
	v4 =	vld [tilespmem:s16+$0xF860]  }
0x5fd: {  	v8 =	vld [tilespmem:s16+$0x860]  }
0x5fe: {  	[tilespmem:s16+$0xF830] =	vst v3;
	v3 =	vadd.f32 v7, v6;
	v6 =	vld [tilespmem:s16+$0xF870]  }
0x5ff: {  	v7 =	vld [tilespmem:s16+$0x870]  }
0x600: {  	[tilespmem:s16+$0xF840] =	vst v3;
	v3 =	vadd.f32 v9, v5;
	v5 =	vld [tilespmem:s3+$0xF800]  }
0x601: {  	v9 =	vld [tilespmem:s3+$0x800]  }
0x602: {  	[tilespmem:s16+$0xF850] =	vst v3;
	v3 =	vadd.f32 v8, v4;
	v4 =	vld [tilespmem:s3+$0xF810]  }
0x603: {  	v8 =	vld [tilespmem:s3+$0x810]  }
0x604: {  	[tilespmem:s16+$0xF860] =	vst v3;
	v3 =	vadd.f32 v7, v6;
	v6 =	vld [tilespmem:s3+$0xF820]  }
0x605: {  	v7 =	vld [tilespmem:s3+$0x820]  }
0x606: {  	[tilespmem:s16+$0xF870] =	vst v3;
	v3 =	vadd.f32 v9, v5;
	v5 =	vld [tilespmem:s3+$0xF830]  }
0x607: {  	v9 =	vld [tilespmem:s3+$0x830]  }
0x608: {  	[tilespmem:s3+$0xF800] =	vst v3;
	v3 =	vadd.f32 v8, v4;
	v4 =	vld [tilespmem:s3+$0xF840]  }
0x609: {  	v8 =	vld [tilespmem:s3+$0x840]  }
0x60a: {  	[tilespmem:s3+$0xF810] =	vst v3;
	v3 =	vadd.f32 v7, v6;
	v6 =	vld [tilespmem:s3+$0xF850]  }
0x60b: {  	v7 =	vld [tilespmem:s3+$0x850]  }
0x60c: {  	[tilespmem:s3+$0xF820] =	vst v3;
	v3 =	vadd.f32 v9, v5;
	v5 =	vld [tilespmem:s3+$0xF860]  }
0x60d: {  	v9 =	vld [tilespmem:s3+$0x860]  }
0x60e: {  	[tilespmem:s3+$0xF830] =	vst v3;
	v3 =	vadd.f32 v8, v4;
	v4 =	vld [tilespmem:s3+$0xF870]  }
0x60f: {  	v8 =	vld [tilespmem:s3+$0x870]  }
0x610: {  	v10 =	vld [tilespmem:s4+$0xF820];
	[tilespmem:s3+$0xF840] =	vst v3;
	v3 =	vadd.f32 v7, v6  }
0x611: {  	v6 =	vld [tilespmem:s4+$0x820]  }
0x612: {  	v7 =	vld [tilespmem:s4+$0xF830];
	[tilespmem:s3+$0xF850] =	vst v3;
	v3 =	vadd.f32 v9, v5  }
0x613: {  	v5 =	vld [tilespmem:s4+$0x830]  }
0x614: {  	v9 =	vld [tilespmem:s4+$0xF840];
	[tilespmem:s3+$0xF860] =	vst v3;
	v3 =	vadd.f32 v8, v4  }
0x615: {  	v4 =	vld [tilespmem:s4+$0x840]  }
0x616: {  	v6 =	vadd.f32 v6, v10;
	v8 =	vld [tilespmem:s4+$0xF850];
	[tilespmem:s3+$0xF870] =	vst v3  }
0x617: {  	v3 =	vld [tilespmem:s4+$0x850]  }
0x618: {  	[tilespmem:s4+$0xF820] =	vst v6;
	v5 =	vadd.f32 v5, v7;
	v6 =	vld [tilespmem:s4+$0xF860]  }
0x619: {  	v7 =	vld [tilespmem:s4+$0x860]  }
0x61a: {  	[tilespmem:s4+$0xF830] =	vst v5;
	v4 =	vadd.f32 v4, v9;
	v5 =	vld [tilespmem:s4+$0xF870]  }
0x61b: {  	v9 =	vld [tilespmem:s4+$0x870]  }
0x61c: {  	[tilespmem:s4+$0xF840] =	vst v4;
	v3 =	vadd.f32 v3, v8;
	v4 =	vld [tilespmem:s11+$0xF800]  }
0x61d: {  	v8 =	vld [tilespmem:s11+$0x800]  }
0x61e: {  	[tilespmem:s4+$0xF850] =	vst v3;
	v3 =	vadd.f32 v7, v6;
	v6 =	vld [tilespmem:s11+$0xF810]  }
0x61f: {  	v7 =	vld [tilespmem:s11+$0x810]  }
0x620: {  	[tilespmem:s4+$0xF860] =	vst v3;
	v3 =	vadd.f32 v9, v5;
	v5 =	vld [tilespmem:s11+$0xF820]  }
0x621: {  	v9 =	vld [tilespmem:s11+$0x820]  }
0x622: {  	[tilespmem:s4+$0xF870] =	vst v3;
	v3 =	vadd.f32 v8, v4;
	v4 =	vld [tilespmem:s11+$0xF830]  }
0x623: {  	v8 =	vld [tilespmem:s11+$0x830]  }
0x624: {  	[tilespmem:s11+$0xF800] =	vst v3;
	v3 =	vadd.f32 v7, v6;
	v6 =	vld [tilespmem:s11+$0xF840]  }
0x625: {  	v7 =	vld [tilespmem:s11+$0x840]  }
0x626: {  	[tilespmem:s11+$0xF810] =	vst v3;
	v3 =	vadd.f32 v9, v5;
	v5 =	vld [tilespmem:s11+$0xF850]  }
0x627: {  	v9 =	vld [tilespmem:s11+$0x850]  }
0x628: {  	[tilespmem:s11+$0xF820] =	vst v3;
	v3 =	vadd.f32 v8, v4;
	v4 =	vld [tilespmem:s11+$0xF860]  }
0x629: {  	v8 =	vld [tilespmem:s11+$0x860]  }
0x62a: {  	[tilespmem:s11+$0xF830] =	vst v3;
	v3 =	vadd.f32 v7, v6;
	v6 =	vld [tilespmem:s11+$0xF870]  }
0x62b: {  	v7 =	vld [tilespmem:s11+$0x870]  }
0x62c: {  	[tilespmem:s11+$0xF840] =	vst v3;
	v3 =	vadd.f32 v9, v5;
	v5 =	vld [tilespmem:s8+$0xF800]  }
0x62d: {  	v9 =	vld [tilespmem:s8+$0x800]  }
0x62e: {  	[tilespmem:s11+$0xF850] =	vst v3;
	v3 =	vadd.f32 v8, v4;
	v4 =	vld [tilespmem:s8+$0xF810]  }
0x62f: {  	v8 =	vld [tilespmem:s8+$0x810]  }
0x630: {  	[tilespmem:s11+$0xF860] =	vst v3;
	v3 =	vadd.f32 v7, v6;
	v6 =	vld [tilespmem:s8+$0xF820]  }
0x631: {  	v7 =	vld [tilespmem:s8+$0x820]  }
0x632: {  	[tilespmem:s11+$0xF870] =	vst v3;
	v3 =	vadd.f32 v9, v5;
	v5 =	vld [tilespmem:s8+$0xF830]  }
0x633: {  	v9 =	vld [tilespmem:s8+$0x830]  }
0x634: {  	[tilespmem:s8+$0xF800] =	vst v3;
	v3 =	vadd.f32 v8, v4;
	v4 =	vld [tilespmem:s8+$0xF840]  }
0x635: {  	v8 =	vld [tilespmem:s8+$0x840]  }
0x636: {  	[tilespmem:s8+$0xF810] =	vst v3;
	v3 =	vadd.f32 v7, v6;
	v6 =	vld [tilespmem:s8+$0xF850]  }
0x637: {  	v7 =	vld [tilespmem:s8+$0x850]  }
0x638: {  	[tilespmem:s8+$0xF820] =	vst v3;
	v3 =	vadd.f32 v9, v5;
	v5 =	vld [tilespmem:s8+$0xF860]  }
0x639: {  	v9 =	vld [tilespmem:s8+$0x860]  }
0x63a: {  	[tilespmem:s8+$0xF830] =	vst v3;
	v3 =	vadd.f32 v8, v4;
	v4 =	vld [tilespmem:s8+$0xF870]  }
0x63b: {  	v8 =	vld [tilespmem:s8+$0x870]  }
0x63c: {  	v10 =	vld [tilespmem:s19+$0xF800];
	[tilespmem:s8+$0xF840] =	vst v3;
	v3 =	vadd.f32 v7, v6  }
0x63d: {  	v6 =	vld [tilespmem:s19+$0x800]  }
0x63e: {  	v7 =	vld [tilespmem:s19+$0xF810];
	[tilespmem:s8+$0xF850] =	vst v3;
	v3 =	vadd.f32 v9, v5  }
0x63f: {  	v5 =	vld [tilespmem:s19+$0x810]  }
0x640: {  	v9 =	vld [tilespmem:s19+$0xF820];
	[tilespmem:s8+$0xF860] =	vst v3;
	v3 =	vadd.f32 v8, v4  }
0x641: {  	v4 =	vld [tilespmem:s19+$0x820]  }
0x642: {  	v6 =	vadd.f32 v6, v10;
	v8 =	vld [tilespmem:s19+$0xF830];
	[tilespmem:s8+$0xF870] =	vst v3  }
0x643: {  	v3 =	vld [tilespmem:s19+$0x830]  }
0x644: {  	[tilespmem:s19+$0xF800] =	vst v6;
	v5 =	vadd.f32 v5, v7;
	v6 =	vld [tilespmem:s19+$0xF840]  }
0x645: {  	v7 =	vld [tilespmem:s19+$0x840]  }
0x646: {  	[tilespmem:s19+$0xF810] =	vst v5;
	v4 =	vadd.f32 v4, v9;
	v5 =	vld [tilespmem:s19+$0xF850]  }
0x647: {  	v9 =	vld [tilespmem:s19+$0x850]  }
0x648: {  	[tilespmem:s19+$0xF820] =	vst v4;
	v3 =	vadd.f32 v3, v8;
	v4 =	vld [tilespmem:s19+$0xF860]  }
0x649: {  	v8 =	vld [tilespmem:s19+$0x860]  }
0x64a: {  	[tilespmem:s19+$0xF830] =	vst v3;
	v3 =	vadd.f32 v7, v6;
	v6 =	vld [tilespmem:s19+$0xF870]  }
0x64b: {  	v7 =	vld [tilespmem:s19+$0x870]  }
0x64c: {  	[tilespmem:s19+$0xF840] =	vst v3;
	v3 =	vadd.f32 v9, v5;
	v5 =	vld [tilespmem:s21+$0xF800]  }
0x64d: {  	v9 =	vld [tilespmem:s21+$0x800]  }
0x64e: {  	[tilespmem:s19+$0xF850] =	vst v3;
	v3 =	vadd.f32 v8, v4;
	v4 =	vld [tilespmem:s21+$0xF810]  }
0x64f: {  	v8 =	vld [tilespmem:s21+$0x810]  }
0x650: {  	[tilespmem:s19+$0xF860] =	vst v3;
	v3 =	vadd.f32 v7, v6;
	v6 =	vld [tilespmem:s21+$0xF820]  }
0x651: {  	v7 =	vld [tilespmem:s21+$0x820]  }
0x652: {  	[tilespmem:s19+$0xF870] =	vst v3;
	v3 =	vadd.f32 v9, v5;
	v5 =	vld [tilespmem:s21+$0xF830]  }
0x653: {  	v9 =	vld [tilespmem:s21+$0x830]  }
0x654: {  	[tilespmem:s21+$0xF800] =	vst v3;
	v3 =	vadd.f32 v8, v4;
	v4 =	vld [tilespmem:s21+$0xF840]  }
0x655: {  	v8 =	vld [tilespmem:s21+$0x840]  }
0x656: {  	[tilespmem:s21+$0xF810] =	vst v3;
	v3 =	vadd.f32 v7, v6;
	v6 =	vld [tilespmem:s21+$0xF850]  }
0x657: {  	v7 =	vld [tilespmem:s21+$0x850]  }
0x658: {  	[tilespmem:s21+$0xF820] =	vst v3;
	v3 =	vadd.f32 v9, v5;
	v5 =	vld [tilespmem:s21+$0xF860]  }
0x659: {  	v9 =	vld [tilespmem:s21+$0x860]  }
0x65a: {  	[tilespmem:s21+$0xF830] =	vst v3;
	v3 =	vadd.f32 v8, v4;
	v4 =	vld [tilespmem:s21+$0xF870]  }
0x65b: {  	v8 =	vld [tilespmem:s21+$0x870]  }
0x65c: {  	[tilespmem:s21+$0xF840] =	vst v3;
	v3 =	vadd.f32 v7, v6;
	v6 =	vld [tilespmem:s18+$0xF800]  }
0x65d: {  	v7 =	vld [tilespmem:s18+$0x800]  }
0x65e: {  	[tilespmem:s21+$0xF850] =	vst v3;
	v3 =	vadd.f32 v9, v5;
	v5 =	vld [tilespmem:s18+$0xF810]  }
0x65f: {  	v9 =	vld [tilespmem:s18+$0x810]  }
0x660: {  	[tilespmem:s21+$0xF860] =	vst v3;
	v3 =	vadd.f32 v8, v4;
	v4 =	vld [tilespmem:s18+$0xF820]  }
0x661: {  	v8 =	vld [tilespmem:s18+$0x820]  }
0x662: {  	[tilespmem:s21+$0xF870] =	vst v3;
	v3 =	vadd.f32 v7, v6;
	v6 =	vld [tilespmem:s18+$0xF830]  }
0x663: {  	v7 =	vld [tilespmem:s18+$0x830]  }
0x664: {  	[tilespmem:s18+$0xF800] =	vst v3;
	v3 =	vadd.f32 v9, v5;
	v5 =	vld [tilespmem:s18+$0xF840]  }
0x665: {  	v9 =	vld [tilespmem:s18+$0x840]  }
0x666: {  	[tilespmem:s18+$0xF810] =	vst v3;
	v3 =	vadd.f32 v8, v4;
	v4 =	vld [tilespmem:s18+$0xF850]  }
0x667: {  	v8 =	vld [tilespmem:s18+$0x850]  }
0x668: {  	[tilespmem:s18+$0xF820] =	vst v3;
	v3 =	vadd.f32 v7, v6;
	v6 =	vld [tilespmem:s18+$0xF860]  }
0x669: {  	v7 =	vld [tilespmem:s18+$0x860]  }
0x66a: {  	[tilespmem:s18+$0xF830] =	vst v3;
	v3 =	vadd.f32 v9, v5;
	v5 =	vld [tilespmem:s18+$0xF870]  }
0x66b: {  	v9 =	vld [tilespmem:s18+$0x870]  }
0x66c: {  	[tilespmem:s18+$0xF840] =	vst v3;
	v3 =	vadd.f32 v8, v4;
	v4 =	vld [tilespmem:s30+$0xF800]  }
0x66d: {  	v8 =	vld [tilespmem:s30+$0x800]  }
.Ltmp1:
0x66e: {  	[tilespmem:s18+$0xF850] =	vst v3;
	v3 =	vadd.f32 v7, v6;
	v6 =	vld [tilespmem:s30+$0xF810];
	(pc) =	sbr.rel @p0 .LBB2_5-.Ltmp1, $4  }
0x66f: {  	v7 =	vld [tilespmem:s30+$0x810]  }
0x670: {  	[tilespmem:s18+$0xF860] =	vst v3;
	v9 =	vadd.f32 v9, v5;
	v3 =	vld [tilespmem:s30+$0xF820]  }
0x671: {  	v5 =	vld [tilespmem:s30+$0x820]  }
0x672: {  	[tilespmem:s18+$0xF870] =	vst v9;
	v8 =	vadd.f32 v8, v4;
	v4 =	vld [tilespmem:s30+$0xF830]  }
0x673: {  	v9 =	vld [tilespmem:s0+$0xF800]  }
0x674: {  	v10 =	vld [tilespmem:s0+$0x800]  }
0x675: {  	v11 =	vld [tilespmem:s0+$0xF810]  }
0x676: {  	v12 =	vld [tilespmem:s0+$0x810]  }
0x677: {  	v13 =	vld [tilespmem:s30+$0x830]  }
0x678: {  	v56 =	vld [tilespmem:s30+$0x840]  }
0x679: {  	v57 =	vld [tilespmem:s30+$0xF850]  }
0x67a: {  	v6 =	vadd.f32 v7, v6;
	v7 =	vld [tilespmem:s30+$0xF840]  }
0x67b: {  	v58 =	vld [tilespmem:s30+$0x850]  }
0x67c: {  	v59 =	vld [tilespmem:s0+$0x820];
	v3 =	vadd.f32 v5, v3  }
0x67d: {  	v60 =	vld [tilespmem:s30+$0xF860];
	[tilespmem:s30+$0xF810] =	vst v6;
	v6 =	vadd.f32 v12, v11  }
0x67e: {  	v5 =	vld [tilespmem:s0+$0xF830];
	v4 =	vadd.f32 v13, v4;
	[tilespmem:s30+$0xF820] =	vst v3  }
0x67f: {  	v3 =	vadd.f32 v56, v7;
	v7 =	vld [tilespmem:s0+$0x830];
	[tilespmem:s0+$0xF810] =	vst v6  }
0x680: {  	v6 =	vld [tilespmem:s0+$0xF820];
	[tilespmem:s30+$0xF830] =	vst v4;
	v4 =	vadd.f32 v58, v57  }
0x681: {  	[tilespmem:s30+$0xF840] =	vst v3;
	v3 =	vld [tilespmem:s0+$0xF840]  }
0x682: {  	[tilespmem:s30+$0xF850] =	vst v4;
	v4 =	vld [tilespmem:s0+$0x840]  }
0x683: {  	v61 =	vld [tilespmem:s30+$0x860]  }
0x684: {  	v62 =	vld [tilespmem:s0+$0x870];
	v5 =	vadd.f32 v7, v5  }
0x685: {  	v7 =	vld [tilespmem:s0+$0x850];
	v6 =	vadd.f32 v59, v6  }
0x686: {  	[tilespmem:s0+$0xF830] =	vst v5;
	v5 =	vld [tilespmem:s0+$0x860]  }
0x687: {  	[tilespmem:s0+$0xF820] =	vst v6;
	v6 =	vld [tilespmem:s0+$0xF850];
	v3 =	vadd.f32 v4, v3  }
0x688: {  	v4 =	vld [tilespmem:s0+$0xF860]  }
0x689: {  	[tilespmem:s0+$0xF840] =	vst v3;
	v3 =	vld [tilespmem:s0+$0xF870]  }
0x68a: {  	v55 =	vadd.f32 v10, v9  }
0x68b: {  	[tilespmem:s30+$0xF800] =	vst v8;
	v8 =	vadd.f32 v61, v60  }
0x68c: {  	[tilespmem:s0+$0xF800] =	vst v55;
	v6 =	vadd.f32 v7, v6  }
0x68d: {  	[tilespmem:s30+$0xF860] =	vst v8;
	v4 =	vadd.f32 v5, v4  }
0x68e: {  	[tilespmem:s0+$0xF850] =	vst v6;
	v3 =	vadd.f32 v62, v3  }
0x68f: {  	s1 =	simm.s32 $0x0;
	[tilespmem:s0+$0xF860] =	vst v4  }
0x690: {  	s31 =	simm.s32 $0x3;
	s1 =	smul.u32 $0x6000, s1;
	[tilespmem:s0+$0xF870] =	vst v3  }
0x691: {  	_ =	swait.ge [sflag:s31], $0x1800  }
0x692: {  	s1 =	sshra.s32 s1, $0x2;
	[sflag:s31] =	ssyncset.done $0x0  }
0x693: {  	s1 =	sadd.s32 $0x0, s1;
	s0 =	simm.s32 $0x0;
	[sflag:s31] =	ssyncadd.s32 $0xFFFFE800  }
0x694: {  	s4 =	sadd.s32 $0x1E800, s1;
	v3 =	vld [tilespmem:s0+$0xE000]  }
0x695: {  	v4 =	vld [tilespmem:s4+$0x180];
	_ =	sdelay $0x4  }
0x696: {  	v3 =	vadd.f32 v3, v4;
	_ =	sdelay $0x1  }
0x697: {  	[tilespmem:s0+$0x1D000] =	vst v3;
	v3 =	vld [tilespmem:s0+$0xE010]  }
0x698: {  	v4 =	vld [tilespmem:s4+$0x190];
	_ =	sdelay $0x4  }
0x699: {  	v3 =	vadd.f32 v3, v4;
	_ =	sdelay $0x1  }
0x69a: {  	[tilespmem:s0+$0x1D010] =	vst v3;
	v3 =	vld [tilespmem:s0+$0xE020]  }
0x69b: {  	v4 =	vld [tilespmem:s4+$0x1A0];
	_ =	sdelay $0x4  }
0x69c: {  	v3 =	vadd.f32 v3, v4;
	_ =	sdelay $0x1  }
0x69d: {  	[tilespmem:s0+$0x1D020] =	vst v3;
	v3 =	vld [tilespmem:s0+$0xE030]  }
0x69e: {  	v4 =	vld [tilespmem:s4+$0x1B0];
	_ =	sdelay $0x4  }
0x69f: {  	v3 =	vadd.f32 v3, v4;
	_ =	sdelay $0x1  }
0x6a0: {  	[tilespmem:s0+$0x1D030] =	vst v3;
	v3 =	vld [tilespmem:s0+$0xE040]  }
0x6a1: {  	v4 =	vld [tilespmem:s4+$0x1C0];
	_ =	sdelay $0x4  }
0x6a2: {  	v3 =	vadd.f32 v3, v4;
	_ =	sdelay $0x1  }
0x6a3: {  	[tilespmem:s0+$0x1D040] =	vst v3;
	v3 =	vld [tilespmem:s0+$0xE050]  }
0x6a4: {  	v4 =	vld [tilespmem:s4+$0x1D0];
	_ =	sdelay $0x4  }
0x6a5: {  	v3 =	vadd.f32 v3, v4;
	_ =	sdelay $0x1  }
0x6a6: {  	[tilespmem:s0+$0x1D050] =	vst v3;
	v3 =	vld [tilespmem:s0+$0xE060]  }
0x6a7: {  	v4 =	vld [tilespmem:s4+$0x1E0];
	_ =	sdelay $0x4  }
0x6a8: {  	v3 =	vadd.f32 v3, v4;
	_ =	sdelay $0x1  }
0x6a9: {  	[tilespmem:s0+$0x1D060] =	vst v3;
	v3 =	vld [tilespmem:s0+$0xE070]  }
0x6aa: {  	v4 =	vld [tilespmem:s4+$0x1F0];
	_ =	sdelay $0x4  }
0x6ab: {  	v3 =	vadd.f32 v3, v4;
	_ =	sdelay $0x1  }
0x6ac: {  	[tilespmem:s0+$0x1D070] =	vst v3;
	v3 =	vld [tilespmem:s0+$0xE400]  }
0x6ad: {  	v4 =	vld [tilespmem:s4+$0x580];
	_ =	sdelay $0x4  }
0x6ae: {  	v3 =	vadd.f32 v3, v4;
	_ =	sdelay $0x1  }
0x6af: {  	[tilespmem:s0+$0x1D400] =	vst v3;
	v3 =	vld [tilespmem:s0+$0xE410]  }
0x6b0: {  	v4 =	vld [tilespmem:s4+$0x590];
	_ =	sdelay $0x4  }
0x6b1: {  	v3 =	vadd.f32 v3, v4;
	_ =	sdelay $0x1  }
0x6b2: {  	[tilespmem:s0+$0x1D410] =	vst v3;
	v3 =	vld [tilespmem:s0+$0xE420]  }
0x6b3: {  	v4 =	vld [tilespmem:s4+$0x5A0];
	_ =	sdelay $0x4  }
0x6b4: {  	v3 =	vadd.f32 v3, v4;
	_ =	sdelay $0x1  }
0x6b5: {  	[tilespmem:s0+$0x1D420] =	vst v3;
	v3 =	vld [tilespmem:s0+$0xE430]  }
0x6b6: {  	v4 =	vld [tilespmem:s4+$0x5B0];
	_ =	sdelay $0x4  }
0x6b7: {  	v3 =	vadd.f32 v3, v4;
	_ =	sdelay $0x1  }
0x6b8: {  	[tilespmem:s0+$0x1D430] =	vst v3;
	v3 =	vld [tilespmem:s0+$0xE440]  }
0x6b9: {  	v4 =	vld [tilespmem:s4+$0x5C0];
	_ =	sdelay $0x4  }
0x6ba: {  	v3 =	vadd.f32 v3, v4;
	_ =	sdelay $0x1  }
0x6bb: {  	[tilespmem:s0+$0x1D440] =	vst v3;
	v3 =	vld [tilespmem:s0+$0xE450]  }
0x6bc: {  	v4 =	vld [tilespmem:s4+$0x5D0];
	_ =	sdelay $0x4  }
0x6bd: {  	v3 =	vadd.f32 v3, v4;
	_ =	sdelay $0x1  }
0x6be: {  	[tilespmem:s0+$0x1D450] =	vst v3;
	v3 =	vld [tilespmem:s0+$0xE460]  }
0x6bf: {  	v4 =	vld [tilespmem:s4+$0x5E0];
	_ =	sdelay $0x4  }
0x6c0: {  	v3 =	vadd.f32 v3, v4;
	_ =	sdelay $0x1  }
0x6c1: {  	[tilespmem:s0+$0x1D460] =	vst v3;
	v3 =	vld [tilespmem:s0+$0xE470]  }
0x6c2: {  	v4 =	vld [tilespmem:s4+$0x5F0];
	_ =	sdelay $0x4  }
0x6c3: {  	v3 =	vadd.f32 v3, v4;
	_ =	sdelay $0x1  }
0x6c4: {  	[tilespmem:s0+$0x1D470] =	vst v3;
	v3 =	vld [tilespmem:s0+$0xE800]  }
0x6c5: {  	v4 =	vld [tilespmem:s4+$0x980];
	_ =	sdelay $0x4  }
0x6c6: {  	v3 =	vadd.f32 v3, v4;
	_ =	sdelay $0x1  }
0x6c7: {  	[tilespmem:s0+$0x1D800] =	vst v3;
	v3 =	vld [tilespmem:s0+$0xE810]  }
0x6c8: {  	v4 =	vld [tilespmem:s4+$0x990];
	_ =	sdelay $0x4  }
0x6c9: {  	v3 =	vadd.f32 v3, v4;
	_ =	sdelay $0x1  }
0x6ca: {  	[tilespmem:s0+$0x1D810] =	vst v3;
	v3 =	vld [tilespmem:s0+$0xE820]  }
0x6cb: {  	v4 =	vld [tilespmem:s4+$0x9A0];
	_ =	sdelay $0x4  }
0x6cc: {  	v3 =	vadd.f32 v3, v4;
	_ =	sdelay $0x1  }
0x6cd: {  	[tilespmem:s0+$0x1D820] =	vst v3;
	v3 =	vld [tilespmem:s0+$0xE830]  }
0x6ce: {  	v4 =	vld [tilespmem:s4+$0x9B0];
	_ =	sdelay $0x4  }
0x6cf: {  	v3 =	vadd.f32 v3, v4;
	_ =	sdelay $0x1  }
0x6d0: {  	[tilespmem:s0+$0x1D830] =	vst v3;
	v3 =	vld [tilespmem:s0+$0xE840]  }
0x6d1: {  	v4 =	vld [tilespmem:s4+$0x9C0];
	_ =	sdelay $0x4  }
0x6d2: {  	v3 =	vadd.f32 v3, v4;
	_ =	sdelay $0x1  }
0x6d3: {  	[tilespmem:s0+$0x1D840] =	vst v3;
	v3 =	vld [tilespmem:s0+$0xE850]  }
0x6d4: {  	v4 =	vld [tilespmem:s4+$0x9D0];
	_ =	sdelay $0x4  }
0x6d5: {  	v3 =	vadd.f32 v3, v4;
	_ =	sdelay $0x1  }
0x6d6: {  	[tilespmem:s0+$0x1D850] =	vst v3;
	v3 =	vld [tilespmem:s0+$0xE860]  }
0x6d7: {  	v4 =	vld [tilespmem:s4+$0x9E0];
	_ =	sdelay $0x4  }
0x6d8: {  	v3 =	vadd.f32 v3, v4;
	_ =	sdelay $0x1  }
0x6d9: {  	[tilespmem:s0+$0x1D860] =	vst v3;
	v3 =	vld [tilespmem:s0+$0xE870]  }
0x6da: {  	v4 =	vld [tilespmem:s4+$0x9F0];
	_ =	sdelay $0x4  }
0x6db: {  	v3 =	vadd.f32 v3, v4;
	_ =	sdelay $0x1  }
0x6dc: {  	[tilespmem:s0+$0x1D870] =	vst v3;
	v3 =	vld [tilespmem:s0+$0xEC00]  }
0x6dd: {  	v4 =	vld [tilespmem:s4+$0xD80];
	_ =	sdelay $0x4  }
0x6de: {  	v3 =	vadd.f32 v3, v4;
	_ =	sdelay $0x1  }
0x6df: {  	[tilespmem:s0+$0x1DC00] =	vst v3;
	v3 =	vld [tilespmem:s0+$0xEC10]  }
0x6e0: {  	v4 =	vld [tilespmem:s4+$0xD90];
	_ =	sdelay $0x4  }
0x6e1: {  	v3 =	vadd.f32 v3, v4;
	_ =	sdelay $0x1  }
0x6e2: {  	[tilespmem:s0+$0x1DC10] =	vst v3;
	v3 =	vld [tilespmem:s0+$0xEC20]  }
0x6e3: {  	v4 =	vld [tilespmem:s4+$0xDA0];
	_ =	sdelay $0x4  }
0x6e4: {  	v3 =	vadd.f32 v3, v4;
	_ =	sdelay $0x1  }
0x6e5: {  	[tilespmem:s0+$0x1DC20] =	vst v3;
	v3 =	vld [tilespmem:s0+$0xEC30]  }
0x6e6: {  	v4 =	vld [tilespmem:s4+$0xDB0];
	_ =	sdelay $0x4  }
0x6e7: {  	v3 =	vadd.f32 v3, v4;
	_ =	sdelay $0x1  }
0x6e8: {  	[tilespmem:s0+$0x1DC30] =	vst v3;
	v3 =	vld [tilespmem:s0+$0xEC40]  }
0x6e9: {  	v4 =	vld [tilespmem:s4+$0xDC0];
	_ =	sdelay $0x4  }
0x6ea: {  	v3 =	vadd.f32 v3, v4;
	_ =	sdelay $0x1  }
0x6eb: {  	[tilespmem:s0+$0x1DC40] =	vst v3;
	v3 =	vld [tilespmem:s0+$0xEC50]  }
0x6ec: {  	v4 =	vld [tilespmem:s4+$0xDD0];
	_ =	sdelay $0x4  }
0x6ed: {  	v3 =	vadd.f32 v3, v4;
	_ =	sdelay $0x1  }
0x6ee: {  	[tilespmem:s0+$0x1DC50] =	vst v3;
	v3 =	vld [tilespmem:s0+$0xEC60]  }
0x6ef: {  	v4 =	vld [tilespmem:s4+$0xDE0];
	_ =	sdelay $0x4  }
0x6f0: {  	v3 =	vadd.f32 v3, v4;
	_ =	sdelay $0x1  }
0x6f1: {  	[tilespmem:s0+$0x1DC60] =	vst v3;
	v3 =	vld [tilespmem:s0+$0xEC70]  }
0x6f2: {  	v4 =	vld [tilespmem:s4+$0xDF0];
	_ =	sdelay $0x4  }
0x6f3: {  	v3 =	vadd.f32 v3, v4;
	_ =	sdelay $0x1  }
0x6f4: {  	[tilespmem:s0+$0x1DC70] =	vst v3;
	v3 =	vld [tilespmem:s0+$0xF000]  }
0x6f5: {  	v4 =	vld [tilespmem:s4+$0x1180];
	_ =	sdelay $0x4  }
0x6f6: {  	v3 =	vadd.f32 v3, v4;
	_ =	sdelay $0x1  }
0x6f7: {  	[tilespmem:s0+$0x1E000] =	vst v3;
	v3 =	vld [tilespmem:s0+$0xF010]  }
0x6f8: {  	v4 =	vld [tilespmem:s4+$0x1190];
	_ =	sdelay $0x4  }
0x6f9: {  	v3 =	vadd.f32 v3, v4;
	_ =	sdelay $0x1  }
0x6fa: {  	[tilespmem:s0+$0x1E010] =	vst v3;
	v3 =	vld [tilespmem:s0+$0xF020]  }
0x6fb: {  	v4 =	vld [tilespmem:s4+$0x11A0];
	_ =	sdelay $0x4  }
0x6fc: {  	v3 =	vadd.f32 v3, v4;
	_ =	sdelay $0x1  }
0x6fd: {  	[tilespmem:s0+$0x1E020] =	vst v3;
	v3 =	vld [tilespmem:s0+$0xF030]  }
0x6fe: {  	v4 =	vld [tilespmem:s4+$0x11B0];
	_ =	sdelay $0x4  }
0x6ff: {  	v3 =	vadd.f32 v3, v4;
	_ =	sdelay $0x1  }
0x700: {  	[tilespmem:s0+$0x1E030] =	vst v3;
	v3 =	vld [tilespmem:s0+$0xF040]  }
0x701: {  	v4 =	vld [tilespmem:s4+$0x11C0];
	_ =	sdelay $0x4  }
0x702: {  	v3 =	vadd.f32 v3, v4;
	_ =	sdelay $0x1  }
0x703: {  	[tilespmem:s0+$0x1E040] =	vst v3;
	v3 =	vld [tilespmem:s0+$0xF050]  }
0x704: {  	v4 =	vld [tilespmem:s4+$0x11D0];
	_ =	sdelay $0x4  }
0x705: {  	v3 =	vadd.f32 v3, v4;
	_ =	sdelay $0x1  }
0x706: {  	[tilespmem:s0+$0x1E050] =	vst v3;
	v3 =	vld [tilespmem:s0+$0xF060]  }
0x707: {  	v4 =	vld [tilespmem:s4+$0x11E0];
	_ =	sdelay $0x4  }
0x708: {  	v3 =	vadd.f32 v3, v4;
	_ =	sdelay $0x1  }
0x709: {  	[tilespmem:s0+$0x1E060] =	vst v3;
	v3 =	vld [tilespmem:s0+$0xF070]  }
0x70a: {  	v4 =	vld [tilespmem:s4+$0x11F0];
	_ =	sdelay $0x4  }
0x70b: {  	v3 =	vadd.f32 v3, v4;
	_ =	sdelay $0x1  }
0x70c: {  	[tilespmem:s0+$0x1E070] =	vst v3;
	v3 =	vld [tilespmem:s0+$0xF400]  }
0x70d: {  	v4 =	vld [tilespmem:s4+$0x1580];
	_ =	sdelay $0x4  }
0x70e: {  	v3 =	vadd.f32 v3, v4;
	_ =	sdelay $0x1  }
0x70f: {  	[tilespmem:s0+$0x1E400] =	vst v3;
	v3 =	vld [tilespmem:s0+$0xF410]  }
0x710: {  	v4 =	vld [tilespmem:s4+$0x1590];
	_ =	sdelay $0x4  }
0x711: {  	v3 =	vadd.f32 v3, v4;
	_ =	sdelay $0x1  }
0x712: {  	[tilespmem:s0+$0x1E410] =	vst v3;
	v3 =	vld [tilespmem:s0+$0xF420]  }
0x713: {  	v4 =	vld [tilespmem:s4+$0x15A0];
	_ =	sdelay $0x4  }
0x714: {  	v3 =	vadd.f32 v3, v4;
	_ =	sdelay $0x1  }
0x715: {  	[tilespmem:s0+$0x1E420] =	vst v3;
	v3 =	vld [tilespmem:s0+$0xF430]  }
0x716: {  	v4 =	vld [tilespmem:s4+$0x15B0];
	_ =	sdelay $0x4  }
0x717: {  	v3 =	vadd.f32 v3, v4;
	_ =	sdelay $0x1  }
0x718: {  	[tilespmem:s0+$0x1E430] =	vst v3;
	v3 =	vld [tilespmem:s0+$0xF440]  }
0x719: {  	v4 =	vld [tilespmem:s4+$0x15C0];
	_ =	sdelay $0x4  }
0x71a: {  	v3 =	vadd.f32 v3, v4;
	_ =	sdelay $0x1  }
0x71b: {  	[tilespmem:s0+$0x1E440] =	vst v3;
	v3 =	vld [tilespmem:s0+$0xF450]  }
0x71c: {  	v4 =	vld [tilespmem:s4+$0x15D0];
	_ =	sdelay $0x4  }
0x71d: {  	v3 =	vadd.f32 v3, v4;
	_ =	sdelay $0x1  }
0x71e: {  	[tilespmem:s0+$0x1E450] =	vst v3;
	v3 =	vld [tilespmem:s0+$0xF460]  }
0x71f: {  	v4 =	vld [tilespmem:s4+$0x15E0];
	_ =	sdelay $0x4  }
0x720: {  	v3 =	vadd.f32 v3, v4;
	_ =	sdelay $0x1  }
0x721: {  	[tilespmem:s0+$0x1E460] =	vst v3;
	v3 =	vld [tilespmem:s0+$0xF470]  }
0x722: {  	v4 =	vld [tilespmem:s4+$0x15F0]  }
0x723: {  	s3 =	simm.s32 $0x200  }
0x724: {  	s8 =	simm.s32 $0x0;
	s14 =	simm.s32 $0x400;
	s4 =	simm.s32 $0x4  }
.LBB2_7:
0x725: {  	p0 =	sne.s32 s14, $0x800;
	s1 =	smul.u32 $0x6000, s8;
	_ =	sdelay $0x1  }
0x726: {  	s8 =	sshra.s32 s3, $0x2;
	s3 =	smov.u32 s14;
	s1 =	sshra.s32 s1, $0x2;
	v3 =	vadd.f32 v3, v4  }
0x727: {  	s1 =	sadd.s32 s8, s1  }
0x728: {  	s15 =	sadd.s32 $0x1E800, s1;
	v4 =	vld [tilespmem:s8+$0xE000];
	[tilespmem:s0+$0x1E470] =	vst v3;
	s0 =	smov.u32 s8  }
0x729: {  	v3 =	vld [tilespmem:s15+$0x180];
	_ =	sdelay $0x4  }
0x72a: {  	v3 =	vadd.f32 v4, v3;
	_ =	sdelay $0x1  }
0x72b: {  	[tilespmem:s0+$0x1D000] =	vst v3;
	v3 =	vld [tilespmem:s0+$0xE010]  }
0x72c: {  	v4 =	vld [tilespmem:s15+$0x190];
	_ =	sdelay $0x4  }
0x72d: {  	v3 =	vadd.f32 v3, v4;
	_ =	sdelay $0x1  }
0x72e: {  	[tilespmem:s0+$0x1D010] =	vst v3;
	v3 =	vld [tilespmem:s0+$0xE020]  }
0x72f: {  	v4 =	vld [tilespmem:s15+$0x1A0];
	_ =	sdelay $0x4  }
0x730: {  	v3 =	vadd.f32 v3, v4;
	_ =	sdelay $0x1  }
0x731: {  	[tilespmem:s0+$0x1D020] =	vst v3;
	v3 =	vld [tilespmem:s0+$0xE030]  }
0x732: {  	v4 =	vld [tilespmem:s15+$0x1B0];
	_ =	sdelay $0x4  }
0x733: {  	v3 =	vadd.f32 v3, v4;
	_ =	sdelay $0x1  }
0x734: {  	[tilespmem:s0+$0x1D030] =	vst v3;
	v3 =	vld [tilespmem:s0+$0xE040]  }
0x735: {  	v4 =	vld [tilespmem:s15+$0x1C0];
	_ =	sdelay $0x4  }
0x736: {  	v3 =	vadd.f32 v3, v4;
	_ =	sdelay $0x1  }
0x737: {  	[tilespmem:s0+$0x1D040] =	vst v3;
	v3 =	vld [tilespmem:s0+$0xE050]  }
0x738: {  	v4 =	vld [tilespmem:s15+$0x1D0];
	_ =	sdelay $0x4  }
0x739: {  	v3 =	vadd.f32 v3, v4;
	_ =	sdelay $0x1  }
0x73a: {  	[tilespmem:s0+$0x1D050] =	vst v3;
	v3 =	vld [tilespmem:s0+$0xE060]  }
0x73b: {  	v4 =	vld [tilespmem:s15+$0x1E0];
	_ =	sdelay $0x4  }
0x73c: {  	v3 =	vadd.f32 v3, v4;
	_ =	sdelay $0x1  }
0x73d: {  	[tilespmem:s0+$0x1D060] =	vst v3;
	v3 =	vld [tilespmem:s0+$0xE070]  }
0x73e: {  	v4 =	vld [tilespmem:s15+$0x1F0];
	_ =	sdelay $0x4  }
0x73f: {  	v3 =	vadd.f32 v3, v4;
	_ =	sdelay $0x1  }
0x740: {  	[tilespmem:s0+$0x1D070] =	vst v3;
	v3 =	vld [tilespmem:s0+$0xE400]  }
0x741: {  	v4 =	vld [tilespmem:s15+$0x580];
	_ =	sdelay $0x4  }
0x742: {  	v3 =	vadd.f32 v3, v4;
	_ =	sdelay $0x1  }
0x743: {  	[tilespmem:s0+$0x1D400] =	vst v3;
	v3 =	vld [tilespmem:s0+$0xE410]  }
0x744: {  	v4 =	vld [tilespmem:s15+$0x590];
	_ =	sdelay $0x4  }
0x745: {  	v3 =	vadd.f32 v3, v4;
	_ =	sdelay $0x1  }
0x746: {  	[tilespmem:s0+$0x1D410] =	vst v3;
	v3 =	vld [tilespmem:s0+$0xE420]  }
0x747: {  	v4 =	vld [tilespmem:s15+$0x5A0];
	_ =	sdelay $0x4  }
0x748: {  	v3 =	vadd.f32 v3, v4;
	_ =	sdelay $0x1  }
0x749: {  	[tilespmem:s0+$0x1D420] =	vst v3;
	v3 =	vld [tilespmem:s0+$0xE430]  }
0x74a: {  	v4 =	vld [tilespmem:s15+$0x5B0];
	_ =	sdelay $0x4  }
0x74b: {  	v3 =	vadd.f32 v3, v4;
	_ =	sdelay $0x1  }
0x74c: {  	[tilespmem:s0+$0x1D430] =	vst v3;
	v3 =	vld [tilespmem:s0+$0xE440]  }
0x74d: {  	v4 =	vld [tilespmem:s15+$0x5C0];
	_ =	sdelay $0x4  }
0x74e: {  	v3 =	vadd.f32 v3, v4;
	_ =	sdelay $0x1  }
0x74f: {  	[tilespmem:s0+$0x1D440] =	vst v3;
	v3 =	vld [tilespmem:s0+$0xE450]  }
0x750: {  	v4 =	vld [tilespmem:s15+$0x5D0];
	_ =	sdelay $0x4  }
0x751: {  	v3 =	vadd.f32 v3, v4;
	_ =	sdelay $0x1  }
0x752: {  	[tilespmem:s0+$0x1D450] =	vst v3;
	v3 =	vld [tilespmem:s0+$0xE460]  }
0x753: {  	v4 =	vld [tilespmem:s15+$0x5E0];
	_ =	sdelay $0x4  }
0x754: {  	v3 =	vadd.f32 v3, v4;
	_ =	sdelay $0x1  }
0x755: {  	[tilespmem:s0+$0x1D460] =	vst v3;
	v3 =	vld [tilespmem:s0+$0xE470]  }
0x756: {  	v4 =	vld [tilespmem:s15+$0x5F0];
	_ =	sdelay $0x4  }
0x757: {  	v3 =	vadd.f32 v3, v4;
	_ =	sdelay $0x1  }
0x758: {  	[tilespmem:s0+$0x1D470] =	vst v3;
	v3 =	vld [tilespmem:s0+$0xE800]  }
0x759: {  	v4 =	vld [tilespmem:s15+$0x980];
	_ =	sdelay $0x4  }
0x75a: {  	v3 =	vadd.f32 v3, v4;
	_ =	sdelay $0x1  }
0x75b: {  	[tilespmem:s0+$0x1D800] =	vst v3;
	v3 =	vld [tilespmem:s0+$0xE810]  }
0x75c: {  	v4 =	vld [tilespmem:s15+$0x990];
	_ =	sdelay $0x4  }
0x75d: {  	v3 =	vadd.f32 v3, v4;
	_ =	sdelay $0x1  }
0x75e: {  	[tilespmem:s0+$0x1D810] =	vst v3;
	v3 =	vld [tilespmem:s0+$0xE820]  }
0x75f: {  	v4 =	vld [tilespmem:s15+$0x9A0];
	_ =	sdelay $0x4  }
0x760: {  	v3 =	vadd.f32 v3, v4;
	_ =	sdelay $0x1  }
0x761: {  	[tilespmem:s0+$0x1D820] =	vst v3;
	v3 =	vld [tilespmem:s0+$0xE830]  }
0x762: {  	v4 =	vld [tilespmem:s15+$0x9B0];
	_ =	sdelay $0x4  }
0x763: {  	v3 =	vadd.f32 v3, v4;
	_ =	sdelay $0x1  }
0x764: {  	[tilespmem:s0+$0x1D830] =	vst v3;
	v3 =	vld [tilespmem:s0+$0xE840]  }
0x765: {  	v4 =	vld [tilespmem:s15+$0x9C0];
	_ =	sdelay $0x4  }
0x766: {  	v3 =	vadd.f32 v3, v4;
	_ =	sdelay $0x1  }
0x767: {  	[tilespmem:s0+$0x1D840] =	vst v3;
	v3 =	vld [tilespmem:s0+$0xE850]  }
0x768: {  	v4 =	vld [tilespmem:s15+$0x9D0];
	_ =	sdelay $0x4  }
0x769: {  	v3 =	vadd.f32 v3, v4;
	_ =	sdelay $0x1  }
0x76a: {  	[tilespmem:s0+$0x1D850] =	vst v3;
	v3 =	vld [tilespmem:s0+$0xE860]  }
0x76b: {  	v4 =	vld [tilespmem:s15+$0x9E0];
	_ =	sdelay $0x4  }
0x76c: {  	v3 =	vadd.f32 v3, v4;
	_ =	sdelay $0x1  }
0x76d: {  	[tilespmem:s0+$0x1D860] =	vst v3;
	v3 =	vld [tilespmem:s0+$0xE870]  }
0x76e: {  	v4 =	vld [tilespmem:s15+$0x9F0];
	_ =	sdelay $0x4  }
0x76f: {  	v3 =	vadd.f32 v3, v4;
	_ =	sdelay $0x1  }
0x770: {  	[tilespmem:s0+$0x1D870] =	vst v3;
	v3 =	vld [tilespmem:s0+$0xEC00]  }
0x771: {  	v4 =	vld [tilespmem:s15+$0xD80];
	_ =	sdelay $0x4  }
0x772: {  	v3 =	vadd.f32 v3, v4;
	_ =	sdelay $0x1  }
0x773: {  	[tilespmem:s0+$0x1DC00] =	vst v3;
	v3 =	vld [tilespmem:s0+$0xEC10]  }
0x774: {  	v4 =	vld [tilespmem:s15+$0xD90];
	_ =	sdelay $0x4  }
0x775: {  	v3 =	vadd.f32 v3, v4;
	_ =	sdelay $0x1  }
0x776: {  	[tilespmem:s0+$0x1DC10] =	vst v3;
	v3 =	vld [tilespmem:s0+$0xEC20]  }
0x777: {  	v4 =	vld [tilespmem:s15+$0xDA0];
	_ =	sdelay $0x4  }
0x778: {  	v3 =	vadd.f32 v3, v4;
	_ =	sdelay $0x1  }
0x779: {  	[tilespmem:s0+$0x1DC20] =	vst v3;
	v3 =	vld [tilespmem:s0+$0xEC30]  }
0x77a: {  	v4 =	vld [tilespmem:s15+$0xDB0];
	_ =	sdelay $0x4  }
0x77b: {  	v3 =	vadd.f32 v3, v4;
	_ =	sdelay $0x1  }
0x77c: {  	[tilespmem:s0+$0x1DC30] =	vst v3;
	v3 =	vld [tilespmem:s0+$0xEC40]  }
0x77d: {  	v4 =	vld [tilespmem:s15+$0xDC0];
	_ =	sdelay $0x4  }
0x77e: {  	v3 =	vadd.f32 v3, v4;
	_ =	sdelay $0x1  }
0x77f: {  	[tilespmem:s0+$0x1DC40] =	vst v3;
	v3 =	vld [tilespmem:s0+$0xEC50]  }
0x780: {  	v4 =	vld [tilespmem:s15+$0xDD0];
	_ =	sdelay $0x4  }
0x781: {  	v3 =	vadd.f32 v3, v4;
	_ =	sdelay $0x1  }
0x782: {  	[tilespmem:s0+$0x1DC50] =	vst v3;
	v3 =	vld [tilespmem:s0+$0xEC60]  }
0x783: {  	v4 =	vld [tilespmem:s15+$0xDE0];
	_ =	sdelay $0x4  }
0x784: {  	v3 =	vadd.f32 v3, v4;
	_ =	sdelay $0x1  }
0x785: {  	[tilespmem:s0+$0x1DC60] =	vst v3;
	v3 =	vld [tilespmem:s0+$0xEC70]  }
0x786: {  	v4 =	vld [tilespmem:s15+$0xDF0];
	_ =	sdelay $0x4  }
0x787: {  	v3 =	vadd.f32 v3, v4;
	_ =	sdelay $0x1  }
0x788: {  	[tilespmem:s0+$0x1DC70] =	vst v3;
	v3 =	vld [tilespmem:s0+$0xF000]  }
0x789: {  	v4 =	vld [tilespmem:s15+$0x1180];
	_ =	sdelay $0x4  }
0x78a: {  	v3 =	vadd.f32 v3, v4;
	_ =	sdelay $0x1  }
0x78b: {  	[tilespmem:s0+$0x1E000] =	vst v3;
	v3 =	vld [tilespmem:s0+$0xF010]  }
0x78c: {  	v4 =	vld [tilespmem:s15+$0x1190];
	_ =	sdelay $0x4  }
0x78d: {  	v3 =	vadd.f32 v3, v4;
	_ =	sdelay $0x1  }
0x78e: {  	[tilespmem:s0+$0x1E010] =	vst v3;
	v3 =	vld [tilespmem:s0+$0xF020]  }
0x78f: {  	v4 =	vld [tilespmem:s15+$0x11A0];
	_ =	sdelay $0x4  }
0x790: {  	v3 =	vadd.f32 v3, v4;
	_ =	sdelay $0x1  }
0x791: {  	[tilespmem:s0+$0x1E020] =	vst v3;
	v3 =	vld [tilespmem:s0+$0xF030]  }
0x792: {  	v4 =	vld [tilespmem:s15+$0x11B0];
	_ =	sdelay $0x4  }
0x793: {  	v3 =	vadd.f32 v3, v4;
	_ =	sdelay $0x1  }
0x794: {  	[tilespmem:s0+$0x1E030] =	vst v3;
	v3 =	vld [tilespmem:s0+$0xF040]  }
0x795: {  	v4 =	vld [tilespmem:s15+$0x11C0];
	_ =	sdelay $0x4  }
0x796: {  	v3 =	vadd.f32 v3, v4;
	_ =	sdelay $0x1  }
0x797: {  	[tilespmem:s0+$0x1E040] =	vst v3;
	v3 =	vld [tilespmem:s0+$0xF050]  }
0x798: {  	v4 =	vld [tilespmem:s15+$0x11D0];
	_ =	sdelay $0x4  }
0x799: {  	v3 =	vadd.f32 v3, v4;
	_ =	sdelay $0x1  }
0x79a: {  	[tilespmem:s0+$0x1E050] =	vst v3;
	v3 =	vld [tilespmem:s0+$0xF060]  }
0x79b: {  	v4 =	vld [tilespmem:s15+$0x11E0];
	_ =	sdelay $0x4  }
0x79c: {  	v3 =	vadd.f32 v3, v4;
	_ =	sdelay $0x1  }
0x79d: {  	[tilespmem:s0+$0x1E060] =	vst v3;
	v3 =	vld [tilespmem:s0+$0xF070]  }
0x79e: {  	v4 =	vld [tilespmem:s15+$0x11F0];
	_ =	sdelay $0x4  }
0x79f: {  	v3 =	vadd.f32 v3, v4;
	_ =	sdelay $0x1  }
0x7a0: {  	[tilespmem:s0+$0x1E070] =	vst v3;
	v3 =	vld [tilespmem:s0+$0xF400]  }
0x7a1: {  	v4 =	vld [tilespmem:s15+$0x1580];
	_ =	sdelay $0x4  }
0x7a2: {  	v3 =	vadd.f32 v3, v4;
	_ =	sdelay $0x1  }
0x7a3: {  	[tilespmem:s0+$0x1E400] =	vst v3;
	v3 =	vld [tilespmem:s0+$0xF410]  }
0x7a4: {  	v4 =	vld [tilespmem:s15+$0x1590];
	_ =	sdelay $0x4  }
0x7a5: {  	v3 =	vadd.f32 v3, v4;
	_ =	sdelay $0x1  }
0x7a6: {  	[tilespmem:s0+$0x1E410] =	vst v3;
	v3 =	vld [tilespmem:s0+$0xF420]  }
0x7a7: {  	v4 =	vld [tilespmem:s15+$0x15A0];
	_ =	sdelay $0x4  }
0x7a8: {  	v3 =	vadd.f32 v3, v4;
	_ =	sdelay $0x1  }
0x7a9: {  	[tilespmem:s0+$0x1E420] =	vst v3;
	v3 =	vld [tilespmem:s0+$0xF430]  }
0x7aa: {  	v4 =	vld [tilespmem:s15+$0x15B0];
	_ =	sdelay $0x4  }
0x7ab: {  	v3 =	vadd.f32 v3, v4;
	_ =	sdelay $0x1  }
0x7ac: {  	[tilespmem:s0+$0x1E430] =	vst v3;
	v3 =	vld [tilespmem:s0+$0xF440]  }
0x7ad: {  	v4 =	vld [tilespmem:s15+$0x15C0];
	_ =	sdelay $0x4  }
0x7ae: {  	v3 =	vadd.f32 v3, v4;
	_ =	sdelay $0x1  }
0x7af: {  	[tilespmem:s0+$0x1E440] =	vst v3;
	v3 =	vld [tilespmem:s0+$0xF450]  }
0x7b0: {  	v4 =	vld [tilespmem:s15+$0x15D0];
	_ =	sdelay $0x4  }
0x7b1: {  	v3 =	vadd.f32 v3, v4;
	_ =	sdelay $0x1  }
0x7b2: {  	[tilespmem:s0+$0x1E450] =	vst v3;
	v3 =	vld [tilespmem:s0+$0xF460]  }
0x7b3: {  	v4 =	vld [tilespmem:s15+$0x15E0];
	_ =	sdelay $0x4  }
0x7b4: {  	v3 =	vadd.f32 v3, v4  }
.Ltmp2:
0x7b5: {  	(pc) =	sbr.rel @p0 .LBB2_7-.Ltmp2, $4  }
0x7b6: {  	[tilespmem:s0+$0x1E460] =	vst v3;
	v3 =	vld [tilespmem:s0+$0xF470]  }
0x7b7: {  	v4 =	vld [tilespmem:s15+$0x15F0]  }
0x7b8: {  	s4 =	sadd.s32 $0x1, s4  }
0x7b9: {  	s14 =	sadd.s32 $0x200, s14;
	s8 =	sshrl.u32 s4, $0x3  }
0x7ba: {  	s1 =	smul.u32 $0x6000, s8;
	_ =	sdelay $0x1  }
0x7bb: {  	s3 =	sshra.s32 s3, $0x2;
	s1 =	sshra.s32 s1, $0x2;
	v3 =	vadd.f32 v3, v4  }
0x7bc: {  	s1 =	sadd.s32 s3, s1  }
0x7bd: {  	v15 =	vld [tilespmem:s3+$0xE000];
	s4 =	sadd.s32 $0x1E800, s1;
	[tilespmem:s0+$0x1E470] =	vst v3  }
0x7be: {  	v3 =	vld [tilespmem:s4+$0x180];
	_ =	sdelay $0x4  }
0x7bf: {  	v3 =	vadd.f32 v15, v3;
	_ =	sdelay $0x1  }
0x7c0: {  	[tilespmem:s3+$0x1D000] =	vst v3;
	v3 =	vld [tilespmem:s3+$0xE010]  }
0x7c1: {  	v16 =	vld [tilespmem:s4+$0x190];
	_ =	sdelay $0x4  }
0x7c2: {  	v3 =	vadd.f32 v3, v16;
	_ =	sdelay $0x1  }
0x7c3: {  	[tilespmem:s3+$0x1D010] =	vst v3;
	v3 =	vld [tilespmem:s3+$0xE020]  }
0x7c4: {  	v17 =	vld [tilespmem:s4+$0x1A0];
	_ =	sdelay $0x4  }
0x7c5: {  	v3 =	vadd.f32 v3, v17;
	_ =	sdelay $0x1  }
0x7c6: {  	[tilespmem:s3+$0x1D020] =	vst v3;
	v3 =	vld [tilespmem:s3+$0xE030]  }
0x7c7: {  	v18 =	vld [tilespmem:s4+$0x1B0];
	_ =	sdelay $0x4  }
0x7c8: {  	v3 =	vadd.f32 v3, v18;
	_ =	sdelay $0x1  }
0x7c9: {  	[tilespmem:s3+$0x1D030] =	vst v3;
	v3 =	vld [tilespmem:s3+$0xE040]  }
0x7ca: {  	v19 =	vld [tilespmem:s4+$0x1C0];
	_ =	sdelay $0x4  }
0x7cb: {  	v3 =	vadd.f32 v3, v19;
	_ =	sdelay $0x1  }
0x7cc: {  	[tilespmem:s3+$0x1D040] =	vst v3;
	v3 =	vld [tilespmem:s3+$0xE050]  }
0x7cd: {  	v20 =	vld [tilespmem:s4+$0x1D0];
	_ =	sdelay $0x4  }
0x7ce: {  	v3 =	vadd.f32 v3, v20;
	_ =	sdelay $0x1  }
0x7cf: {  	[tilespmem:s3+$0x1D050] =	vst v3;
	v3 =	vld [tilespmem:s3+$0xE060]  }
0x7d0: {  	v21 =	vld [tilespmem:s4+$0x1E0];
	_ =	sdelay $0x4  }
0x7d1: {  	v3 =	vadd.f32 v3, v21;
	_ =	sdelay $0x1  }
0x7d2: {  	[tilespmem:s3+$0x1D060] =	vst v3;
	v3 =	vld [tilespmem:s3+$0xE070]  }
0x7d3: {  	v22 =	vld [tilespmem:s4+$0x1F0];
	_ =	sdelay $0x4  }
0x7d4: {  	v3 =	vadd.f32 v3, v22;
	_ =	sdelay $0x1  }
0x7d5: {  	[tilespmem:s3+$0x1D070] =	vst v3;
	v3 =	vld [tilespmem:s3+$0xE400]  }
0x7d6: {  	v23 =	vld [tilespmem:s4+$0x580];
	_ =	sdelay $0x4  }
0x7d7: {  	v3 =	vadd.f32 v3, v23;
	_ =	sdelay $0x1  }
0x7d8: {  	[tilespmem:s3+$0x1D400] =	vst v3;
	v3 =	vld [tilespmem:s3+$0xE410]  }
0x7d9: {  	v24 =	vld [tilespmem:s4+$0x590];
	_ =	sdelay $0x4  }
0x7da: {  	v3 =	vadd.f32 v3, v24;
	_ =	sdelay $0x1  }
0x7db: {  	[tilespmem:s3+$0x1D410] =	vst v3;
	v3 =	vld [tilespmem:s3+$0xE420]  }
0x7dc: {  	v25 =	vld [tilespmem:s4+$0x5A0];
	_ =	sdelay $0x4  }
0x7dd: {  	v3 =	vadd.f32 v3, v25;
	_ =	sdelay $0x1  }
0x7de: {  	[tilespmem:s3+$0x1D420] =	vst v3;
	v3 =	vld [tilespmem:s3+$0xE430]  }
0x7df: {  	v26 =	vld [tilespmem:s4+$0x5B0];
	_ =	sdelay $0x4  }
0x7e0: {  	v3 =	vadd.f32 v3, v26;
	_ =	sdelay $0x1  }
0x7e1: {  	[tilespmem:s3+$0x1D430] =	vst v3;
	v3 =	vld [tilespmem:s3+$0xE440]  }
0x7e2: {  	v27 =	vld [tilespmem:s4+$0x5C0];
	_ =	sdelay $0x4  }
0x7e3: {  	v3 =	vadd.f32 v3, v27;
	_ =	sdelay $0x1  }
0x7e4: {  	[tilespmem:s3+$0x1D440] =	vst v3;
	v3 =	vld [tilespmem:s3+$0xE450]  }
0x7e5: {  	v28 =	vld [tilespmem:s4+$0x5D0];
	_ =	sdelay $0x4  }
0x7e6: {  	v3 =	vadd.f32 v3, v28;
	_ =	sdelay $0x1  }
0x7e7: {  	[tilespmem:s3+$0x1D450] =	vst v3;
	v3 =	vld [tilespmem:s3+$0xE460]  }
0x7e8: {  	v29 =	vld [tilespmem:s4+$0x5E0];
	_ =	sdelay $0x4  }
0x7e9: {  	v3 =	vadd.f32 v3, v29;
	_ =	sdelay $0x1  }
0x7ea: {  	[tilespmem:s3+$0x1D460] =	vst v3;
	v3 =	vld [tilespmem:s3+$0xE470]  }
0x7eb: {  	v30 =	vld [tilespmem:s4+$0x5F0];
	_ =	sdelay $0x4  }
0x7ec: {  	v3 =	vadd.f32 v3, v30;
	_ =	sdelay $0x1  }
0x7ed: {  	[tilespmem:s3+$0x1D470] =	vst v3;
	v3 =	vld [tilespmem:s3+$0xE800]  }
0x7ee: {  	v31 =	vld [tilespmem:s4+$0x980];
	_ =	sdelay $0x4  }
0x7ef: {  	v3 =	vadd.f32 v3, v31;
	_ =	sdelay $0x1  }
0x7f0: {  	[tilespmem:s3+$0x1D800] =	vst v3;
	v3 =	vld [tilespmem:s3+$0xE810]  }
0x7f1: {  	v32 =	vld [tilespmem:s4+$0x990];
	_ =	sdelay $0x4  }
0x7f2: {  	v3 =	vadd.f32 v3, v32;
	_ =	sdelay $0x1  }
0x7f3: {  	[tilespmem:s3+$0x1D810] =	vst v3;
	v3 =	vld [tilespmem:s3+$0xE820]  }
0x7f4: {  	v33 =	vld [tilespmem:s4+$0x9A0];
	_ =	sdelay $0x4  }
0x7f5: {  	v3 =	vadd.f32 v3, v33;
	_ =	sdelay $0x1  }
0x7f6: {  	[tilespmem:s3+$0x1D820] =	vst v3;
	v3 =	vld [tilespmem:s3+$0xE830]  }
0x7f7: {  	v34 =	vld [tilespmem:s4+$0x9B0];
	_ =	sdelay $0x4  }
0x7f8: {  	v3 =	vadd.f32 v3, v34;
	_ =	sdelay $0x1  }
0x7f9: {  	[tilespmem:s3+$0x1D830] =	vst v3;
	v3 =	vld [tilespmem:s3+$0xE840]  }
0x7fa: {  	v35 =	vld [tilespmem:s4+$0x9C0];
	_ =	sdelay $0x4  }
0x7fb: {  	v3 =	vadd.f32 v3, v35;
	_ =	sdelay $0x1  }
0x7fc: {  	[tilespmem:s3+$0x1D840] =	vst v3;
	v3 =	vld [tilespmem:s3+$0xE850]  }
0x7fd: {  	v36 =	vld [tilespmem:s4+$0x9D0];
	_ =	sdelay $0x4  }
0x7fe: {  	v3 =	vadd.f32 v3, v36;
	_ =	sdelay $0x1  }
0x7ff: {  	[tilespmem:s3+$0x1D850] =	vst v3;
	v3 =	vld [tilespmem:s3+$0xE860]  }
0x800: {  	v37 =	vld [tilespmem:s4+$0x9E0];
	_ =	sdelay $0x4  }
0x801: {  	v3 =	vadd.f32 v3, v37;
	_ =	sdelay $0x1  }
0x802: {  	[tilespmem:s3+$0x1D860] =	vst v3;
	v3 =	vld [tilespmem:s3+$0xE870]  }
0x803: {  	v38 =	vld [tilespmem:s4+$0x9F0];
	_ =	sdelay $0x4  }
0x804: {  	v3 =	vadd.f32 v3, v38;
	_ =	sdelay $0x1  }
0x805: {  	[tilespmem:s3+$0x1D870] =	vst v3;
	v3 =	vld [tilespmem:s3+$0xEC00]  }
0x806: {  	v39 =	vld [tilespmem:s4+$0xD80];
	_ =	sdelay $0x4  }
0x807: {  	v3 =	vadd.f32 v3, v39;
	_ =	sdelay $0x1  }
0x808: {  	[tilespmem:s3+$0x1DC00] =	vst v3;
	v3 =	vld [tilespmem:s3+$0xEC10]  }
0x809: {  	v40 =	vld [tilespmem:s4+$0xD90];
	_ =	sdelay $0x4  }
0x80a: {  	v3 =	vadd.f32 v3, v40;
	_ =	sdelay $0x1  }
0x80b: {  	[tilespmem:s3+$0x1DC10] =	vst v3;
	v3 =	vld [tilespmem:s3+$0xEC20]  }
0x80c: {  	v41 =	vld [tilespmem:s4+$0xDA0];
	_ =	sdelay $0x4  }
0x80d: {  	v3 =	vadd.f32 v3, v41;
	_ =	sdelay $0x1  }
0x80e: {  	[tilespmem:s3+$0x1DC20] =	vst v3;
	v3 =	vld [tilespmem:s3+$0xEC30]  }
0x80f: {  	v42 =	vld [tilespmem:s4+$0xDB0];
	_ =	sdelay $0x4  }
0x810: {  	v3 =	vadd.f32 v3, v42;
	_ =	sdelay $0x1  }
0x811: {  	[tilespmem:s3+$0x1DC30] =	vst v3;
	v3 =	vld [tilespmem:s3+$0xEC40]  }
0x812: {  	v43 =	vld [tilespmem:s4+$0xDC0];
	_ =	sdelay $0x4  }
0x813: {  	v3 =	vadd.f32 v3, v43;
	_ =	sdelay $0x1  }
0x814: {  	[tilespmem:s3+$0x1DC40] =	vst v3;
	v3 =	vld [tilespmem:s3+$0xEC50]  }
0x815: {  	v44 =	vld [tilespmem:s4+$0xDD0];
	_ =	sdelay $0x4  }
0x816: {  	v3 =	vadd.f32 v3, v44;
	_ =	sdelay $0x1  }
0x817: {  	[tilespmem:s3+$0x1DC50] =	vst v3;
	v3 =	vld [tilespmem:s3+$0xEC60]  }
0x818: {  	v45 =	vld [tilespmem:s4+$0xDE0];
	_ =	sdelay $0x4  }
0x819: {  	v3 =	vadd.f32 v3, v45;
	_ =	sdelay $0x1  }
0x81a: {  	[tilespmem:s3+$0x1DC60] =	vst v3;
	v3 =	vld [tilespmem:s3+$0xEC70]  }
0x81b: {  	v46 =	vld [tilespmem:s4+$0xDF0];
	_ =	sdelay $0x4  }
0x81c: {  	v3 =	vadd.f32 v3, v46;
	_ =	sdelay $0x1  }
0x81d: {  	[tilespmem:s3+$0x1DC70] =	vst v3;
	v3 =	vld [tilespmem:s3+$0xF000]  }
0x81e: {  	v47 =	vld [tilespmem:s4+$0x1180];
	_ =	sdelay $0x4  }
0x81f: {  	v3 =	vadd.f32 v3, v47;
	_ =	sdelay $0x1  }
0x820: {  	[tilespmem:s3+$0x1E000] =	vst v3;
	v3 =	vld [tilespmem:s3+$0xF010]  }
0x821: {  	v48 =	vld [tilespmem:s4+$0x1190];
	_ =	sdelay $0x4  }
0x822: {  	v3 =	vadd.f32 v3, v48;
	_ =	sdelay $0x1  }
0x823: {  	[tilespmem:s3+$0x1E010] =	vst v3;
	v3 =	vld [tilespmem:s3+$0xF020]  }
0x824: {  	v49 =	vld [tilespmem:s4+$0x11A0];
	_ =	sdelay $0x4  }
0x825: {  	v3 =	vadd.f32 v3, v49;
	_ =	sdelay $0x1  }
0x826: {  	[tilespmem:s3+$0x1E020] =	vst v3;
	v3 =	vld [tilespmem:s3+$0xF030]  }
0x827: {  	v50 =	vld [tilespmem:s4+$0x11B0];
	_ =	sdelay $0x4  }
0x828: {  	v3 =	vadd.f32 v3, v50;
	_ =	sdelay $0x1  }
0x829: {  	[tilespmem:s3+$0x1E030] =	vst v3;
	v3 =	vld [tilespmem:s3+$0xF040]  }
0x82a: {  	v51 =	vld [tilespmem:s4+$0x11C0];
	_ =	sdelay $0x4  }
0x82b: {  	v3 =	vadd.f32 v3, v51;
	_ =	sdelay $0x1  }
0x82c: {  	[tilespmem:s3+$0x1E040] =	vst v3;
	v3 =	vld [tilespmem:s3+$0xF050]  }
0x82d: {  	v52 =	vld [tilespmem:s4+$0x11D0];
	_ =	sdelay $0x4  }
0x82e: {  	v3 =	vadd.f32 v3, v52;
	_ =	sdelay $0x1  }
0x82f: {  	[tilespmem:s3+$0x1E050] =	vst v3;
	v3 =	vld [tilespmem:s3+$0xF060]  }
0x830: {  	v53 =	vld [tilespmem:s4+$0x11E0];
	_ =	sdelay $0x4  }
0x831: {  	v3 =	vadd.f32 v3, v53;
	_ =	sdelay $0x1  }
0x832: {  	[tilespmem:s3+$0x1E060] =	vst v3;
	v3 =	vld [tilespmem:s3+$0xF070]  }
0x833: {  	v54 =	vld [tilespmem:s4+$0x11F0];
	_ =	sdelay $0x4  }
0x834: {  	v3 =	vadd.f32 v3, v54;
	_ =	sdelay $0x1  }
0x835: {  	[tilespmem:s3+$0x1E070] =	vst v3;
	v3 =	vld [tilespmem:s3+$0xF400]  }
0x836: {  	v55 =	vld [tilespmem:s4+$0x1580];
	_ =	sdelay $0x4  }
0x837: {  	v3 =	vadd.f32 v3, v55;
	_ =	sdelay $0x1  }
0x838: {  	[tilespmem:s3+$0x1E400] =	vst v3;
	v3 =	vld [tilespmem:s3+$0xF410]  }
0x839: {  	v56 =	vld [tilespmem:s4+$0x1590];
	_ =	sdelay $0x4  }
0x83a: {  	v3 =	vadd.f32 v3, v56;
	_ =	sdelay $0x1  }
0x83b: {  	[tilespmem:s3+$0x1E410] =	vst v3;
	v3 =	vld [tilespmem:s3+$0xF420]  }
0x83c: {  	v57 =	vld [tilespmem:s4+$0x15A0];
	_ =	sdelay $0x4  }
0x83d: {  	v3 =	vadd.f32 v3, v57;
	_ =	sdelay $0x1  }
0x83e: {  	[tilespmem:s3+$0x1E420] =	vst v3;
	v3 =	vld [tilespmem:s3+$0xF430]  }
0x83f: {  	v58 =	vld [tilespmem:s4+$0x15B0];
	_ =	sdelay $0x4  }
0x840: {  	v3 =	vadd.f32 v3, v58;
	_ =	sdelay $0x1  }
0x841: {  	[tilespmem:s3+$0x1E430] =	vst v3;
	v3 =	vld [tilespmem:s3+$0xF440]  }
0x842: {  	v59 =	vld [tilespmem:s4+$0x15C0];
	_ =	sdelay $0x4  }
0x843: {  	v3 =	vadd.f32 v3, v59;
	_ =	sdelay $0x1  }
0x844: {  	[tilespmem:s3+$0x1E440] =	vst v3;
	v3 =	vld [tilespmem:s3+$0xF450]  }
0x845: {  	v60 =	vld [tilespmem:s4+$0x15D0];
	_ =	sdelay $0x4  }
0x846: {  	v3 =	vadd.f32 v3, v60;
	_ =	sdelay $0x1  }
0x847: {  	[tilespmem:s3+$0x1E450] =	vst v3;
	v3 =	vld [tilespmem:s3+$0xF460]  }
0x848: {  	v61 =	vld [tilespmem:s4+$0x15E0];
	_ =	sdelay $0x4  }
0x849: {  	v3 =	vadd.f32 v3, v61;
	_ =	sdelay $0x1  }
0x84a: {  	[tilespmem:s3+$0x1E460] =	vst v3;
	v3 =	vld [tilespmem:s3+$0xF470]  }
0x84b: {  	v62 =	vld [tilespmem:s4+$0x15F0];
	_ =	sdelay $0x1  }
0x84c: {  	s0 =	sadd.s32 $0x1, s28  }
0x84d: {  	p0 =	seq.s32 s28, $0x1F;
	s1 =	sand.u32 $0xF, s0  }
0x84e: {  	p1 =	sne.s32 @!p0 s1, $0x0  }
0x84f: {  	p1 =	por p1, p0;
	v3 =	vadd.f32 v3, v62  }
0x850: {  	s4 =	sadd.s32 @!p1 s6, s0  }
0x851: {  	s4 =	sshll.u32 @!p1 s4, $0x4;
	[tilespmem:s3+$0x1E470] =	vst v3;
	s3 =	rddreg [dreg:$0x0]  }
0x852: {  	s3 =	sadd.s32 @!p1 s3, s4;
	s4 =	simm.s32 @!p1 $0x0  }
0x853: {  	[tilespmem:s4], [sflag:$0x4] =	stream.linear.gather @!p1 [hbm4b:s3+s4], $0x800, $0x38;
	v63 =	vld [tilespmem:$0x0]  }
0x854: {  	s30 =	sadd.s32 s6, s28;
	s3 =	simm.s32 @!p1 $0x4  }
0x855: {  	s4 =	smul.u32 $0x1E00, s30;
	_ =	swait.ge @!p1 [sflag:s3], $0x800  }
0x856: {  	[sflag:s3] =	ssyncset.done @!p1 $0x0  }
0x857: {  	s31 =	sadd.s32 s7, s4;
	[sflag:s3] =	ssyncadd.s32 @!p1 $0xFFFFF800  }
0x858: {  	[hbm4b:s31+s5] =	stream.linear.scatter [tilespmem:s13], [sflag:$0x4], $0xF000, $0x38;
	v63 =	vld [tilespmem:$0x0]  }
0x859: {  	_ =	swait.ge [sflag:s12], $0xF000  }
0x85a: {  	[sflag:s12] =	ssyncset.done $0x0  }
0x85b: {  	s3 =	sshll.u32 @!p0 s1, $0x7;
	[sflag:s12] =	ssyncadd.s32 $0xFFFF1000  }
0x85c: {  	v3 =	vld @!p0 [tilespmem:s3+$0x0];
	_ =	sdelay $0x4  }
0x85d: {  	v4 =	vshrl.u32 @!p0 v3, $0x3  }
0x85e: {  	v4 =	vmul.u32 @!p0 $0x30, v4  }
0x85f: {  	v5 =	vlaneseq.u32 @!p0;
	v3 =	vand.u32 @!p0 $0x7, v3  }
0x860: {  	v6 =	vshrl.u32 @!p0 v5, $0x3;
	v3 =	vor.u32 @!p0 v3, v4;
	v4 =	vand.u32 @!p0 $0x7, v5  }
0x861: {  	v6 =	vmul.u32 @!p0 $0x8, v6;
	v7 =	vperm.xlane @!p0 v3, v4;
	_ =	sdelay $0x1  }
0x862: {  	v7 =	vadd.s32 @!p0 v6, v7;
	_ =	sdelay $0x2  }
0x863: {  	v5 =	vor.u32 @!p0 $0x8, v5  }
0x864: {  	vm1 =	vmmov @!p0 $0xffff;
	s4 =	simm.s32 @!p0 $0x0;
	s1 =	simm.s32 @!p0 $0xF800;
	v3 =	vperm.xlane @!p0 v3, v5  }
0x865: {  	[tilespmem:s1], [sflag:$0x1] =	stream.indirect_vreg.gather @!p0 [hbm4b:s2+s4], $0x80, v7, vm1, $0xb8;
	v63 =	vld [tilespmem:$0x0]  }
0x866: {  	v3 =	vadd.s32 @!p0 v6, v3;
	s1 =	simm.s32 @!p0 $0x10000  }
0x867: {  	[tilespmem:s1], [sflag:$0x1] =	stream.indirect_vreg.gather @!p0 [hbm4b:s9+s4], $0x80, v7, vm1, $0xb8;
	v63 =	vld [tilespmem:$0x0]  }
0x868: {  	s1 =	simm.s32 @!p0 $0x10800  }
0x869: {  	[tilespmem:s1], [sflag:$0x1] =	stream.indirect_vreg.gather @!p0 [hbm4b:s10+s4], $0x80, v7, vm1, $0xb8;
	v63 =	vld [tilespmem:$0x0]  }
0x86a: {  	s1 =	simm.s32 @!p0 $0x11000  }
0x86b: {  	[tilespmem:s1], [sflag:$0x1] =	stream.indirect_vreg.gather @!p0 [hbm4b:s2+s4], $0x80, v3, vm1, $0xb8;
	v63 =	vld [tilespmem:$0x0]  }
0x86c: {  	s1 =	simm.s32 @!p0 $0x11800  }
0x86d: {  	[tilespmem:s1], [sflag:$0x1] =	stream.indirect_vreg.gather @!p0 [hbm4b:s9+s4], $0x80, v3, vm1, $0xb8;
	v63 =	vld [tilespmem:$0x0]  }
0x86e: {  	s1 =	simm.s32 @!p0 $0x12000  }
0x86f: {  	[tilespmem:s1], [sflag:$0x1] =	stream.indirect_vreg.gather @!p0 [hbm4b:s10+s4], $0x80, v3, vm1, $0xb8;
	v63 =	vld [tilespmem:$0x0]  }
0x870: {  	v3 =	vld @!p0 [tilespmem:s3+$0x10];
	_ =	sdelay $0x4  }
0x871: {  	v7 =	vshrl.u32 @!p0 v3, $0x3  }
0x872: {  	v7 =	vmul.u32 @!p0 $0x30, v7  }
0x873: {  	v3 =	vand.u32 @!p0 $0x7, v3  }
0x874: {  	v3 =	vor.u32 @!p0 v3, v7  }
0x875: {  	v7 =	vperm.xlane @!p0 v3, v4;
	_ =	sdelay $0x1  }
0x876: {  	v7 =	vadd.s32 @!p0 v6, v7;
	_ =	sdelay $0x3  }
0x877: {  	s1 =	simm.s32 @!p0 $0x12800;
	v3 =	vperm.xlane @!p0 v3, v5  }
0x878: {  	[tilespmem:s1], [sflag:$0x1] =	stream.indirect_vreg.gather @!p0 [hbm4b:s2+s4], $0x80, v7, vm1, $0xb8;
	v63 =	vld [tilespmem:$0x0]  }
0x879: {  	v3 =	vadd.s32 @!p0 v6, v3;
	s1 =	simm.s32 @!p0 $0x13000  }
0x87a: {  	[tilespmem:s1], [sflag:$0x1] =	stream.indirect_vreg.gather @!p0 [hbm4b:s9+s4], $0x80, v7, vm1, $0xb8;
	v63 =	vld [tilespmem:$0x0]  }
0x87b: {  	s1 =	simm.s32 @!p0 $0x13800  }
0x87c: {  	[tilespmem:s1], [sflag:$0x1] =	stream.indirect_vreg.gather @!p0 [hbm4b:s10+s4], $0x80, v7, vm1, $0xb8;
	v63 =	vld [tilespmem:$0x0]  }
0x87d: {  	s1 =	simm.s32 @!p0 $0x14000  }
0x87e: {  	[tilespmem:s1], [sflag:$0x1] =	stream.indirect_vreg.gather @!p0 [hbm4b:s2+s4], $0x80, v3, vm1, $0xb8;
	v63 =	vld [tilespmem:$0x0]  }
0x87f: {  	s1 =	simm.s32 @!p0 $0x14800  }
0x880: {  	[tilespmem:s1], [sflag:$0x1] =	stream.indirect_vreg.gather @!p0 [hbm4b:s9+s4], $0x80, v3, vm1, $0xb8;
	v63 =	vld [tilespmem:$0x0]  }
0x881: {  	s1 =	simm.s32 @!p0 $0x15000  }
0x882: {  	[tilespmem:s1], [sflag:$0x1] =	stream.indirect_vreg.gather @!p0 [hbm4b:s10+s4], $0x80, v3, vm1, $0xb8;
	v63 =	vld [tilespmem:$0x0]  }
0x883: {  	s1 =	sor.u32 @!p0 $0x20, s3  }
0x884: {  	v3 =	vld.msk @!p0 [tilespmem:s1+$0x0], $0xff;
	_ =	sdelay $0x4  }
0x885: {  	v7 =	vshrl.u32 @!p0 v3, $0x3  }
0x886: {  	v7 =	vmul.u32 @!p0 $0x30, v7  }
0x887: {  	v3 =	vand.u32 @!p0 $0x7, v3  }
0x888: {  	v3 =	vor.u32 @!p0 v3, v7  }
0x889: {  	v3 =	vperm.xlane @!p0 v3, v4;
	_ =	sdelay $0x1  }
0x88a: {  	v3 =	vadd.s32 @!p0 v6, v3;
	_ =	sdelay $0x3  }
0x88b: {  	s1 =	simm.s32 @!p0 $0x15800  }
0x88c: {  	[tilespmem:s1], [sflag:$0x1] =	stream.indirect_vreg.gather @!p0 [hbm4b:s2+s4], $0x80, v3, vm1, $0xb8;
	v63 =	vld [tilespmem:$0x0]  }
0x88d: {  	s1 =	simm.s32 @!p0 $0x16000  }
0x88e: {  	[tilespmem:s1], [sflag:$0x1] =	stream.indirect_vreg.gather @!p0 [hbm4b:s9+s4], $0x80, v3, vm1, $0xb8;
	v63 =	vld [tilespmem:$0x0]  }
0x88f: {  	s1 =	simm.s32 @!p0 $0x16800  }
0x890: {  	[tilespmem:s1], [sflag:$0x1] =	stream.indirect_vreg.gather @!p0 [hbm4b:s10+s4], $0x80, v3, vm1, $0xb8;
	v63 =	vld [tilespmem:$0x0]  }
0x891: {  	v3 =	vld @!p0 [tilespmem:s3+$0x28];
	_ =	sdelay $0x4  }
0x892: {  	v7 =	vshrl.u32 @!p0 v3, $0x3  }
0x893: {  	v7 =	vmul.u32 @!p0 $0x30, v7  }
0x894: {  	v3 =	vand.u32 @!p0 $0x7, v3  }
0x895: {  	v3 =	vor.u32 @!p0 v3, v7  }
0x896: {  	v7 =	vperm.xlane @!p0 v3, v4;
	_ =	sdelay $0x1  }
0x897: {  	v7 =	vadd.s32 @!p0 v6, v7;
	_ =	sdelay $0x3  }
0x898: {  	s1 =	simm.s32 @!p0 $0x17000;
	v3 =	vperm.xlane @!p0 v3, v5  }
0x899: {  	[tilespmem:s1], [sflag:$0x2] =	stream.indirect_vreg.gather @!p0 [hbm4b:s2+s4], $0x80, v7, vm1, $0xb8;
	v63 =	vld [tilespmem:$0x0]  }
0x89a: {  	v3 =	vadd.s32 @!p0 v6, v3;
	s1 =	simm.s32 @!p0 $0x17800  }
0x89b: {  	[tilespmem:s1], [sflag:$0x2] =	stream.indirect_vreg.gather @!p0 [hbm4b:s9+s4], $0x80, v7, vm1, $0xb8;
	v63 =	vld [tilespmem:$0x0]  }
0x89c: {  	s1 =	simm.s32 @!p0 $0x18000  }
0x89d: {  	[tilespmem:s1], [sflag:$0x2] =	stream.indirect_vreg.gather @!p0 [hbm4b:s10+s4], $0x80, v7, vm1, $0xb8;
	v63 =	vld [tilespmem:$0x0]  }
0x89e: {  	s1 =	simm.s32 @!p0 $0x18800  }
0x89f: {  	[tilespmem:s1], [sflag:$0x2] =	stream.indirect_vreg.gather @!p0 [hbm4b:s2+s4], $0x80, v3, vm1, $0xb8;
	v63 =	vld [tilespmem:$0x0]  }
0x8a0: {  	s1 =	simm.s32 @!p0 $0x19000  }
0x8a1: {  	[tilespmem:s1], [sflag:$0x2] =	stream.indirect_vreg.gather @!p0 [hbm4b:s9+s4], $0x80, v3, vm1, $0xb8;
	v63 =	vld [tilespmem:$0x0]  }
0x8a2: {  	s1 =	simm.s32 @!p0 $0x19800  }
0x8a3: {  	[tilespmem:s1], [sflag:$0x2] =	stream.indirect_vreg.gather @!p0 [hbm4b:s10+s4], $0x80, v3, vm1, $0xb8;
	v63 =	vld [tilespmem:$0x0]  }
0x8a4: {  	v3 =	vld @!p0 [tilespmem:s3+$0x38];
	_ =	sdelay $0x4  }
0x8a5: {  	v7 =	vshrl.u32 @!p0 v3, $0x3  }
0x8a6: {  	v7 =	vmul.u32 @!p0 $0x30, v7  }
0x8a7: {  	v3 =	vand.u32 @!p0 $0x7, v3  }
0x8a8: {  	v3 =	vor.u32 @!p0 v3, v7  }
0x8a9: {  	v7 =	vperm.xlane @!p0 v3, v4;
	_ =	sdelay $0x1  }
0x8aa: {  	v7 =	vadd.s32 @!p0 v6, v7;
	_ =	sdelay $0x3  }
0x8ab: {  	s1 =	simm.s32 @!p0 $0x1A000;
	v3 =	vperm.xlane @!p0 v3, v5  }
0x8ac: {  	[tilespmem:s1], [sflag:$0x2] =	stream.indirect_vreg.gather @!p0 [hbm4b:s2+s4], $0x80, v7, vm1, $0xb8;
	v63 =	vld [tilespmem:$0x0]  }
0x8ad: {  	v3 =	vadd.s32 @!p0 v6, v3;
	s1 =	simm.s32 @!p0 $0x1A800  }
0x8ae: {  	[tilespmem:s1], [sflag:$0x2] =	stream.indirect_vreg.gather @!p0 [hbm4b:s9+s4], $0x80, v7, vm1, $0xb8;
	v63 =	vld [tilespmem:$0x0]  }
0x8af: {  	s1 =	simm.s32 @!p0 $0x1B000  }
0x8b0: {  	[tilespmem:s1], [sflag:$0x2] =	stream.indirect_vreg.gather @!p0 [hbm4b:s10+s4], $0x80, v7, vm1, $0xb8;
	v63 =	vld [tilespmem:$0x0]  }
0x8b1: {  	s1 =	simm.s32 @!p0 $0x1B800  }
0x8b2: {  	[tilespmem:s1], [sflag:$0x2] =	stream.indirect_vreg.gather @!p0 [hbm4b:s2+s4], $0x80, v3, vm1, $0xb8;
	v63 =	vld [tilespmem:$0x0]  }
0x8b3: {  	s1 =	simm.s32 @!p0 $0x1C000  }
0x8b4: {  	[tilespmem:s1], [sflag:$0x2] =	stream.indirect_vreg.gather @!p0 [hbm4b:s9+s4], $0x80, v3, vm1, $0xb8;
	v63 =	vld [tilespmem:$0x0]  }
0x8b5: {  	s1 =	simm.s32 @!p0 $0x1C800  }
0x8b6: {  	[tilespmem:s1], [sflag:$0x2] =	stream.indirect_vreg.gather @!p0 [hbm4b:s10+s4], $0x80, v3, vm1, $0xb8;
	v63 =	vld [tilespmem:$0x0]  }
0x8b7: {  	s1 =	sor.u32 @!p0 $0x45, s3  }
0x8b8: {  	v3 =	vld.msk @!p0 [tilespmem:s1+$0x0], $0xff;
	_ =	sdelay $0x4  }
0x8b9: {  	v5 =	vshrl.u32 @!p0 v3, $0x3  }
0x8ba: {  	v5 =	vmul.u32 @!p0 $0x30, v5  }
0x8bb: {  	v3 =	vand.u32 @!p0 $0x7, v3  }
0x8bc: {  	v3 =	vor.u32 @!p0 v3, v5  }
0x8bd: {  	v3 =	vperm.xlane @!p0 v3, v4;
	_ =	sdelay $0x1  }
0x8be: {  	v3 =	vadd.s32 @!p0 v6, v3;
	_ =	sdelay $0x3  }
0x8bf: {  	s1 =	simm.s32 @!p0 $0x1E800  }
0x8c0: {  	[tilespmem:s1], [sflag:$0x3] =	stream.indirect_vreg.gather @!p0 [hbm4b:s2+s4], $0x80, v3, vm1, $0xb8;
	v63 =	vld [tilespmem:$0x0]  }
0x8c1: {  	s1 =	simm.s32 @!p0 $0x1F000  }
0x8c2: {  	[tilespmem:s1], [sflag:$0x3] =	stream.indirect_vreg.gather @!p0 [hbm4b:s9+s4], $0x80, v3, vm1, $0xb8;
	v63 =	vld [tilespmem:$0x0]  }
0x8c3: {  	p1 =	sne.s32 @!p0 s0, $0x20;
	s1 =	simm.s32 @!p0 $0x1F800  }
0x8c4: {  	[tilespmem:s1], [sflag:$0x3] =	stream.indirect_vreg.gather @!p0 [hbm4b:s10+s4], $0x80, v3, vm1, $0xb8;
	v63 =	vld [tilespmem:$0x0]  }
0x8c5: {  	p0 =	por p0, !p1  }
.Ltmp3:
0x8c6: {  	_ = 	snop;
	(pc) =	sbr.rel @!p0 .LBB2_2-.Ltmp3, $2  }
0x8c7: {  	_ =	sdelay $0x2  }
0x8c8: {  	s28 =	smov.u32 s0  }
0x8c9: {  	s1 =	rddreg [dreg:$0x7]  }
0x8ca: {  	s0 =	rddreg [dreg:$0x6];
	s1 =	sadd.s32 $0x1, s1  }
0x8cb: {  	p0 =	sne.s32 s1, s0  }
.Ltmp4:
0x8cc: {  	_ = 	snop;
	(pc) =	sbr.rel @p0 .LBB2_1-.Ltmp4, $1  }
0x8cd: {  	_ =	sdelay $0x3  }
0x8ce: {  	_ =	sfence.sel $0x180000  }
0x8cf: {  	[bflag:$0x0] =	sbarrier.arrive $0xFFFF  }
0x8d0: {  	_ =	strace $0x90000047  }
0x8d1: {  	s0 =	stileid.u32;
	[bflag:$0x2] =	sbarrier.arrive $0xFFFF  }
0x8d2: {  	p0 =	sne.s32 s0, $0x0;
	s0 =	rddreg [dreg:$0x4]  }
0x8d3: {  	s0 =	sadd.s32 @!p0 $0x100000, s0  }
0x8d4: {  	[sflag:s0] =	ssyncadd.tile.s32 @!p0 $0x1;
	_ =	shalt  }
.Lfunc_end2:
_tile_overlayer_lowered:
.L_overlay_start_2:
0x8d5: {  	(tag) =	ssettag $0x2  }
0x8d6: {  	s0 =	rddreg [dreg:$0x0];
	s2 =	stileid.u32  }
0x8d7: {  	s1 =	rddreg [dreg:$0x1];
	p0 =	sne.s32 s2, $0x0  }
0x8d8: {  	s3 =	rddreg [dreg:$0x2];
	[bflag:$0x3] =	sbarrier.arrive $0xFFFF;
	s2 =	simm.s32 @!p0 $0x1C04  }
0x8d9: {  	[timem:s3], [sflag:s2] =	dma.local @!p0 [hbm:s0], s1  }
0x8da: {  	s0 =	simm.s32 @!p0 $0x4  }
0x8db: {  	_ =	swait.ge @!p0 [sflag:s0], s1  }
0x8dc: {  	s1 =	ssub.s32 @!p0 $0x0, s1;
	[sflag:s0] =	ssyncset.done @!p0 $0x0  }
0x8dd: {  	[sflag:s0] =	ssyncadd.s32 @!p0 s1  }
0x8de: {  	[bflag:$0x3] =	sbarrier.arrive $0xFFFF  }
0x8df: {  	_ =	shalt  }

</sc_bundles>
